<compile_context>
chip_gen: v7x
topology: tpu7x:2x2x1
jax: 0.10.2.dev20260603
libtpu: 0.0.44.dev20260713+nightly
codegen_flags: <defaults>
</compile_context>

<pallas_src>
import functools

import jax
import jax.numpy as jnp
from jax import lax
from jax.experimental import pallas as pl
from jax.experimental.pallas import tpu as pltpu
from jax.experimental.pallas import tpu_sc as plsc

_EPS = 1e-07
_NEG_RATIO = 3.0

_N = 16 * 512 * 512
_NC = 2
_NS = 16
_NW = _NC * _NS
_COLS = 512
_ROWS = _N // _COLS
_SC_ROWS = 2560
_ROWS_W = _SC_ROWS // _NW
_BAND = 16
_NCHUNKS = _ROWS_W // _BAND
_RING = 5
_LANES = 16
_TC_BLOCK = 64


def _sc_partials(pred, gt, mask):
    mesh = plsc.VectorSubcoreMesh(core_axis_name="c", subcore_axis_name="s")
    buf = pltpu.VMEM((_BAND, _COLS), jnp.float32)

    @functools.partial(
        pl.kernel,
        mesh=mesh,
        out_type=jax.ShapeDtypeStruct((_NW, 4 * _LANES), jnp.float32),
        scratch_types=[buf] * (3 * _RING)
        + [pltpu.SemaphoreType.DMA] * (3 * _RING)
        + [pltpu.VMEM((4 * _LANES,), jnp.float32)],
    )
    def body(p_hbm, g_hbm, m_hbm, out_hbm, *scr):
        wid = lax.axis_index("s") * _NC + lax.axis_index("c")
        base = wid * _ROWS_W
        hbm = (p_hbm, g_hbm, m_hbm)
        bufs = [scr[3 * i : 3 * i + 3] for i in range(_RING)]
        sems = [
            scr[3 * _RING + 3 * i : 3 * _RING + 3 * i + 3]
            for i in range(_RING)
        ]
        acc = scr[6 * _RING]
        last_row = base + (_NCHUNKS - 1) * _BAND

        def start(ci, slot):
            row0 = jnp.minimum(base + ci * _BAND, last_row)
            return [
                pltpu.async_copy(h.at[pl.ds(row0, _BAND)], b, s)
                for h, b, s in zip(hbm, bufs[slot], sems[slot])
            ]

        def wait(slot):
            for h, b, s in zip(hbm, bufs[slot], sems[slot]):
                pltpu.make_async_copy(h.at[pl.ds(0, _BAND)], b, s).wait()

        _SUB = 4

        def compute(slot, accs):
            pb, gb, mb = bufs[slot]

            def inner(r, accs2):
                accl = list(accs2)
                for cu in range(_COLS // _LANES):
                    c = cu * _LANES
                    k = cu % _SUB
                    p = pb[r, pl.ds(c, _LANES)]
                    g = gb[r, pl.ds(c, _LANES)]
                    m = mb[r, pl.ds(c, _LANES)]
                    pm = p * m
                    accl[k] = accl[k] + m
                    accl[_SUB + k] = accl[_SUB + k] + g * m
                    accl[2 * _SUB + k] = accl[2 * _SUB + k] + pm
                    accl[3 * _SUB + k] = accl[3 * _SUB + k] + pm * g
                return tuple(accl)

            return lax.fori_loop(0, _BAND, inner, accs, unroll=False)

        z = jnp.zeros((_LANES,), jnp.float32)
        for slot in range(_RING):
            start(slot, slot)

        accs = (z,) * (4 * _SUB)
        if _NCHUNKS == _RING:
            for b in range(_RING):
                wait(b)
                accs = compute(b, accs)
        else:

            def super_iter(t, accs):
                ci0 = t * _RING
                for b in range(_RING):
                    wait(b)
                    accs = compute(b, accs)
                    start(ci0 + b + _RING, b)
                return accs

            accs = lax.fori_loop(0, _NCHUNKS // _RING, super_iter, accs)
            for slot in range(_RING):
                wait(slot)
        sums = [
            functools.reduce(
                lambda a, b: a + b, accs[i * _SUB : (i + 1) * _SUB]
            )
            for i in range(4)
        ]
        a_m, a_gm, a_pm, a_pgm = sums
        acc[pl.ds(0, _LANES)] = a_m
        acc[pl.ds(_LANES, _LANES)] = a_gm
        acc[pl.ds(2 * _LANES, _LANES)] = a_pm
        acc[pl.ds(3 * _LANES, _LANES)] = a_pgm
        pltpu.sync_copy(acc, out_hbm.at[wid])

    return body(pred, gt, mask)


_TC_WAYS = 8


def _tc_body(*refs):
    out_ref = refs[-1]
    i = pl.program_id(0)

    @pl.when(i == 0)
    def _init():
        out_ref[...] = jnp.zeros_like(out_ref)

    s_m = out_ref[0, :]
    s_gm = out_ref[1, :]
    s_pm = out_ref[2, :]
    s_pgm = out_ref[3, :]
    for w in range(_TC_WAYS):
        p = refs[3 * w][...]
        g = refs[3 * w + 1][...]
        m = refs[3 * w + 2][...]
        pm = p * m
        s_m = s_m + jnp.sum(m, axis=0)
        s_gm = s_gm + jnp.sum(g * m, axis=0)
        s_pm = s_pm + jnp.sum(pm, axis=0)
        s_pgm = s_pgm + jnp.sum(pm * g, axis=0)
    out_ref[0, :] = s_m
    out_ref[1, :] = s_gm
    out_ref[2, :] = s_pm
    out_ref[3, :] = s_pgm


def _tc_partials(p2, g2, m2):
    steps = (_ROWS - _SC_ROWS) // (_TC_WAYS * _TC_BLOCK)
    off = _SC_ROWS // _TC_BLOCK

    def mk_spec(k):
        return pl.BlockSpec(
            (_TC_BLOCK, _COLS), lambda i: (off + _TC_WAYS * i + k, 0)
        )

    in_specs = []
    operands = []
    for k in range(_TC_WAYS):
        spec = mk_spec(k)
        in_specs += [spec, spec, spec]
        operands += [p2, g2, m2]
    return pl.pallas_call(
        _tc_body,
        grid=(steps,),
        in_specs=in_specs,
        out_specs=pl.BlockSpec((4, _COLS), lambda i: (0, 0)),
        out_shape=jax.ShapeDtypeStruct((4, _COLS), jnp.float32),
    )(*operands)


def _epilogue_body(part_ref, tc_ref, out_ref):
    x = part_ref[...]
    t = tc_ref[...]
    s_m = jnp.sum(x[:, 0:16]) + jnp.sum(t[0, :])
    s_gm = jnp.sum(x[:, 16:32]) + jnp.sum(t[1, :])
    s_pm = jnp.sum(x[:, 32:48]) + jnp.sum(t[2, :])
    s_pgm = jnp.sum(x[:, 48:64]) + jnp.sum(t[3, :])
    loss = 1.0 - 2.0 * s_pgm / (s_pm + s_gm + _EPS)
    pos = s_gm
    neg = jnp.minimum(s_m - s_gm, _NEG_RATIO * pos)
    balanced = loss * (pos + neg) / (pos + neg + _EPS)
    fallback = loss * pos / (pos + _EPS)
    out_ref[0, 0] = jnp.where(neg > 0.0, balanced, fallback)


@jax.jit
def kernel(pred, gt, mask):
    p2 = pred.reshape(_ROWS, _COLS)
    g2 = gt.reshape(_ROWS, _COLS)
    m2 = mask.reshape(_ROWS, _COLS)
    sc_part = _sc_partials(p2, g2, m2)
    tc_part = _tc_partials(p2, g2, m2)
    out = pl.pallas_call(
        _epilogue_body,
        out_specs=pl.BlockSpec((1, 1), memory_space=pltpu.SMEM),
        out_shape=jax.ShapeDtypeStruct((1, 1), jnp.float32),
    )(sc_part, tc_part)
    return out.reshape(())

# --- scband reference (transcript-rebuilt; emitter-appended) ---
"""Pipeline reference for scband-balance-loss-25391846654228 (READ-ONLY COPY).

The authoritative reference and input builder live on the scoring server;
editing this copy changes nothing except your own understanding.
"""

import jax, jax.numpy as jnp
import numpy as np

EPS = 1e-07
NEGATIVE_RATIO = 3


def setup_inputs(seed: int = 0) -> dict:
    key = jax.random.key(seed)
    k1, k2, k3 = jax.random.split(key, 3)
    shape = (16, 1, 512, 512)
    pred = jax.random.uniform(k1, shape, dtype=jnp.float32)
    # gt is a binary shrink map, mask is mostly-ones valid-region mask (DB text detection)
    gt = (jax.random.uniform(k2, shape) > 0.5).astype(jnp.float32)
    mask = (jax.random.uniform(k3, shape) > 0.1).astype(jnp.float32)
    return {"pred": pred, "gt": gt, "mask": mask}


def _dice_loss(pred, gt, mask):
    intersection = jnp.sum(pred * gt * mask)
    union = jnp.sum(pred * mask) + jnp.sum(gt * mask) + EPS
    return 1.0 - 2.0 * intersection / union


def reference(pred, gt, mask):
    positive = gt * mask
    negative = (1.0 - gt) * mask
    positive_count = positive.sum()
    negative_count = jnp.minimum(negative.sum(), positive_count * NEGATIVE_RATIO)
    loss = _dice_loss(pred, gt, mask)  # scalar
    positive_loss = positive * loss
    negative_loss = jnp.reshape(negative * loss, (-1,))
    n = negative_loss.shape[0]
    sorted_neg = jnp.sort(negative_loss)[::-1]  # descending sort (hard negative mining)
    rank_mask = (jnp.arange(n, dtype=jnp.float32) < negative_count).astype(jnp.float32)
    top_neg_sum = jnp.sum(sorted_neg * rank_mask)
    balanced = (positive_loss.sum() + top_neg_sum) / (positive_count + negative_count + EPS)
    fallback = positive_loss.sum() / (positive_count + EPS)
    balance_loss = jnp.where(negative_count > 0, balanced, fallback)
    return balance_loss

if __name__ == "__main__":
    import jax
    _d = setup_inputs()
    print(jax.jit(kernel)(*tuple(_d.values())))

</pallas_src>

<mosaic_0001>
#map = affine_map<(d0, d1) -> (0, 0)>
module attributes {stable_mosaic.version = 14 : i64} {
  func.func @body(%arg0: i32, %arg1: i32, %arg2: memref<8192x512xf32, #tpu.memory_space<hbm>>, %arg3: memref<8192x512xf32, #tpu.memory_space<hbm>>, %arg4: memref<8192x512xf32, #tpu.memory_space<hbm>>, %arg5: memref<32x64xf32, #tpu.memory_space<hbm>>, %arg6: memref<16x512xf32, #tpu.memory_space<vmem>>, %arg7: memref<16x512xf32, #tpu.memory_space<vmem>>, %arg8: memref<16x512xf32, #tpu.memory_space<vmem>>, %arg9: memref<16x512xf32, #tpu.memory_space<vmem>>, %arg10: memref<16x512xf32, #tpu.memory_space<vmem>>, %arg11: memref<16x512xf32, #tpu.memory_space<vmem>>, %arg12: memref<16x512xf32, #tpu.memory_space<vmem>>, %arg13: memref<16x512xf32, #tpu.memory_space<vmem>>, %arg14: memref<16x512xf32, #tpu.memory_space<vmem>>, %arg15: memref<16x512xf32, #tpu.memory_space<vmem>>, %arg16: memref<16x512xf32, #tpu.memory_space<vmem>>, %arg17: memref<16x512xf32, #tpu.memory_space<vmem>>, %arg18: memref<16x512xf32, #tpu.memory_space<vmem>>, %arg19: memref<16x512xf32, #tpu.memory_space<vmem>>, %arg20: memref<16x512xf32, #tpu.memory_space<vmem>>, %arg21: memref<!tpu.dma_semaphore, #tpu.memory_space<semaphore_mem>>, %arg22: memref<!tpu.dma_semaphore, #tpu.memory_space<semaphore_mem>>, %arg23: memref<!tpu.dma_semaphore, #tpu.memory_space<semaphore_mem>>, %arg24: memref<!tpu.dma_semaphore, #tpu.memory_space<semaphore_mem>>, %arg25: memref<!tpu.dma_semaphore, #tpu.memory_space<semaphore_mem>>, %arg26: memref<!tpu.dma_semaphore, #tpu.memory_space<semaphore_mem>>, %arg27: memref<!tpu.dma_semaphore, #tpu.memory_space<semaphore_mem>>, %arg28: memref<!tpu.dma_semaphore, #tpu.memory_space<semaphore_mem>>, %arg29: memref<!tpu.dma_semaphore, #tpu.memory_space<semaphore_mem>>, %arg30: memref<!tpu.dma_semaphore, #tpu.memory_space<semaphore_mem>>, %arg31: memref<!tpu.dma_semaphore, #tpu.memory_space<semaphore_mem>>, %arg32: memref<!tpu.dma_semaphore, #tpu.memory_space<semaphore_mem>>, %arg33: memref<!tpu.dma_semaphore, #tpu.memory_space<semaphore_mem>>, %arg34: memref<!tpu.dma_semaphore, #tpu.memory_space<semaphore_mem>>, %arg35: memref<!tpu.dma_semaphore, #tpu.memory_space<semaphore_mem>>, %arg36: memref<64xf32, #tpu.memory_space<vmem>>) attributes {dimension_semantics = [#tpu.dimension_semantics<core_parallel>, #tpu.dimension_semantics<subcore_parallel>], iteration_bounds = array<i64: 2, 16>, scalar_prefetch = 0 : i64, scratch_operands = 31 : i64, tpu.core_type = #tpu.core_type<sc_vector_subcore>, window_params = [{transform_indices = #map}, {transform_indices = #map}, {transform_indices = #map}, {transform_indices = #map}]} {
    %mul3A = arith.constant 2 : i32
    %mul3A_0 = arith.muli %arg1, %mul3A : i32
    %add3A = arith.addi %mul3A_0, %arg0 : i32
    %mul3A_1 = arith.constant 80 : i32
    %mul3A_2 = arith.muli %add3A, %mul3A_1 : i32
    %add3A_3 = arith.constant 64 : i32
    %add3A_4 = arith.addi %mul3A_2, %add3A_3 : i32
    %broadcast_in_dim3A = arith.constant 0.000000e+00 : f32
    %broadcast_in_dim3A_5 = vector.broadcast %broadcast_in_dim3A : f32 to vector<16xf32>
    %add3A_6 = arith.constant 0 : i32
    %add3A_7 = arith.addi %mul3A_2, %add3A_6 : i32
    %min3A = arith.minsi %add3A_7, %add3A_4 : i32
    %dma_start3A = arith.constant 0 : i32
    %dma_start3A_8 = tpu.memref_slice %arg2[%min3A, %dma_start3A] : memref<8192x512xf32, #tpu.memory_space<hbm>> -> memref<16x512xf32, #tpu.memory_space<hbm>>
    %dma_start3A_9 = arith.constant 0 : i32
    %dma_start3A_10 = tpu.memref_slice %arg2[%min3A, %dma_start3A_9] : memref<8192x512xf32, #tpu.memory_space<hbm>> -> memref<16x512xf32, #tpu.memory_space<hbm>>
    tpu.enqueue_dma source(%dma_start3A_10 : memref<16x512xf32, #tpu.memory_space<hbm>>) target(%arg6 : memref<16x512xf32, #tpu.memory_space<vmem>>) target_semaphore(%arg21 : memref<!tpu.dma_semaphore, #tpu.memory_space<semaphore_mem>>)
    %dma_start3A_11 = arith.constant 0 : i32
    %dma_start3A_12 = tpu.memref_slice %arg3[%min3A, %dma_start3A_11] : memref<8192x512xf32, #tpu.memory_space<hbm>> -> memref<16x512xf32, #tpu.memory_space<hbm>>
    %dma_start3A_13 = arith.constant 0 : i32
    %dma_start3A_14 = tpu.memref_slice %arg3[%min3A, %dma_start3A_13] : memref<8192x512xf32, #tpu.memory_space<hbm>> -> memref<16x512xf32, #tpu.memory_space<hbm>>
    tpu.enqueue_dma source(%dma_start3A_14 : memref<16x512xf32, #tpu.memory_space<hbm>>) target(%arg7 : memref<16x512xf32, #tpu.memory_space<vmem>>) target_semaphore(%arg22 : memref<!tpu.dma_semaphore, #tpu.memory_space<semaphore_mem>>)
    %dma_start3A_15 = arith.constant 0 : i32
    %dma_start3A_16 = tpu.memref_slice %arg4[%min3A, %dma_start3A_15] : memref<8192x512xf32, #tpu.memory_space<hbm>> -> memref<16x512xf32, #tpu.memory_space<hbm>>
    %dma_start3A_17 = arith.constant 0 : i32
    %dma_start3A_18 = tpu.memref_slice %arg4[%min3A, %dma_start3A_17] : memref<8192x512xf32, #tpu.memory_space<hbm>> -> memref<16x512xf32, #tpu.memory_space<hbm>>
    tpu.enqueue_dma source(%dma_start3A_18 : memref<16x512xf32, #tpu.memory_space<hbm>>) target(%arg8 : memref<16x512xf32, #tpu.memory_space<vmem>>) target_semaphore(%arg23 : memref<!tpu.dma_semaphore, #tpu.memory_space<semaphore_mem>>)
    %add3A_19 = arith.constant 16 : i32
    %add3A_20 = arith.addi %mul3A_2, %add3A_19 : i32
    %min3A_21 = arith.minsi %add3A_20, %add3A_4 : i32
    %dma_start3A_22 = arith.constant 0 : i32
    %dma_start3A_23 = tpu.memref_slice %arg2[%min3A_21, %dma_start3A_22] : memref<8192x512xf32, #tpu.memory_space<hbm>> -> memref<16x512xf32, #tpu.memory_space<hbm>>
    %dma_start3A_24 = arith.constant 0 : i32
    %dma_start3A_25 = tpu.memref_slice %arg2[%min3A_21, %dma_start3A_24] : memref<8192x512xf32, #tpu.memory_space<hbm>> -> memref<16x512xf32, #tpu.memory_space<hbm>>
    tpu.enqueue_dma source(%dma_start3A_25 : memref<16x512xf32, #tpu.memory_space<hbm>>) target(%arg9 : memref<16x512xf32, #tpu.memory_space<vmem>>) target_semaphore(%arg24 : memref<!tpu.dma_semaphore, #tpu.memory_space<semaphore_mem>>)
    %dma_start3A_26 = arith.constant 0 : i32
    %dma_start3A_27 = tpu.memref_slice %arg3[%min3A_21, %dma_start3A_26] : memref<8192x512xf32, #tpu.memory_space<hbm>> -> memref<16x512xf32, #tpu.memory_space<hbm>>
    %dma_start3A_28 = arith.constant 0 : i32
    %dma_start3A_29 = tpu.memref_slice %arg3[%min3A_21, %dma_start3A_28] : memref<8192x512xf32, #tpu.memory_space<hbm>> -> memref<16x512xf32, #tpu.memory_space<hbm>>
    tpu.enqueue_dma source(%dma_start3A_29 : memref<16x512xf32, #tpu.memory_space<hbm>>) target(%arg10 : memref<16x512xf32, #tpu.memory_space<vmem>>) target_semaphore(%arg25 : memref<!tpu.dma_semaphore, #tpu.memory_space<semaphore_mem>>)
    %dma_start3A_30 = arith.constant 0 : i32
    %dma_start3A_31 = tpu.memref_slice %arg4[%min3A_21, %dma_start3A_30] : memref<8192x512xf32, #tpu.memory_space<hbm>> -> memref<16x512xf32, #tpu.memory_space<hbm>>
    %dma_start3A_32 = arith.constant 0 : i32
    %dma_start3A_33 = tpu.memref_slice %arg4[%min3A_21, %dma_start3A_32] : memref<8192x512xf32, #tpu.memory_space<hbm>> -> memref<16x512xf32, #tpu.memory_space<hbm>>
    tpu.enqueue_dma source(%dma_start3A_33 : memref<16x512xf32, #tpu.memory_space<hbm>>) target(%arg11 : memref<16x512xf32, #tpu.memory_space<vmem>>) target_semaphore(%arg26 : memref<!tpu.dma_semaphore, #tpu.memory_space<semaphore_mem>>)
    %add3A_34 = arith.constant 32 : i32
    %add3A_35 = arith.addi %mul3A_2, %add3A_34 : i32
    %min3A_36 = arith.minsi %add3A_35, %add3A_4 : i32
    %dma_start3A_37 = arith.constant 0 : i32
    %dma_start3A_38 = tpu.memref_slice %arg2[%min3A_36, %dma_start3A_37] : memref<8192x512xf32, #tpu.memory_space<hbm>> -> memref<16x512xf32, #tpu.memory_space<hbm>>
    %dma_start3A_39 = arith.constant 0 : i32
    %dma_start3A_40 = tpu.memref_slice %arg2[%min3A_36, %dma_start3A_39] : memref<8192x512xf32, #tpu.memory_space<hbm>> -> memref<16x512xf32, #tpu.memory_space<hbm>>
    tpu.enqueue_dma source(%dma_start3A_40 : memref<16x512xf32, #tpu.memory_space<hbm>>) target(%arg12 : memref<16x512xf32, #tpu.memory_space<vmem>>) target_semaphore(%arg27 : memref<!tpu.dma_semaphore, #tpu.memory_space<semaphore_mem>>)
    %dma_start3A_41 = arith.constant 0 : i32
    %dma_start3A_42 = tpu.memref_slice %arg3[%min3A_36, %dma_start3A_41] : memref<8192x512xf32, #tpu.memory_space<hbm>> -> memref<16x512xf32, #tpu.memory_space<hbm>>
    %dma_start3A_43 = arith.constant 0 : i32
    %dma_start3A_44 = tpu.memref_slice %arg3[%min3A_36, %dma_start3A_43] : memref<8192x512xf32, #tpu.memory_space<hbm>> -> memref<16x512xf32, #tpu.memory_space<hbm>>
    tpu.enqueue_dma source(%dma_start3A_44 : memref<16x512xf32, #tpu.memory_space<hbm>>) target(%arg13 : memref<16x512xf32, #tpu.memory_space<vmem>>) target_semaphore(%arg28 : memref<!tpu.dma_semaphore, #tpu.memory_space<semaphore_mem>>)
    %dma_start3A_45 = arith.constant 0 : i32
    %dma_start3A_46 = tpu.memref_slice %arg4[%min3A_36, %dma_start3A_45] : memref<8192x512xf32, #tpu.memory_space<hbm>> -> memref<16x512xf32, #tpu.memory_space<hbm>>
    %dma_start3A_47 = arith.constant 0 : i32
    %dma_start3A_48 = tpu.memref_slice %arg4[%min3A_36, %dma_start3A_47] : memref<8192x512xf32, #tpu.memory_space<hbm>> -> memref<16x512xf32, #tpu.memory_space<hbm>>
    tpu.enqueue_dma source(%dma_start3A_48 : memref<16x512xf32, #tpu.memory_space<hbm>>) target(%arg14 : memref<16x512xf32, #tpu.memory_space<vmem>>) target_semaphore(%arg29 : memref<!tpu.dma_semaphore, #tpu.memory_space<semaphore_mem>>)
    %add3A_49 = arith.constant 48 : i32
    %add3A_50 = arith.addi %mul3A_2, %add3A_49 : i32
    %min3A_51 = arith.minsi %add3A_50, %add3A_4 : i32
    %dma_start3A_52 = arith.constant 0 : i32
    %dma_start3A_53 = tpu.memref_slice %arg2[%min3A_51, %dma_start3A_52] : memref<8192x512xf32, #tpu.memory_space<hbm>> -> memref<16x512xf32, #tpu.memory_space<hbm>>
    %dma_start3A_54 = arith.constant 0 : i32
    %dma_start3A_55 = tpu.memref_slice %arg2[%min3A_51, %dma_start3A_54] : memref<8192x512xf32, #tpu.memory_space<hbm>> -> memref<16x512xf32, #tpu.memory_space<hbm>>
    tpu.enqueue_dma source(%dma_start3A_55 : memref<16x512xf32, #tpu.memory_space<hbm>>) target(%arg15 : memref<16x512xf32, #tpu.memory_space<vmem>>) target_semaphore(%arg30 : memref<!tpu.dma_semaphore, #tpu.memory_space<semaphore_mem>>)
    %dma_start3A_56 = arith.constant 0 : i32
    %dma_start3A_57 = tpu.memref_slice %arg3[%min3A_51, %dma_start3A_56] : memref<8192x512xf32, #tpu.memory_space<hbm>> -> memref<16x512xf32, #tpu.memory_space<hbm>>
    %dma_start3A_58 = arith.constant 0 : i32
    %dma_start3A_59 = tpu.memref_slice %arg3[%min3A_51, %dma_start3A_58] : memref<8192x512xf32, #tpu.memory_space<hbm>> -> memref<16x512xf32, #tpu.memory_space<hbm>>
    tpu.enqueue_dma source(%dma_start3A_59 : memref<16x512xf32, #tpu.memory_space<hbm>>) target(%arg16 : memref<16x512xf32, #tpu.memory_space<vmem>>) target_semaphore(%arg31 : memref<!tpu.dma_semaphore, #tpu.memory_space<semaphore_mem>>)
    %dma_start3A_60 = arith.constant 0 : i32
    %dma_start3A_61 = tpu.memref_slice %arg4[%min3A_51, %dma_start3A_60] : memref<8192x512xf32, #tpu.memory_space<hbm>> -> memref<16x512xf32, #tpu.memory_space<hbm>>
    %dma_start3A_62 = arith.constant 0 : i32
    %dma_start3A_63 = tpu.memref_slice %arg4[%min3A_51, %dma_start3A_62] : memref<8192x512xf32, #tpu.memory_space<hbm>> -> memref<16x512xf32, #tpu.memory_space<hbm>>
    tpu.enqueue_dma source(%dma_start3A_63 : memref<16x512xf32, #tpu.memory_space<hbm>>) target(%arg17 : memref<16x512xf32, #tpu.memory_space<vmem>>) target_semaphore(%arg32 : memref<!tpu.dma_semaphore, #tpu.memory_space<semaphore_mem>>)
    %add3A_64 = arith.constant 64 : i32
    %add3A_65 = arith.addi %mul3A_2, %add3A_64 : i32
    %min3A_66 = arith.minsi %add3A_65, %add3A_4 : i32
    %dma_start3A_67 = arith.constant 0 : i32
    %dma_start3A_68 = tpu.memref_slice %arg2[%min3A_66, %dma_start3A_67] : memref<8192x512xf32, #tpu.memory_space<hbm>> -> memref<16x512xf32, #tpu.memory_space<hbm>>
    %dma_start3A_69 = arith.constant 0 : i32
    %dma_start3A_70 = tpu.memref_slice %arg2[%min3A_66, %dma_start3A_69] : memref<8192x512xf32, #tpu.memory_space<hbm>> -> memref<16x512xf32, #tpu.memory_space<hbm>>
    tpu.enqueue_dma source(%dma_start3A_70 : memref<16x512xf32, #tpu.memory_space<hbm>>) target(%arg18 : memref<16x512xf32, #tpu.memory_space<vmem>>) target_semaphore(%arg33 : memref<!tpu.dma_semaphore, #tpu.memory_space<semaphore_mem>>)
    %dma_start3A_71 = arith.constant 0 : i32
    %dma_start3A_72 = tpu.memref_slice %arg3[%min3A_66, %dma_start3A_71] : memref<8192x512xf32, #tpu.memory_space<hbm>> -> memref<16x512xf32, #tpu.memory_space<hbm>>
    %dma_start3A_73 = arith.constant 0 : i32
    %dma_start3A_74 = tpu.memref_slice %arg3[%min3A_66, %dma_start3A_73] : memref<8192x512xf32, #tpu.memory_space<hbm>> -> memref<16x512xf32, #tpu.memory_space<hbm>>
    tpu.enqueue_dma source(%dma_start3A_74 : memref<16x512xf32, #tpu.memory_space<hbm>>) target(%arg19 : memref<16x512xf32, #tpu.memory_space<vmem>>) target_semaphore(%arg34 : memref<!tpu.dma_semaphore, #tpu.memory_space<semaphore_mem>>)
    %dma_start3A_75 = arith.constant 0 : i32
    %dma_start3A_76 = tpu.memref_slice %arg4[%min3A_66, %dma_start3A_75] : memref<8192x512xf32, #tpu.memory_space<hbm>> -> memref<16x512xf32, #tpu.memory_space<hbm>>
    %dma_start3A_77 = arith.constant 0 : i32
    %dma_start3A_78 = tpu.memref_slice %arg4[%min3A_66, %dma_start3A_77] : memref<8192x512xf32, #tpu.memory_space<hbm>> -> memref<16x512xf32, #tpu.memory_space<hbm>>
    tpu.enqueue_dma source(%dma_start3A_78 : memref<16x512xf32, #tpu.memory_space<hbm>>) target(%arg20 : memref<16x512xf32, #tpu.memory_space<vmem>>) target_semaphore(%arg35 : memref<!tpu.dma_semaphore, #tpu.memory_space<semaphore_mem>>)
    %dma_wait3A = arith.constant 0 : i32
    %dma_wait3A_79 = arith.constant 0 : i32
    %dma_wait3A_80 = tpu.memref_slice %arg2[%dma_wait3A, %dma_wait3A_79] : memref<8192x512xf32, #tpu.memory_space<hbm>> -> memref<16x512xf32, #tpu.memory_space<hbm>>
    %dma_wait3A_81 = arith.constant 0 : i32
    %dma_wait3A_82 = arith.constant 0 : i32
    %dma_wait3A_83 = tpu.memref_slice %arg2[%dma_wait3A_81, %dma_wait3A_82] : memref<8192x512xf32, #tpu.memory_space<hbm>> -> memref<16x512xf32, #tpu.memory_space<hbm>>
    tpu.wait_dma2 semaphore(%arg21 : memref<!tpu.dma_semaphore, #tpu.memory_space<semaphore_mem>>) src(%dma_wait3A_83 : memref<16x512xf32, #tpu.memory_space<hbm>>) dst(%arg6 : memref<16x512xf32, #tpu.memory_space<vmem>>)
    %dma_wait3A_84 = arith.constant 0 : i32
    %dma_wait3A_85 = arith.constant 0 : i32
    %dma_wait3A_86 = tpu.memref_slice %arg3[%dma_wait3A_84, %dma_wait3A_85] : memref<8192x512xf32, #tpu.memory_space<hbm>> -> memref<16x512xf32, #tpu.memory_space<hbm>>
    %dma_wait3A_87 = arith.constant 0 : i32
    %dma_wait3A_88 = arith.constant 0 : i32
    %dma_wait3A_89 = tpu.memref_slice %arg3[%dma_wait3A_87, %dma_wait3A_88] : memref<8192x512xf32, #tpu.memory_space<hbm>> -> memref<16x512xf32, #tpu.memory_space<hbm>>
    tpu.wait_dma2 semaphore(%arg22 : memref<!tpu.dma_semaphore, #tpu.memory_space<semaphore_mem>>) src(%dma_wait3A_89 : memref<16x512xf32, #tpu.memory_space<hbm>>) dst(%arg7 : memref<16x512xf32, #tpu.memory_space<vmem>>)
    %dma_wait3A_90 = arith.constant 0 : i32
    %dma_wait3A_91 = arith.constant 0 : i32
    %dma_wait3A_92 = tpu.memref_slice %arg4[%dma_wait3A_90, %dma_wait3A_91] : memref<8192x512xf32, #tpu.memory_space<hbm>> -> memref<16x512xf32, #tpu.memory_space<hbm>>
    %dma_wait3A_93 = arith.constant 0 : i32
    %dma_wait3A_94 = arith.constant 0 : i32
    %dma_wait3A_95 = tpu.memref_slice %arg4[%dma_wait3A_93, %dma_wait3A_94] : memref<8192x512xf32, #tpu.memory_space<hbm>> -> memref<16x512xf32, #tpu.memory_space<hbm>>
    tpu.wait_dma2 semaphore(%arg23 : memref<!tpu.dma_semaphore, #tpu.memory_space<semaphore_mem>>) src(%dma_wait3A_95 : memref<16x512xf32, #tpu.memory_space<hbm>>) dst(%arg8 : memref<16x512xf32, #tpu.memory_space<vmem>>)
    %scan3A = arith.constant 0 : i32
    %scan3A_96 = arith.constant 16 : i32
    %scan3A_97 = arith.addi %scan3A, %scan3A_96 : i32
    %scan3A_98 = arith.constant 1 : i32
    %scan3A_99:16 = scf.for %scan3A_224 = %scan3A to %scan3A_97 step %scan3A_98 iter_args(%scan3A_225 = %broadcast_in_dim3A_5, %scan3A_226 = %broadcast_in_dim3A_5, %scan3A_227 = %broadcast_in_dim3A_5, %scan3A_228 = %broadcast_in_dim3A_5, %scan3A_229 = %broadcast_in_dim3A_5, %scan3A_230 = %broadcast_in_dim3A_5, %scan3A_231 = %broadcast_in_dim3A_5, %scan3A_232 = %broadcast_in_dim3A_5, %scan3A_233 = %broadcast_in_dim3A_5, %scan3A_234 = %broadcast_in_dim3A_5, %scan3A_235 = %broadcast_in_dim3A_5, %scan3A_236 = %broadcast_in_dim3A_5, %scan3A_237 = %broadcast_in_dim3A_5, %scan3A_238 = %broadcast_in_dim3A_5, %scan3A_239 = %broadcast_in_dim3A_5, %scan3A_240 = %broadcast_in_dim3A_5) -> (vector<16xf32>, vector<16xf32>, vector<16xf32>, vector<16xf32>, vector<16xf32>, vector<16xf32>, vector<16xf32>, vector<16xf32>, vector<16xf32>, vector<16xf32>, vector<16xf32>, vector<16xf32>, vector<16xf32>, vector<16xf32>, vector<16xf32>, vector<16xf32>)  : i32 {
      %get3A = arith.index_cast %scan3A_224 : i32 to index
      %get3A_241 = arith.constant 0 : index
      %get3A_242 = tpu.vector_load %arg6[%get3A, %get3A_241] {strides = array<i32>} : memref<16x512xf32, #tpu.memory_space<vmem>>, vector<1x16xf32>,
      %get3A_243 = vector.shape_cast %get3A_242 : vector<1x16xf32> to vector<16xf32>
      %get3A_244 = arith.index_cast %scan3A_224 : i32 to index
      %get3A_245 = arith.constant 0 : index
      %get3A_246 = tpu.vector_load %arg7[%get3A_244, %get3A_245] {strides = array<i32>} : memref<16x512xf32, #tpu.memory_space<vmem>>, vector<1x16xf32>,
      %get3A_247 = vector.shape_cast %get3A_246 : vector<1x16xf32> to vector<16xf32>
      %get3A_248 = arith.index_cast %scan3A_224 : i32 to index
      %get3A_249 = arith.constant 0 : index
      %get3A_250 = tpu.vector_load %arg8[%get3A_248, %get3A_249] {strides = array<i32>} : memref<16x512xf32, #tpu.memory_space<vmem>>, vector<1x16xf32>,
      %get3A_251 = vector.shape_cast %get3A_250 : vector<1x16xf32> to vector<16xf32>
      %mul3A_252 = arith.mulf %get3A_243, %get3A_251 : vector<16xf32>
      %add3A_253 = arith.addf %scan3A_225, %get3A_251 : vector<16xf32>
      %mul3A_254 = arith.mulf %get3A_247, %get3A_251 : vector<16xf32>
      %add3A_255 = arith.addf %scan3A_229, %mul3A_254 : vector<16xf32>
      %add3A_256 = arith.addf %scan3A_233, %mul3A_252 : vector<16xf32>
      %mul3A_257 = arith.mulf %mul3A_252, %get3A_247 : vector<16xf32>
      %add3A_258 = arith.addf %scan3A_237, %mul3A_257 : vector<16xf32>
      %get3A_259 = arith.index_cast %scan3A_224 : i32 to index
      %get3A_260 = arith.constant 16 : index
      %get3A_261 = tpu.vector_load %arg6[%get3A_259, %get3A_260] {strides = array<i32>} : memref<16x512xf32, #tpu.memory_space<vmem>>, vector<1x16xf32>,
      %get3A_262 = vector.shape_cast %get3A_261 : vector<1x16xf32> to vector<16xf32>
      %get3A_263 = arith.index_cast %scan3A_224 : i32 to index
      %get3A_264 = arith.constant 16 : index
      %get3A_265 = tpu.vector_load %arg7[%get3A_263, %get3A_264] {strides = array<i32>} : memref<16x512xf32, #tpu.memory_space<vmem>>, vector<1x16xf32>,
      %get3A_266 = vector.shape_cast %get3A_265 : vector<1x16xf32> to vector<16xf32>
      %get3A_267 = arith.index_cast %scan3A_224 : i32 to index
      %get3A_268 = arith.constant 16 : index
      %get3A_269 = tpu.vector_load %arg8[%get3A_267, %get3A_268] {strides = array<i32>} : memref<16x512xf32, #tpu.memory_space<vmem>>, vector<1x16xf32>,
      %get3A_270 = vector.shape_cast %get3A_269 : vector<1x16xf32> to vector<16xf32>
      %mul3A_271 = arith.mulf %get3A_262, %get3A_270 : vector<16xf32>
      %add3A_272 = arith.addf %scan3A_226, %get3A_270 : vector<16xf32>
      %mul3A_273 = arith.mulf %get3A_266, %get3A_270 : vector<16xf32>
      %add3A_274 = arith.addf %scan3A_230, %mul3A_273 : vector<16xf32>
      %add3A_275 = arith.addf %scan3A_234, %mul3A_271 : vector<16xf32>
      %mul3A_276 = arith.mulf %mul3A_271, %get3A_266 : vector<16xf32>
      %add3A_277 = arith.addf %scan3A_238, %mul3A_276 : vector<16xf32>
      %get3A_278 = arith.index_cast %scan3A_224 : i32 to index
      %get3A_279 = arith.constant 32 : index
      %get3A_280 = tpu.vector_load %arg6[%get3A_278, %get3A_279] {strides = array<i32>} : memref<16x512xf32, #tpu.memory_space<vmem>>, vector<1x16xf32>,
      %get3A_281 = vector.shape_cast %get3A_280 : vector<1x16xf32> to vector<16xf32>
      %get3A_282 = arith.index_cast %scan3A_224 : i32 to index
      %get3A_283 = arith.constant 32 : index
      %get3A_284 = tpu.vector_load %arg7[%get3A_282, %get3A_283] {strides = array<i32>} : memref<16x512xf32, #tpu.memory_space<vmem>>, vector<1x16xf32>,
      %get3A_285 = vector.shape_cast %get3A_284 : vector<1x16xf32> to vector<16xf32>
      %get3A_286 = arith.index_cast %scan3A_224 : i32 to index
      %get3A_287 = arith.constant 32 : index
      %get3A_288 = tpu.vector_load %arg8[%get3A_286, %get3A_287] {strides = array<i32>} : memref<16x512xf32, #tpu.memory_space<vmem>>, vector<1x16xf32>,
      %get3A_289 = vector.shape_cast %get3A_288 : vector<1x16xf32> to vector<16xf32>
      %mul3A_290 = arith.mulf %get3A_281, %get3A_289 : vector<16xf32>
      %add3A_291 = arith.addf %scan3A_227, %get3A_289 : vector<16xf32>
      %mul3A_292 = arith.mulf %get3A_285, %get3A_289 : vector<16xf32>
      %add3A_293 = arith.addf %scan3A_231, %mul3A_292 : vector<16xf32>
      %add3A_294 = arith.addf %scan3A_235, %mul3A_290 : vector<16xf32>
      %mul3A_295 = arith.mulf %mul3A_290, %get3A_285 : vector<16xf32>
      %add3A_296 = arith.addf %scan3A_239, %mul3A_295 : vector<16xf32>
      %get3A_297 = arith.index_cast %scan3A_224 : i32 to index
      %get3A_298 = arith.constant 48 : index
      %get3A_299 = tpu.vector_load %arg6[%get3A_297, %get3A_298] {strides = array<i32>} : memref<16x512xf32, #tpu.memory_space<vmem>>, vector<1x16xf32>,
      %get3A_300 = vector.shape_cast %get3A_299 : vector<1x16xf32> to vector<16xf32>
      %get3A_301 = arith.index_cast %scan3A_224 : i32 to index
      %get3A_302 = arith.constant 48 : index
      %get3A_303 = tpu.vector_load %arg7[%get3A_301, %get3A_302] {strides = array<i32>} : memref<16x512xf32, #tpu.memory_space<vmem>>, vector<1x16xf32>,
      %get3A_304 = vector.shape_cast %get3A_303 : vector<1x16xf32> to vector<16xf32>
      %get3A_305 = arith.index_cast %scan3A_224 : i32 to index
      %get3A_306 = arith.constant 48 : index
      %get3A_307 = tpu.vector_load %arg8[%get3A_305, %get3A_306] {strides = array<i32>} : memref<16x512xf32, #tpu.memory_space<vmem>>, vector<1x16xf32>,
      %get3A_308 = vector.shape_cast %get3A_307 : vector<1x16xf32> to vector<16xf32>
      %mul3A_309 = arith.mulf %get3A_300, %get3A_308 : vector<16xf32>
      %add3A_310 = arith.addf %scan3A_228, %get3A_308 : vector<16xf32>
      %mul3A_311 = arith.mulf %get3A_304, %get3A_308 : vector<16xf32>
      %add3A_312 = arith.addf %scan3A_232, %mul3A_311 : vector<16xf32>
      %add3A_313 = arith.addf %scan3A_236, %mul3A_309 : vector<16xf32>
      %mul3A_314 = arith.mulf %mul3A_309, %get3A_304 : vector<16xf32>
      %add3A_315 = arith.addf %scan3A_240, %mul3A_314 : vector<16xf32>
      %get3A_316 = arith.index_cast %scan3A_224 : i32 to index
      %get3A_317 = arith.constant 64 : index
      %get3A_318 = tpu.vector_load %arg6[%get3A_316, %get3A_317] {strides = array<i32>} : memref<16x512xf32, #tpu.memory_space<vmem>>, vector<1x16xf32>,
      %get3A_319 = vector.shape_cast %get3A_318 : vector<1x16xf32> to vector<16xf32>
      %get3A_320 = arith.index_cast %scan3A_224 : i32 to index
      %get3A_321 = arith.constant 64 : index
      %get3A_322 = tpu.vector_load %arg7[%get3A_320, %get3A_321] {strides = array<i32>} : memref<16x512xf32, #tpu.memory_space<vmem>>, vector<1x16xf32>,
      %get3A_323 = vector.shape_cast %get3A_322 : vector<1x16xf32> to vector<16xf32>
      %get3A_324 = arith.index_cast %scan3A_224 : i32 to index
      %get3A_325 = arith.constant 64 : index
      %get3A_326 = tpu.vector_load %arg8[%get3A_324, %get3A_325] {strides = array<i32>} : memref<16x512xf32, #tpu.memory_space<vmem>>, vector<1x16xf32>,
      %get3A_327 = vector.shape_cast %get3A_326 : vector<1x16xf32> to vector<16xf32>
      %mul3A_328 = arith.mulf %get3A_319, %get3A_327 : vector<16xf32>
      %add3A_329 = arith.addf %add3A_253, %get3A_327 : vector<16xf32>
      %mul3A_330 = arith.mulf %get3A_323, %get3A_327 : vector<16xf32>
      %add3A_331 = arith.addf %add3A_255, %mul3A_330 : vector<16xf32>
      %add3A_332 = arith.addf %add3A_256, %mul3A_328 : vector<16xf32>
      %mul3A_333 = arith.mulf %mul3A_328, %get3A_323 : vector<16xf32>
      %add3A_334 = arith.addf %add3A_258, %mul3A_333 : vector<16xf32>
      %get3A_335 = arith.index_cast %scan3A_224 : i32 to index
      %get3A_336 = arith.constant 80 : index
      %get3A_337 = tpu.vector_load %arg6[%get3A_335, %get3A_336] {strides = array<i32>} : memref<16x512xf32, #tpu.memory_space<vmem>>, vector<1x16xf32>,
      %get3A_338 = vector.shape_cast %get3A_337 : vector<1x16xf32> to vector<16xf32>
      %get3A_339 = arith.index_cast %scan3A_224 : i32 to index
      %get3A_340 = arith.constant 80 : index
      %get3A_341 = tpu.vector_load %arg7[%get3A_339, %get3A_340] {strides = array<i32>} : memref<16x512xf32, #tpu.memory_space<vmem>>, vector<1x16xf32>,
      %get3A_342 = vector.shape_cast %get3A_341 : vector<1x16xf32> to vector<16xf32>
      %get3A_343 = arith.index_cast %scan3A_224 : i32 to index
      %get3A_344 = arith.constant 80 : index
      %get3A_345 = tpu.vector_load %arg8[%get3A_343, %get3A_344] {strides = array<i32>} : memref<16x512xf32, #tpu.memory_space<vmem>>, vector<1x16xf32>,
      %get3A_346 = vector.shape_cast %get3A_345 : vector<1x16xf32> to vector<16xf32>
      %mul3A_347 = arith.mulf %get3A_338, %get3A_346 : vector<16xf32>
      %add3A_348 = arith.addf %add3A_272, %get3A_346 : vector<16xf32>
      %mul3A_349 = arith.mulf %get3A_342, %get3A_346 : vector<16xf32>
      %add3A_350 = arith.addf %add3A_274, %mul3A_349 : vector<16xf32>
      %add3A_351 = arith.addf %add3A_275, %mul3A_347 : vector<16xf32>
      %mul3A_352 = arith.mulf %mul3A_347, %get3A_342 : vector<16xf32>
      %add3A_353 = arith.addf %add3A_277, %mul3A_352 : vector<16xf32>
      %get3A_354 = arith.index_cast %scan3A_224 : i32 to index
      %get3A_355 = arith.constant 96 : index
      %get3A_356 = tpu.vector_load %arg6[%get3A_354, %get3A_355] {strides = array<i32>} : memref<16x512xf32, #tpu.memory_space<vmem>>, vector<1x16xf32>,
      %get3A_357 = vector.shape_cast %get3A_356 : vector<1x16xf32> to vector<16xf32>
      %get3A_358 = arith.index_cast %scan3A_224 : i32 to index
      %get3A_359 = arith.constant 96 : index
      %get3A_360 = tpu.vector_load %arg7[%get3A_358, %get3A_359] {strides = array<i32>} : memref<16x512xf32, #tpu.memory_space<vmem>>, vector<1x16xf32>,
      %get3A_361 = vector.shape_cast %get3A_360 : vector<1x16xf32> to vector<16xf32>
      %get3A_362 = arith.index_cast %scan3A_224 : i32 to index
      %get3A_363 = arith.constant 96 : index
      %get3A_364 = tpu.vector_load %arg8[%get3A_362, %get3A_363] {strides = array<i32>} : memref<16x512xf32, #tpu.memory_space<vmem>>, vector<1x16xf32>,
      %get3A_365 = vector.shape_cast %get3A_364 : vector<1x16xf32> to vector<16xf32>
      %mul3A_366 = arith.mulf %get3A_357, %get3A_365 : vector<16xf32>
      %add3A_367 = arith.addf %add3A_291, %get3A_365 : vector<16xf32>
      %mul3A_368 = arith.mulf %get3A_361, %get3A_365 : vector<16xf32>
      %add3A_369 = arith.addf %add3A_293, %mul3A_368 : vector<16xf32>
      %add3A_370 = arith.addf %add3A_294, %mul3A_366 : vector<16xf32>
      %mul3A_371 = arith.mulf %mul3A_366, %get3A_361 : vector<16xf32>
      %add3A_372 = arith.addf %add3A_296, %mul3A_371 : vector<16xf32>
      %get3A_373 = arith.index_cast %scan3A_224 : i32 to index
      %get3A_374 = arith.constant 112 : index
      %get3A_375 = tpu.vector_load %arg6[%get3A_373, %get3A_374] {strides = array<i32>} : memref<16x512xf32, #tpu.memory_space<vmem>>, vector<1x16xf32>,
      %get3A_376 = vector.shape_cast %get3A_375 : vector<1x16xf32> to vector<16xf32>
      %get3A_377 = arith.index_cast %scan3A_224 : i32 to index
      %get3A_378 = arith.constant 112 : index
      %get3A_379 = tpu.vector_load %arg7[%get3A_377, %get3A_378] {strides = array<i32>} : memref<16x512xf32, #tpu.memory_space<vmem>>, vector<1x16xf32>,
      %get3A_380 = vector.shape_cast %get3A_379 : vector<1x16xf32> to vector<16xf32>
      %get3A_381 = arith.index_cast %scan3A_224 : i32 to index
      %get3A_382 = arith.constant 112 : index
      %get3A_383 = tpu.vector_load %arg8[%get3A_381, %get3A_382] {strides = array<i32>} : memref<16x512xf32, #tpu.memory_space<vmem>>, vector<1x16xf32>,
      %get3A_384 = vector.shape_cast %get3A_383 : vector<1x16xf32> to vector<16xf32>
      %mul3A_385 = arith.mulf %get3A_376, %get3A_384 : vector<16xf32>
      %add3A_386 = arith.addf %add3A_310, %get3A_384 : vector<16xf32>
      %mul3A_387 = arith.mulf %get3A_380, %get3A_384 : vector<16xf32>
      %add3A_388 = arith.addf %add3A_312, %mul3A_387 : vector<16xf32>
      %add3A_389 = arith.addf %add3A_313, %mul3A_385 : vector<16xf32>
      %mul3A_390 = arith.mulf %mul3A_385, %get3A_380 : vector<16xf32>
      %add3A_391 = arith.addf %add3A_315, %mul3A_390 : vector<16xf32>
      %get3A_392 = arith.index_cast %scan3A_224 : i32 to index
      %get3A_393 = arith.constant 128 : index
      %get3A_394 = tpu.vector_load %arg6[%get3A_392, %get3A_393] {strides = array<i32>} : memref<16x512xf32, #tpu.memory_space<vmem>>, vector<1x16xf32>,
      %get3A_395 = vector.shape_cast %get3A_394 : vector<1x16xf32> to vector<16xf32>
      %get3A_396 = arith.index_cast %scan3A_224 : i32 to index
      %get3A_397 = arith.constant 128 : index
      %get3A_398 = tpu.vector_load %arg7[%get3A_396, %get3A_397] {strides = array<i32>} : memref<16x512xf32, #tpu.memory_space<vmem>>, vector<1x16xf32>,
      %get3A_399 = vector.shape_cast %get3A_398 : vector<1x16xf32> to vector<16xf32>
      %get3A_400 = arith.index_cast %scan3A_224 : i32 to index
      %get3A_401 = arith.constant 128 : index
      %get3A_402 = tpu.vector_load %arg8[%get3A_400, %get3A_401] {strides = array<i32>} : memref<16x512xf32, #tpu.memory_space<vmem>>, vector<1x16xf32>,
      %get3A_403 = vector.shape_cast %get3A_402 : vector<1x16xf32> to vector<16xf32>
      %mul3A_404 = arith.mulf %get3A_395, %get3A_403 : vector<16xf32>
      %add3A_405 = arith.addf %add3A_329, %get3A_403 : vector<16xf32>
      %mul3A_406 = arith.mulf %get3A_399, %get3A_403 : vector<16xf32>
      %add3A_407 = arith.addf %add3A_331, %mul3A_406 : vector<16xf32>
      %add3A_408 = arith.addf %add3A_332, %mul3A_404 : vector<16xf32>
      %mul3A_409 = arith.mulf %mul3A_404, %get3A_399 : vector<16xf32>
      %add3A_410 = arith.addf %add3A_334, %mul3A_409 : vector<16xf32>
      %get3A_411 = arith.index_cast %scan3A_224 : i32 to index
      %get3A_412 = arith.constant 144 : index
      %get3A_413 = tpu.vector_load %arg6[%get3A_411, %get3A_412] {strides = array<i32>} : memref<16x512xf32, #tpu.memory_space<vmem>>, vector<1x16xf32>,
      %get3A_414 = vector.shape_cast %get3A_413 : vector<1x16xf32> to vector<16xf32>
      %get3A_415 = arith.index_cast %scan3A_224 : i32 to index
      %get3A_416 = arith.constant 144 : index
      %get3A_417 = tpu.vector_load %arg7[%get3A_415, %get3A_416] {strides = array<i32>} : memref<16x512xf32, #tpu.memory_space<vmem>>, vector<1x16xf32>,
      %get3A_418 = vector.shape_cast %get3A_417 : vector<1x16xf32> to vector<16xf32>
      %get3A_419 = arith.index_cast %scan3A_224 : i32 to index
      %get3A_420 = arith.constant 144 : index
      %get3A_421 = tpu.vector_load %arg8[%get3A_419, %get3A_420] {strides = array<i32>} : memref<16x512xf32, #tpu.memory_space<vmem>>, vector<1x16xf32>,
      %get3A_422 = vector.shape_cast %get3A_421 : vector<1x16xf32> to vector<16xf32>
      %mul3A_423 = arith.mulf %get3A_414, %get3A_422 : vector<16xf32>
      %add3A_424 = arith.addf %add3A_348, %get3A_422 : vector<16xf32>
      %mul3A_425 = arith.mulf %get3A_418, %get3A_422 : vector<16xf32>
      %add3A_426 = arith.addf %add3A_350, %mul3A_425 : vector<16xf32>
      %add3A_427 = arith.addf %add3A_351, %mul3A_423 : vector<16xf32>
      %mul3A_428 = arith.mulf %mul3A_423, %get3A_418 : vector<16xf32>
      %add3A_429 = arith.addf %add3A_353, %mul3A_428 : vector<16xf32>
      %get3A_430 = arith.index_cast %scan3A_224 : i32 to index
      %get3A_431 = arith.constant 160 : index
      %get3A_432 = tpu.vector_load %arg6[%get3A_430, %get3A_431] {strides = array<i32>} : memref<16x512xf32, #tpu.memory_space<vmem>>, vector<1x16xf32>,
      %get3A_433 = vector.shape_cast %get3A_432 : vector<1x16xf32> to vector<16xf32>
      %get3A_434 = arith.index_cast %scan3A_224 : i32 to index
      %get3A_435 = arith.constant 160 : index
      %get3A_436 = tpu.vector_load %arg7[%get3A_434, %get3A_435] {strides = array<i32>} : memref<16x512xf32, #tpu.memory_space<vmem>>, vector<1x16xf32>,
      %get3A_437 = vector.shape_cast %get3A_436 : vector<1x16xf32> to vector<16xf32>
      %get3A_438 = arith.index_cast %scan3A_224 : i32 to index
      %get3A_439 = arith.constant 160 : index
      %get3A_440 = tpu.vector_load %arg8[%get3A_438, %get3A_439] {strides = array<i32>} : memref<16x512xf32, #tpu.memory_space<vmem>>, vector<1x16xf32>,
      %get3A_441 = vector.shape_cast %get3A_440 : vector<1x16xf32> to vector<16xf32>
      %mul3A_442 = arith.mulf %get3A_433, %get3A_441 : vector<16xf32>
      %add3A_443 = arith.addf %add3A_367, %get3A_441 : vector<16xf32>
      %mul3A_444 = arith.mulf %get3A_437, %get3A_441 : vector<16xf32>
      %add3A_445 = arith.addf %add3A_369, %mul3A_444 : vector<16xf32>
      %add3A_446 = arith.addf %add3A_370, %mul3A_442 : vector<16xf32>
      %mul3A_447 = arith.mulf %mul3A_442, %get3A_437 : vector<16xf32>
      %add3A_448 = arith.addf %add3A_372, %mul3A_447 : vector<16xf32>
      %get3A_449 = arith.index_cast %scan3A_224 : i32 to index
      %get3A_450 = arith.constant 176 : index
      %get3A_451 = tpu.vector_load %arg6[%get3A_449, %get3A_450] {strides = array<i32>} : memref<16x512xf32, #tpu.memory_space<vmem>>, vector<1x16xf32>,
      %get3A_452 = vector.shape_cast %get3A_451 : vector<1x16xf32> to vector<16xf32>
      %get3A_453 = arith.index_cast %scan3A_224 : i32 to index
      %get3A_454 = arith.constant 176 : index
      %get3A_455 = tpu.vector_load %arg7[%get3A_453, %get3A_454] {strides = array<i32>} : memref<16x512xf32, #tpu.memory_space<vmem>>, vector<1x16xf32>,
      %get3A_456 = vector.shape_cast %get3A_455 : vector<1x16xf32> to vector<16xf32>
      %get3A_457 = arith.index_cast %scan3A_224 : i32 to index
      %get3A_458 = arith.constant 176 : index
      %get3A_459 = tpu.vector_load %arg8[%get3A_457, %get3A_458] {strides = array<i32>} : memref<16x512xf32, #tpu.memory_space<vmem>>, vector<1x16xf32>,
      %get3A_460 = vector.shape_cast %get3A_459 : vector<1x16xf32> to vector<16xf32>
      %mul3A_461 = arith.mulf %get3A_452, %get3A_460 : vector<16xf32>
      %add3A_462 = arith.addf %add3A_386, %get3A_460 : vector<16xf32>
      %mul3A_463 = arith.mulf %get3A_456, %get3A_460 : vector<16xf32>
      %add3A_464 = arith.addf %add3A_388, %mul3A_463 : vector<16xf32>
      %add3A_465 = arith.addf %add3A_389, %mul3A_461 : vector<16xf32>
      %mul3A_466 = arith.mulf %mul3A_461, %get3A_456 : vector<16xf32>
      %add3A_467 = arith.addf %add3A_391, %mul3A_466 : vector<16xf32>
      %get3A_468 = arith.index_cast %scan3A_224 : i32 to index
      %get3A_469 = arith.constant 192 : index
      %get3A_470 = tpu.vector_load %arg6[%get3A_468, %get3A_469] {strides = array<i32>} : memref<16x512xf32, #tpu.memory_space<vmem>>, vector<1x16xf32>,
      %get3A_471 = vector.shape_cast %get3A_470 : vector<1x16xf32> to vector<16xf32>
      %get3A_472 = arith.index_cast %scan3A_224 : i32 to index
      %get3A_473 = arith.constant 192 : index
      %get3A_474 = tpu.vector_load %arg7[%get3A_472, %get3A_473] {strides = array<i32>} : memref<16x512xf32, #tpu.memory_space<vmem>>, vector<1x16xf32>,
      %get3A_475 = vector.shape_cast %get3A_474 : vector<1x16xf32> to vector<16xf32>
      %get3A_476 = arith.index_cast %scan3A_224 : i32 to index
      %get3A_477 = arith.constant 192 : index
      %get3A_478 = tpu.vector_load %arg8[%get3A_476, %get3A_477] {strides = array<i32>} : memref<16x512xf32, #tpu.memory_space<vmem>>, vector<1x16xf32>,
      %get3A_479 = vector.shape_cast %get3A_478 : vector<1x16xf32> to vector<16xf32>
      %mul3A_480 = arith.mulf %get3A_471, %get3A_479 : vector<16xf32>
      %add3A_481 = arith.addf %add3A_405, %get3A_479 : vector<16xf32>
      %mul3A_482 = arith.mulf %get3A_475, %get3A_479 : vector<16xf32>
      %add3A_483 = arith.addf %add3A_407, %mul3A_482 : vector<16xf32>
      %add3A_484 = arith.addf %add3A_408, %mul3A_480 : vector<16xf32>
      %mul3A_485 = arith.mulf %mul3A_480, %get3A_475 : vector<16xf32>
      %add3A_486 = arith.addf %add3A_410, %mul3A_485 : vector<16xf32>
      %get3A_487 = arith.index_cast %scan3A_224 : i32 to index
      %get3A_488 = arith.constant 208 : index
      %get3A_489 = tpu.vector_load %arg6[%get3A_487, %get3A_488] {strides = array<i32>} : memref<16x512xf32, #tpu.memory_space<vmem>>, vector<1x16xf32>,
      %get3A_490 = vector.shape_cast %get3A_489 : vector<1x16xf32> to vector<16xf32>
      %get3A_491 = arith.index_cast %scan3A_224 : i32 to index
      %get3A_492 = arith.constant 208 : index
      %get3A_493 = tpu.vector_load %arg7[%get3A_491, %get3A_492] {strides = array<i32>} : memref<16x512xf32, #tpu.memory_space<vmem>>, vector<1x16xf32>,
      %get3A_494 = vector.shape_cast %get3A_493 : vector<1x16xf32> to vector<16xf32>
      %get3A_495 = arith.index_cast %scan3A_224 : i32 to index
      %get3A_496 = arith.constant 208 : index
      %get3A_497 = tpu.vector_load %arg8[%get3A_495, %get3A_496] {strides = array<i32>} : memref<16x512xf32, #tpu.memory_space<vmem>>, vector<1x16xf32>,
      %get3A_498 = vector.shape_cast %get3A_497 : vector<1x16xf32> to vector<16xf32>
      %mul3A_499 = arith.mulf %get3A_490, %get3A_498 : vector<16xf32>
      %add3A_500 = arith.addf %add3A_424, %get3A_498 : vector<16xf32>
      %mul3A_501 = arith.mulf %get3A_494, %get3A_498 : vector<16xf32>
      %add3A_502 = arith.addf %add3A_426, %mul3A_501 : vector<16xf32>
      %add3A_503 = arith.addf %add3A_427, %mul3A_499 : vector<16xf32>
      %mul3A_504 = arith.mulf %mul3A_499, %get3A_494 : vector<16xf32>
      %add3A_505 = arith.addf %add3A_429, %mul3A_504 : vector<16xf32>
      %get3A_506 = arith.index_cast %scan3A_224 : i32 to index
      %get3A_507 = arith.constant 224 : index
      %get3A_508 = tpu.vector_load %arg6[%get3A_506, %get3A_507] {strides = array<i32>} : memref<16x512xf32, #tpu.memory_space<vmem>>, vector<1x16xf32>,
      %get3A_509 = vector.shape_cast %get3A_508 : vector<1x16xf32> to vector<16xf32>
      %get3A_510 = arith.index_cast %scan3A_224 : i32 to index
      %get3A_511 = arith.constant 224 : index
      %get3A_512 = tpu.vector_load %arg7[%get3A_510, %get3A_511] {strides = array<i32>} : memref<16x512xf32, #tpu.memory_space<vmem>>, vector<1x16xf32>,
      %get3A_513 = vector.shape_cast %get3A_512 : vector<1x16xf32> to vector<16xf32>
      %get3A_514 = arith.index_cast %scan3A_224 : i32 to index
      %get3A_515 = arith.constant 224 : index
      %get3A_516 = tpu.vector_load %arg8[%get3A_514, %get3A_515] {strides = array<i32>} : memref<16x512xf32, #tpu.memory_space<vmem>>, vector<1x16xf32>,
      %get3A_517 = vector.shape_cast %get3A_516 : vector<1x16xf32> to vector<16xf32>
      %mul3A_518 = arith.mulf %get3A_509, %get3A_517 : vector<16xf32>
      %add3A_519 = arith.addf %add3A_443, %get3A_517 : vector<16xf32>
      %mul3A_520 = arith.mulf %get3A_513, %get3A_517 : vector<16xf32>
      %add3A_521 = arith.addf %add3A_445, %mul3A_520 : vector<16xf32>
      %add3A_522 = arith.addf %add3A_446, %mul3A_518 : vector<16xf32>
      %mul3A_523 = arith.mulf %mul3A_518, %get3A_513 : vector<16xf32>
      %add3A_524 = arith.addf %add3A_448, %mul3A_523 : vector<16xf32>
      %get3A_525 = arith.index_cast %scan3A_224 : i32 to index
      %get3A_526 = arith.constant 240 : index
      %get3A_527 = tpu.vector_load %arg6[%get3A_525, %get3A_526] {strides = array<i32>} : memref<16x512xf32, #tpu.memory_space<vmem>>, vector<1x16xf32>,
      %get3A_528 = vector.shape_cast %get3A_527 : vector<1x16xf32> to vector<16xf32>
      %get3A_529 = arith.index_cast %scan3A_224 : i32 to index
      %get3A_530 = arith.constant 240 : index
      %get3A_531 = tpu.vector_load %arg7[%get3A_529, %get3A_530] {strides = array<i32>} : memref<16x512xf32, #tpu.memory_space<vmem>>, vector<1x16xf32>,
      %get3A_532 = vector.shape_cast %get3A_531 : vector<1x16xf32> to vector<16xf32>
      %get3A_533 = arith.index_cast %scan3A_224 : i32 to index
      %get3A_534 = arith.constant 240 : index
      %get3A_535 = tpu.vector_load %arg8[%get3A_533, %get3A_534] {strides = array<i32>} : memref<16x512xf32, #tpu.memory_space<vmem>>, vector<1x16xf32>,
      %get3A_536 = vector.shape_cast %get3A_535 : vector<1x16xf32> to vector<16xf32>
      %mul3A_537 = arith.mulf %get3A_528, %get3A_536 : vector<16xf32>
      %add3A_538 = arith.addf %add3A_462, %get3A_536 : vector<16xf32>
      %mul3A_539 = arith.mulf %get3A_532, %get3A_536 : vector<16xf32>
      %add3A_540 = arith.addf %add3A_464, %mul3A_539 : vector<16xf32>
      %add3A_541 = arith.addf %add3A_465, %mul3A_537 : vector<16xf32>
      %mul3A_542 = arith.mulf %mul3A_537, %get3A_532 : vector<16xf32>
      %add3A_543 = arith.addf %add3A_467, %mul3A_542 : vector<16xf32>
      %get3A_544 = arith.index_cast %scan3A_224 : i32 to index
      %get3A_545 = arith.constant 256 : index
      %get3A_546 = tpu.vector_load %arg6[%get3A_544, %get3A_545] {strides = array<i32>} : memref<16x512xf32, #tpu.memory_space<vmem>>, vector<1x16xf32>,
      %get3A_547 = vector.shape_cast %get3A_546 : vector<1x16xf32> to vector<16xf32>
      %get3A_548 = arith.index_cast %scan3A_224 : i32 to index
      %get3A_549 = arith.constant 256 : index
      %get3A_550 = tpu.vector_load %arg7[%get3A_548, %get3A_549] {strides = array<i32>} : memref<16x512xf32, #tpu.memory_space<vmem>>, vector<1x16xf32>,
      %get3A_551 = vector.shape_cast %get3A_550 : vector<1x16xf32> to vector<16xf32>
      %get3A_552 = arith.index_cast %scan3A_224 : i32 to index
      %get3A_553 = arith.constant 256 : index
      %get3A_554 = tpu.vector_load %arg8[%get3A_552, %get3A_553] {strides = array<i32>} : memref<16x512xf32, #tpu.memory_space<vmem>>, vector<1x16xf32>,
      %get3A_555 = vector.shape_cast %get3A_554 : vector<1x16xf32> to vector<16xf32>
      %mul3A_556 = arith.mulf %get3A_547, %get3A_555 : vector<16xf32>
      %add3A_557 = arith.addf %add3A_481, %get3A_555 : vector<16xf32>
      %mul3A_558 = arith.mulf %get3A_551, %get3A_555 : vector<16xf32>
      %add3A_559 = arith.addf %add3A_483, %mul3A_558 : vector<16xf32>
      %add3A_560 = arith.addf %add3A_484, %mul3A_556 : vector<16xf32>
      %mul3A_561 = arith.mulf %mul3A_556, %get3A_551 : vector<16xf32>
      %add3A_562 = arith.addf %add3A_486, %mul3A_561 : vector<16xf32>
      %get3A_563 = arith.index_cast %scan3A_224 : i32 to index
      %get3A_564 = arith.constant 272 : index
      %get3A_565 = tpu.vector_load %arg6[%get3A_563, %get3A_564] {strides = array<i32>} : memref<16x512xf32, #tpu.memory_space<vmem>>, vector<1x16xf32>,
      %get3A_566 = vector.shape_cast %get3A_565 : vector<1x16xf32> to vector<16xf32>
      %get3A_567 = arith.index_cast %scan3A_224 : i32 to index
      %get3A_568 = arith.constant 272 : index
      %get3A_569 = tpu.vector_load %arg7[%get3A_567, %get3A_568] {strides = array<i32>} : memref<16x512xf32, #tpu.memory_space<vmem>>, vector<1x16xf32>,
      %get3A_570 = vector.shape_cast %get3A_569 : vector<1x16xf32> to vector<16xf32>
      %get3A_571 = arith.index_cast %scan3A_224 : i32 to index
      %get3A_572 = arith.constant 272 : index
      %get3A_573 = tpu.vector_load %arg8[%get3A_571, %get3A_572] {strides = array<i32>} : memref<16x512xf32, #tpu.memory_space<vmem>>, vector<1x16xf32>,
      %get3A_574 = vector.shape_cast %get3A_573 : vector<1x16xf32> to vector<16xf32>
      %mul3A_575 = arith.mulf %get3A_566, %get3A_574 : vector<16xf32>
      %add3A_576 = arith.addf %add3A_500, %get3A_574 : vector<16xf32>
      %mul3A_577 = arith.mulf %get3A_570, %get3A_574 : vector<16xf32>
      %add3A_578 = arith.addf %add3A_502, %mul3A_577 : vector<16xf32>
      %add3A_579 = arith.addf %add3A_503, %mul3A_575 : vector<16xf32>
      %mul3A_580 = arith.mulf %mul3A_575, %get3A_570 : vector<16xf32>
      %add3A_581 = arith.addf %add3A_505, %mul3A_580 : vector<16xf32>
      %get3A_582 = arith.index_cast %scan3A_224 : i32 to index
      %get3A_583 = arith.constant 288 : index
      %get3A_584 = tpu.vector_load %arg6[%get3A_582, %get3A_583] {strides = array<i32>} : memref<16x512xf32, #tpu.memory_space<vmem>>, vector<1x16xf32>,
      %get3A_585 = vector.shape_cast %get3A_584 : vector<1x16xf32> to vector<16xf32>
      %get3A_586 = arith.index_cast %scan3A_224 : i32 to index
      %get3A_587 = arith.constant 288 : index
      %get3A_588 = tpu.vector_load %arg7[%get3A_586, %get3A_587] {strides = array<i32>} : memref<16x512xf32, #tpu.memory_space<vmem>>, vector<1x16xf32>,
      %get3A_589 = vector.shape_cast %get3A_588 : vector<1x16xf32> to vector<16xf32>
      %get3A_590 = arith.index_cast %scan3A_224 : i32 to index
      %get3A_591 = arith.constant 288 : index
      %get3A_592 = tpu.vector_load %arg8[%get3A_590, %get3A_591] {strides = array<i32>} : memref<16x512xf32, #tpu.memory_space<vmem>>, vector<1x16xf32>,
      %get3A_593 = vector.shape_cast %get3A_592 : vector<1x16xf32> to vector<16xf32>
      %mul3A_594 = arith.mulf %get3A_585, %get3A_593 : vector<16xf32>
      %add3A_595 = arith.addf %add3A_519, %get3A_593 : vector<16xf32>
      %mul3A_596 = arith.mulf %get3A_589, %get3A_593 : vector<16xf32>
      %add3A_597 = arith.addf %add3A_521, %mul3A_596 : vector<16xf32>
      %add3A_598 = arith.addf %add3A_522, %mul3A_594 : vector<16xf32>
      %mul3A_599 = arith.mulf %mul3A_594, %get3A_589 : vector<16xf32>
      %add3A_600 = arith.addf %add3A_524, %mul3A_599 : vector<16xf32>
      %get3A_601 = arith.index_cast %scan3A_224 : i32 to index
      %get3A_602 = arith.constant 304 : index
      %get3A_603 = tpu.vector_load %arg6[%get3A_601, %get3A_602] {strides = array<i32>} : memref<16x512xf32, #tpu.memory_space<vmem>>, vector<1x16xf32>,
      %get3A_604 = vector.shape_cast %get3A_603 : vector<1x16xf32> to vector<16xf32>
      %get3A_605 = arith.index_cast %scan3A_224 : i32 to index
      %get3A_606 = arith.constant 304 : index
      %get3A_607 = tpu.vector_load %arg7[%get3A_605, %get3A_606] {strides = array<i32>} : memref<16x512xf32, #tpu.memory_space<vmem>>, vector<1x16xf32>,
      %get3A_608 = vector.shape_cast %get3A_607 : vector<1x16xf32> to vector<16xf32>
      %get3A_609 = arith.index_cast %scan3A_224 : i32 to index
      %get3A_610 = arith.constant 304 : index
      %get3A_611 = tpu.vector_load %arg8[%get3A_609, %get3A_610] {strides = array<i32>} : memref<16x512xf32, #tpu.memory_space<vmem>>, vector<1x16xf32>,
      %get3A_612 = vector.shape_cast %get3A_611 : vector<1x16xf32> to vector<16xf32>
      %mul3A_613 = arith.mulf %get3A_604, %get3A_612 : vector<16xf32>
      %add3A_614 = arith.addf %add3A_538, %get3A_612 : vector<16xf32>
      %mul3A_615 = arith.mulf %get3A_608, %get3A_612 : vector<16xf32>
      %add3A_616 = arith.addf %add3A_540, %mul3A_615 : vector<16xf32>
      %add3A_617 = arith.addf %add3A_541, %mul3A_613 : vector<16xf32>
      %mul3A_618 = arith.mulf %mul3A_613, %get3A_608 : vector<16xf32>
      %add3A_619 = arith.addf %add3A_543, %mul3A_618 : vector<16xf32>
      %get3A_620 = arith.index_cast %scan3A_224 : i32 to index
      %get3A_621 = arith.constant 320 : index
      %get3A_622 = tpu.vector_load %arg6[%get3A_620, %get3A_621] {strides = array<i32>} : memref<16x512xf32, #tpu.memory_space<vmem>>, vector<1x16xf32>,
      %get3A_623 = vector.shape_cast %get3A_622 : vector<1x16xf32> to vector<16xf32>
      %get3A_624 = arith.index_cast %scan3A_224 : i32 to index
      %get3A_625 = arith.constant 320 : index
      %get3A_626 = tpu.vector_load %arg7[%get3A_624, %get3A_625] {strides = array<i32>} : memref<16x512xf32, #tpu.memory_space<vmem>>, vector<1x16xf32>,
      %get3A_627 = vector.shape_cast %get3A_626 : vector<1x16xf32> to vector<16xf32>
      %get3A_628 = arith.index_cast %scan3A_224 : i32 to index
      %get3A_629 = arith.constant 320 : index
      %get3A_630 = tpu.vector_load %arg8[%get3A_628, %get3A_629] {strides = array<i32>} : memref<16x512xf32, #tpu.memory_space<vmem>>, vector<1x16xf32>,
      %get3A_631 = vector.shape_cast %get3A_630 : vector<1x16xf32> to vector<16xf32>
      %mul3A_632 = arith.mulf %get3A_623, %get3A_631 : vector<16xf32>
      %add3A_633 = arith.addf %add3A_557, %get3A_631 : vector<16xf32>
      %mul3A_634 = arith.mulf %get3A_627, %get3A_631 : vector<16xf32>
      %add3A_635 = arith.addf %add3A_559, %mul3A_634 : vector<16xf32>
      %add3A_636 = arith.addf %add3A_560, %mul3A_632 : vector<16xf32>
      %mul3A_637 = arith.mulf %mul3A_632, %get3A_627 : vector<16xf32>
      %add3A_638 = arith.addf %add3A_562, %mul3A_637 : vector<16xf32>
      %get3A_639 = arith.index_cast %scan3A_224 : i32 to index
      %get3A_640 = arith.constant 336 : index
      %get3A_641 = tpu.vector_load %arg6[%get3A_639, %get3A_640] {strides = array<i32>} : memref<16x512xf32, #tpu.memory_space<vmem>>, vector<1x16xf32>,
      %get3A_642 = vector.shape_cast %get3A_641 : vector<1x16xf32> to vector<16xf32>
      %get3A_643 = arith.index_cast %scan3A_224 : i32 to index
      %get3A_644 = arith.constant 336 : index
      %get3A_645 = tpu.vector_load %arg7[%get3A_643, %get3A_644] {strides = array<i32>} : memref<16x512xf32, #tpu.memory_space<vmem>>, vector<1x16xf32>,
      %get3A_646 = vector.shape_cast %get3A_645 : vector<1x16xf32> to vector<16xf32>
      %get3A_647 = arith.index_cast %scan3A_224 : i32 to index
      %get3A_648 = arith.constant 336 : index
      %get3A_649 = tpu.vector_load %arg8[%get3A_647, %get3A_648] {strides = array<i32>} : memref<16x512xf32, #tpu.memory_space<vmem>>, vector<1x16xf32>,
      %get3A_650 = vector.shape_cast %get3A_649 : vector<1x16xf32> to vector<16xf32>
      %mul3A_651 = arith.mulf %get3A_642, %get3A_650 : vector<16xf32>
      %add3A_652 = arith.addf %add3A_576, %get3A_650 : vector<16xf32>
      %mul3A_653 = arith.mulf %get3A_646, %get3A_650 : vector<16xf32>
      %add3A_654 = arith.addf %add3A_578, %mul3A_653 : vector<16xf32>
      %add3A_655 = arith.addf %add3A_579, %mul3A_651 : vector<16xf32>
      %mul3A_656 = arith.mulf %mul3A_651, %get3A_646 : vector<16xf32>
      %add3A_657 = arith.addf %add3A_581, %mul3A_656 : vector<16xf32>
      %get3A_658 = arith.index_cast %scan3A_224 : i32 to index
      %get3A_659 = arith.constant 352 : index
      %get3A_660 = tpu.vector_load %arg6[%get3A_658, %get3A_659] {strides = array<i32>} : memref<16x512xf32, #tpu.memory_space<vmem>>, vector<1x16xf32>,
      %get3A_661 = vector.shape_cast %get3A_660 : vector<1x16xf32> to vector<16xf32>
      %get3A_662 = arith.index_cast %scan3A_224 : i32 to index
      %get3A_663 = arith.constant 352 : index
      %get3A_664 = tpu.vector_load %arg7[%get3A_662, %get3A_663] {strides = array<i32>} : memref<16x512xf32, #tpu.memory_space<vmem>>, vector<1x16xf32>,
      %get3A_665 = vector.shape_cast %get3A_664 : vector<1x16xf32> to vector<16xf32>
      %get3A_666 = arith.index_cast %scan3A_224 : i32 to index
      %get3A_667 = arith.constant 352 : index
      %get3A_668 = tpu.vector_load %arg8[%get3A_666, %get3A_667] {strides = array<i32>} : memref<16x512xf32, #tpu.memory_space<vmem>>, vector<1x16xf32>,
      %get3A_669 = vector.shape_cast %get3A_668 : vector<1x16xf32> to vector<16xf32>
      %mul3A_670 = arith.mulf %get3A_661, %get3A_669 : vector<16xf32>
      %add3A_671 = arith.addf %add3A_595, %get3A_669 : vector<16xf32>
      %mul3A_672 = arith.mulf %get3A_665, %get3A_669 : vector<16xf32>
      %add3A_673 = arith.addf %add3A_597, %mul3A_672 : vector<16xf32>
      %add3A_674 = arith.addf %add3A_598, %mul3A_670 : vector<16xf32>
      %mul3A_675 = arith.mulf %mul3A_670, %get3A_665 : vector<16xf32>
      %add3A_676 = arith.addf %add3A_600, %mul3A_675 : vector<16xf32>
      %get3A_677 = arith.index_cast %scan3A_224 : i32 to index
      %get3A_678 = arith.constant 368 : index
      %get3A_679 = tpu.vector_load %arg6[%get3A_677, %get3A_678] {strides = array<i32>} : memref<16x512xf32, #tpu.memory_space<vmem>>, vector<1x16xf32>,
      %get3A_680 = vector.shape_cast %get3A_679 : vector<1x16xf32> to vector<16xf32>
      %get3A_681 = arith.index_cast %scan3A_224 : i32 to index
      %get3A_682 = arith.constant 368 : index
      %get3A_683 = tpu.vector_load %arg7[%get3A_681, %get3A_682] {strides = array<i32>} : memref<16x512xf32, #tpu.memory_space<vmem>>, vector<1x16xf32>,
      %get3A_684 = vector.shape_cast %get3A_683 : vector<1x16xf32> to vector<16xf32>
      %get3A_685 = arith.index_cast %scan3A_224 : i32 to index
      %get3A_686 = arith.constant 368 : index
      %get3A_687 = tpu.vector_load %arg8[%get3A_685, %get3A_686] {strides = array<i32>} : memref<16x512xf32, #tpu.memory_space<vmem>>, vector<1x16xf32>,
      %get3A_688 = vector.shape_cast %get3A_687 : vector<1x16xf32> to vector<16xf32>
      %mul3A_689 = arith.mulf %get3A_680, %get3A_688 : vector<16xf32>
      %add3A_690 = arith.addf %add3A_614, %get3A_688 : vector<16xf32>
      %mul3A_691 = arith.mulf %get3A_684, %get3A_688 : vector<16xf32>
      %add3A_692 = arith.addf %add3A_616, %mul3A_691 : vector<16xf32>
      %add3A_693 = arith.addf %add3A_617, %mul3A_689 : vector<16xf32>
      %mul3A_694 = arith.mulf %mul3A_689, %get3A_684 : vector<16xf32>
      %add3A_695 = arith.addf %add3A_619, %mul3A_694 : vector<16xf32>
      %get3A_696 = arith.index_cast %scan3A_224 : i32 to index
      %get3A_697 = arith.constant 384 : index
      %get3A_698 = tpu.vector_load %arg6[%get3A_696, %get3A_697] {strides = array<i32>} : memref<16x512xf32, #tpu.memory_space<vmem>>, vector<1x16xf32>,
      %get3A_699 = vector.shape_cast %get3A_698 : vector<1x16xf32> to vector<16xf32>
      %get3A_700 = arith.index_cast %scan3A_224 : i32 to index
      %get3A_701 = arith.constant 384 : index
      %get3A_702 = tpu.vector_load %arg7[%get3A_700, %get3A_701] {strides = array<i32>} : memref<16x512xf32, #tpu.memory_space<vmem>>, vector<1x16xf32>,
      %get3A_703 = vector.shape_cast %get3A_702 : vector<1x16xf32> to vector<16xf32>
      %get3A_704 = arith.index_cast %scan3A_224 : i32 to index
      %get3A_705 = arith.constant 384 : index
      %get3A_706 = tpu.vector_load %arg8[%get3A_704, %get3A_705] {strides = array<i32>} : memref<16x512xf32, #tpu.memory_space<vmem>>, vector<1x16xf32>,
      %get3A_707 = vector.shape_cast %get3A_706 : vector<1x16xf32> to vector<16xf32>
      %mul3A_708 = arith.mulf %get3A_699, %get3A_707 : vector<16xf32>
      %add3A_709 = arith.addf %add3A_633, %get3A_707 : vector<16xf32>
      %mul3A_710 = arith.mulf %get3A_703, %get3A_707 : vector<16xf32>
      %add3A_711 = arith.addf %add3A_635, %mul3A_710 : vector<16xf32>
      %add3A_712 = arith.addf %add3A_636, %mul3A_708 : vector<16xf32>
      %mul3A_713 = arith.mulf %mul3A_708, %get3A_703 : vector<16xf32>
      %add3A_714 = arith.addf %add3A_638, %mul3A_713 : vector<16xf32>
      %get3A_715 = arith.index_cast %scan3A_224 : i32 to index
      %get3A_716 = arith.constant 400 : index
      %get3A_717 = tpu.vector_load %arg6[%get3A_715, %get3A_716] {strides = array<i32>} : memref<16x512xf32, #tpu.memory_space<vmem>>, vector<1x16xf32>,
      %get3A_718 = vector.shape_cast %get3A_717 : vector<1x16xf32> to vector<16xf32>
      %get3A_719 = arith.index_cast %scan3A_224 : i32 to index
      %get3A_720 = arith.constant 400 : index
      %get3A_721 = tpu.vector_load %arg7[%get3A_719, %get3A_720] {strides = array<i32>} : memref<16x512xf32, #tpu.memory_space<vmem>>, vector<1x16xf32>,
      %get3A_722 = vector.shape_cast %get3A_721 : vector<1x16xf32> to vector<16xf32>
      %get3A_723 = arith.index_cast %scan3A_224 : i32 to index
      %get3A_724 = arith.constant 400 : index
      %get3A_725 = tpu.vector_load %arg8[%get3A_723, %get3A_724] {strides = array<i32>} : memref<16x512xf32, #tpu.memory_space<vmem>>, vector<1x16xf32>,
      %get3A_726 = vector.shape_cast %get3A_725 : vector<1x16xf32> to vector<16xf32>
      %mul3A_727 = arith.mulf %get3A_718, %get3A_726 : vector<16xf32>
      %add3A_728 = arith.addf %add3A_652, %get3A_726 : vector<16xf32>
      %mul3A_729 = arith.mulf %get3A_722, %get3A_726 : vector<16xf32>
      %add3A_730 = arith.addf %add3A_654, %mul3A_729 : vector<16xf32>
      %add3A_731 = arith.addf %add3A_655, %mul3A_727 : vector<16xf32>
      %mul3A_732 = arith.mulf %mul3A_727, %get3A_722 : vector<16xf32>
      %add3A_733 = arith.addf %add3A_657, %mul3A_732 : vector<16xf32>
      %get3A_734 = arith.index_cast %scan3A_224 : i32 to index
      %get3A_735 = arith.constant 416 : index
      %get3A_736 = tpu.vector_load %arg6[%get3A_734, %get3A_735] {strides = array<i32>} : memref<16x512xf32, #tpu.memory_space<vmem>>, vector<1x16xf32>,
      %get3A_737 = vector.shape_cast %get3A_736 : vector<1x16xf32> to vector<16xf32>
      %get3A_738 = arith.index_cast %scan3A_224 : i32 to index
      %get3A_739 = arith.constant 416 : index
      %get3A_740 = tpu.vector_load %arg7[%get3A_738, %get3A_739] {strides = array<i32>} : memref<16x512xf32, #tpu.memory_space<vmem>>, vector<1x16xf32>,
      %get3A_741 = vector.shape_cast %get3A_740 : vector<1x16xf32> to vector<16xf32>
      %get3A_742 = arith.index_cast %scan3A_224 : i32 to index
      %get3A_743 = arith.constant 416 : index
      %get3A_744 = tpu.vector_load %arg8[%get3A_742, %get3A_743] {strides = array<i32>} : memref<16x512xf32, #tpu.memory_space<vmem>>, vector<1x16xf32>,
      %get3A_745 = vector.shape_cast %get3A_744 : vector<1x16xf32> to vector<16xf32>
      %mul3A_746 = arith.mulf %get3A_737, %get3A_745 : vector<16xf32>
      %add3A_747 = arith.addf %add3A_671, %get3A_745 : vector<16xf32>
      %mul3A_748 = arith.mulf %get3A_741, %get3A_745 : vector<16xf32>
      %add3A_749 = arith.addf %add3A_673, %mul3A_748 : vector<16xf32>
      %add3A_750 = arith.addf %add3A_674, %mul3A_746 : vector<16xf32>
      %mul3A_751 = arith.mulf %mul3A_746, %get3A_741 : vector<16xf32>
      %add3A_752 = arith.addf %add3A_676, %mul3A_751 : vector<16xf32>
      %get3A_753 = arith.index_cast %scan3A_224 : i32 to index
      %get3A_754 = arith.constant 432 : index
      %get3A_755 = tpu.vector_load %arg6[%get3A_753, %get3A_754] {strides = array<i32>} : memref<16x512xf32, #tpu.memory_space<vmem>>, vector<1x16xf32>,
      %get3A_756 = vector.shape_cast %get3A_755 : vector<1x16xf32> to vector<16xf32>
      %get3A_757 = arith.index_cast %scan3A_224 : i32 to index
      %get3A_758 = arith.constant 432 : index
      %get3A_759 = tpu.vector_load %arg7[%get3A_757, %get3A_758] {strides = array<i32>} : memref<16x512xf32, #tpu.memory_space<vmem>>, vector<1x16xf32>,
      %get3A_760 = vector.shape_cast %get3A_759 : vector<1x16xf32> to vector<16xf32>
      %get3A_761 = arith.index_cast %scan3A_224 : i32 to index
      %get3A_762 = arith.constant 432 : index
      %get3A_763 = tpu.vector_load %arg8[%get3A_761, %get3A_762] {strides = array<i32>} : memref<16x512xf32, #tpu.memory_space<vmem>>, vector<1x16xf32>,
      %get3A_764 = vector.shape_cast %get3A_763 : vector<1x16xf32> to vector<16xf32>
      %mul3A_765 = arith.mulf %get3A_756, %get3A_764 : vector<16xf32>
      %add3A_766 = arith.addf %add3A_690, %get3A_764 : vector<16xf32>
      %mul3A_767 = arith.mulf %get3A_760, %get3A_764 : vector<16xf32>
      %add3A_768 = arith.addf %add3A_692, %mul3A_767 : vector<16xf32>
      %add3A_769 = arith.addf %add3A_693, %mul3A_765 : vector<16xf32>
      %mul3A_770 = arith.mulf %mul3A_765, %get3A_760 : vector<16xf32>
      %add3A_771 = arith.addf %add3A_695, %mul3A_770 : vector<16xf32>
      %get3A_772 = arith.index_cast %scan3A_224 : i32 to index
      %get3A_773 = arith.constant 448 : index
      %get3A_774 = tpu.vector_load %arg6[%get3A_772, %get3A_773] {strides = array<i32>} : memref<16x512xf32, #tpu.memory_space<vmem>>, vector<1x16xf32>,
      %get3A_775 = vector.shape_cast %get3A_774 : vector<1x16xf32> to vector<16xf32>
      %get3A_776 = arith.index_cast %scan3A_224 : i32 to index
      %get3A_777 = arith.constant 448 : index
      %get3A_778 = tpu.vector_load %arg7[%get3A_776, %get3A_777] {strides = array<i32>} : memref<16x512xf32, #tpu.memory_space<vmem>>, vector<1x16xf32>,
      %get3A_779 = vector.shape_cast %get3A_778 : vector<1x16xf32> to vector<16xf32>
      %get3A_780 = arith.index_cast %scan3A_224 : i32 to index
      %get3A_781 = arith.constant 448 : index
      %get3A_782 = tpu.vector_load %arg8[%get3A_780, %get3A_781] {strides = array<i32>} : memref<16x512xf32, #tpu.memory_space<vmem>>, vector<1x16xf32>,
      %get3A_783 = vector.shape_cast %get3A_782 : vector<1x16xf32> to vector<16xf32>
      %mul3A_784 = arith.mulf %get3A_775, %get3A_783 : vector<16xf32>
      %add3A_785 = arith.addf %add3A_709, %get3A_783 : vector<16xf32>
      %mul3A_786 = arith.mulf %get3A_779, %get3A_783 : vector<16xf32>
      %add3A_787 = arith.addf %add3A_711, %mul3A_786 : vector<16xf32>
      %add3A_788 = arith.addf %add3A_712, %mul3A_784 : vector<16xf32>
      %mul3A_789 = arith.mulf %mul3A_784, %get3A_779 : vector<16xf32>
      %add3A_790 = arith.addf %add3A_714, %mul3A_789 : vector<16xf32>
      %get3A_791 = arith.index_cast %scan3A_224 : i32 to index
      %get3A_792 = arith.constant 464 : index
      %get3A_793 = tpu.vector_load %arg6[%get3A_791, %get3A_792] {strides = array<i32>} : memref<16x512xf32, #tpu.memory_space<vmem>>, vector<1x16xf32>,
      %get3A_794 = vector.shape_cast %get3A_793 : vector<1x16xf32> to vector<16xf32>
      %get3A_795 = arith.index_cast %scan3A_224 : i32 to index
      %get3A_796 = arith.constant 464 : index
      %get3A_797 = tpu.vector_load %arg7[%get3A_795, %get3A_796] {strides = array<i32>} : memref<16x512xf32, #tpu.memory_space<vmem>>, vector<1x16xf32>,
      %get3A_798 = vector.shape_cast %get3A_797 : vector<1x16xf32> to vector<16xf32>
      %get3A_799 = arith.index_cast %scan3A_224 : i32 to index
      %get3A_800 = arith.constant 464 : index
      %get3A_801 = tpu.vector_load %arg8[%get3A_799, %get3A_800] {strides = array<i32>} : memref<16x512xf32, #tpu.memory_space<vmem>>, vector<1x16xf32>,
      %get3A_802 = vector.shape_cast %get3A_801 : vector<1x16xf32> to vector<16xf32>
      %mul3A_803 = arith.mulf %get3A_794, %get3A_802 : vector<16xf32>
      %add3A_804 = arith.addf %add3A_728, %get3A_802 : vector<16xf32>
      %mul3A_805 = arith.mulf %get3A_798, %get3A_802 : vector<16xf32>
      %add3A_806 = arith.addf %add3A_730, %mul3A_805 : vector<16xf32>
      %add3A_807 = arith.addf %add3A_731, %mul3A_803 : vector<16xf32>
      %mul3A_808 = arith.mulf %mul3A_803, %get3A_798 : vector<16xf32>
      %add3A_809 = arith.addf %add3A_733, %mul3A_808 : vector<16xf32>
      %get3A_810 = arith.index_cast %scan3A_224 : i32 to index
      %get3A_811 = arith.constant 480 : index
      %get3A_812 = tpu.vector_load %arg6[%get3A_810, %get3A_811] {strides = array<i32>} : memref<16x512xf32, #tpu.memory_space<vmem>>, vector<1x16xf32>,
      %get3A_813 = vector.shape_cast %get3A_812 : vector<1x16xf32> to vector<16xf32>
      %get3A_814 = arith.index_cast %scan3A_224 : i32 to index
      %get3A_815 = arith.constant 480 : index
      %get3A_816 = tpu.vector_load %arg7[%get3A_814, %get3A_815] {strides = array<i32>} : memref<16x512xf32, #tpu.memory_space<vmem>>, vector<1x16xf32>,
      %get3A_817 = vector.shape_cast %get3A_816 : vector<1x16xf32> to vector<16xf32>
      %get3A_818 = arith.index_cast %scan3A_224 : i32 to index
      %get3A_819 = arith.constant 480 : index
      %get3A_820 = tpu.vector_load %arg8[%get3A_818, %get3A_819] {strides = array<i32>} : memref<16x512xf32, #tpu.memory_space<vmem>>, vector<1x16xf32>,
      %get3A_821 = vector.shape_cast %get3A_820 : vector<1x16xf32> to vector<16xf32>
      %mul3A_822 = arith.mulf %get3A_813, %get3A_821 : vector<16xf32>
      %add3A_823 = arith.addf %add3A_747, %get3A_821 : vector<16xf32>
      %mul3A_824 = arith.mulf %get3A_817, %get3A_821 : vector<16xf32>
      %add3A_825 = arith.addf %add3A_749, %mul3A_824 : vector<16xf32>
      %add3A_826 = arith.addf %add3A_750, %mul3A_822 : vector<16xf32>
      %mul3A_827 = arith.mulf %mul3A_822, %get3A_817 : vector<16xf32>
      %add3A_828 = arith.addf %add3A_752, %mul3A_827 : vector<16xf32>
      %get3A_829 = arith.index_cast %scan3A_224 : i32 to index
      %get3A_830 = arith.constant 496 : index
      %get3A_831 = tpu.vector_load %arg6[%get3A_829, %get3A_830] {strides = array<i32>} : memref<16x512xf32, #tpu.memory_space<vmem>>, vector<1x16xf32>,
      %get3A_832 = vector.shape_cast %get3A_831 : vector<1x16xf32> to vector<16xf32>
      %get3A_833 = arith.index_cast %scan3A_224 : i32 to index
      %get3A_834 = arith.constant 496 : index
      %get3A_835 = tpu.vector_load %arg7[%get3A_833, %get3A_834] {strides = array<i32>} : memref<16x512xf32, #tpu.memory_space<vmem>>, vector<1x16xf32>,
      %get3A_836 = vector.shape_cast %get3A_835 : vector<1x16xf32> to vector<16xf32>
      %get3A_837 = arith.index_cast %scan3A_224 : i32 to index
      %get3A_838 = arith.constant 496 : index
      %get3A_839 = tpu.vector_load %arg8[%get3A_837, %get3A_838] {strides = array<i32>} : memref<16x512xf32, #tpu.memory_space<vmem>>, vector<1x16xf32>,
      %get3A_840 = vector.shape_cast %get3A_839 : vector<1x16xf32> to vector<16xf32>
      %mul3A_841 = arith.mulf %get3A_832, %get3A_840 : vector<16xf32>
      %add3A_842 = arith.addf %add3A_766, %get3A_840 : vector<16xf32>
      %mul3A_843 = arith.mulf %get3A_836, %get3A_840 : vector<16xf32>
      %add3A_844 = arith.addf %add3A_768, %mul3A_843 : vector<16xf32>
      %add3A_845 = arith.addf %add3A_769, %mul3A_841 : vector<16xf32>
      %mul3A_846 = arith.mulf %mul3A_841, %get3A_836 : vector<16xf32>
      %add3A_847 = arith.addf %add3A_771, %mul3A_846 : vector<16xf32>
      scf.yield %add3A_785, %add3A_804, %add3A_823, %add3A_842, %add3A_787, %add3A_806, %add3A_825, %add3A_844, %add3A_788, %add3A_807, %add3A_826, %add3A_845, %add3A_790, %add3A_809, %add3A_828, %add3A_847 : vector<16xf32>, vector<16xf32>, vector<16xf32>, vector<16xf32>, vector<16xf32>, vector<16xf32>, vector<16xf32>, vector<16xf32>, vector<16xf32>, vector<16xf32>, vector<16xf32>, vector<16xf32>, vector<16xf32>, vector<16xf32>, vector<16xf32>, vector<16xf32>
    }
    %scan3A_100 = arith.constant 16 : i32
    %dma_wait3A_101 = arith.constant 0 : i32
    %dma_wait3A_102 = arith.constant 0 : i32
    %dma_wait3A_103 = tpu.memref_slice %arg2[%dma_wait3A_101, %dma_wait3A_102] : memref<8192x512xf32, #tpu.memory_space<hbm>> -> memref<16x512xf32, #tpu.memory_space<hbm>>
    %dma_wait3A_104 = arith.constant 0 : i32
    %dma_wait3A_105 = arith.constant 0 : i32
    %dma_wait3A_106 = tpu.memref_slice %arg2[%dma_wait3A_104, %dma_wait3A_105] : memref<8192x512xf32, #tpu.memory_space<hbm>> -> memref<16x512xf32, #tpu.memory_space<hbm>>
    tpu.wait_dma2 semaphore(%arg24 : memref<!tpu.dma_semaphore, #tpu.memory_space<semaphore_mem>>) src(%dma_wait3A_106 : memref<16x512xf32, #tpu.memory_space<hbm>>) dst(%arg9 : memref<16x512xf32, #tpu.memory_space<vmem>>)
    %dma_wait3A_107 = arith.constant 0 : i32
    %dma_wait3A_108 = arith.constant 0 : i32
    %dma_wait3A_109 = tpu.memref_slice %arg3[%dma_wait3A_107, %dma_wait3A_108] : memref<8192x512xf32, #tpu.memory_space<hbm>> -> memref<16x512xf32, #tpu.memory_space<hbm>>
    %dma_wait3A_110 = arith.constant 0 : i32
    %dma_wait3A_111 = arith.constant 0 : i32
    %dma_wait3A_112 = tpu.memref_slice %arg3[%dma_wait3A_110, %dma_wait3A_111] : memref<8192x512xf32, #tpu.memory_space<hbm>> -> memref<16x512xf32, #tpu.memory_space<hbm>>
    tpu.wait_dma2 semaphore(%arg25 : memref<!tpu.dma_semaphore, #tpu.memory_space<semaphore_mem>>) src(%dma_wait3A_112 : memref<16x512xf32, #tpu.memory_space<hbm>>) dst(%arg10 : memref<16x512xf32, #tpu.memory_space<vmem>>)
    %dma_wait3A_113 = arith.constant 0 : i32
    %dma_wait3A_114 = arith.constant 0 : i32
    %dma_wait3A_115 = tpu.memref_slice %arg4[%dma_wait3A_113, %dma_wait3A_114] : memref<8192x512xf32, #tpu.memory_space<hbm>> -> memref<16x512xf32, #tpu.memory_space<hbm>>
    %dma_wait3A_116 = arith.constant 0 : i32
    %dma_wait3A_117 = arith.constant 0 : i32
    %dma_wait3A_118 = tpu.memref_slice %arg4[%dma_wait3A_116, %dma_wait3A_117] : memref<8192x512xf32, #tpu.memory_space<hbm>> -> memref<16x512xf32, #tpu.memory_space<hbm>>
    tpu.wait_dma2 semaphore(%arg26 : memref<!tpu.dma_semaphore, #tpu.memory_space<semaphore_mem>>) src(%dma_wait3A_118 : memref<16x512xf32, #tpu.memory_space<hbm>>) dst(%arg11 : memref<16x512xf32, #tpu.memory_space<vmem>>)
    %scan3A_119 = arith.constant 0 : i32
    %scan3A_120 = arith.constant 16 : i32
    %scan3A_121 = arith.addi %scan3A_119, %scan3A_120 : i32
    %scan3A_122 = arith.constant 1 : i32
    %scan3A_123:16 = scf.for %scan3A_224 = %scan3A_119 to %scan3A_121 step %scan3A_122 iter_args(%scan3A_225 = %scan3A_99#0, %scan3A_226 = %scan3A_99#1, %scan3A_227 = %scan3A_99#2, %scan3A_228 = %scan3A_99#3, %scan3A_229 = %scan3A_99#4, %scan3A_230 = %scan3A_99#5, %scan3A_231 = %scan3A_99#6, %scan3A_232 = %scan3A_99#7, %scan3A_233 = %scan3A_99#8, %scan3A_234 = %scan3A_99#9, %scan3A_235 = %scan3A_99#10, %scan3A_236 = %scan3A_99#11, %scan3A_237 = %scan3A_99#12, %scan3A_238 = %scan3A_99#13, %scan3A_239 = %scan3A_99#14, %scan3A_240 = %scan3A_99#15) -> (vector<16xf32>, vector<16xf32>, vector<16xf32>, vector<16xf32>, vector<16xf32>, vector<16xf32>, vector<16xf32>, vector<16xf32>, vector<16xf32>, vector<16xf32>, vector<16xf32>, vector<16xf32>, vector<16xf32>, vector<16xf32>, vector<16xf32>, vector<16xf32>)  : i32 {
      %get3A = arith.index_cast %scan3A_224 : i32 to index
      %get3A_241 = arith.constant 0 : index
      %get3A_242 = tpu.vector_load %arg9[%get3A, %get3A_241] {strides = array<i32>} : memref<16x512xf32, #tpu.memory_space<vmem>>, vector<1x16xf32>,
      %get3A_243 = vector.shape_cast %get3A_242 : vector<1x16xf32> to vector<16xf32>
      %get3A_244 = arith.index_cast %scan3A_224 : i32 to index
      %get3A_245 = arith.constant 0 : index
      %get3A_246 = tpu.vector_load %arg10[%get3A_244, %get3A_245] {strides = array<i32>} : memref<16x512xf32, #tpu.memory_space<vmem>>, vector<1x16xf32>,
      %get3A_247 = vector.shape_cast %get3A_246 : vector<1x16xf32> to vector<16xf32>
      %get3A_248 = arith.index_cast %scan3A_224 : i32 to index
      %get3A_249 = arith.constant 0 : index
      %get3A_250 = tpu.vector_load %arg11[%get3A_248, %get3A_249] {strides = array<i32>} : memref<16x512xf32, #tpu.memory_space<vmem>>, vector<1x16xf32>,
      %get3A_251 = vector.shape_cast %get3A_250 : vector<1x16xf32> to vector<16xf32>
      %mul3A_252 = arith.mulf %get3A_243, %get3A_251 : vector<16xf32>
      %add3A_253 = arith.addf %scan3A_225, %get3A_251 : vector<16xf32>
      %mul3A_254 = arith.mulf %get3A_247, %get3A_251 : vector<16xf32>
      %add3A_255 = arith.addf %scan3A_229, %mul3A_254 : vector<16xf32>
      %add3A_256 = arith.addf %scan3A_233, %mul3A_252 : vector<16xf32>
      %mul3A_257 = arith.mulf %mul3A_252, %get3A_247 : vector<16xf32>
      %add3A_258 = arith.addf %scan3A_237, %mul3A_257 : vector<16xf32>
      %get3A_259 = arith.index_cast %scan3A_224 : i32 to index
      %get3A_260 = arith.constant 16 : index
      %get3A_261 = tpu.vector_load %arg9[%get3A_259, %get3A_260] {strides = array<i32>} : memref<16x512xf32, #tpu.memory_space<vmem>>, vector<1x16xf32>,
      %get3A_262 = vector.shape_cast %get3A_261 : vector<1x16xf32> to vector<16xf32>
      %get3A_263 = arith.index_cast %scan3A_224 : i32 to index
      %get3A_264 = arith.constant 16 : index
      %get3A_265 = tpu.vector_load %arg10[%get3A_263, %get3A_264] {strides = array<i32>} : memref<16x512xf32, #tpu.memory_space<vmem>>, vector<1x16xf32>,
      %get3A_266 = vector.shape_cast %get3A_265 : vector<1x16xf32> to vector<16xf32>
      %get3A_267 = arith.index_cast %scan3A_224 : i32 to index
      %get3A_268 = arith.constant 16 : index
      %get3A_269 = tpu.vector_load %arg11[%get3A_267, %get3A_268] {strides = array<i32>} : memref<16x512xf32, #tpu.memory_space<vmem>>, vector<1x16xf32>,
      %get3A_270 = vector.shape_cast %get3A_269 : vector<1x16xf32> to vector<16xf32>
      %mul3A_271 = arith.mulf %get3A_262, %get3A_270 : vector<16xf32>
      %add3A_272 = arith.addf %scan3A_226, %get3A_270 : vector<16xf32>
      %mul3A_273 = arith.mulf %get3A_266, %get3A_270 : vector<16xf32>
      %add3A_274 = arith.addf %scan3A_230, %mul3A_273 : vector<16xf32>
      %add3A_275 = arith.addf %scan3A_234, %mul3A_271 : vector<16xf32>
      %mul3A_276 = arith.mulf %mul3A_271, %get3A_266 : vector<16xf32>
      %add3A_277 = arith.addf %scan3A_238, %mul3A_276 : vector<16xf32>
      %get3A_278 = arith.index_cast %scan3A_224 : i32 to index
      %get3A_279 = arith.constant 32 : index
      %get3A_280 = tpu.vector_load %arg9[%get3A_278, %get3A_279] {strides = array<i32>} : memref<16x512xf32, #tpu.memory_space<vmem>>, vector<1x16xf32>,
      %get3A_281 = vector.shape_cast %get3A_280 : vector<1x16xf32> to vector<16xf32>
      %get3A_282 = arith.index_cast %scan3A_224 : i32 to index
      %get3A_283 = arith.constant 32 : index
      %get3A_284 = tpu.vector_load %arg10[%get3A_282, %get3A_283] {strides = array<i32>} : memref<16x512xf32, #tpu.memory_space<vmem>>, vector<1x16xf32>,
      %get3A_285 = vector.shape_cast %get3A_284 : vector<1x16xf32> to vector<16xf32>
      %get3A_286 = arith.index_cast %scan3A_224 : i32 to index
      %get3A_287 = arith.constant 32 : index
      %get3A_288 = tpu.vector_load %arg11[%get3A_286, %get3A_287] {strides = array<i32>} : memref<16x512xf32, #tpu.memory_space<vmem>>, vector<1x16xf32>,
      %get3A_289 = vector.shape_cast %get3A_288 : vector<1x16xf32> to vector<16xf32>
      %mul3A_290 = arith.mulf %get3A_281, %get3A_289 : vector<16xf32>
      %add3A_291 = arith.addf %scan3A_227, %get3A_289 : vector<16xf32>
      %mul3A_292 = arith.mulf %get3A_285, %get3A_289 : vector<16xf32>
      %add3A_293 = arith.addf %scan3A_231, %mul3A_292 : vector<16xf32>
      %add3A_294 = arith.addf %scan3A_235, %mul3A_290 : vector<16xf32>
      %mul3A_295 = arith.mulf %mul3A_290, %get3A_285 : vector<16xf32>
      %add3A_296 = arith.addf %scan3A_239, %mul3A_295 : vector<16xf32>
      %get3A_297 = arith.index_cast %scan3A_224 : i32 to index
      %get3A_298 = arith.constant 48 : index
      %get3A_299 = tpu.vector_load %arg9[%get3A_297, %get3A_298] {strides = array<i32>} : memref<16x512xf32, #tpu.memory_space<vmem>>, vector<1x16xf32>,
      %get3A_300 = vector.shape_cast %get3A_299 : vector<1x16xf32> to vector<16xf32>
      %get3A_301 = arith.index_cast %scan3A_224 : i32 to index
      %get3A_302 = arith.constant 48 : index
      %get3A_303 = tpu.vector_load %arg10[%get3A_301, %get3A_302] {strides = array<i32>} : memref<16x512xf32, #tpu.memory_space<vmem>>, vector<1x16xf32>,
      %get3A_304 = vector.shape_cast %get3A_303 : vector<1x16xf32> to vector<16xf32>
      %get3A_305 = arith.index_cast %scan3A_224 : i32 to index
      %get3A_306 = arith.constant 48 : index
      %get3A_307 = tpu.vector_load %arg11[%get3A_305, %get3A_306] {strides = array<i32>} : memref<16x512xf32, #tpu.memory_space<vmem>>, vector<1x16xf32>,
      %get3A_308 = vector.shape_cast %get3A_307 : vector<1x16xf32> to vector<16xf32>
      %mul3A_309 = arith.mulf %get3A_300, %get3A_308 : vector<16xf32>
      %add3A_310 = arith.addf %scan3A_228, %get3A_308 : vector<16xf32>
      %mul3A_311 = arith.mulf %get3A_304, %get3A_308 : vector<16xf32>
      %add3A_312 = arith.addf %scan3A_232, %mul3A_311 : vector<16xf32>
      %add3A_313 = arith.addf %scan3A_236, %mul3A_309 : vector<16xf32>
      %mul3A_314 = arith.mulf %mul3A_309, %get3A_304 : vector<16xf32>
      %add3A_315 = arith.addf %scan3A_240, %mul3A_314 : vector<16xf32>
      %get3A_316 = arith.index_cast %scan3A_224 : i32 to index
      %get3A_317 = arith.constant 64 : index
      %get3A_318 = tpu.vector_load %arg9[%get3A_316, %get3A_317] {strides = array<i32>} : memref<16x512xf32, #tpu.memory_space<vmem>>, vector<1x16xf32>,
      %get3A_319 = vector.shape_cast %get3A_318 : vector<1x16xf32> to vector<16xf32>
      %get3A_320 = arith.index_cast %scan3A_224 : i32 to index
      %get3A_321 = arith.constant 64 : index
      %get3A_322 = tpu.vector_load %arg10[%get3A_320, %get3A_321] {strides = array<i32>} : memref<16x512xf32, #tpu.memory_space<vmem>>, vector<1x16xf32>,
      %get3A_323 = vector.shape_cast %get3A_322 : vector<1x16xf32> to vector<16xf32>
      %get3A_324 = arith.index_cast %scan3A_224 : i32 to index
      %get3A_325 = arith.constant 64 : index
      %get3A_326 = tpu.vector_load %arg11[%get3A_324, %get3A_325] {strides = array<i32>} : memref<16x512xf32, #tpu.memory_space<vmem>>, vector<1x16xf32>,
      %get3A_327 = vector.shape_cast %get3A_326 : vector<1x16xf32> to vector<16xf32>
      %mul3A_328 = arith.mulf %get3A_319, %get3A_327 : vector<16xf32>
      %add3A_329 = arith.addf %add3A_253, %get3A_327 : vector<16xf32>
      %mul3A_330 = arith.mulf %get3A_323, %get3A_327 : vector<16xf32>
      %add3A_331 = arith.addf %add3A_255, %mul3A_330 : vector<16xf32>
      %add3A_332 = arith.addf %add3A_256, %mul3A_328 : vector<16xf32>
      %mul3A_333 = arith.mulf %mul3A_328, %get3A_323 : vector<16xf32>
      %add3A_334 = arith.addf %add3A_258, %mul3A_333 : vector<16xf32>
      %get3A_335 = arith.index_cast %scan3A_224 : i32 to index
      %get3A_336 = arith.constant 80 : index
      %get3A_337 = tpu.vector_load %arg9[%get3A_335, %get3A_336] {strides = array<i32>} : memref<16x512xf32, #tpu.memory_space<vmem>>, vector<1x16xf32>,
      %get3A_338 = vector.shape_cast %get3A_337 : vector<1x16xf32> to vector<16xf32>
      %get3A_339 = arith.index_cast %scan3A_224 : i32 to index
      %get3A_340 = arith.constant 80 : index
      %get3A_341 = tpu.vector_load %arg10[%get3A_339, %get3A_340] {strides = array<i32>} : memref<16x512xf32, #tpu.memory_space<vmem>>, vector<1x16xf32>,
      %get3A_342 = vector.shape_cast %get3A_341 : vector<1x16xf32> to vector<16xf32>
      %get3A_343 = arith.index_cast %scan3A_224 : i32 to index
      %get3A_344 = arith.constant 80 : index
      %get3A_345 = tpu.vector_load %arg11[%get3A_343, %get3A_344] {strides = array<i32>} : memref<16x512xf32, #tpu.memory_space<vmem>>, vector<1x16xf32>,
      %get3A_346 = vector.shape_cast %get3A_345 : vector<1x16xf32> to vector<16xf32>
      %mul3A_347 = arith.mulf %get3A_338, %get3A_346 : vector<16xf32>
      %add3A_348 = arith.addf %add3A_272, %get3A_346 : vector<16xf32>
      %mul3A_349 = arith.mulf %get3A_342, %get3A_346 : vector<16xf32>
      %add3A_350 = arith.addf %add3A_274, %mul3A_349 : vector<16xf32>
      %add3A_351 = arith.addf %add3A_275, %mul3A_347 : vector<16xf32>
      %mul3A_352 = arith.mulf %mul3A_347, %get3A_342 : vector<16xf32>
      %add3A_353 = arith.addf %add3A_277, %mul3A_352 : vector<16xf32>
      %get3A_354 = arith.index_cast %scan3A_224 : i32 to index
      %get3A_355 = arith.constant 96 : index
      %get3A_356 = tpu.vector_load %arg9[%get3A_354, %get3A_355] {strides = array<i32>} : memref<16x512xf32, #tpu.memory_space<vmem>>, vector<1x16xf32>,
      %get3A_357 = vector.shape_cast %get3A_356 : vector<1x16xf32> to vector<16xf32>
      %get3A_358 = arith.index_cast %scan3A_224 : i32 to index
      %get3A_359 = arith.constant 96 : index
      %get3A_360 = tpu.vector_load %arg10[%get3A_358, %get3A_359] {strides = array<i32>} : memref<16x512xf32, #tpu.memory_space<vmem>>, vector<1x16xf32>,
      %get3A_361 = vector.shape_cast %get3A_360 : vector<1x16xf32> to vector<16xf32>
      %get3A_362 = arith.index_cast %scan3A_224 : i32 to index
      %get3A_363 = arith.constant 96 : index
      %get3A_364 = tpu.vector_load %arg11[%get3A_362, %get3A_363] {strides = array<i32>} : memref<16x512xf32, #tpu.memory_space<vmem>>, vector<1x16xf32>,
      %get3A_365 = vector.shape_cast %get3A_364 : vector<1x16xf32> to vector<16xf32>
      %mul3A_366 = arith.mulf %get3A_357, %get3A_365 : vector<16xf32>
      %add3A_367 = arith.addf %add3A_291, %get3A_365 : vector<16xf32>
      %mul3A_368 = arith.mulf %get3A_361, %get3A_365 : vector<16xf32>
      %add3A_369 = arith.addf %add3A_293, %mul3A_368 : vector<16xf32>
      %add3A_370 = arith.addf %add3A_294, %mul3A_366 : vector<16xf32>
      %mul3A_371 = arith.mulf %mul3A_366, %get3A_361 : vector<16xf32>
      %add3A_372 = arith.addf %add3A_296, %mul3A_371 : vector<16xf32>
      %get3A_373 = arith.index_cast %scan3A_224 : i32 to index
      %get3A_374 = arith.constant 112 : index
      %get3A_375 = tpu.vector_load %arg9[%get3A_373, %get3A_374] {strides = array<i32>} : memref<16x512xf32, #tpu.memory_space<vmem>>, vector<1x16xf32>,
      %get3A_376 = vector.shape_cast %get3A_375 : vector<1x16xf32> to vector<16xf32>
      %get3A_377 = arith.index_cast %scan3A_224 : i32 to index
      %get3A_378 = arith.constant 112 : index
      %get3A_379 = tpu.vector_load %arg10[%get3A_377, %get3A_378] {strides = array<i32>} : memref<16x512xf32, #tpu.memory_space<vmem>>, vector<1x16xf32>,
      %get3A_380 = vector.shape_cast %get3A_379 : vector<1x16xf32> to vector<16xf32>
      %get3A_381 = arith.index_cast %scan3A_224 : i32 to index
      %get3A_382 = arith.constant 112 : index
      %get3A_383 = tpu.vector_load %arg11[%get3A_381, %get3A_382] {strides = array<i32>} : memref<16x512xf32, #tpu.memory_space<vmem>>, vector<1x16xf32>,
      %get3A_384 = vector.shape_cast %get3A_383 : vector<1x16xf32> to vector<16xf32>
      %mul3A_385 = arith.mulf %get3A_376, %get3A_384 : vector<16xf32>
      %add3A_386 = arith.addf %add3A_310, %get3A_384 : vector<16xf32>
      %mul3A_387 = arith.mulf %get3A_380, %get3A_384 : vector<16xf32>
      %add3A_388 = arith.addf %add3A_312, %mul3A_387 : vector<16xf32>
      %add3A_389 = arith.addf %add3A_313, %mul3A_385 : vector<16xf32>
      %mul3A_390 = arith.mulf %mul3A_385, %get3A_380 : vector<16xf32>
      %add3A_391 = arith.addf %add3A_315, %mul3A_390 : vector<16xf32>
      %get3A_392 = arith.index_cast %scan3A_224 : i32 to index
      %get3A_393 = arith.constant 128 : index
      %get3A_394 = tpu.vector_load %arg9[%get3A_392, %get3A_393] {strides = array<i32>} : memref<16x512xf32, #tpu.memory_space<vmem>>, vector<1x16xf32>,
      %get3A_395 = vector.shape_cast %get3A_394 : vector<1x16xf32> to vector<16xf32>
      %get3A_396 = arith.index_cast %scan3A_224 : i32 to index
      %get3A_397 = arith.constant 128 : index
      %get3A_398 = tpu.vector_load %arg10[%get3A_396, %get3A_397] {strides = array<i32>} : memref<16x512xf32, #tpu.memory_space<vmem>>, vector<1x16xf32>,
      %get3A_399 = vector.shape_cast %get3A_398 : vector<1x16xf32> to vector<16xf32>
      %get3A_400 = arith.index_cast %scan3A_224 : i32 to index
      %get3A_401 = arith.constant 128 : index
      %get3A_402 = tpu.vector_load %arg11[%get3A_400, %get3A_401] {strides = array<i32>} : memref<16x512xf32, #tpu.memory_space<vmem>>, vector<1x16xf32>,
      %get3A_403 = vector.shape_cast %get3A_402 : vector<1x16xf32> to vector<16xf32>
      %mul3A_404 = arith.mulf %get3A_395, %get3A_403 : vector<16xf32>
      %add3A_405 = arith.addf %add3A_329, %get3A_403 : vector<16xf32>
      %mul3A_406 = arith.mulf %get3A_399, %get3A_403 : vector<16xf32>
      %add3A_407 = arith.addf %add3A_331, %mul3A_406 : vector<16xf32>
      %add3A_408 = arith.addf %add3A_332, %mul3A_404 : vector<16xf32>
      %mul3A_409 = arith.mulf %mul3A_404, %get3A_399 : vector<16xf32>
      %add3A_410 = arith.addf %add3A_334, %mul3A_409 : vector<16xf32>
      %get3A_411 = arith.index_cast %scan3A_224 : i32 to index
      %get3A_412 = arith.constant 144 : index
      %get3A_413 = tpu.vector_load %arg9[%get3A_411, %get3A_412] {strides = array<i32>} : memref<16x512xf32, #tpu.memory_space<vmem>>, vector<1x16xf32>,
      %get3A_414 = vector.shape_cast %get3A_413 : vector<1x16xf32> to vector<16xf32>
      %get3A_415 = arith.index_cast %scan3A_224 : i32 to index
      %get3A_416 = arith.constant 144 : index
      %get3A_417 = tpu.vector_load %arg10[%get3A_415, %get3A_416] {strides = array<i32>} : memref<16x512xf32, #tpu.memory_space<vmem>>, vector<1x16xf32>,
      %get3A_418 = vector.shape_cast %get3A_417 : vector<1x16xf32> to vector<16xf32>
      %get3A_419 = arith.index_cast %scan3A_224 : i32 to index
      %get3A_420 = arith.constant 144 : index
      %get3A_421 = tpu.vector_load %arg11[%get3A_419, %get3A_420] {strides = array<i32>} : memref<16x512xf32, #tpu.memory_space<vmem>>, vector<1x16xf32>,
      %get3A_422 = vector.shape_cast %get3A_421 : vector<1x16xf32> to vector<16xf32>
      %mul3A_423 = arith.mulf %get3A_414, %get3A_422 : vector<16xf32>
      %add3A_424 = arith.addf %add3A_348, %get3A_422 : vector<16xf32>
      %mul3A_425 = arith.mulf %get3A_418, %get3A_422 : vector<16xf32>
      %add3A_426 = arith.addf %add3A_350, %mul3A_425 : vector<16xf32>
      %add3A_427 = arith.addf %add3A_351, %mul3A_423 : vector<16xf32>
      %mul3A_428 = arith.mulf %mul3A_423, %get3A_418 : vector<16xf32>
      %add3A_429 = arith.addf %add3A_353, %mul3A_428 : vector<16xf32>
      %get3A_430 = arith.index_cast %scan3A_224 : i32 to index
      %get3A_431 = arith.constant 160 : index
      %get3A_432 = tpu.vector_load %arg9[%get3A_430, %get3A_431] {strides = array<i32>} : memref<16x512xf32, #tpu.memory_space<vmem>>, vector<1x16xf32>,
      %get3A_433 = vector.shape_cast %get3A_432 : vector<1x16xf32> to vector<16xf32>
      %get3A_434 = arith.index_cast %scan3A_224 : i32 to index
      %get3A_435 = arith.constant 160 : index
      %get3A_436 = tpu.vector_load %arg10[%get3A_434, %get3A_435] {strides = array<i32>} : memref<16x512xf32, #tpu.memory_space<vmem>>, vector<1x16xf32>,
      %get3A_437 = vector.shape_cast %get3A_436 : vector<1x16xf32> to vector<16xf32>
      %get3A_438 = arith.index_cast %scan3A_224 : i32 to index
      %get3A_439 = arith.constant 160 : index
      %get3A_440 = tpu.vector_load %arg11[%get3A_438, %get3A_439] {strides = array<i32>} : memref<16x512xf32, #tpu.memory_space<vmem>>, vector<1x16xf32>,
      %get3A_441 = vector.shape_cast %get3A_440 : vector<1x16xf32> to vector<16xf32>
      %mul3A_442 = arith.mulf %get3A_433, %get3A_441 : vector<16xf32>
      %add3A_443 = arith.addf %add3A_367, %get3A_441 : vector<16xf32>
      %mul3A_444 = arith.mulf %get3A_437, %get3A_441 : vector<16xf32>
      %add3A_445 = arith.addf %add3A_369, %mul3A_444 : vector<16xf32>
      %add3A_446 = arith.addf %add3A_370, %mul3A_442 : vector<16xf32>
      %mul3A_447 = arith.mulf %mul3A_442, %get3A_437 : vector<16xf32>
      %add3A_448 = arith.addf %add3A_372, %mul3A_447 : vector<16xf32>
      %get3A_449 = arith.index_cast %scan3A_224 : i32 to index
      %get3A_450 = arith.constant 176 : index
      %get3A_451 = tpu.vector_load %arg9[%get3A_449, %get3A_450] {strides = array<i32>} : memref<16x512xf32, #tpu.memory_space<vmem>>, vector<1x16xf32>,
      %get3A_452 = vector.shape_cast %get3A_451 : vector<1x16xf32> to vector<16xf32>
      %get3A_453 = arith.index_cast %scan3A_224 : i32 to index
      %get3A_454 = arith.constant 176 : index
      %get3A_455 = tpu.vector_load %arg10[%get3A_453, %get3A_454] {strides = array<i32>} : memref<16x512xf32, #tpu.memory_space<vmem>>, vector<1x16xf32>,
      %get3A_456 = vector.shape_cast %get3A_455 : vector<1x16xf32> to vector<16xf32>
      %get3A_457 = arith.index_cast %scan3A_224 : i32 to index
      %get3A_458 = arith.constant 176 : index
      %get3A_459 = tpu.vector_load %arg11[%get3A_457, %get3A_458] {strides = array<i32>} : memref<16x512xf32, #tpu.memory_space<vmem>>, vector<1x16xf32>,
      %get3A_460 = vector.shape_cast %get3A_459 : vector<1x16xf32> to vector<16xf32>
      %mul3A_461 = arith.mulf %get3A_452, %get3A_460 : vector<16xf32>
      %add3A_462 = arith.addf %add3A_386, %get3A_460 : vector<16xf32>
      %mul3A_463 = arith.mulf %get3A_456, %get3A_460 : vector<16xf32>
      %add3A_464 = arith.addf %add3A_388, %mul3A_463 : vector<16xf32>
      %add3A_465 = arith.addf %add3A_389, %mul3A_461 : vector<16xf32>
      %mul3A_466 = arith.mulf %mul3A_461, %get3A_456 : vector<16xf32>
      %add3A_467 = arith.addf %add3A_391, %mul3A_466 : vector<16xf32>
      %get3A_468 = arith.index_cast %scan3A_224 : i32 to index
      %get3A_469 = arith.constant 192 : index
      %get3A_470 = tpu.vector_load %arg9[%get3A_468, %get3A_469] {strides = array<i32>} : memref<16x512xf32, #tpu.memory_space<vmem>>, vector<1x16xf32>,
      %get3A_471 = vector.shape_cast %get3A_470 : vector<1x16xf32> to vector<16xf32>
      %get3A_472 = arith.index_cast %scan3A_224 : i32 to index
      %get3A_473 = arith.constant 192 : index
      %get3A_474 = tpu.vector_load %arg10[%get3A_472, %get3A_473] {strides = array<i32>} : memref<16x512xf32, #tpu.memory_space<vmem>>, vector<1x16xf32>,
      %get3A_475 = vector.shape_cast %get3A_474 : vector<1x16xf32> to vector<16xf32>
      %get3A_476 = arith.index_cast %scan3A_224 : i32 to index
      %get3A_477 = arith.constant 192 : index
      %get3A_478 = tpu.vector_load %arg11[%get3A_476, %get3A_477] {strides = array<i32>} : memref<16x512xf32, #tpu.memory_space<vmem>>, vector<1x16xf32>,
      %get3A_479 = vector.shape_cast %get3A_478 : vector<1x16xf32> to vector<16xf32>
      %mul3A_480 = arith.mulf %get3A_471, %get3A_479 : vector<16xf32>
      %add3A_481 = arith.addf %add3A_405, %get3A_479 : vector<16xf32>
      %mul3A_482 = arith.mulf %get3A_475, %get3A_479 : vector<16xf32>
      %add3A_483 = arith.addf %add3A_407, %mul3A_482 : vector<16xf32>
      %add3A_484 = arith.addf %add3A_408, %mul3A_480 : vector<16xf32>
      %mul3A_485 = arith.mulf %mul3A_480, %get3A_475 : vector<16xf32>
      %add3A_486 = arith.addf %add3A_410, %mul3A_485 : vector<16xf32>
      %get3A_487 = arith.index_cast %scan3A_224 : i32 to index
      %get3A_488 = arith.constant 208 : index
      %get3A_489 = tpu.vector_load %arg9[%get3A_487, %get3A_488] {strides = array<i32>} : memref<16x512xf32, #tpu.memory_space<vmem>>, vector<1x16xf32>,
      %get3A_490 = vector.shape_cast %get3A_489 : vector<1x16xf32> to vector<16xf32>
      %get3A_491 = arith.index_cast %scan3A_224 : i32 to index
      %get3A_492 = arith.constant 208 : index
      %get3A_493 = tpu.vector_load %arg10[%get3A_491, %get3A_492] {strides = array<i32>} : memref<16x512xf32, #tpu.memory_space<vmem>>, vector<1x16xf32>,
      %get3A_494 = vector.shape_cast %get3A_493 : vector<1x16xf32> to vector<16xf32>
      %get3A_495 = arith.index_cast %scan3A_224 : i32 to index
      %get3A_496 = arith.constant 208 : index
      %get3A_497 = tpu.vector_load %arg11[%get3A_495, %get3A_496] {strides = array<i32>} : memref<16x512xf32, #tpu.memory_space<vmem>>, vector<1x16xf32>,
      %get3A_498 = vector.shape_cast %get3A_497 : vector<1x16xf32> to vector<16xf32>
      %mul3A_499 = arith.mulf %get3A_490, %get3A_498 : vector<16xf32>
      %add3A_500 = arith.addf %add3A_424, %get3A_498 : vector<16xf32>
      %mul3A_501 = arith.mulf %get3A_494, %get3A_498 : vector<16xf32>
      %add3A_502 = arith.addf %add3A_426, %mul3A_501 : vector<16xf32>
      %add3A_503 = arith.addf %add3A_427, %mul3A_499 : vector<16xf32>
      %mul3A_504 = arith.mulf %mul3A_499, %get3A_494 : vector<16xf32>
      %add3A_505 = arith.addf %add3A_429, %mul3A_504 : vector<16xf32>
      %get3A_506 = arith.index_cast %scan3A_224 : i32 to index
      %get3A_507 = arith.constant 224 : index
      %get3A_508 = tpu.vector_load %arg9[%get3A_506, %get3A_507] {strides = array<i32>} : memref<16x512xf32, #tpu.memory_space<vmem>>, vector<1x16xf32>,
      %get3A_509 = vector.shape_cast %get3A_508 : vector<1x16xf32> to vector<16xf32>
      %get3A_510 = arith.index_cast %scan3A_224 : i32 to index
      %get3A_511 = arith.constant 224 : index
      %get3A_512 = tpu.vector_load %arg10[%get3A_510, %get3A_511] {strides = array<i32>} : memref<16x512xf32, #tpu.memory_space<vmem>>, vector<1x16xf32>,
      %get3A_513 = vector.shape_cast %get3A_512 : vector<1x16xf32> to vector<16xf32>
      %get3A_514 = arith.index_cast %scan3A_224 : i32 to index
      %get3A_515 = arith.constant 224 : index
      %get3A_516 = tpu.vector_load %arg11[%get3A_514, %get3A_515] {strides = array<i32>} : memref<16x512xf32, #tpu.memory_space<vmem>>, vector<1x16xf32>,
      %get3A_517 = vector.shape_cast %get3A_516 : vector<1x16xf32> to vector<16xf32>
      %mul3A_518 = arith.mulf %get3A_509, %get3A_517 : vector<16xf32>
      %add3A_519 = arith.addf %add3A_443, %get3A_517 : vector<16xf32>
      %mul3A_520 = arith.mulf %get3A_513, %get3A_517 : vector<16xf32>
      %add3A_521 = arith.addf %add3A_445, %mul3A_520 : vector<16xf32>
      %add3A_522 = arith.addf %add3A_446, %mul3A_518 : vector<16xf32>
      %mul3A_523 = arith.mulf %mul3A_518, %get3A_513 : vector<16xf32>
      %add3A_524 = arith.addf %add3A_448, %mul3A_523 : vector<16xf32>
      %get3A_525 = arith.index_cast %scan3A_224 : i32 to index
      %get3A_526 = arith.constant 240 : index
      %get3A_527 = tpu.vector_load %arg9[%get3A_525, %get3A_526] {strides = array<i32>} : memref<16x512xf32, #tpu.memory_space<vmem>>, vector<1x16xf32>,
      %get3A_528 = vector.shape_cast %get3A_527 : vector<1x16xf32> to vector<16xf32>
      %get3A_529 = arith.index_cast %scan3A_224 : i32 to index
      %get3A_530 = arith.constant 240 : index
      %get3A_531 = tpu.vector_load %arg10[%get3A_529, %get3A_530] {strides = array<i32>} : memref<16x512xf32, #tpu.memory_space<vmem>>, vector<1x16xf32>,
      %get3A_532 = vector.shape_cast %get3A_531 : vector<1x16xf32> to vector<16xf32>
      %get3A_533 = arith.index_cast %scan3A_224 : i32 to index
      %get3A_534 = arith.constant 240 : index
      %get3A_535 = tpu.vector_load %arg11[%get3A_533, %get3A_534] {strides = array<i32>} : memref<16x512xf32, #tpu.memory_space<vmem>>, vector<1x16xf32>,
      %get3A_536 = vector.shape_cast %get3A_535 : vector<1x16xf32> to vector<16xf32>
      %mul3A_537 = arith.mulf %get3A_528, %get3A_536 : vector<16xf32>
      %add3A_538 = arith.addf %add3A_462, %get3A_536 : vector<16xf32>
      %mul3A_539 = arith.mulf %get3A_532, %get3A_536 : vector<16xf32>
      %add3A_540 = arith.addf %add3A_464, %mul3A_539 : vector<16xf32>
      %add3A_541 = arith.addf %add3A_465, %mul3A_537 : vector<16xf32>
      %mul3A_542 = arith.mulf %mul3A_537, %get3A_532 : vector<16xf32>
      %add3A_543 = arith.addf %add3A_467, %mul3A_542 : vector<16xf32>
      %get3A_544 = arith.index_cast %scan3A_224 : i32 to index
      %get3A_545 = arith.constant 256 : index
      %get3A_546 = tpu.vector_load %arg9[%get3A_544, %get3A_545] {strides = array<i32>} : memref<16x512xf32, #tpu.memory_space<vmem>>, vector<1x16xf32>,
      %get3A_547 = vector.shape_cast %get3A_546 : vector<1x16xf32> to vector<16xf32>
      %get3A_548 = arith.index_cast %scan3A_224 : i32 to index
      %get3A_549 = arith.constant 256 : index
      %get3A_550 = tpu.vector_load %arg10[%get3A_548, %get3A_549] {strides = array<i32>} : memref<16x512xf32, #tpu.memory_space<vmem>>, vector<1x16xf32>,
      %get3A_551 = vector.shape_cast %get3A_550 : vector<1x16xf32> to vector<16xf32>
      %get3A_552 = arith.index_cast %scan3A_224 : i32 to index
      %get3A_553 = arith.constant 256 : index
      %get3A_554 = tpu.vector_load %arg11[%get3A_552, %get3A_553] {strides = array<i32>} : memref<16x512xf32, #tpu.memory_space<vmem>>, vector<1x16xf32>,
      %get3A_555 = vector.shape_cast %get3A_554 : vector<1x16xf32> to vector<16xf32>
      %mul3A_556 = arith.mulf %get3A_547, %get3A_555 : vector<16xf32>
      %add3A_557 = arith.addf %add3A_481, %get3A_555 : vector<16xf32>
      %mul3A_558 = arith.mulf %get3A_551, %get3A_555 : vector<16xf32>
      %add3A_559 = arith.addf %add3A_483, %mul3A_558 : vector<16xf32>
      %add3A_560 = arith.addf %add3A_484, %mul3A_556 : vector<16xf32>
      %mul3A_561 = arith.mulf %mul3A_556, %get3A_551 : vector<16xf32>
      %add3A_562 = arith.addf %add3A_486, %mul3A_561 : vector<16xf32>
      %get3A_563 = arith.index_cast %scan3A_224 : i32 to index
      %get3A_564 = arith.constant 272 : index
      %get3A_565 = tpu.vector_load %arg9[%get3A_563, %get3A_564] {strides = array<i32>} : memref<16x512xf32, #tpu.memory_space<vmem>>, vector<1x16xf32>,
      %get3A_566 = vector.shape_cast %get3A_565 : vector<1x16xf32> to vector<16xf32>
      %get3A_567 = arith.index_cast %scan3A_224 : i32 to index
      %get3A_568 = arith.constant 272 : index
      %get3A_569 = tpu.vector_load %arg10[%get3A_567, %get3A_568] {strides = array<i32>} : memref<16x512xf32, #tpu.memory_space<vmem>>, vector<1x16xf32>,
      %get3A_570 = vector.shape_cast %get3A_569 : vector<1x16xf32> to vector<16xf32>
      %get3A_571 = arith.index_cast %scan3A_224 : i32 to index
      %get3A_572 = arith.constant 272 : index
      %get3A_573 = tpu.vector_load %arg11[%get3A_571, %get3A_572] {strides = array<i32>} : memref<16x512xf32, #tpu.memory_space<vmem>>, vector<1x16xf32>,
      %get3A_574 = vector.shape_cast %get3A_573 : vector<1x16xf32> to vector<16xf32>
      %mul3A_575 = arith.mulf %get3A_566, %get3A_574 : vector<16xf32>
      %add3A_576 = arith.addf %add3A_500, %get3A_574 : vector<16xf32>
      %mul3A_577 = arith.mulf %get3A_570, %get3A_574 : vector<16xf32>
      %add3A_578 = arith.addf %add3A_502, %mul3A_577 : vector<16xf32>
      %add3A_579 = arith.addf %add3A_503, %mul3A_575 : vector<16xf32>
      %mul3A_580 = arith.mulf %mul3A_575, %get3A_570 : vector<16xf32>
      %add3A_581 = arith.addf %add3A_505, %mul3A_580 : vector<16xf32>
      %get3A_582 = arith.index_cast %scan3A_224 : i32 to index
      %get3A_583 = arith.constant 288 : index
      %get3A_584 = tpu.vector_load %arg9[%get3A_582, %get3A_583] {strides = array<i32>} : memref<16x512xf32, #tpu.memory_space<vmem>>, vector<1x16xf32>,
      %get3A_585 = vector.shape_cast %get3A_584 : vector<1x16xf32> to vector<16xf32>
      %get3A_586 = arith.index_cast %scan3A_224 : i32 to index
      %get3A_587 = arith.constant 288 : index
      %get3A_588 = tpu.vector_load %arg10[%get3A_586, %get3A_587] {strides = array<i32>} : memref<16x512xf32, #tpu.memory_space<vmem>>, vector<1x16xf32>,
      %get3A_589 = vector.shape_cast %get3A_588 : vector<1x16xf32> to vector<16xf32>
      %get3A_590 = arith.index_cast %scan3A_224 : i32 to index
      %get3A_591 = arith.constant 288 : index
      %get3A_592 = tpu.vector_load %arg11[%get3A_590, %get3A_591] {strides = array<i32>} : memref<16x512xf32, #tpu.memory_space<vmem>>, vector<1x16xf32>,
      %get3A_593 = vector.shape_cast %get3A_592 : vector<1x16xf32> to vector<16xf32>
      %mul3A_594 = arith.mulf %get3A_585, %get3A_593 : vector<16xf32>
      %add3A_595 = arith.addf %add3A_519, %get3A_593 : vector<16xf32>
      %mul3A_596 = arith.mulf %get3A_589, %get3A_593 : vector<16xf32>
      %add3A_597 = arith.addf %add3A_521, %mul3A_596 : vector<16xf32>
      %add3A_598 = arith.addf %add3A_522, %mul3A_594 : vector<16xf32>
      %mul3A_599 = arith.mulf %mul3A_594, %get3A_589 : vector<16xf32>
      %add3A_600 = arith.addf %add3A_524, %mul3A_599 : vector<16xf32>
      %get3A_601 = arith.index_cast %scan3A_224 : i32 to index
      %get3A_602 = arith.constant 304 : index
      %get3A_603 = tpu.vector_load %arg9[%get3A_601, %get3A_602] {strides = array<i32>} : memref<16x512xf32, #tpu.memory_space<vmem>>, vector<1x16xf32>,
      %get3A_604 = vector.shape_cast %get3A_603 : vector<1x16xf32> to vector<16xf32>
      %get3A_605 = arith.index_cast %scan3A_224 : i32 to index
      %get3A_606 = arith.constant 304 : index
      %get3A_607 = tpu.vector_load %arg10[%get3A_605, %get3A_606] {strides = array<i32>} : memref<16x512xf32, #tpu.memory_space<vmem>>, vector<1x16xf32>,
      %get3A_608 = vector.shape_cast %get3A_607 : vector<1x16xf32> to vector<16xf32>
      %get3A_609 = arith.index_cast %scan3A_224 : i32 to index
      %get3A_610 = arith.constant 304 : index
      %get3A_611 = tpu.vector_load %arg11[%get3A_609, %get3A_610] {strides = array<i32>} : memref<16x512xf32, #tpu.memory_space<vmem>>, vector<1x16xf32>,
      %get3A_612 = vector.shape_cast %get3A_611 : vector<1x16xf32> to vector<16xf32>
      %mul3A_613 = arith.mulf %get3A_604, %get3A_612 : vector<16xf32>
      %add3A_614 = arith.addf %add3A_538, %get3A_612 : vector<16xf32>
      %mul3A_615 = arith.mulf %get3A_608, %get3A_612 : vector<16xf32>
      %add3A_616 = arith.addf %add3A_540, %mul3A_615 : vector<16xf32>
      %add3A_617 = arith.addf %add3A_541, %mul3A_613 : vector<16xf32>
      %mul3A_618 = arith.mulf %mul3A_613, %get3A_608 : vector<16xf32>
      %add3A_619 = arith.addf %add3A_543, %mul3A_618 : vector<16xf32>
      %get3A_620 = arith.index_cast %scan3A_224 : i32 to index
      %get3A_621 = arith.constant 320 : index
      %get3A_622 = tpu.vector_load %arg9[%get3A_620, %get3A_621] {strides = array<i32>} : memref<16x512xf32, #tpu.memory_space<vmem>>, vector<1x16xf32>,
      %get3A_623 = vector.shape_cast %get3A_622 : vector<1x16xf32> to vector<16xf32>
      %get3A_624 = arith.index_cast %scan3A_224 : i32 to index
      %get3A_625 = arith.constant 320 : index
      %get3A_626 = tpu.vector_load %arg10[%get3A_624, %get3A_625] {strides = array<i32>} : memref<16x512xf32, #tpu.memory_space<vmem>>, vector<1x16xf32>,
      %get3A_627 = vector.shape_cast %get3A_626 : vector<1x16xf32> to vector<16xf32>
      %get3A_628 = arith.index_cast %scan3A_224 : i32 to index
      %get3A_629 = arith.constant 320 : index
      %get3A_630 = tpu.vector_load %arg11[%get3A_628, %get3A_629] {strides = array<i32>} : memref<16x512xf32, #tpu.memory_space<vmem>>, vector<1x16xf32>,
      %get3A_631 = vector.shape_cast %get3A_630 : vector<1x16xf32> to vector<16xf32>
      %mul3A_632 = arith.mulf %get3A_623, %get3A_631 : vector<16xf32>
      %add3A_633 = arith.addf %add3A_557, %get3A_631 : vector<16xf32>
      %mul3A_634 = arith.mulf %get3A_627, %get3A_631 : vector<16xf32>
      %add3A_635 = arith.addf %add3A_559, %mul3A_634 : vector<16xf32>
      %add3A_636 = arith.addf %add3A_560, %mul3A_632 : vector<16xf32>
      %mul3A_637 = arith.mulf %mul3A_632, %get3A_627 : vector<16xf32>
      %add3A_638 = arith.addf %add3A_562, %mul3A_637 : vector<16xf32>
      %get3A_639 = arith.index_cast %scan3A_224 : i32 to index
      %get3A_640 = arith.constant 336 : index
      %get3A_641 = tpu.vector_load %arg9[%get3A_639, %get3A_640] {strides = array<i32>} : memref<16x512xf32, #tpu.memory_space<vmem>>, vector<1x16xf32>,
      %get3A_642 = vector.shape_cast %get3A_641 : vector<1x16xf32> to vector<16xf32>
      %get3A_643 = arith.index_cast %scan3A_224 : i32 to index
      %get3A_644 = arith.constant 336 : index
      %get3A_645 = tpu.vector_load %arg10[%get3A_643, %get3A_644] {strides = array<i32>} : memref<16x512xf32, #tpu.memory_space<vmem>>, vector<1x16xf32>,
      %get3A_646 = vector.shape_cast %get3A_645 : vector<1x16xf32> to vector<16xf32>
      %get3A_647 = arith.index_cast %scan3A_224 : i32 to index
      %get3A_648 = arith.constant 336 : index
      %get3A_649 = tpu.vector_load %arg11[%get3A_647, %get3A_648] {strides = array<i32>} : memref<16x512xf32, #tpu.memory_space<vmem>>, vector<1x16xf32>,
      %get3A_650 = vector.shape_cast %get3A_649 : vector<1x16xf32> to vector<16xf32>
      %mul3A_651 = arith.mulf %get3A_642, %get3A_650 : vector<16xf32>
      %add3A_652 = arith.addf %add3A_576, %get3A_650 : vector<16xf32>
      %mul3A_653 = arith.mulf %get3A_646, %get3A_650 : vector<16xf32>
      %add3A_654 = arith.addf %add3A_578, %mul3A_653 : vector<16xf32>
      %add3A_655 = arith.addf %add3A_579, %mul3A_651 : vector<16xf32>
      %mul3A_656 = arith.mulf %mul3A_651, %get3A_646 : vector<16xf32>
      %add3A_657 = arith.addf %add3A_581, %mul3A_656 : vector<16xf32>
      %get3A_658 = arith.index_cast %scan3A_224 : i32 to index
      %get3A_659 = arith.constant 352 : index
      %get3A_660 = tpu.vector_load %arg9[%get3A_658, %get3A_659] {strides = array<i32>} : memref<16x512xf32, #tpu.memory_space<vmem>>, vector<1x16xf32>,
      %get3A_661 = vector.shape_cast %get3A_660 : vector<1x16xf32> to vector<16xf32>
      %get3A_662 = arith.index_cast %scan3A_224 : i32 to index
      %get3A_663 = arith.constant 352 : index
      %get3A_664 = tpu.vector_load %arg10[%get3A_662, %get3A_663] {strides = array<i32>} : memref<16x512xf32, #tpu.memory_space<vmem>>, vector<1x16xf32>,
      %get3A_665 = vector.shape_cast %get3A_664 : vector<1x16xf32> to vector<16xf32>
      %get3A_666 = arith.index_cast %scan3A_224 : i32 to index
      %get3A_667 = arith.constant 352 : index
      %get3A_668 = tpu.vector_load %arg11[%get3A_666, %get3A_667] {strides = array<i32>} : memref<16x512xf32, #tpu.memory_space<vmem>>, vector<1x16xf32>,
      %get3A_669 = vector.shape_cast %get3A_668 : vector<1x16xf32> to vector<16xf32>
      %mul3A_670 = arith.mulf %get3A_661, %get3A_669 : vector<16xf32>
      %add3A_671 = arith.addf %add3A_595, %get3A_669 : vector<16xf32>
      %mul3A_672 = arith.mulf %get3A_665, %get3A_669 : vector<16xf32>
      %add3A_673 = arith.addf %add3A_597, %mul3A_672 : vector<16xf32>
      %add3A_674 = arith.addf %add3A_598, %mul3A_670 : vector<16xf32>
      %mul3A_675 = arith.mulf %mul3A_670, %get3A_665 : vector<16xf32>
      %add3A_676 = arith.addf %add3A_600, %mul3A_675 : vector<16xf32>
      %get3A_677 = arith.index_cast %scan3A_224 : i32 to index
      %get3A_678 = arith.constant 368 : index
      %get3A_679 = tpu.vector_load %arg9[%get3A_677, %get3A_678] {strides = array<i32>} : memref<16x512xf32, #tpu.memory_space<vmem>>, vector<1x16xf32>,
      %get3A_680 = vector.shape_cast %get3A_679 : vector<1x16xf32> to vector<16xf32>
      %get3A_681 = arith.index_cast %scan3A_224 : i32 to index
      %get3A_682 = arith.constant 368 : index
      %get3A_683 = tpu.vector_load %arg10[%get3A_681, %get3A_682] {strides = array<i32>} : memref<16x512xf32, #tpu.memory_space<vmem>>, vector<1x16xf32>,
      %get3A_684 = vector.shape_cast %get3A_683 : vector<1x16xf32> to vector<16xf32>
      %get3A_685 = arith.index_cast %scan3A_224 : i32 to index
      %get3A_686 = arith.constant 368 : index
      %get3A_687 = tpu.vector_load %arg11[%get3A_685, %get3A_686] {strides = array<i32>} : memref<16x512xf32, #tpu.memory_space<vmem>>, vector<1x16xf32>,
      %get3A_688 = vector.shape_cast %get3A_687 : vector<1x16xf32> to vector<16xf32>
      %mul3A_689 = arith.mulf %get3A_680, %get3A_688 : vector<16xf32>
      %add3A_690 = arith.addf %add3A_614, %get3A_688 : vector<16xf32>
      %mul3A_691 = arith.mulf %get3A_684, %get3A_688 : vector<16xf32>
      %add3A_692 = arith.addf %add3A_616, %mul3A_691 : vector<16xf32>
      %add3A_693 = arith.addf %add3A_617, %mul3A_689 : vector<16xf32>
      %mul3A_694 = arith.mulf %mul3A_689, %get3A_684 : vector<16xf32>
      %add3A_695 = arith.addf %add3A_619, %mul3A_694 : vector<16xf32>
      %get3A_696 = arith.index_cast %scan3A_224 : i32 to index
      %get3A_697 = arith.constant 384 : index
      %get3A_698 = tpu.vector_load %arg9[%get3A_696, %get3A_697] {strides = array<i32>} : memref<16x512xf32, #tpu.memory_space<vmem>>, vector<1x16xf32>,
      %get3A_699 = vector.shape_cast %get3A_698 : vector<1x16xf32> to vector<16xf32>
      %get3A_700 = arith.index_cast %scan3A_224 : i32 to index
      %get3A_701 = arith.constant 384 : index
      %get3A_702 = tpu.vector_load %arg10[%get3A_700, %get3A_701] {strides = array<i32>} : memref<16x512xf32, #tpu.memory_space<vmem>>, vector<1x16xf32>,
      %get3A_703 = vector.shape_cast %get3A_702 : vector<1x16xf32> to vector<16xf32>
      %get3A_704 = arith.index_cast %scan3A_224 : i32 to index
      %get3A_705 = arith.constant 384 : index
      %get3A_706 = tpu.vector_load %arg11[%get3A_704, %get3A_705] {strides = array<i32>} : memref<16x512xf32, #tpu.memory_space<vmem>>, vector<1x16xf32>,
      %get3A_707 = vector.shape_cast %get3A_706 : vector<1x16xf32> to vector<16xf32>
      %mul3A_708 = arith.mulf %get3A_699, %get3A_707 : vector<16xf32>
      %add3A_709 = arith.addf %add3A_633, %get3A_707 : vector<16xf32>
      %mul3A_710 = arith.mulf %get3A_703, %get3A_707 : vector<16xf32>
      %add3A_711 = arith.addf %add3A_635, %mul3A_710 : vector<16xf32>
      %add3A_712 = arith.addf %add3A_636, %mul3A_708 : vector<16xf32>
      %mul3A_713 = arith.mulf %mul3A_708, %get3A_703 : vector<16xf32>
      %add3A_714 = arith.addf %add3A_638, %mul3A_713 : vector<16xf32>
      %get3A_715 = arith.index_cast %scan3A_224 : i32 to index
      %get3A_716 = arith.constant 400 : index
      %get3A_717 = tpu.vector_load %arg9[%get3A_715, %get3A_716] {strides = array<i32>} : memref<16x512xf32, #tpu.memory_space<vmem>>, vector<1x16xf32>,
      %get3A_718 = vector.shape_cast %get3A_717 : vector<1x16xf32> to vector<16xf32>
      %get3A_719 = arith.index_cast %scan3A_224 : i32 to index
      %get3A_720 = arith.constant 400 : index
      %get3A_721 = tpu.vector_load %arg10[%get3A_719, %get3A_720] {strides = array<i32>} : memref<16x512xf32, #tpu.memory_space<vmem>>, vector<1x16xf32>,
      %get3A_722 = vector.shape_cast %get3A_721 : vector<1x16xf32> to vector<16xf32>
      %get3A_723 = arith.index_cast %scan3A_224 : i32 to index
      %get3A_724 = arith.constant 400 : index
      %get3A_725 = tpu.vector_load %arg11[%get3A_723, %get3A_724] {strides = array<i32>} : memref<16x512xf32, #tpu.memory_space<vmem>>, vector<1x16xf32>,
      %get3A_726 = vector.shape_cast %get3A_725 : vector<1x16xf32> to vector<16xf32>
      %mul3A_727 = arith.mulf %get3A_718, %get3A_726 : vector<16xf32>
      %add3A_728 = arith.addf %add3A_652, %get3A_726 : vector<16xf32>
      %mul3A_729 = arith.mulf %get3A_722, %get3A_726 : vector<16xf32>
      %add3A_730 = arith.addf %add3A_654, %mul3A_729 : vector<16xf32>
      %add3A_731 = arith.addf %add3A_655, %mul3A_727 : vector<16xf32>
      %mul3A_732 = arith.mulf %mul3A_727, %get3A_722 : vector<16xf32>
      %add3A_733 = arith.addf %add3A_657, %mul3A_732 : vector<16xf32>
      %get3A_734 = arith.index_cast %scan3A_224 : i32 to index
      %get3A_735 = arith.constant 416 : index
      %get3A_736 = tpu.vector_load %arg9[%get3A_734, %get3A_735] {strides = array<i32>} : memref<16x512xf32, #tpu.memory_space<vmem>>, vector<1x16xf32>,
      %get3A_737 = vector.shape_cast %get3A_736 : vector<1x16xf32> to vector<16xf32>
      %get3A_738 = arith.index_cast %scan3A_224 : i32 to index
      %get3A_739 = arith.constant 416 : index
      %get3A_740 = tpu.vector_load %arg10[%get3A_738, %get3A_739] {strides = array<i32>} : memref<16x512xf32, #tpu.memory_space<vmem>>, vector<1x16xf32>,
      %get3A_741 = vector.shape_cast %get3A_740 : vector<1x16xf32> to vector<16xf32>
      %get3A_742 = arith.index_cast %scan3A_224 : i32 to index
      %get3A_743 = arith.constant 416 : index
      %get3A_744 = tpu.vector_load %arg11[%get3A_742, %get3A_743] {strides = array<i32>} : memref<16x512xf32, #tpu.memory_space<vmem>>, vector<1x16xf32>,
      %get3A_745 = vector.shape_cast %get3A_744 : vector<1x16xf32> to vector<16xf32>
      %mul3A_746 = arith.mulf %get3A_737, %get3A_745 : vector<16xf32>
      %add3A_747 = arith.addf %add3A_671, %get3A_745 : vector<16xf32>
      %mul3A_748 = arith.mulf %get3A_741, %get3A_745 : vector<16xf32>
      %add3A_749 = arith.addf %add3A_673, %mul3A_748 : vector<16xf32>
      %add3A_750 = arith.addf %add3A_674, %mul3A_746 : vector<16xf32>
      %mul3A_751 = arith.mulf %mul3A_746, %get3A_741 : vector<16xf32>
      %add3A_752 = arith.addf %add3A_676, %mul3A_751 : vector<16xf32>
      %get3A_753 = arith.index_cast %scan3A_224 : i32 to index
      %get3A_754 = arith.constant 432 : index
      %get3A_755 = tpu.vector_load %arg9[%get3A_753, %get3A_754] {strides = array<i32>} : memref<16x512xf32, #tpu.memory_space<vmem>>, vector<1x16xf32>,
      %get3A_756 = vector.shape_cast %get3A_755 : vector<1x16xf32> to vector<16xf32>
      %get3A_757 = arith.index_cast %scan3A_224 : i32 to index
      %get3A_758 = arith.constant 432 : index
      %get3A_759 = tpu.vector_load %arg10[%get3A_757, %get3A_758] {strides = array<i32>} : memref<16x512xf32, #tpu.memory_space<vmem>>, vector<1x16xf32>,
      %get3A_760 = vector.shape_cast %get3A_759 : vector<1x16xf32> to vector<16xf32>
      %get3A_761 = arith.index_cast %scan3A_224 : i32 to index
      %get3A_762 = arith.constant 432 : index
      %get3A_763 = tpu.vector_load %arg11[%get3A_761, %get3A_762] {strides = array<i32>} : memref<16x512xf32, #tpu.memory_space<vmem>>, vector<1x16xf32>,
      %get3A_764 = vector.shape_cast %get3A_763 : vector<1x16xf32> to vector<16xf32>
      %mul3A_765 = arith.mulf %get3A_756, %get3A_764 : vector<16xf32>
      %add3A_766 = arith.addf %add3A_690, %get3A_764 : vector<16xf32>
      %mul3A_767 = arith.mulf %get3A_760, %get3A_764 : vector<16xf32>
      %add3A_768 = arith.addf %add3A_692, %mul3A_767 : vector<16xf32>
      %add3A_769 = arith.addf %add3A_693, %mul3A_765 : vector<16xf32>
      %mul3A_770 = arith.mulf %mul3A_765, %get3A_760 : vector<16xf32>
      %add3A_771 = arith.addf %add3A_695, %mul3A_770 : vector<16xf32>
      %get3A_772 = arith.index_cast %scan3A_224 : i32 to index
      %get3A_773 = arith.constant 448 : index
      %get3A_774 = tpu.vector_load %arg9[%get3A_772, %get3A_773] {strides = array<i32>} : memref<16x512xf32, #tpu.memory_space<vmem>>, vector<1x16xf32>,
      %get3A_775 = vector.shape_cast %get3A_774 : vector<1x16xf32> to vector<16xf32>
      %get3A_776 = arith.index_cast %scan3A_224 : i32 to index
      %get3A_777 = arith.constant 448 : index
      %get3A_778 = tpu.vector_load %arg10[%get3A_776, %get3A_777] {strides = array<i32>} : memref<16x512xf32, #tpu.memory_space<vmem>>, vector<1x16xf32>,
      %get3A_779 = vector.shape_cast %get3A_778 : vector<1x16xf32> to vector<16xf32>
      %get3A_780 = arith.index_cast %scan3A_224 : i32 to index
      %get3A_781 = arith.constant 448 : index
      %get3A_782 = tpu.vector_load %arg11[%get3A_780, %get3A_781] {strides = array<i32>} : memref<16x512xf32, #tpu.memory_space<vmem>>, vector<1x16xf32>,
      %get3A_783 = vector.shape_cast %get3A_782 : vector<1x16xf32> to vector<16xf32>
      %mul3A_784 = arith.mulf %get3A_775, %get3A_783 : vector<16xf32>
      %add3A_785 = arith.addf %add3A_709, %get3A_783 : vector<16xf32>
      %mul3A_786 = arith.mulf %get3A_779, %get3A_783 : vector<16xf32>
      %add3A_787 = arith.addf %add3A_711, %mul3A_786 : vector<16xf32>
      %add3A_788 = arith.addf %add3A_712, %mul3A_784 : vector<16xf32>
      %mul3A_789 = arith.mulf %mul3A_784, %get3A_779 : vector<16xf32>
      %add3A_790 = arith.addf %add3A_714, %mul3A_789 : vector<16xf32>
      %get3A_791 = arith.index_cast %scan3A_224 : i32 to index
      %get3A_792 = arith.constant 464 : index
      %get3A_793 = tpu.vector_load %arg9[%get3A_791, %get3A_792] {strides = array<i32>} : memref<16x512xf32, #tpu.memory_space<vmem>>, vector<1x16xf32>,
      %get3A_794 = vector.shape_cast %get3A_793 : vector<1x16xf32> to vector<16xf32>
      %get3A_795 = arith.index_cast %scan3A_224 : i32 to index
      %get3A_796 = arith.constant 464 : index
      %get3A_797 = tpu.vector_load %arg10[%get3A_795, %get3A_796] {strides = array<i32>} : memref<16x512xf32, #tpu.memory_space<vmem>>, vector<1x16xf32>,
      %get3A_798 = vector.shape_cast %get3A_797 : vector<1x16xf32> to vector<16xf32>
      %get3A_799 = arith.index_cast %scan3A_224 : i32 to index
      %get3A_800 = arith.constant 464 : index
      %get3A_801 = tpu.vector_load %arg11[%get3A_799, %get3A_800] {strides = array<i32>} : memref<16x512xf32, #tpu.memory_space<vmem>>, vector<1x16xf32>,
      %get3A_802 = vector.shape_cast %get3A_801 : vector<1x16xf32> to vector<16xf32>
      %mul3A_803 = arith.mulf %get3A_794, %get3A_802 : vector<16xf32>
      %add3A_804 = arith.addf %add3A_728, %get3A_802 : vector<16xf32>
      %mul3A_805 = arith.mulf %get3A_798, %get3A_802 : vector<16xf32>
      %add3A_806 = arith.addf %add3A_730, %mul3A_805 : vector<16xf32>
      %add3A_807 = arith.addf %add3A_731, %mul3A_803 : vector<16xf32>
      %mul3A_808 = arith.mulf %mul3A_803, %get3A_798 : vector<16xf32>
      %add3A_809 = arith.addf %add3A_733, %mul3A_808 : vector<16xf32>
      %get3A_810 = arith.index_cast %scan3A_224 : i32 to index
      %get3A_811 = arith.constant 480 : index
      %get3A_812 = tpu.vector_load %arg9[%get3A_810, %get3A_811] {strides = array<i32>} : memref<16x512xf32, #tpu.memory_space<vmem>>, vector<1x16xf32>,
      %get3A_813 = vector.shape_cast %get3A_812 : vector<1x16xf32> to vector<16xf32>
      %get3A_814 = arith.index_cast %scan3A_224 : i32 to index
      %get3A_815 = arith.constant 480 : index
      %get3A_816 = tpu.vector_load %arg10[%get3A_814, %get3A_815] {strides = array<i32>} : memref<16x512xf32, #tpu.memory_space<vmem>>, vector<1x16xf32>,
      %get3A_817 = vector.shape_cast %get3A_816 : vector<1x16xf32> to vector<16xf32>
      %get3A_818 = arith.index_cast %scan3A_224 : i32 to index
      %get3A_819 = arith.constant 480 : index
      %get3A_820 = tpu.vector_load %arg11[%get3A_818, %get3A_819] {strides = array<i32>} : memref<16x512xf32, #tpu.memory_space<vmem>>, vector<1x16xf32>,
      %get3A_821 = vector.shape_cast %get3A_820 : vector<1x16xf32> to vector<16xf32>
      %mul3A_822 = arith.mulf %get3A_813, %get3A_821 : vector<16xf32>
      %add3A_823 = arith.addf %add3A_747, %get3A_821 : vector<16xf32>
      %mul3A_824 = arith.mulf %get3A_817, %get3A_821 : vector<16xf32>
      %add3A_825 = arith.addf %add3A_749, %mul3A_824 : vector<16xf32>
      %add3A_826 = arith.addf %add3A_750, %mul3A_822 : vector<16xf32>
      %mul3A_827 = arith.mulf %mul3A_822, %get3A_817 : vector<16xf32>
      %add3A_828 = arith.addf %add3A_752, %mul3A_827 : vector<16xf32>
      %get3A_829 = arith.index_cast %scan3A_224 : i32 to index
      %get3A_830 = arith.constant 496 : index
      %get3A_831 = tpu.vector_load %arg9[%get3A_829, %get3A_830] {strides = array<i32>} : memref<16x512xf32, #tpu.memory_space<vmem>>, vector<1x16xf32>,
      %get3A_832 = vector.shape_cast %get3A_831 : vector<1x16xf32> to vector<16xf32>
      %get3A_833 = arith.index_cast %scan3A_224 : i32 to index
      %get3A_834 = arith.constant 496 : index
      %get3A_835 = tpu.vector_load %arg10[%get3A_833, %get3A_834] {strides = array<i32>} : memref<16x512xf32, #tpu.memory_space<vmem>>, vector<1x16xf32>,
      %get3A_836 = vector.shape_cast %get3A_835 : vector<1x16xf32> to vector<16xf32>
      %get3A_837 = arith.index_cast %scan3A_224 : i32 to index
      %get3A_838 = arith.constant 496 : index
      %get3A_839 = tpu.vector_load %arg11[%get3A_837, %get3A_838] {strides = array<i32>} : memref<16x512xf32, #tpu.memory_space<vmem>>, vector<1x16xf32>,
      %get3A_840 = vector.shape_cast %get3A_839 : vector<1x16xf32> to vector<16xf32>
      %mul3A_841 = arith.mulf %get3A_832, %get3A_840 : vector<16xf32>
      %add3A_842 = arith.addf %add3A_766, %get3A_840 : vector<16xf32>
      %mul3A_843 = arith.mulf %get3A_836, %get3A_840 : vector<16xf32>
      %add3A_844 = arith.addf %add3A_768, %mul3A_843 : vector<16xf32>
      %add3A_845 = arith.addf %add3A_769, %mul3A_841 : vector<16xf32>
      %mul3A_846 = arith.mulf %mul3A_841, %get3A_836 : vector<16xf32>
      %add3A_847 = arith.addf %add3A_771, %mul3A_846 : vector<16xf32>
      scf.yield %add3A_785, %add3A_804, %add3A_823, %add3A_842, %add3A_787, %add3A_806, %add3A_825, %add3A_844, %add3A_788, %add3A_807, %add3A_826, %add3A_845, %add3A_790, %add3A_809, %add3A_828, %add3A_847 : vector<16xf32>, vector<16xf32>, vector<16xf32>, vector<16xf32>, vector<16xf32>, vector<16xf32>, vector<16xf32>, vector<16xf32>, vector<16xf32>, vector<16xf32>, vector<16xf32>, vector<16xf32>, vector<16xf32>, vector<16xf32>, vector<16xf32>, vector<16xf32>
    }
    %scan3A_124 = arith.constant 16 : i32
    %dma_wait3A_125 = arith.constant 0 : i32
    %dma_wait3A_126 = arith.constant 0 : i32
    %dma_wait3A_127 = tpu.memref_slice %arg2[%dma_wait3A_125, %dma_wait3A_126] : memref<8192x512xf32, #tpu.memory_space<hbm>> -> memref<16x512xf32, #tpu.memory_space<hbm>>
    %dma_wait3A_128 = arith.constant 0 : i32
    %dma_wait3A_129 = arith.constant 0 : i32
    %dma_wait3A_130 = tpu.memref_slice %arg2[%dma_wait3A_128, %dma_wait3A_129] : memref<8192x512xf32, #tpu.memory_space<hbm>> -> memref<16x512xf32, #tpu.memory_space<hbm>>
    tpu.wait_dma2 semaphore(%arg27 : memref<!tpu.dma_semaphore, #tpu.memory_space<semaphore_mem>>) src(%dma_wait3A_130 : memref<16x512xf32, #tpu.memory_space<hbm>>) dst(%arg12 : memref<16x512xf32, #tpu.memory_space<vmem>>)
    %dma_wait3A_131 = arith.constant 0 : i32
    %dma_wait3A_132 = arith.constant 0 : i32
    %dma_wait3A_133 = tpu.memref_slice %arg3[%dma_wait3A_131, %dma_wait3A_132] : memref<8192x512xf32, #tpu.memory_space<hbm>> -> memref<16x512xf32, #tpu.memory_space<hbm>>
    %dma_wait3A_134 = arith.constant 0 : i32
    %dma_wait3A_135 = arith.constant 0 : i32
    %dma_wait3A_136 = tpu.memref_slice %arg3[%dma_wait3A_134, %dma_wait3A_135] : memref<8192x512xf32, #tpu.memory_space<hbm>> -> memref<16x512xf32, #tpu.memory_space<hbm>>
    tpu.wait_dma2 semaphore(%arg28 : memref<!tpu.dma_semaphore, #tpu.memory_space<semaphore_mem>>) src(%dma_wait3A_136 : memref<16x512xf32, #tpu.memory_space<hbm>>) dst(%arg13 : memref<16x512xf32, #tpu.memory_space<vmem>>)
    %dma_wait3A_137 = arith.constant 0 : i32
    %dma_wait3A_138 = arith.constant 0 : i32
    %dma_wait3A_139 = tpu.memref_slice %arg4[%dma_wait3A_137, %dma_wait3A_138] : memref<8192x512xf32, #tpu.memory_space<hbm>> -> memref<16x512xf32, #tpu.memory_space<hbm>>
    %dma_wait3A_140 = arith.constant 0 : i32
    %dma_wait3A_141 = arith.constant 0 : i32
    %dma_wait3A_142 = tpu.memref_slice %arg4[%dma_wait3A_140, %dma_wait3A_141] : memref<8192x512xf32, #tpu.memory_space<hbm>> -> memref<16x512xf32, #tpu.memory_space<hbm>>
    tpu.wait_dma2 semaphore(%arg29 : memref<!tpu.dma_semaphore, #tpu.memory_space<semaphore_mem>>) src(%dma_wait3A_142 : memref<16x512xf32, #tpu.memory_space<hbm>>) dst(%arg14 : memref<16x512xf32, #tpu.memory_space<vmem>>)
    %scan3A_143 = arith.constant 0 : i32
    %scan3A_144 = arith.constant 16 : i32
    %scan3A_145 = arith.addi %scan3A_143, %scan3A_144 : i32
    %scan3A_146 = arith.constant 1 : i32
    %scan3A_147:16 = scf.for %scan3A_224 = %scan3A_143 to %scan3A_145 step %scan3A_146 iter_args(%scan3A_225 = %scan3A_123#0, %scan3A_226 = %scan3A_123#1, %scan3A_227 = %scan3A_123#2, %scan3A_228 = %scan3A_123#3, %scan3A_229 = %scan3A_123#4, %scan3A_230 = %scan3A_123#5, %scan3A_231 = %scan3A_123#6, %scan3A_232 = %scan3A_123#7, %scan3A_233 = %scan3A_123#8, %scan3A_234 = %scan3A_123#9, %scan3A_235 = %scan3A_123#10, %scan3A_236 = %scan3A_123#11, %scan3A_237 = %scan3A_123#12, %scan3A_238 = %scan3A_123#13, %scan3A_239 = %scan3A_123#14, %scan3A_240 = %scan3A_123#15) -> (vector<16xf32>, vector<16xf32>, vector<16xf32>, vector<16xf32>, vector<16xf32>, vector<16xf32>, vector<16xf32>, vector<16xf32>, vector<16xf32>, vector<16xf32>, vector<16xf32>, vector<16xf32>, vector<16xf32>, vector<16xf32>, vector<16xf32>, vector<16xf32>)  : i32 {
      %get3A = arith.index_cast %scan3A_224 : i32 to index
      %get3A_241 = arith.constant 0 : index
      %get3A_242 = tpu.vector_load %arg12[%get3A, %get3A_241] {strides = array<i32>} : memref<16x512xf32, #tpu.memory_space<vmem>>, vector<1x16xf32>,
      %get3A_243 = vector.shape_cast %get3A_242 : vector<1x16xf32> to vector<16xf32>
      %get3A_244 = arith.index_cast %scan3A_224 : i32 to index
      %get3A_245 = arith.constant 0 : index
      %get3A_246 = tpu.vector_load %arg13[%get3A_244, %get3A_245] {strides = array<i32>} : memref<16x512xf32, #tpu.memory_space<vmem>>, vector<1x16xf32>,
      %get3A_247 = vector.shape_cast %get3A_246 : vector<1x16xf32> to vector<16xf32>
      %get3A_248 = arith.index_cast %scan3A_224 : i32 to index
      %get3A_249 = arith.constant 0 : index
      %get3A_250 = tpu.vector_load %arg14[%get3A_248, %get3A_249] {strides = array<i32>} : memref<16x512xf32, #tpu.memory_space<vmem>>, vector<1x16xf32>,
      %get3A_251 = vector.shape_cast %get3A_250 : vector<1x16xf32> to vector<16xf32>
      %mul3A_252 = arith.mulf %get3A_243, %get3A_251 : vector<16xf32>
      %add3A_253 = arith.addf %scan3A_225, %get3A_251 : vector<16xf32>
      %mul3A_254 = arith.mulf %get3A_247, %get3A_251 : vector<16xf32>
      %add3A_255 = arith.addf %scan3A_229, %mul3A_254 : vector<16xf32>
      %add3A_256 = arith.addf %scan3A_233, %mul3A_252 : vector<16xf32>
      %mul3A_257 = arith.mulf %mul3A_252, %get3A_247 : vector<16xf32>
      %add3A_258 = arith.addf %scan3A_237, %mul3A_257 : vector<16xf32>
      %get3A_259 = arith.index_cast %scan3A_224 : i32 to index
      %get3A_260 = arith.constant 16 : index
      %get3A_261 = tpu.vector_load %arg12[%get3A_259, %get3A_260] {strides = array<i32>} : memref<16x512xf32, #tpu.memory_space<vmem>>, vector<1x16xf32>,
      %get3A_262 = vector.shape_cast %get3A_261 : vector<1x16xf32> to vector<16xf32>
      %get3A_263 = arith.index_cast %scan3A_224 : i32 to index
      %get3A_264 = arith.constant 16 : index
      %get3A_265 = tpu.vector_load %arg13[%get3A_263, %get3A_264] {strides = array<i32>} : memref<16x512xf32, #tpu.memory_space<vmem>>, vector<1x16xf32>,
      %get3A_266 = vector.shape_cast %get3A_265 : vector<1x16xf32> to vector<16xf32>
      %get3A_267 = arith.index_cast %scan3A_224 : i32 to index
      %get3A_268 = arith.constant 16 : index
      %get3A_269 = tpu.vector_load %arg14[%get3A_267, %get3A_268] {strides = array<i32>} : memref<16x512xf32, #tpu.memory_space<vmem>>, vector<1x16xf32>,
      %get3A_270 = vector.shape_cast %get3A_269 : vector<1x16xf32> to vector<16xf32>
      %mul3A_271 = arith.mulf %get3A_262, %get3A_270 : vector<16xf32>
      %add3A_272 = arith.addf %scan3A_226, %get3A_270 : vector<16xf32>
      %mul3A_273 = arith.mulf %get3A_266, %get3A_270 : vector<16xf32>
      %add3A_274 = arith.addf %scan3A_230, %mul3A_273 : vector<16xf32>
      %add3A_275 = arith.addf %scan3A_234, %mul3A_271 : vector<16xf32>
      %mul3A_276 = arith.mulf %mul3A_271, %get3A_266 : vector<16xf32>
      %add3A_277 = arith.addf %scan3A_238, %mul3A_276 : vector<16xf32>
      %get3A_278 = arith.index_cast %scan3A_224 : i32 to index
      %get3A_279 = arith.constant 32 : index
      %get3A_280 = tpu.vector_load %arg12[%get3A_278, %get3A_279] {strides = array<i32>} : memref<16x512xf32, #tpu.memory_space<vmem>>, vector<1x16xf32>,
      %get3A_281 = vector.shape_cast %get3A_280 : vector<1x16xf32> to vector<16xf32>
      %get3A_282 = arith.index_cast %scan3A_224 : i32 to index
      %get3A_283 = arith.constant 32 : index
      %get3A_284 = tpu.vector_load %arg13[%get3A_282, %get3A_283] {strides = array<i32>} : memref<16x512xf32, #tpu.memory_space<vmem>>, vector<1x16xf32>,
      %get3A_285 = vector.shape_cast %get3A_284 : vector<1x16xf32> to vector<16xf32>
      %get3A_286 = arith.index_cast %scan3A_224 : i32 to index
      %get3A_287 = arith.constant 32 : index
      %get3A_288 = tpu.vector_load %arg14[%get3A_286, %get3A_287] {strides = array<i32>} : memref<16x512xf32, #tpu.memory_space<vmem>>, vector<1x16xf32>,
      %get3A_289 = vector.shape_cast %get3A_288 : vector<1x16xf32> to vector<16xf32>
      %mul3A_290 = arith.mulf %get3A_281, %get3A_289 : vector<16xf32>
      %add3A_291 = arith.addf %scan3A_227, %get3A_289 : vector<16xf32>
      %mul3A_292 = arith.mulf %get3A_285, %get3A_289 : vector<16xf32>
      %add3A_293 = arith.addf %scan3A_231, %mul3A_292 : vector<16xf32>
      %add3A_294 = arith.addf %scan3A_235, %mul3A_290 : vector<16xf32>
      %mul3A_295 = arith.mulf %mul3A_290, %get3A_285 : vector<16xf32>
      %add3A_296 = arith.addf %scan3A_239, %mul3A_295 : vector<16xf32>
      %get3A_297 = arith.index_cast %scan3A_224 : i32 to index
      %get3A_298 = arith.constant 48 : index
      %get3A_299 = tpu.vector_load %arg12[%get3A_297, %get3A_298] {strides = array<i32>} : memref<16x512xf32, #tpu.memory_space<vmem>>, vector<1x16xf32>,
      %get3A_300 = vector.shape_cast %get3A_299 : vector<1x16xf32> to vector<16xf32>
      %get3A_301 = arith.index_cast %scan3A_224 : i32 to index
      %get3A_302 = arith.constant 48 : index
      %get3A_303 = tpu.vector_load %arg13[%get3A_301, %get3A_302] {strides = array<i32>} : memref<16x512xf32, #tpu.memory_space<vmem>>, vector<1x16xf32>,
      %get3A_304 = vector.shape_cast %get3A_303 : vector<1x16xf32> to vector<16xf32>
      %get3A_305 = arith.index_cast %scan3A_224 : i32 to index
      %get3A_306 = arith.constant 48 : index
      %get3A_307 = tpu.vector_load %arg14[%get3A_305, %get3A_306] {strides = array<i32>} : memref<16x512xf32, #tpu.memory_space<vmem>>, vector<1x16xf32>,
      %get3A_308 = vector.shape_cast %get3A_307 : vector<1x16xf32> to vector<16xf32>
      %mul3A_309 = arith.mulf %get3A_300, %get3A_308 : vector<16xf32>
      %add3A_310 = arith.addf %scan3A_228, %get3A_308 : vector<16xf32>
      %mul3A_311 = arith.mulf %get3A_304, %get3A_308 : vector<16xf32>
      %add3A_312 = arith.addf %scan3A_232, %mul3A_311 : vector<16xf32>
      %add3A_313 = arith.addf %scan3A_236, %mul3A_309 : vector<16xf32>
      %mul3A_314 = arith.mulf %mul3A_309, %get3A_304 : vector<16xf32>
      %add3A_315 = arith.addf %scan3A_240, %mul3A_314 : vector<16xf32>
      %get3A_316 = arith.index_cast %scan3A_224 : i32 to index
      %get3A_317 = arith.constant 64 : index
      %get3A_318 = tpu.vector_load %arg12[%get3A_316, %get3A_317] {strides = array<i32>} : memref<16x512xf32, #tpu.memory_space<vmem>>, vector<1x16xf32>,
      %get3A_319 = vector.shape_cast %get3A_318 : vector<1x16xf32> to vector<16xf32>
      %get3A_320 = arith.index_cast %scan3A_224 : i32 to index
      %get3A_321 = arith.constant 64 : index
      %get3A_322 = tpu.vector_load %arg13[%get3A_320, %get3A_321] {strides = array<i32>} : memref<16x512xf32, #tpu.memory_space<vmem>>, vector<1x16xf32>,
      %get3A_323 = vector.shape_cast %get3A_322 : vector<1x16xf32> to vector<16xf32>
      %get3A_324 = arith.index_cast %scan3A_224 : i32 to index
      %get3A_325 = arith.constant 64 : index
      %get3A_326 = tpu.vector_load %arg14[%get3A_324, %get3A_325] {strides = array<i32>} : memref<16x512xf32, #tpu.memory_space<vmem>>, vector<1x16xf32>,
      %get3A_327 = vector.shape_cast %get3A_326 : vector<1x16xf32> to vector<16xf32>
      %mul3A_328 = arith.mulf %get3A_319, %get3A_327 : vector<16xf32>
      %add3A_329 = arith.addf %add3A_253, %get3A_327 : vector<16xf32>
      %mul3A_330 = arith.mulf %get3A_323, %get3A_327 : vector<16xf32>
      %add3A_331 = arith.addf %add3A_255, %mul3A_330 : vector<16xf32>
      %add3A_332 = arith.addf %add3A_256, %mul3A_328 : vector<16xf32>
      %mul3A_333 = arith.mulf %mul3A_328, %get3A_323 : vector<16xf32>
      %add3A_334 = arith.addf %add3A_258, %mul3A_333 : vector<16xf32>
      %get3A_335 = arith.index_cast %scan3A_224 : i32 to index
      %get3A_336 = arith.constant 80 : index
      %get3A_337 = tpu.vector_load %arg12[%get3A_335, %get3A_336] {strides = array<i32>} : memref<16x512xf32, #tpu.memory_space<vmem>>, vector<1x16xf32>,
      %get3A_338 = vector.shape_cast %get3A_337 : vector<1x16xf32> to vector<16xf32>
      %get3A_339 = arith.index_cast %scan3A_224 : i32 to index
      %get3A_340 = arith.constant 80 : index
      %get3A_341 = tpu.vector_load %arg13[%get3A_339, %get3A_340] {strides = array<i32>} : memref<16x512xf32, #tpu.memory_space<vmem>>, vector<1x16xf32>,
      %get3A_342 = vector.shape_cast %get3A_341 : vector<1x16xf32> to vector<16xf32>
      %get3A_343 = arith.index_cast %scan3A_224 : i32 to index
      %get3A_344 = arith.constant 80 : index
      %get3A_345 = tpu.vector_load %arg14[%get3A_343, %get3A_344] {strides = array<i32>} : memref<16x512xf32, #tpu.memory_space<vmem>>, vector<1x16xf32>,
      %get3A_346 = vector.shape_cast %get3A_345 : vector<1x16xf32> to vector<16xf32>
      %mul3A_347 = arith.mulf %get3A_338, %get3A_346 : vector<16xf32>
      %add3A_348 = arith.addf %add3A_272, %get3A_346 : vector<16xf32>
      %mul3A_349 = arith.mulf %get3A_342, %get3A_346 : vector<16xf32>
      %add3A_350 = arith.addf %add3A_274, %mul3A_349 : vector<16xf32>
      %add3A_351 = arith.addf %add3A_275, %mul3A_347 : vector<16xf32>
      %mul3A_352 = arith.mulf %mul3A_347, %get3A_342 : vector<16xf32>
      %add3A_353 = arith.addf %add3A_277, %mul3A_352 : vector<16xf32>
      %get3A_354 = arith.index_cast %scan3A_224 : i32 to index
      %get3A_355 = arith.constant 96 : index
      %get3A_356 = tpu.vector_load %arg12[%get3A_354, %get3A_355] {strides = array<i32>} : memref<16x512xf32, #tpu.memory_space<vmem>>, vector<1x16xf32>,
      %get3A_357 = vector.shape_cast %get3A_356 : vector<1x16xf32> to vector<16xf32>
      %get3A_358 = arith.index_cast %scan3A_224 : i32 to index
      %get3A_359 = arith.constant 96 : index
      %get3A_360 = tpu.vector_load %arg13[%get3A_358, %get3A_359] {strides = array<i32>} : memref<16x512xf32, #tpu.memory_space<vmem>>, vector<1x16xf32>,
      %get3A_361 = vector.shape_cast %get3A_360 : vector<1x16xf32> to vector<16xf32>
      %get3A_362 = arith.index_cast %scan3A_224 : i32 to index
      %get3A_363 = arith.constant 96 : index
      %get3A_364 = tpu.vector_load %arg14[%get3A_362, %get3A_363] {strides = array<i32>} : memref<16x512xf32, #tpu.memory_space<vmem>>, vector<1x16xf32>,
      %get3A_365 = vector.shape_cast %get3A_364 : vector<1x16xf32> to vector<16xf32>
      %mul3A_366 = arith.mulf %get3A_357, %get3A_365 : vector<16xf32>
      %add3A_367 = arith.addf %add3A_291, %get3A_365 : vector<16xf32>
      %mul3A_368 = arith.mulf %get3A_361, %get3A_365 : vector<16xf32>
      %add3A_369 = arith.addf %add3A_293, %mul3A_368 : vector<16xf32>
      %add3A_370 = arith.addf %add3A_294, %mul3A_366 : vector<16xf32>
      %mul3A_371 = arith.mulf %mul3A_366, %get3A_361 : vector<16xf32>
      %add3A_372 = arith.addf %add3A_296, %mul3A_371 : vector<16xf32>
      %get3A_373 = arith.index_cast %scan3A_224 : i32 to index
      %get3A_374 = arith.constant 112 : index
      %get3A_375 = tpu.vector_load %arg12[%get3A_373, %get3A_374] {strides = array<i32>} : memref<16x512xf32, #tpu.memory_space<vmem>>, vector<1x16xf32>,
      %get3A_376 = vector.shape_cast %get3A_375 : vector<1x16xf32> to vector<16xf32>
      %get3A_377 = arith.index_cast %scan3A_224 : i32 to index
      %get3A_378 = arith.constant 112 : index
      %get3A_379 = tpu.vector_load %arg13[%get3A_377, %get3A_378] {strides = array<i32>} : memref<16x512xf32, #tpu.memory_space<vmem>>, vector<1x16xf32>,
      %get3A_380 = vector.shape_cast %get3A_379 : vector<1x16xf32> to vector<16xf32>
      %get3A_381 = arith.index_cast %scan3A_224 : i32 to index
      %get3A_382 = arith.constant 112 : index
      %get3A_383 = tpu.vector_load %arg14[%get3A_381, %get3A_382] {strides = array<i32>} : memref<16x512xf32, #tpu.memory_space<vmem>>, vector<1x16xf32>,
      %get3A_384 = vector.shape_cast %get3A_383 : vector<1x16xf32> to vector<16xf32>
      %mul3A_385 = arith.mulf %get3A_376, %get3A_384 : vector<16xf32>
      %add3A_386 = arith.addf %add3A_310, %get3A_384 : vector<16xf32>
      %mul3A_387 = arith.mulf %get3A_380, %get3A_384 : vector<16xf32>
      %add3A_388 = arith.addf %add3A_312, %mul3A_387 : vector<16xf32>
      %add3A_389 = arith.addf %add3A_313, %mul3A_385 : vector<16xf32>
      %mul3A_390 = arith.mulf %mul3A_385, %get3A_380 : vector<16xf32>
      %add3A_391 = arith.addf %add3A_315, %mul3A_390 : vector<16xf32>
      %get3A_392 = arith.index_cast %scan3A_224 : i32 to index
      %get3A_393 = arith.constant 128 : index
      %get3A_394 = tpu.vector_load %arg12[%get3A_392, %get3A_393] {strides = array<i32>} : memref<16x512xf32, #tpu.memory_space<vmem>>, vector<1x16xf32>,
      %get3A_395 = vector.shape_cast %get3A_394 : vector<1x16xf32> to vector<16xf32>
      %get3A_396 = arith.index_cast %scan3A_224 : i32 to index
      %get3A_397 = arith.constant 128 : index
      %get3A_398 = tpu.vector_load %arg13[%get3A_396, %get3A_397] {strides = array<i32>} : memref<16x512xf32, #tpu.memory_space<vmem>>, vector<1x16xf32>,
      %get3A_399 = vector.shape_cast %get3A_398 : vector<1x16xf32> to vector<16xf32>
      %get3A_400 = arith.index_cast %scan3A_224 : i32 to index
      %get3A_401 = arith.constant 128 : index
      %get3A_402 = tpu.vector_load %arg14[%get3A_400, %get3A_401] {strides = array<i32>} : memref<16x512xf32, #tpu.memory_space<vmem>>, vector<1x16xf32>,
      %get3A_403 = vector.shape_cast %get3A_402 : vector<1x16xf32> to vector<16xf32>
      %mul3A_404 = arith.mulf %get3A_395, %get3A_403 : vector<16xf32>
      %add3A_405 = arith.addf %add3A_329, %get3A_403 : vector<16xf32>
      %mul3A_406 = arith.mulf %get3A_399, %get3A_403 : vector<16xf32>
      %add3A_407 = arith.addf %add3A_331, %mul3A_406 : vector<16xf32>
      %add3A_408 = arith.addf %add3A_332, %mul3A_404 : vector<16xf32>
      %mul3A_409 = arith.mulf %mul3A_404, %get3A_399 : vector<16xf32>
      %add3A_410 = arith.addf %add3A_334, %mul3A_409 : vector<16xf32>
      %get3A_411 = arith.index_cast %scan3A_224 : i32 to index
      %get3A_412 = arith.constant 144 : index
      %get3A_413 = tpu.vector_load %arg12[%get3A_411, %get3A_412] {strides = array<i32>} : memref<16x512xf32, #tpu.memory_space<vmem>>, vector<1x16xf32>,
      %get3A_414 = vector.shape_cast %get3A_413 : vector<1x16xf32> to vector<16xf32>
      %get3A_415 = arith.index_cast %scan3A_224 : i32 to index
      %get3A_416 = arith.constant 144 : index
      %get3A_417 = tpu.vector_load %arg13[%get3A_415, %get3A_416] {strides = array<i32>} : memref<16x512xf32, #tpu.memory_space<vmem>>, vector<1x16xf32>,
      %get3A_418 = vector.shape_cast %get3A_417 : vector<1x16xf32> to vector<16xf32>
      %get3A_419 = arith.index_cast %scan3A_224 : i32 to index
      %get3A_420 = arith.constant 144 : index
      %get3A_421 = tpu.vector_load %arg14[%get3A_419, %get3A_420] {strides = array<i32>} : memref<16x512xf32, #tpu.memory_space<vmem>>, vector<1x16xf32>,
      %get3A_422 = vector.shape_cast %get3A_421 : vector<1x16xf32> to vector<16xf32>
      %mul3A_423 = arith.mulf %get3A_414, %get3A_422 : vector<16xf32>
      %add3A_424 = arith.addf %add3A_348, %get3A_422 : vector<16xf32>
      %mul3A_425 = arith.mulf %get3A_418, %get3A_422 : vector<16xf32>
      %add3A_426 = arith.addf %add3A_350, %mul3A_425 : vector<16xf32>
      %add3A_427 = arith.addf %add3A_351, %mul3A_423 : vector<16xf32>
      %mul3A_428 = arith.mulf %mul3A_423, %get3A_418 : vector<16xf32>
      %add3A_429 = arith.addf %add3A_353, %mul3A_428 : vector<16xf32>
      %get3A_430 = arith.index_cast %scan3A_224 : i32 to index
      %get3A_431 = arith.constant 160 : index
      %get3A_432 = tpu.vector_load %arg12[%get3A_430, %get3A_431] {strides = array<i32>} : memref<16x512xf32, #tpu.memory_space<vmem>>, vector<1x16xf32>,
      %get3A_433 = vector.shape_cast %get3A_432 : vector<1x16xf32> to vector<16xf32>
      %get3A_434 = arith.index_cast %scan3A_224 : i32 to index
      %get3A_435 = arith.constant 160 : index
      %get3A_436 = tpu.vector_load %arg13[%get3A_434, %get3A_435] {strides = array<i32>} : memref<16x512xf32, #tpu.memory_space<vmem>>, vector<1x16xf32>,
      %get3A_437 = vector.shape_cast %get3A_436 : vector<1x16xf32> to vector<16xf32>
      %get3A_438 = arith.index_cast %scan3A_224 : i32 to index
      %get3A_439 = arith.constant 160 : index
      %get3A_440 = tpu.vector_load %arg14[%get3A_438, %get3A_439] {strides = array<i32>} : memref<16x512xf32, #tpu.memory_space<vmem>>, vector<1x16xf32>,
      %get3A_441 = vector.shape_cast %get3A_440 : vector<1x16xf32> to vector<16xf32>
      %mul3A_442 = arith.mulf %get3A_433, %get3A_441 : vector<16xf32>
      %add3A_443 = arith.addf %add3A_367, %get3A_441 : vector<16xf32>
      %mul3A_444 = arith.mulf %get3A_437, %get3A_441 : vector<16xf32>
      %add3A_445 = arith.addf %add3A_369, %mul3A_444 : vector<16xf32>
      %add3A_446 = arith.addf %add3A_370, %mul3A_442 : vector<16xf32>
      %mul3A_447 = arith.mulf %mul3A_442, %get3A_437 : vector<16xf32>
      %add3A_448 = arith.addf %add3A_372, %mul3A_447 : vector<16xf32>
      %get3A_449 = arith.index_cast %scan3A_224 : i32 to index
      %get3A_450 = arith.constant 176 : index
      %get3A_451 = tpu.vector_load %arg12[%get3A_449, %get3A_450] {strides = array<i32>} : memref<16x512xf32, #tpu.memory_space<vmem>>, vector<1x16xf32>,
      %get3A_452 = vector.shape_cast %get3A_451 : vector<1x16xf32> to vector<16xf32>
      %get3A_453 = arith.index_cast %scan3A_224 : i32 to index
      %get3A_454 = arith.constant 176 : index
      %get3A_455 = tpu.vector_load %arg13[%get3A_453, %get3A_454] {strides = array<i32>} : memref<16x512xf32, #tpu.memory_space<vmem>>, vector<1x16xf32>,
      %get3A_456 = vector.shape_cast %get3A_455 : vector<1x16xf32> to vector<16xf32>
      %get3A_457 = arith.index_cast %scan3A_224 : i32 to index
      %get3A_458 = arith.constant 176 : index
      %get3A_459 = tpu.vector_load %arg14[%get3A_457, %get3A_458] {strides = array<i32>} : memref<16x512xf32, #tpu.memory_space<vmem>>, vector<1x16xf32>,
      %get3A_460 = vector.shape_cast %get3A_459 : vector<1x16xf32> to vector<16xf32>
      %mul3A_461 = arith.mulf %get3A_452, %get3A_460 : vector<16xf32>
      %add3A_462 = arith.addf %add3A_386, %get3A_460 : vector<16xf32>
      %mul3A_463 = arith.mulf %get3A_456, %get3A_460 : vector<16xf32>
      %add3A_464 = arith.addf %add3A_388, %mul3A_463 : vector<16xf32>
      %add3A_465 = arith.addf %add3A_389, %mul3A_461 : vector<16xf32>
      %mul3A_466 = arith.mulf %mul3A_461, %get3A_456 : vector<16xf32>
      %add3A_467 = arith.addf %add3A_391, %mul3A_466 : vector<16xf32>
      %get3A_468 = arith.index_cast %scan3A_224 : i32 to index
      %get3A_469 = arith.constant 192 : index
      %get3A_470 = tpu.vector_load %arg12[%get3A_468, %get3A_469] {strides = array<i32>} : memref<16x512xf32, #tpu.memory_space<vmem>>, vector<1x16xf32>,
      %get3A_471 = vector.shape_cast %get3A_470 : vector<1x16xf32> to vector<16xf32>
      %get3A_472 = arith.index_cast %scan3A_224 : i32 to index
      %get3A_473 = arith.constant 192 : index
      %get3A_474 = tpu.vector_load %arg13[%get3A_472, %get3A_473] {strides = array<i32>} : memref<16x512xf32, #tpu.memory_space<vmem>>, vector<1x16xf32>,
      %get3A_475 = vector.shape_cast %get3A_474 : vector<1x16xf32> to vector<16xf32>
      %get3A_476 = arith.index_cast %scan3A_224 : i32 to index
      %get3A_477 = arith.constant 192 : index
      %get3A_478 = tpu.vector_load %arg14[%get3A_476, %get3A_477] {strides = array<i32>} : memref<16x512xf32, #tpu.memory_space<vmem>>, vector<1x16xf32>,
      %get3A_479 = vector.shape_cast %get3A_478 : vector<1x16xf32> to vector<16xf32>
      %mul3A_480 = arith.mulf %get3A_471, %get3A_479 : vector<16xf32>
      %add3A_481 = arith.addf %add3A_405, %get3A_479 : vector<16xf32>
      %mul3A_482 = arith.mulf %get3A_475, %get3A_479 : vector<16xf32>
      %add3A_483 = arith.addf %add3A_407, %mul3A_482 : vector<16xf32>
      %add3A_484 = arith.addf %add3A_408, %mul3A_480 : vector<16xf32>
      %mul3A_485 = arith.mulf %mul3A_480, %get3A_475 : vector<16xf32>
      %add3A_486 = arith.addf %add3A_410, %mul3A_485 : vector<16xf32>
      %get3A_487 = arith.index_cast %scan3A_224 : i32 to index
      %get3A_488 = arith.constant 208 : index
      %get3A_489 = tpu.vector_load %arg12[%get3A_487, %get3A_488] {strides = array<i32>} : memref<16x512xf32, #tpu.memory_space<vmem>>, vector<1x16xf32>,
      %get3A_490 = vector.shape_cast %get3A_489 : vector<1x16xf32> to vector<16xf32>
      %get3A_491 = arith.index_cast %scan3A_224 : i32 to index
      %get3A_492 = arith.constant 208 : index
      %get3A_493 = tpu.vector_load %arg13[%get3A_491, %get3A_492] {strides = array<i32>} : memref<16x512xf32, #tpu.memory_space<vmem>>, vector<1x16xf32>,
      %get3A_494 = vector.shape_cast %get3A_493 : vector<1x16xf32> to vector<16xf32>
      %get3A_495 = arith.index_cast %scan3A_224 : i32 to index
      %get3A_496 = arith.constant 208 : index
      %get3A_497 = tpu.vector_load %arg14[%get3A_495, %get3A_496] {strides = array<i32>} : memref<16x512xf32, #tpu.memory_space<vmem>>, vector<1x16xf32>,
      %get3A_498 = vector.shape_cast %get3A_497 : vector<1x16xf32> to vector<16xf32>
      %mul3A_499 = arith.mulf %get3A_490, %get3A_498 : vector<16xf32>
      %add3A_500 = arith.addf %add3A_424, %get3A_498 : vector<16xf32>
      %mul3A_501 = arith.mulf %get3A_494, %get3A_498 : vector<16xf32>
      %add3A_502 = arith.addf %add3A_426, %mul3A_501 : vector<16xf32>
      %add3A_503 = arith.addf %add3A_427, %mul3A_499 : vector<16xf32>
      %mul3A_504 = arith.mulf %mul3A_499, %get3A_494 : vector<16xf32>
      %add3A_505 = arith.addf %add3A_429, %mul3A_504 : vector<16xf32>
      %get3A_506 = arith.index_cast %scan3A_224 : i32 to index
      %get3A_507 = arith.constant 224 : index
      %get3A_508 = tpu.vector_load %arg12[%get3A_506, %get3A_507] {strides = array<i32>} : memref<16x512xf32, #tpu.memory_space<vmem>>, vector<1x16xf32>,
      %get3A_509 = vector.shape_cast %get3A_508 : vector<1x16xf32> to vector<16xf32>
      %get3A_510 = arith.index_cast %scan3A_224 : i32 to index
      %get3A_511 = arith.constant 224 : index
      %get3A_512 = tpu.vector_load %arg13[%get3A_510, %get3A_511] {strides = array<i32>} : memref<16x512xf32, #tpu.memory_space<vmem>>, vector<1x16xf32>,
      %get3A_513 = vector.shape_cast %get3A_512 : vector<1x16xf32> to vector<16xf32>
      %get3A_514 = arith.index_cast %scan3A_224 : i32 to index
      %get3A_515 = arith.constant 224 : index
      %get3A_516 = tpu.vector_load %arg14[%get3A_514, %get3A_515] {strides = array<i32>} : memref<16x512xf32, #tpu.memory_space<vmem>>, vector<1x16xf32>,
      %get3A_517 = vector.shape_cast %get3A_516 : vector<1x16xf32> to vector<16xf32>
      %mul3A_518 = arith.mulf %get3A_509, %get3A_517 : vector<16xf32>
      %add3A_519 = arith.addf %add3A_443, %get3A_517 : vector<16xf32>
      %mul3A_520 = arith.mulf %get3A_513, %get3A_517 : vector<16xf32>
      %add3A_521 = arith.addf %add3A_445, %mul3A_520 : vector<16xf32>
      %add3A_522 = arith.addf %add3A_446, %mul3A_518 : vector<16xf32>
      %mul3A_523 = arith.mulf %mul3A_518, %get3A_513 : vector<16xf32>
      %add3A_524 = arith.addf %add3A_448, %mul3A_523 : vector<16xf32>
      %get3A_525 = arith.index_cast %scan3A_224 : i32 to index
      %get3A_526 = arith.constant 240 : index
      %get3A_527 = tpu.vector_load %arg12[%get3A_525, %get3A_526] {strides = array<i32>} : memref<16x512xf32, #tpu.memory_space<vmem>>, vector<1x16xf32>,
      %get3A_528 = vector.shape_cast %get3A_527 : vector<1x16xf32> to vector<16xf32>
      %get3A_529 = arith.index_cast %scan3A_224 : i32 to index
      %get3A_530 = arith.constant 240 : index
      %get3A_531 = tpu.vector_load %arg13[%get3A_529, %get3A_530] {strides = array<i32>} : memref<16x512xf32, #tpu.memory_space<vmem>>, vector<1x16xf32>,
      %get3A_532 = vector.shape_cast %get3A_531 : vector<1x16xf32> to vector<16xf32>
      %get3A_533 = arith.index_cast %scan3A_224 : i32 to index
      %get3A_534 = arith.constant 240 : index
      %get3A_535 = tpu.vector_load %arg14[%get3A_533, %get3A_534] {strides = array<i32>} : memref<16x512xf32, #tpu.memory_space<vmem>>, vector<1x16xf32>,
      %get3A_536 = vector.shape_cast %get3A_535 : vector<1x16xf32> to vector<16xf32>
      %mul3A_537 = arith.mulf %get3A_528, %get3A_536 : vector<16xf32>
      %add3A_538 = arith.addf %add3A_462, %get3A_536 : vector<16xf32>
      %mul3A_539 = arith.mulf %get3A_532, %get3A_536 : vector<16xf32>
      %add3A_540 = arith.addf %add3A_464, %mul3A_539 : vector<16xf32>
      %add3A_541 = arith.addf %add3A_465, %mul3A_537 : vector<16xf32>
      %mul3A_542 = arith.mulf %mul3A_537, %get3A_532 : vector<16xf32>
      %add3A_543 = arith.addf %add3A_467, %mul3A_542 : vector<16xf32>
      %get3A_544 = arith.index_cast %scan3A_224 : i32 to index
      %get3A_545 = arith.constant 256 : index
      %get3A_546 = tpu.vector_load %arg12[%get3A_544, %get3A_545] {strides = array<i32>} : memref<16x512xf32, #tpu.memory_space<vmem>>, vector<1x16xf32>,
      %get3A_547 = vector.shape_cast %get3A_546 : vector<1x16xf32> to vector<16xf32>
      %get3A_548 = arith.index_cast %scan3A_224 : i32 to index
      %get3A_549 = arith.constant 256 : index
      %get3A_550 = tpu.vector_load %arg13[%get3A_548, %get3A_549] {strides = array<i32>} : memref<16x512xf32, #tpu.memory_space<vmem>>, vector<1x16xf32>,
      %get3A_551 = vector.shape_cast %get3A_550 : vector<1x16xf32> to vector<16xf32>
      %get3A_552 = arith.index_cast %scan3A_224 : i32 to index
      %get3A_553 = arith.constant 256 : index
      %get3A_554 = tpu.vector_load %arg14[%get3A_552, %get3A_553] {strides = array<i32>} : memref<16x512xf32, #tpu.memory_space<vmem>>, vector<1x16xf32>,
      %get3A_555 = vector.shape_cast %get3A_554 : vector<1x16xf32> to vector<16xf32>
      %mul3A_556 = arith.mulf %get3A_547, %get3A_555 : vector<16xf32>
      %add3A_557 = arith.addf %add3A_481, %get3A_555 : vector<16xf32>
      %mul3A_558 = arith.mulf %get3A_551, %get3A_555 : vector<16xf32>
      %add3A_559 = arith.addf %add3A_483, %mul3A_558 : vector<16xf32>
      %add3A_560 = arith.addf %add3A_484, %mul3A_556 : vector<16xf32>
      %mul3A_561 = arith.mulf %mul3A_556, %get3A_551 : vector<16xf32>
      %add3A_562 = arith.addf %add3A_486, %mul3A_561 : vector<16xf32>
      %get3A_563 = arith.index_cast %scan3A_224 : i32 to index
      %get3A_564 = arith.constant 272 : index
      %get3A_565 = tpu.vector_load %arg12[%get3A_563, %get3A_564] {strides = array<i32>} : memref<16x512xf32, #tpu.memory_space<vmem>>, vector<1x16xf32>,
      %get3A_566 = vector.shape_cast %get3A_565 : vector<1x16xf32> to vector<16xf32>
      %get3A_567 = arith.index_cast %scan3A_224 : i32 to index
      %get3A_568 = arith.constant 272 : index
      %get3A_569 = tpu.vector_load %arg13[%get3A_567, %get3A_568] {strides = array<i32>} : memref<16x512xf32, #tpu.memory_space<vmem>>, vector<1x16xf32>,
      %get3A_570 = vector.shape_cast %get3A_569 : vector<1x16xf32> to vector<16xf32>
      %get3A_571 = arith.index_cast %scan3A_224 : i32 to index
      %get3A_572 = arith.constant 272 : index
      %get3A_573 = tpu.vector_load %arg14[%get3A_571, %get3A_572] {strides = array<i32>} : memref<16x512xf32, #tpu.memory_space<vmem>>, vector<1x16xf32>,
      %get3A_574 = vector.shape_cast %get3A_573 : vector<1x16xf32> to vector<16xf32>
      %mul3A_575 = arith.mulf %get3A_566, %get3A_574 : vector<16xf32>
      %add3A_576 = arith.addf %add3A_500, %get3A_574 : vector<16xf32>
      %mul3A_577 = arith.mulf %get3A_570, %get3A_574 : vector<16xf32>
      %add3A_578 = arith.addf %add3A_502, %mul3A_577 : vector<16xf32>
      %add3A_579 = arith.addf %add3A_503, %mul3A_575 : vector<16xf32>
      %mul3A_580 = arith.mulf %mul3A_575, %get3A_570 : vector<16xf32>
      %add3A_581 = arith.addf %add3A_505, %mul3A_580 : vector<16xf32>
      %get3A_582 = arith.index_cast %scan3A_224 : i32 to index
      %get3A_583 = arith.constant 288 : index
      %get3A_584 = tpu.vector_load %arg12[%get3A_582, %get3A_583] {strides = array<i32>} : memref<16x512xf32, #tpu.memory_space<vmem>>, vector<1x16xf32>,
      %get3A_585 = vector.shape_cast %get3A_584 : vector<1x16xf32> to vector<16xf32>
      %get3A_586 = arith.index_cast %scan3A_224 : i32 to index
      %get3A_587 = arith.constant 288 : index
      %get3A_588 = tpu.vector_load %arg13[%get3A_586, %get3A_587] {strides = array<i32>} : memref<16x512xf32, #tpu.memory_space<vmem>>, vector<1x16xf32>,
      %get3A_589 = vector.shape_cast %get3A_588 : vector<1x16xf32> to vector<16xf32>
      %get3A_590 = arith.index_cast %scan3A_224 : i32 to index
      %get3A_591 = arith.constant 288 : index
      %get3A_592 = tpu.vector_load %arg14[%get3A_590, %get3A_591] {strides = array<i32>} : memref<16x512xf32, #tpu.memory_space<vmem>>, vector<1x16xf32>,
      %get3A_593 = vector.shape_cast %get3A_592 : vector<1x16xf32> to vector<16xf32>
      %mul3A_594 = arith.mulf %get3A_585, %get3A_593 : vector<16xf32>
      %add3A_595 = arith.addf %add3A_519, %get3A_593 : vector<16xf32>
      %mul3A_596 = arith.mulf %get3A_589, %get3A_593 : vector<16xf32>
      %add3A_597 = arith.addf %add3A_521, %mul3A_596 : vector<16xf32>
      %add3A_598 = arith.addf %add3A_522, %mul3A_594 : vector<16xf32>
      %mul3A_599 = arith.mulf %mul3A_594, %get3A_589 : vector<16xf32>
      %add3A_600 = arith.addf %add3A_524, %mul3A_599 : vector<16xf32>
      %get3A_601 = arith.index_cast %scan3A_224 : i32 to index
      %get3A_602 = arith.constant 304 : index
      %get3A_603 = tpu.vector_load %arg12[%get3A_601, %get3A_602] {strides = array<i32>} : memref<16x512xf32, #tpu.memory_space<vmem>>, vector<1x16xf32>,
      %get3A_604 = vector.shape_cast %get3A_603 : vector<1x16xf32> to vector<16xf32>
      %get3A_605 = arith.index_cast %scan3A_224 : i32 to index
      %get3A_606 = arith.constant 304 : index
      %get3A_607 = tpu.vector_load %arg13[%get3A_605, %get3A_606] {strides = array<i32>} : memref<16x512xf32, #tpu.memory_space<vmem>>, vector<1x16xf32>,
      %get3A_608 = vector.shape_cast %get3A_607 : vector<1x16xf32> to vector<16xf32>
      %get3A_609 = arith.index_cast %scan3A_224 : i32 to index
      %get3A_610 = arith.constant 304 : index
      %get3A_611 = tpu.vector_load %arg14[%get3A_609, %get3A_610] {strides = array<i32>} : memref<16x512xf32, #tpu.memory_space<vmem>>, vector<1x16xf32>,
      %get3A_612 = vector.shape_cast %get3A_611 : vector<1x16xf32> to vector<16xf32>
      %mul3A_613 = arith.mulf %get3A_604, %get3A_612 : vector<16xf32>
      %add3A_614 = arith.addf %add3A_538, %get3A_612 : vector<16xf32>
      %mul3A_615 = arith.mulf %get3A_608, %get3A_612 : vector<16xf32>
      %add3A_616 = arith.addf %add3A_540, %mul3A_615 : vector<16xf32>
      %add3A_617 = arith.addf %add3A_541, %mul3A_613 : vector<16xf32>
      %mul3A_618 = arith.mulf %mul3A_613, %get3A_608 : vector<16xf32>
      %add3A_619 = arith.addf %add3A_543, %mul3A_618 : vector<16xf32>
      %get3A_620 = arith.index_cast %scan3A_224 : i32 to index
      %get3A_621 = arith.constant 320 : index
      %get3A_622 = tpu.vector_load %arg12[%get3A_620, %get3A_621] {strides = array<i32>} : memref<16x512xf32, #tpu.memory_space<vmem>>, vector<1x16xf32>,
      %get3A_623 = vector.shape_cast %get3A_622 : vector<1x16xf32> to vector<16xf32>
      %get3A_624 = arith.index_cast %scan3A_224 : i32 to index
      %get3A_625 = arith.constant 320 : index
      %get3A_626 = tpu.vector_load %arg13[%get3A_624, %get3A_625] {strides = array<i32>} : memref<16x512xf32, #tpu.memory_space<vmem>>, vector<1x16xf32>,
      %get3A_627 = vector.shape_cast %get3A_626 : vector<1x16xf32> to vector<16xf32>
      %get3A_628 = arith.index_cast %scan3A_224 : i32 to index
      %get3A_629 = arith.constant 320 : index
      %get3A_630 = tpu.vector_load %arg14[%get3A_628, %get3A_629] {strides = array<i32>} : memref<16x512xf32, #tpu.memory_space<vmem>>, vector<1x16xf32>,
      %get3A_631 = vector.shape_cast %get3A_630 : vector<1x16xf32> to vector<16xf32>
      %mul3A_632 = arith.mulf %get3A_623, %get3A_631 : vector<16xf32>
      %add3A_633 = arith.addf %add3A_557, %get3A_631 : vector<16xf32>
      %mul3A_634 = arith.mulf %get3A_627, %get3A_631 : vector<16xf32>
      %add3A_635 = arith.addf %add3A_559, %mul3A_634 : vector<16xf32>
      %add3A_636 = arith.addf %add3A_560, %mul3A_632 : vector<16xf32>
      %mul3A_637 = arith.mulf %mul3A_632, %get3A_627 : vector<16xf32>
      %add3A_638 = arith.addf %add3A_562, %mul3A_637 : vector<16xf32>
      %get3A_639 = arith.index_cast %scan3A_224 : i32 to index
      %get3A_640 = arith.constant 336 : index
      %get3A_641 = tpu.vector_load %arg12[%get3A_639, %get3A_640] {strides = array<i32>} : memref<16x512xf32, #tpu.memory_space<vmem>>, vector<1x16xf32>,
      %get3A_642 = vector.shape_cast %get3A_641 : vector<1x16xf32> to vector<16xf32>
      %get3A_643 = arith.index_cast %scan3A_224 : i32 to index
      %get3A_644 = arith.constant 336 : index
      %get3A_645 = tpu.vector_load %arg13[%get3A_643, %get3A_644] {strides = array<i32>} : memref<16x512xf32, #tpu.memory_space<vmem>>, vector<1x16xf32>,
      %get3A_646 = vector.shape_cast %get3A_645 : vector<1x16xf32> to vector<16xf32>
      %get3A_647 = arith.index_cast %scan3A_224 : i32 to index
      %get3A_648 = arith.constant 336 : index
      %get3A_649 = tpu.vector_load %arg14[%get3A_647, %get3A_648] {strides = array<i32>} : memref<16x512xf32, #tpu.memory_space<vmem>>, vector<1x16xf32>,
      %get3A_650 = vector.shape_cast %get3A_649 : vector<1x16xf32> to vector<16xf32>
      %mul3A_651 = arith.mulf %get3A_642, %get3A_650 : vector<16xf32>
      %add3A_652 = arith.addf %add3A_576, %get3A_650 : vector<16xf32>
      %mul3A_653 = arith.mulf %get3A_646, %get3A_650 : vector<16xf32>
      %add3A_654 = arith.addf %add3A_578, %mul3A_653 : vector<16xf32>
      %add3A_655 = arith.addf %add3A_579, %mul3A_651 : vector<16xf32>
      %mul3A_656 = arith.mulf %mul3A_651, %get3A_646 : vector<16xf32>
      %add3A_657 = arith.addf %add3A_581, %mul3A_656 : vector<16xf32>
      %get3A_658 = arith.index_cast %scan3A_224 : i32 to index
      %get3A_659 = arith.constant 352 : index
      %get3A_660 = tpu.vector_load %arg12[%get3A_658, %get3A_659] {strides = array<i32>} : memref<16x512xf32, #tpu.memory_space<vmem>>, vector<1x16xf32>,
      %get3A_661 = vector.shape_cast %get3A_660 : vector<1x16xf32> to vector<16xf32>
      %get3A_662 = arith.index_cast %scan3A_224 : i32 to index
      %get3A_663 = arith.constant 352 : index
      %get3A_664 = tpu.vector_load %arg13[%get3A_662, %get3A_663] {strides = array<i32>} : memref<16x512xf32, #tpu.memory_space<vmem>>, vector<1x16xf32>,
      %get3A_665 = vector.shape_cast %get3A_664 : vector<1x16xf32> to vector<16xf32>
      %get3A_666 = arith.index_cast %scan3A_224 : i32 to index
      %get3A_667 = arith.constant 352 : index
      %get3A_668 = tpu.vector_load %arg14[%get3A_666, %get3A_667] {strides = array<i32>} : memref<16x512xf32, #tpu.memory_space<vmem>>, vector<1x16xf32>,
      %get3A_669 = vector.shape_cast %get3A_668 : vector<1x16xf32> to vector<16xf32>
      %mul3A_670 = arith.mulf %get3A_661, %get3A_669 : vector<16xf32>
      %add3A_671 = arith.addf %add3A_595, %get3A_669 : vector<16xf32>
      %mul3A_672 = arith.mulf %get3A_665, %get3A_669 : vector<16xf32>
      %add3A_673 = arith.addf %add3A_597, %mul3A_672 : vector<16xf32>
      %add3A_674 = arith.addf %add3A_598, %mul3A_670 : vector<16xf32>
      %mul3A_675 = arith.mulf %mul3A_670, %get3A_665 : vector<16xf32>
      %add3A_676 = arith.addf %add3A_600, %mul3A_675 : vector<16xf32>
      %get3A_677 = arith.index_cast %scan3A_224 : i32 to index
      %get3A_678 = arith.constant 368 : index
      %get3A_679 = tpu.vector_load %arg12[%get3A_677, %get3A_678] {strides = array<i32>} : memref<16x512xf32, #tpu.memory_space<vmem>>, vector<1x16xf32>,
      %get3A_680 = vector.shape_cast %get3A_679 : vector<1x16xf32> to vector<16xf32>
      %get3A_681 = arith.index_cast %scan3A_224 : i32 to index
      %get3A_682 = arith.constant 368 : index
      %get3A_683 = tpu.vector_load %arg13[%get3A_681, %get3A_682] {strides = array<i32>} : memref<16x512xf32, #tpu.memory_space<vmem>>, vector<1x16xf32>,
      %get3A_684 = vector.shape_cast %get3A_683 : vector<1x16xf32> to vector<16xf32>
      %get3A_685 = arith.index_cast %scan3A_224 : i32 to index
      %get3A_686 = arith.constant 368 : index
      %get3A_687 = tpu.vector_load %arg14[%get3A_685, %get3A_686] {strides = array<i32>} : memref<16x512xf32, #tpu.memory_space<vmem>>, vector<1x16xf32>,
      %get3A_688 = vector.shape_cast %get3A_687 : vector<1x16xf32> to vector<16xf32>
      %mul3A_689 = arith.mulf %get3A_680, %get3A_688 : vector<16xf32>
      %add3A_690 = arith.addf %add3A_614, %get3A_688 : vector<16xf32>
      %mul3A_691 = arith.mulf %get3A_684, %get3A_688 : vector<16xf32>
      %add3A_692 = arith.addf %add3A_616, %mul3A_691 : vector<16xf32>
      %add3A_693 = arith.addf %add3A_617, %mul3A_689 : vector<16xf32>
      %mul3A_694 = arith.mulf %mul3A_689, %get3A_684 : vector<16xf32>
      %add3A_695 = arith.addf %add3A_619, %mul3A_694 : vector<16xf32>
      %get3A_696 = arith.index_cast %scan3A_224 : i32 to index
      %get3A_697 = arith.constant 384 : index
      %get3A_698 = tpu.vector_load %arg12[%get3A_696, %get3A_697] {strides = array<i32>} : memref<16x512xf32, #tpu.memory_space<vmem>>, vector<1x16xf32>,
      %get3A_699 = vector.shape_cast %get3A_698 : vector<1x16xf32> to vector<16xf32>
      %get3A_700 = arith.index_cast %scan3A_224 : i32 to index
      %get3A_701 = arith.constant 384 : index
      %get3A_702 = tpu.vector_load %arg13[%get3A_700, %get3A_701] {strides = array<i32>} : memref<16x512xf32, #tpu.memory_space<vmem>>, vector<1x16xf32>,
      %get3A_703 = vector.shape_cast %get3A_702 : vector<1x16xf32> to vector<16xf32>
      %get3A_704 = arith.index_cast %scan3A_224 : i32 to index
      %get3A_705 = arith.constant 384 : index
      %get3A_706 = tpu.vector_load %arg14[%get3A_704, %get3A_705] {strides = array<i32>} : memref<16x512xf32, #tpu.memory_space<vmem>>, vector<1x16xf32>,
      %get3A_707 = vector.shape_cast %get3A_706 : vector<1x16xf32> to vector<16xf32>
      %mul3A_708 = arith.mulf %get3A_699, %get3A_707 : vector<16xf32>
      %add3A_709 = arith.addf %add3A_633, %get3A_707 : vector<16xf32>
      %mul3A_710 = arith.mulf %get3A_703, %get3A_707 : vector<16xf32>
      %add3A_711 = arith.addf %add3A_635, %mul3A_710 : vector<16xf32>
      %add3A_712 = arith.addf %add3A_636, %mul3A_708 : vector<16xf32>
      %mul3A_713 = arith.mulf %mul3A_708, %get3A_703 : vector<16xf32>
      %add3A_714 = arith.addf %add3A_638, %mul3A_713 : vector<16xf32>
      %get3A_715 = arith.index_cast %scan3A_224 : i32 to index
      %get3A_716 = arith.constant 400 : index
      %get3A_717 = tpu.vector_load %arg12[%get3A_715, %get3A_716] {strides = array<i32>} : memref<16x512xf32, #tpu.memory_space<vmem>>, vector<1x16xf32>,
      %get3A_718 = vector.shape_cast %get3A_717 : vector<1x16xf32> to vector<16xf32>
      %get3A_719 = arith.index_cast %scan3A_224 : i32 to index
      %get3A_720 = arith.constant 400 : index
      %get3A_721 = tpu.vector_load %arg13[%get3A_719, %get3A_720] {strides = array<i32>} : memref<16x512xf32, #tpu.memory_space<vmem>>, vector<1x16xf32>,
      %get3A_722 = vector.shape_cast %get3A_721 : vector<1x16xf32> to vector<16xf32>
      %get3A_723 = arith.index_cast %scan3A_224 : i32 to index
      %get3A_724 = arith.constant 400 : index
      %get3A_725 = tpu.vector_load %arg14[%get3A_723, %get3A_724] {strides = array<i32>} : memref<16x512xf32, #tpu.memory_space<vmem>>, vector<1x16xf32>,
      %get3A_726 = vector.shape_cast %get3A_725 : vector<1x16xf32> to vector<16xf32>
      %mul3A_727 = arith.mulf %get3A_718, %get3A_726 : vector<16xf32>
      %add3A_728 = arith.addf %add3A_652, %get3A_726 : vector<16xf32>
      %mul3A_729 = arith.mulf %get3A_722, %get3A_726 : vector<16xf32>
      %add3A_730 = arith.addf %add3A_654, %mul3A_729 : vector<16xf32>
      %add3A_731 = arith.addf %add3A_655, %mul3A_727 : vector<16xf32>
      %mul3A_732 = arith.mulf %mul3A_727, %get3A_722 : vector<16xf32>
      %add3A_733 = arith.addf %add3A_657, %mul3A_732 : vector<16xf32>
      %get3A_734 = arith.index_cast %scan3A_224 : i32 to index
      %get3A_735 = arith.constant 416 : index
      %get3A_736 = tpu.vector_load %arg12[%get3A_734, %get3A_735] {strides = array<i32>} : memref<16x512xf32, #tpu.memory_space<vmem>>, vector<1x16xf32>,
      %get3A_737 = vector.shape_cast %get3A_736 : vector<1x16xf32> to vector<16xf32>
      %get3A_738 = arith.index_cast %scan3A_224 : i32 to index
      %get3A_739 = arith.constant 416 : index
      %get3A_740 = tpu.vector_load %arg13[%get3A_738, %get3A_739] {strides = array<i32>} : memref<16x512xf32, #tpu.memory_space<vmem>>, vector<1x16xf32>,
      %get3A_741 = vector.shape_cast %get3A_740 : vector<1x16xf32> to vector<16xf32>
      %get3A_742 = arith.index_cast %scan3A_224 : i32 to index
      %get3A_743 = arith.constant 416 : index
      %get3A_744 = tpu.vector_load %arg14[%get3A_742, %get3A_743] {strides = array<i32>} : memref<16x512xf32, #tpu.memory_space<vmem>>, vector<1x16xf32>,
      %get3A_745 = vector.shape_cast %get3A_744 : vector<1x16xf32> to vector<16xf32>
      %mul3A_746 = arith.mulf %get3A_737, %get3A_745 : vector<16xf32>
      %add3A_747 = arith.addf %add3A_671, %get3A_745 : vector<16xf32>
      %mul3A_748 = arith.mulf %get3A_741, %get3A_745 : vector<16xf32>
      %add3A_749 = arith.addf %add3A_673, %mul3A_748 : vector<16xf32>
      %add3A_750 = arith.addf %add3A_674, %mul3A_746 : vector<16xf32>
      %mul3A_751 = arith.mulf %mul3A_746, %get3A_741 : vector<16xf32>
      %add3A_752 = arith.addf %add3A_676, %mul3A_751 : vector<16xf32>
      %get3A_753 = arith.index_cast %scan3A_224 : i32 to index
      %get3A_754 = arith.constant 432 : index
      %get3A_755 = tpu.vector_load %arg12[%get3A_753, %get3A_754] {strides = array<i32>} : memref<16x512xf32, #tpu.memory_space<vmem>>, vector<1x16xf32>,
      %get3A_756 = vector.shape_cast %get3A_755 : vector<1x16xf32> to vector<16xf32>
      %get3A_757 = arith.index_cast %scan3A_224 : i32 to index
      %get3A_758 = arith.constant 432 : index
      %get3A_759 = tpu.vector_load %arg13[%get3A_757, %get3A_758] {strides = array<i32>} : memref<16x512xf32, #tpu.memory_space<vmem>>, vector<1x16xf32>,
      %get3A_760 = vector.shape_cast %get3A_759 : vector<1x16xf32> to vector<16xf32>
      %get3A_761 = arith.index_cast %scan3A_224 : i32 to index
      %get3A_762 = arith.constant 432 : index
      %get3A_763 = tpu.vector_load %arg14[%get3A_761, %get3A_762] {strides = array<i32>} : memref<16x512xf32, #tpu.memory_space<vmem>>, vector<1x16xf32>,
      %get3A_764 = vector.shape_cast %get3A_763 : vector<1x16xf32> to vector<16xf32>
      %mul3A_765 = arith.mulf %get3A_756, %get3A_764 : vector<16xf32>
      %add3A_766 = arith.addf %add3A_690, %get3A_764 : vector<16xf32>
      %mul3A_767 = arith.mulf %get3A_760, %get3A_764 : vector<16xf32>
      %add3A_768 = arith.addf %add3A_692, %mul3A_767 : vector<16xf32>
      %add3A_769 = arith.addf %add3A_693, %mul3A_765 : vector<16xf32>
      %mul3A_770 = arith.mulf %mul3A_765, %get3A_760 : vector<16xf32>
      %add3A_771 = arith.addf %add3A_695, %mul3A_770 : vector<16xf32>
      %get3A_772 = arith.index_cast %scan3A_224 : i32 to index
      %get3A_773 = arith.constant 448 : index
      %get3A_774 = tpu.vector_load %arg12[%get3A_772, %get3A_773] {strides = array<i32>} : memref<16x512xf32, #tpu.memory_space<vmem>>, vector<1x16xf32>,
      %get3A_775 = vector.shape_cast %get3A_774 : vector<1x16xf32> to vector<16xf32>
      %get3A_776 = arith.index_cast %scan3A_224 : i32 to index
      %get3A_777 = arith.constant 448 : index
      %get3A_778 = tpu.vector_load %arg13[%get3A_776, %get3A_777] {strides = array<i32>} : memref<16x512xf32, #tpu.memory_space<vmem>>, vector<1x16xf32>,
      %get3A_779 = vector.shape_cast %get3A_778 : vector<1x16xf32> to vector<16xf32>
      %get3A_780 = arith.index_cast %scan3A_224 : i32 to index
      %get3A_781 = arith.constant 448 : index
      %get3A_782 = tpu.vector_load %arg14[%get3A_780, %get3A_781] {strides = array<i32>} : memref<16x512xf32, #tpu.memory_space<vmem>>, vector<1x16xf32>,
      %get3A_783 = vector.shape_cast %get3A_782 : vector<1x16xf32> to vector<16xf32>
      %mul3A_784 = arith.mulf %get3A_775, %get3A_783 : vector<16xf32>
      %add3A_785 = arith.addf %add3A_709, %get3A_783 : vector<16xf32>
      %mul3A_786 = arith.mulf %get3A_779, %get3A_783 : vector<16xf32>
      %add3A_787 = arith.addf %add3A_711, %mul3A_786 : vector<16xf32>
      %add3A_788 = arith.addf %add3A_712, %mul3A_784 : vector<16xf32>
      %mul3A_789 = arith.mulf %mul3A_784, %get3A_779 : vector<16xf32>
      %add3A_790 = arith.addf %add3A_714, %mul3A_789 : vector<16xf32>
      %get3A_791 = arith.index_cast %scan3A_224 : i32 to index
      %get3A_792 = arith.constant 464 : index
      %get3A_793 = tpu.vector_load %arg12[%get3A_791, %get3A_792] {strides = array<i32>} : memref<16x512xf32, #tpu.memory_space<vmem>>, vector<1x16xf32>,
      %get3A_794 = vector.shape_cast %get3A_793 : vector<1x16xf32> to vector<16xf32>
      %get3A_795 = arith.index_cast %scan3A_224 : i32 to index
      %get3A_796 = arith.constant 464 : index
      %get3A_797 = tpu.vector_load %arg13[%get3A_795, %get3A_796] {strides = array<i32>} : memref<16x512xf32, #tpu.memory_space<vmem>>, vector<1x16xf32>,
      %get3A_798 = vector.shape_cast %get3A_797 : vector<1x16xf32> to vector<16xf32>
      %get3A_799 = arith.index_cast %scan3A_224 : i32 to index
      %get3A_800 = arith.constant 464 : index
      %get3A_801 = tpu.vector_load %arg14[%get3A_799, %get3A_800] {strides = array<i32>} : memref<16x512xf32, #tpu.memory_space<vmem>>, vector<1x16xf32>,
      %get3A_802 = vector.shape_cast %get3A_801 : vector<1x16xf32> to vector<16xf32>
      %mul3A_803 = arith.mulf %get3A_794, %get3A_802 : vector<16xf32>
      %add3A_804 = arith.addf %add3A_728, %get3A_802 : vector<16xf32>
      %mul3A_805 = arith.mulf %get3A_798, %get3A_802 : vector<16xf32>
      %add3A_806 = arith.addf %add3A_730, %mul3A_805 : vector<16xf32>
      %add3A_807 = arith.addf %add3A_731, %mul3A_803 : vector<16xf32>
      %mul3A_808 = arith.mulf %mul3A_803, %get3A_798 : vector<16xf32>
      %add3A_809 = arith.addf %add3A_733, %mul3A_808 : vector<16xf32>
      %get3A_810 = arith.index_cast %scan3A_224 : i32 to index
      %get3A_811 = arith.constant 480 : index
      %get3A_812 = tpu.vector_load %arg12[%get3A_810, %get3A_811] {strides = array<i32>} : memref<16x512xf32, #tpu.memory_space<vmem>>, vector<1x16xf32>,
      %get3A_813 = vector.shape_cast %get3A_812 : vector<1x16xf32> to vector<16xf32>
      %get3A_814 = arith.index_cast %scan3A_224 : i32 to index
      %get3A_815 = arith.constant 480 : index
      %get3A_816 = tpu.vector_load %arg13[%get3A_814, %get3A_815] {strides = array<i32>} : memref<16x512xf32, #tpu.memory_space<vmem>>, vector<1x16xf32>,
      %get3A_817 = vector.shape_cast %get3A_816 : vector<1x16xf32> to vector<16xf32>
      %get3A_818 = arith.index_cast %scan3A_224 : i32 to index
      %get3A_819 = arith.constant 480 : index
      %get3A_820 = tpu.vector_load %arg14[%get3A_818, %get3A_819] {strides = array<i32>} : memref<16x512xf32, #tpu.memory_space<vmem>>, vector<1x16xf32>,
      %get3A_821 = vector.shape_cast %get3A_820 : vector<1x16xf32> to vector<16xf32>
      %mul3A_822 = arith.mulf %get3A_813, %get3A_821 : vector<16xf32>
      %add3A_823 = arith.addf %add3A_747, %get3A_821 : vector<16xf32>
      %mul3A_824 = arith.mulf %get3A_817, %get3A_821 : vector<16xf32>
      %add3A_825 = arith.addf %add3A_749, %mul3A_824 : vector<16xf32>
      %add3A_826 = arith.addf %add3A_750, %mul3A_822 : vector<16xf32>
      %mul3A_827 = arith.mulf %mul3A_822, %get3A_817 : vector<16xf32>
      %add3A_828 = arith.addf %add3A_752, %mul3A_827 : vector<16xf32>
      %get3A_829 = arith.index_cast %scan3A_224 : i32 to index
      %get3A_830 = arith.constant 496 : index
      %get3A_831 = tpu.vector_load %arg12[%get3A_829, %get3A_830] {strides = array<i32>} : memref<16x512xf32, #tpu.memory_space<vmem>>, vector<1x16xf32>,
      %get3A_832 = vector.shape_cast %get3A_831 : vector<1x16xf32> to vector<16xf32>
      %get3A_833 = arith.index_cast %scan3A_224 : i32 to index
      %get3A_834 = arith.constant 496 : index
      %get3A_835 = tpu.vector_load %arg13[%get3A_833, %get3A_834] {strides = array<i32>} : memref<16x512xf32, #tpu.memory_space<vmem>>, vector<1x16xf32>,
      %get3A_836 = vector.shape_cast %get3A_835 : vector<1x16xf32> to vector<16xf32>
      %get3A_837 = arith.index_cast %scan3A_224 : i32 to index
      %get3A_838 = arith.constant 496 : index
      %get3A_839 = tpu.vector_load %arg14[%get3A_837, %get3A_838] {strides = array<i32>} : memref<16x512xf32, #tpu.memory_space<vmem>>, vector<1x16xf32>,
      %get3A_840 = vector.shape_cast %get3A_839 : vector<1x16xf32> to vector<16xf32>
      %mul3A_841 = arith.mulf %get3A_832, %get3A_840 : vector<16xf32>
      %add3A_842 = arith.addf %add3A_766, %get3A_840 : vector<16xf32>
      %mul3A_843 = arith.mulf %get3A_836, %get3A_840 : vector<16xf32>
      %add3A_844 = arith.addf %add3A_768, %mul3A_843 : vector<16xf32>
      %add3A_845 = arith.addf %add3A_769, %mul3A_841 : vector<16xf32>
      %mul3A_846 = arith.mulf %mul3A_841, %get3A_836 : vector<16xf32>
      %add3A_847 = arith.addf %add3A_771, %mul3A_846 : vector<16xf32>
      scf.yield %add3A_785, %add3A_804, %add3A_823, %add3A_842, %add3A_787, %add3A_806, %add3A_825, %add3A_844, %add3A_788, %add3A_807, %add3A_826, %add3A_845, %add3A_790, %add3A_809, %add3A_828, %add3A_847 : vector<16xf32>, vector<16xf32>, vector<16xf32>, vector<16xf32>, vector<16xf32>, vector<16xf32>, vector<16xf32>, vector<16xf32>, vector<16xf32>, vector<16xf32>, vector<16xf32>, vector<16xf32>, vector<16xf32>, vector<16xf32>, vector<16xf32>, vector<16xf32>
    }
    %scan3A_148 = arith.constant 16 : i32
    %dma_wait3A_149 = arith.constant 0 : i32
    %dma_wait3A_150 = arith.constant 0 : i32
    %dma_wait3A_151 = tpu.memref_slice %arg2[%dma_wait3A_149, %dma_wait3A_150] : memref<8192x512xf32, #tpu.memory_space<hbm>> -> memref<16x512xf32, #tpu.memory_space<hbm>>
    %dma_wait3A_152 = arith.constant 0 : i32
    %dma_wait3A_153 = arith.constant 0 : i32
    %dma_wait3A_154 = tpu.memref_slice %arg2[%dma_wait3A_152, %dma_wait3A_153] : memref<8192x512xf32, #tpu.memory_space<hbm>> -> memref<16x512xf32, #tpu.memory_space<hbm>>
    tpu.wait_dma2 semaphore(%arg30 : memref<!tpu.dma_semaphore, #tpu.memory_space<semaphore_mem>>) src(%dma_wait3A_154 : memref<16x512xf32, #tpu.memory_space<hbm>>) dst(%arg15 : memref<16x512xf32, #tpu.memory_space<vmem>>)
    %dma_wait3A_155 = arith.constant 0 : i32
    %dma_wait3A_156 = arith.constant 0 : i32
    %dma_wait3A_157 = tpu.memref_slice %arg3[%dma_wait3A_155, %dma_wait3A_156] : memref<8192x512xf32, #tpu.memory_space<hbm>> -> memref<16x512xf32, #tpu.memory_space<hbm>>
    %dma_wait3A_158 = arith.constant 0 : i32
    %dma_wait3A_159 = arith.constant 0 : i32
    %dma_wait3A_160 = tpu.memref_slice %arg3[%dma_wait3A_158, %dma_wait3A_159] : memref<8192x512xf32, #tpu.memory_space<hbm>> -> memref<16x512xf32, #tpu.memory_space<hbm>>
    tpu.wait_dma2 semaphore(%arg31 : memref<!tpu.dma_semaphore, #tpu.memory_space<semaphore_mem>>) src(%dma_wait3A_160 : memref<16x512xf32, #tpu.memory_space<hbm>>) dst(%arg16 : memref<16x512xf32, #tpu.memory_space<vmem>>)
    %dma_wait3A_161 = arith.constant 0 : i32
    %dma_wait3A_162 = arith.constant 0 : i32
    %dma_wait3A_163 = tpu.memref_slice %arg4[%dma_wait3A_161, %dma_wait3A_162] : memref<8192x512xf32, #tpu.memory_space<hbm>> -> memref<16x512xf32, #tpu.memory_space<hbm>>
    %dma_wait3A_164 = arith.constant 0 : i32
    %dma_wait3A_165 = arith.constant 0 : i32
    %dma_wait3A_166 = tpu.memref_slice %arg4[%dma_wait3A_164, %dma_wait3A_165] : memref<8192x512xf32, #tpu.memory_space<hbm>> -> memref<16x512xf32, #tpu.memory_space<hbm>>
    tpu.wait_dma2 semaphore(%arg32 : memref<!tpu.dma_semaphore, #tpu.memory_space<semaphore_mem>>) src(%dma_wait3A_166 : memref<16x512xf32, #tpu.memory_space<hbm>>) dst(%arg17 : memref<16x512xf32, #tpu.memory_space<vmem>>)
    %scan3A_167 = arith.constant 0 : i32
    %scan3A_168 = arith.constant 16 : i32
    %scan3A_169 = arith.addi %scan3A_167, %scan3A_168 : i32
    %scan3A_170 = arith.constant 1 : i32
    %scan3A_171:16 = scf.for %scan3A_224 = %scan3A_167 to %scan3A_169 step %scan3A_170 iter_args(%scan3A_225 = %scan3A_147#0, %scan3A_226 = %scan3A_147#1, %scan3A_227 = %scan3A_147#2, %scan3A_228 = %scan3A_147#3, %scan3A_229 = %scan3A_147#4, %scan3A_230 = %scan3A_147#5, %scan3A_231 = %scan3A_147#6, %scan3A_232 = %scan3A_147#7, %scan3A_233 = %scan3A_147#8, %scan3A_234 = %scan3A_147#9, %scan3A_235 = %scan3A_147#10, %scan3A_236 = %scan3A_147#11, %scan3A_237 = %scan3A_147#12, %scan3A_238 = %scan3A_147#13, %scan3A_239 = %scan3A_147#14, %scan3A_240 = %scan3A_147#15) -> (vector<16xf32>, vector<16xf32>, vector<16xf32>, vector<16xf32>, vector<16xf32>, vector<16xf32>, vector<16xf32>, vector<16xf32>, vector<16xf32>, vector<16xf32>, vector<16xf32>, vector<16xf32>, vector<16xf32>, vector<16xf32>, vector<16xf32>, vector<16xf32>)  : i32 {
      %get3A = arith.index_cast %scan3A_224 : i32 to index
      %get3A_241 = arith.constant 0 : index
      %get3A_242 = tpu.vector_load %arg15[%get3A, %get3A_241] {strides = array<i32>} : memref<16x512xf32, #tpu.memory_space<vmem>>, vector<1x16xf32>,
      %get3A_243 = vector.shape_cast %get3A_242 : vector<1x16xf32> to vector<16xf32>
      %get3A_244 = arith.index_cast %scan3A_224 : i32 to index
      %get3A_245 = arith.constant 0 : index
      %get3A_246 = tpu.vector_load %arg16[%get3A_244, %get3A_245] {strides = array<i32>} : memref<16x512xf32, #tpu.memory_space<vmem>>, vector<1x16xf32>,
      %get3A_247 = vector.shape_cast %get3A_246 : vector<1x16xf32> to vector<16xf32>
      %get3A_248 = arith.index_cast %scan3A_224 : i32 to index
      %get3A_249 = arith.constant 0 : index
      %get3A_250 = tpu.vector_load %arg17[%get3A_248, %get3A_249] {strides = array<i32>} : memref<16x512xf32, #tpu.memory_space<vmem>>, vector<1x16xf32>,
      %get3A_251 = vector.shape_cast %get3A_250 : vector<1x16xf32> to vector<16xf32>
      %mul3A_252 = arith.mulf %get3A_243, %get3A_251 : vector<16xf32>
      %add3A_253 = arith.addf %scan3A_225, %get3A_251 : vector<16xf32>
      %mul3A_254 = arith.mulf %get3A_247, %get3A_251 : vector<16xf32>
      %add3A_255 = arith.addf %scan3A_229, %mul3A_254 : vector<16xf32>
      %add3A_256 = arith.addf %scan3A_233, %mul3A_252 : vector<16xf32>
      %mul3A_257 = arith.mulf %mul3A_252, %get3A_247 : vector<16xf32>
      %add3A_258 = arith.addf %scan3A_237, %mul3A_257 : vector<16xf32>
      %get3A_259 = arith.index_cast %scan3A_224 : i32 to index
      %get3A_260 = arith.constant 16 : index
      %get3A_261 = tpu.vector_load %arg15[%get3A_259, %get3A_260] {strides = array<i32>} : memref<16x512xf32, #tpu.memory_space<vmem>>, vector<1x16xf32>,
      %get3A_262 = vector.shape_cast %get3A_261 : vector<1x16xf32> to vector<16xf32>
      %get3A_263 = arith.index_cast %scan3A_224 : i32 to index
      %get3A_264 = arith.constant 16 : index
      %get3A_265 = tpu.vector_load %arg16[%get3A_263, %get3A_264] {strides = array<i32>} : memref<16x512xf32, #tpu.memory_space<vmem>>, vector<1x16xf32>,
      %get3A_266 = vector.shape_cast %get3A_265 : vector<1x16xf32> to vector<16xf32>
      %get3A_267 = arith.index_cast %scan3A_224 : i32 to index
      %get3A_268 = arith.constant 16 : index
      %get3A_269 = tpu.vector_load %arg17[%get3A_267, %get3A_268] {strides = array<i32>} : memref<16x512xf32, #tpu.memory_space<vmem>>, vector<1x16xf32>,
      %get3A_270 = vector.shape_cast %get3A_269 : vector<1x16xf32> to vector<16xf32>
      %mul3A_271 = arith.mulf %get3A_262, %get3A_270 : vector<16xf32>
      %add3A_272 = arith.addf %scan3A_226, %get3A_270 : vector<16xf32>
      %mul3A_273 = arith.mulf %get3A_266, %get3A_270 : vector<16xf32>
      %add3A_274 = arith.addf %scan3A_230, %mul3A_273 : vector<16xf32>
      %add3A_275 = arith.addf %scan3A_234, %mul3A_271 : vector<16xf32>
      %mul3A_276 = arith.mulf %mul3A_271, %get3A_266 : vector<16xf32>
      %add3A_277 = arith.addf %scan3A_238, %mul3A_276 : vector<16xf32>
      %get3A_278 = arith.index_cast %scan3A_224 : i32 to index
      %get3A_279 = arith.constant 32 : index
      %get3A_280 = tpu.vector_load %arg15[%get3A_278, %get3A_279] {strides = array<i32>} : memref<16x512xf32, #tpu.memory_space<vmem>>, vector<1x16xf32>,
      %get3A_281 = vector.shape_cast %get3A_280 : vector<1x16xf32> to vector<16xf32>
      %get3A_282 = arith.index_cast %scan3A_224 : i32 to index
      %get3A_283 = arith.constant 32 : index
      %get3A_284 = tpu.vector_load %arg16[%get3A_282, %get3A_283] {strides = array<i32>} : memref<16x512xf32, #tpu.memory_space<vmem>>, vector<1x16xf32>,
      %get3A_285 = vector.shape_cast %get3A_284 : vector<1x16xf32> to vector<16xf32>
      %get3A_286 = arith.index_cast %scan3A_224 : i32 to index
      %get3A_287 = arith.constant 32 : index
      %get3A_288 = tpu.vector_load %arg17[%get3A_286, %get3A_287] {strides = array<i32>} : memref<16x512xf32, #tpu.memory_space<vmem>>, vector<1x16xf32>,
      %get3A_289 = vector.shape_cast %get3A_288 : vector<1x16xf32> to vector<16xf32>
      %mul3A_290 = arith.mulf %get3A_281, %get3A_289 : vector<16xf32>
      %add3A_291 = arith.addf %scan3A_227, %get3A_289 : vector<16xf32>
      %mul3A_292 = arith.mulf %get3A_285, %get3A_289 : vector<16xf32>
      %add3A_293 = arith.addf %scan3A_231, %mul3A_292 : vector<16xf32>
      %add3A_294 = arith.addf %scan3A_235, %mul3A_290 : vector<16xf32>
      %mul3A_295 = arith.mulf %mul3A_290, %get3A_285 : vector<16xf32>
      %add3A_296 = arith.addf %scan3A_239, %mul3A_295 : vector<16xf32>
      %get3A_297 = arith.index_cast %scan3A_224 : i32 to index
      %get3A_298 = arith.constant 48 : index
      %get3A_299 = tpu.vector_load %arg15[%get3A_297, %get3A_298] {strides = array<i32>} : memref<16x512xf32, #tpu.memory_space<vmem>>, vector<1x16xf32>,
      %get3A_300 = vector.shape_cast %get3A_299 : vector<1x16xf32> to vector<16xf32>
      %get3A_301 = arith.index_cast %scan3A_224 : i32 to index
      %get3A_302 = arith.constant 48 : index
      %get3A_303 = tpu.vector_load %arg16[%get3A_301, %get3A_302] {strides = array<i32>} : memref<16x512xf32, #tpu.memory_space<vmem>>, vector<1x16xf32>,
      %get3A_304 = vector.shape_cast %get3A_303 : vector<1x16xf32> to vector<16xf32>
      %get3A_305 = arith.index_cast %scan3A_224 : i32 to index
      %get3A_306 = arith.constant 48 : index
      %get3A_307 = tpu.vector_load %arg17[%get3A_305, %get3A_306] {strides = array<i32>} : memref<16x512xf32, #tpu.memory_space<vmem>>, vector<1x16xf32>,
      %get3A_308 = vector.shape_cast %get3A_307 : vector<1x16xf32> to vector<16xf32>
      %mul3A_309 = arith.mulf %get3A_300, %get3A_308 : vector<16xf32>
      %add3A_310 = arith.addf %scan3A_228, %get3A_308 : vector<16xf32>
      %mul3A_311 = arith.mulf %get3A_304, %get3A_308 : vector<16xf32>
      %add3A_312 = arith.addf %scan3A_232, %mul3A_311 : vector<16xf32>
      %add3A_313 = arith.addf %scan3A_236, %mul3A_309 : vector<16xf32>
      %mul3A_314 = arith.mulf %mul3A_309, %get3A_304 : vector<16xf32>
      %add3A_315 = arith.addf %scan3A_240, %mul3A_314 : vector<16xf32>
      %get3A_316 = arith.index_cast %scan3A_224 : i32 to index
      %get3A_317 = arith.constant 64 : index
      %get3A_318 = tpu.vector_load %arg15[%get3A_316, %get3A_317] {strides = array<i32>} : memref<16x512xf32, #tpu.memory_space<vmem>>, vector<1x16xf32>,
      %get3A_319 = vector.shape_cast %get3A_318 : vector<1x16xf32> to vector<16xf32>
      %get3A_320 = arith.index_cast %scan3A_224 : i32 to index
      %get3A_321 = arith.constant 64 : index
      %get3A_322 = tpu.vector_load %arg16[%get3A_320, %get3A_321] {strides = array<i32>} : memref<16x512xf32, #tpu.memory_space<vmem>>, vector<1x16xf32>,
      %get3A_323 = vector.shape_cast %get3A_322 : vector<1x16xf32> to vector<16xf32>
      %get3A_324 = arith.index_cast %scan3A_224 : i32 to index
      %get3A_325 = arith.constant 64 : index
      %get3A_326 = tpu.vector_load %arg17[%get3A_324, %get3A_325] {strides = array<i32>} : memref<16x512xf32, #tpu.memory_space<vmem>>, vector<1x16xf32>,
      %get3A_327 = vector.shape_cast %get3A_326 : vector<1x16xf32> to vector<16xf32>
      %mul3A_328 = arith.mulf %get3A_319, %get3A_327 : vector<16xf32>
      %add3A_329 = arith.addf %add3A_253, %get3A_327 : vector<16xf32>
      %mul3A_330 = arith.mulf %get3A_323, %get3A_327 : vector<16xf32>
      %add3A_331 = arith.addf %add3A_255, %mul3A_330 : vector<16xf32>
      %add3A_332 = arith.addf %add3A_256, %mul3A_328 : vector<16xf32>
      %mul3A_333 = arith.mulf %mul3A_328, %get3A_323 : vector<16xf32>
      %add3A_334 = arith.addf %add3A_258, %mul3A_333 : vector<16xf32>
      %get3A_335 = arith.index_cast %scan3A_224 : i32 to index
      %get3A_336 = arith.constant 80 : index
      %get3A_337 = tpu.vector_load %arg15[%get3A_335, %get3A_336] {strides = array<i32>} : memref<16x512xf32, #tpu.memory_space<vmem>>, vector<1x16xf32>,
      %get3A_338 = vector.shape_cast %get3A_337 : vector<1x16xf32> to vector<16xf32>
      %get3A_339 = arith.index_cast %scan3A_224 : i32 to index
      %get3A_340 = arith.constant 80 : index
      %get3A_341 = tpu.vector_load %arg16[%get3A_339, %get3A_340] {strides = array<i32>} : memref<16x512xf32, #tpu.memory_space<vmem>>, vector<1x16xf32>,
      %get3A_342 = vector.shape_cast %get3A_341 : vector<1x16xf32> to vector<16xf32>
      %get3A_343 = arith.index_cast %scan3A_224 : i32 to index
      %get3A_344 = arith.constant 80 : index
      %get3A_345 = tpu.vector_load %arg17[%get3A_343, %get3A_344] {strides = array<i32>} : memref<16x512xf32, #tpu.memory_space<vmem>>, vector<1x16xf32>,
      %get3A_346 = vector.shape_cast %get3A_345 : vector<1x16xf32> to vector<16xf32>
      %mul3A_347 = arith.mulf %get3A_338, %get3A_346 : vector<16xf32>
      %add3A_348 = arith.addf %add3A_272, %get3A_346 : vector<16xf32>
      %mul3A_349 = arith.mulf %get3A_342, %get3A_346 : vector<16xf32>
      %add3A_350 = arith.addf %add3A_274, %mul3A_349 : vector<16xf32>
      %add3A_351 = arith.addf %add3A_275, %mul3A_347 : vector<16xf32>
      %mul3A_352 = arith.mulf %mul3A_347, %get3A_342 : vector<16xf32>
      %add3A_353 = arith.addf %add3A_277, %mul3A_352 : vector<16xf32>
      %get3A_354 = arith.index_cast %scan3A_224 : i32 to index
      %get3A_355 = arith.constant 96 : index
      %get3A_356 = tpu.vector_load %arg15[%get3A_354, %get3A_355] {strides = array<i32>} : memref<16x512xf32, #tpu.memory_space<vmem>>, vector<1x16xf32>,
      %get3A_357 = vector.shape_cast %get3A_356 : vector<1x16xf32> to vector<16xf32>
      %get3A_358 = arith.index_cast %scan3A_224 : i32 to index
      %get3A_359 = arith.constant 96 : index
      %get3A_360 = tpu.vector_load %arg16[%get3A_358, %get3A_359] {strides = array<i32>} : memref<16x512xf32, #tpu.memory_space<vmem>>, vector<1x16xf32>,
      %get3A_361 = vector.shape_cast %get3A_360 : vector<1x16xf32> to vector<16xf32>
      %get3A_362 = arith.index_cast %scan3A_224 : i32 to index
      %get3A_363 = arith.constant 96 : index
      %get3A_364 = tpu.vector_load %arg17[%get3A_362, %get3A_363] {strides = array<i32>} : memref<16x512xf32, #tpu.memory_space<vmem>>, vector<1x16xf32>,
      %get3A_365 = vector.shape_cast %get3A_364 : vector<1x16xf32> to vector<16xf32>
      %mul3A_366 = arith.mulf %get3A_357, %get3A_365 : vector<16xf32>
      %add3A_367 = arith.addf %add3A_291, %get3A_365 : vector<16xf32>
      %mul3A_368 = arith.mulf %get3A_361, %get3A_365 : vector<16xf32>
      %add3A_369 = arith.addf %add3A_293, %mul3A_368 : vector<16xf32>
      %add3A_370 = arith.addf %add3A_294, %mul3A_366 : vector<16xf32>
      %mul3A_371 = arith.mulf %mul3A_366, %get3A_361 : vector<16xf32>
      %add3A_372 = arith.addf %add3A_296, %mul3A_371 : vector<16xf32>
      %get3A_373 = arith.index_cast %scan3A_224 : i32 to index
      %get3A_374 = arith.constant 112 : index
      %get3A_375 = tpu.vector_load %arg15[%get3A_373, %get3A_374] {strides = array<i32>} : memref<16x512xf32, #tpu.memory_space<vmem>>, vector<1x16xf32>,
      %get3A_376 = vector.shape_cast %get3A_375 : vector<1x16xf32> to vector<16xf32>
      %get3A_377 = arith.index_cast %scan3A_224 : i32 to index
      %get3A_378 = arith.constant 112 : index
      %get3A_379 = tpu.vector_load %arg16[%get3A_377, %get3A_378] {strides = array<i32>} : memref<16x512xf32, #tpu.memory_space<vmem>>, vector<1x16xf32>,
      %get3A_380 = vector.shape_cast %get3A_379 : vector<1x16xf32> to vector<16xf32>
      %get3A_381 = arith.index_cast %scan3A_224 : i32 to index
      %get3A_382 = arith.constant 112 : index
      %get3A_383 = tpu.vector_load %arg17[%get3A_381, %get3A_382] {strides = array<i32>} : memref<16x512xf32, #tpu.memory_space<vmem>>, vector<1x16xf32>,
      %get3A_384 = vector.shape_cast %get3A_383 : vector<1x16xf32> to vector<16xf32>
      %mul3A_385 = arith.mulf %get3A_376, %get3A_384 : vector<16xf32>
      %add3A_386 = arith.addf %add3A_310, %get3A_384 : vector<16xf32>
      %mul3A_387 = arith.mulf %get3A_380, %get3A_384 : vector<16xf32>
      %add3A_388 = arith.addf %add3A_312, %mul3A_387 : vector<16xf32>
      %add3A_389 = arith.addf %add3A_313, %mul3A_385 : vector<16xf32>
      %mul3A_390 = arith.mulf %mul3A_385, %get3A_380 : vector<16xf32>
      %add3A_391 = arith.addf %add3A_315, %mul3A_390 : vector<16xf32>
      %get3A_392 = arith.index_cast %scan3A_224 : i32 to index
      %get3A_393 = arith.constant 128 : index
      %get3A_394 = tpu.vector_load %arg15[%get3A_392, %get3A_393] {strides = array<i32>} : memref<16x512xf32, #tpu.memory_space<vmem>>, vector<1x16xf32>,
      %get3A_395 = vector.shape_cast %get3A_394 : vector<1x16xf32> to vector<16xf32>
      %get3A_396 = arith.index_cast %scan3A_224 : i32 to index
      %get3A_397 = arith.constant 128 : index
      %get3A_398 = tpu.vector_load %arg16[%get3A_396, %get3A_397] {strides = array<i32>} : memref<16x512xf32, #tpu.memory_space<vmem>>, vector<1x16xf32>,
      %get3A_399 = vector.shape_cast %get3A_398 : vector<1x16xf32> to vector<16xf32>
      %get3A_400 = arith.index_cast %scan3A_224 : i32 to index
      %get3A_401 = arith.constant 128 : index
      %get3A_402 = tpu.vector_load %arg17[%get3A_400, %get3A_401] {strides = array<i32>} : memref<16x512xf32, #tpu.memory_space<vmem>>, vector<1x16xf32>,
      %get3A_403 = vector.shape_cast %get3A_402 : vector<1x16xf32> to vector<16xf32>
      %mul3A_404 = arith.mulf %get3A_395, %get3A_403 : vector<16xf32>
      %add3A_405 = arith.addf %add3A_329, %get3A_403 : vector<16xf32>
      %mul3A_406 = arith.mulf %get3A_399, %get3A_403 : vector<16xf32>
      %add3A_407 = arith.addf %add3A_331, %mul3A_406 : vector<16xf32>
      %add3A_408 = arith.addf %add3A_332, %mul3A_404 : vector<16xf32>
      %mul3A_409 = arith.mulf %mul3A_404, %get3A_399 : vector<16xf32>
      %add3A_410 = arith.addf %add3A_334, %mul3A_409 : vector<16xf32>
      %get3A_411 = arith.index_cast %scan3A_224 : i32 to index
      %get3A_412 = arith.constant 144 : index
      %get3A_413 = tpu.vector_load %arg15[%get3A_411, %get3A_412] {strides = array<i32>} : memref<16x512xf32, #tpu.memory_space<vmem>>, vector<1x16xf32>,
      %get3A_414 = vector.shape_cast %get3A_413 : vector<1x16xf32> to vector<16xf32>
      %get3A_415 = arith.index_cast %scan3A_224 : i32 to index
      %get3A_416 = arith.constant 144 : index
      %get3A_417 = tpu.vector_load %arg16[%get3A_415, %get3A_416] {strides = array<i32>} : memref<16x512xf32, #tpu.memory_space<vmem>>, vector<1x16xf32>,
      %get3A_418 = vector.shape_cast %get3A_417 : vector<1x16xf32> to vector<16xf32>
      %get3A_419 = arith.index_cast %scan3A_224 : i32 to index
      %get3A_420 = arith.constant 144 : index
      %get3A_421 = tpu.vector_load %arg17[%get3A_419, %get3A_420] {strides = array<i32>} : memref<16x512xf32, #tpu.memory_space<vmem>>, vector<1x16xf32>,
      %get3A_422 = vector.shape_cast %get3A_421 : vector<1x16xf32> to vector<16xf32>
      %mul3A_423 = arith.mulf %get3A_414, %get3A_422 : vector<16xf32>
      %add3A_424 = arith.addf %add3A_348, %get3A_422 : vector<16xf32>
      %mul3A_425 = arith.mulf %get3A_418, %get3A_422 : vector<16xf32>
      %add3A_426 = arith.addf %add3A_350, %mul3A_425 : vector<16xf32>
      %add3A_427 = arith.addf %add3A_351, %mul3A_423 : vector<16xf32>
      %mul3A_428 = arith.mulf %mul3A_423, %get3A_418 : vector<16xf32>
      %add3A_429 = arith.addf %add3A_353, %mul3A_428 : vector<16xf32>
      %get3A_430 = arith.index_cast %scan3A_224 : i32 to index
      %get3A_431 = arith.constant 160 : index
      %get3A_432 = tpu.vector_load %arg15[%get3A_430, %get3A_431] {strides = array<i32>} : memref<16x512xf32, #tpu.memory_space<vmem>>, vector<1x16xf32>,
      %get3A_433 = vector.shape_cast %get3A_432 : vector<1x16xf32> to vector<16xf32>
      %get3A_434 = arith.index_cast %scan3A_224 : i32 to index
      %get3A_435 = arith.constant 160 : index
      %get3A_436 = tpu.vector_load %arg16[%get3A_434, %get3A_435] {strides = array<i32>} : memref<16x512xf32, #tpu.memory_space<vmem>>, vector<1x16xf32>,
      %get3A_437 = vector.shape_cast %get3A_436 : vector<1x16xf32> to vector<16xf32>
      %get3A_438 = arith.index_cast %scan3A_224 : i32 to index
      %get3A_439 = arith.constant 160 : index
      %get3A_440 = tpu.vector_load %arg17[%get3A_438, %get3A_439] {strides = array<i32>} : memref<16x512xf32, #tpu.memory_space<vmem>>, vector<1x16xf32>,
      %get3A_441 = vector.shape_cast %get3A_440 : vector<1x16xf32> to vector<16xf32>
      %mul3A_442 = arith.mulf %get3A_433, %get3A_441 : vector<16xf32>
      %add3A_443 = arith.addf %add3A_367, %get3A_441 : vector<16xf32>
      %mul3A_444 = arith.mulf %get3A_437, %get3A_441 : vector<16xf32>
      %add3A_445 = arith.addf %add3A_369, %mul3A_444 : vector<16xf32>
      %add3A_446 = arith.addf %add3A_370, %mul3A_442 : vector<16xf32>
      %mul3A_447 = arith.mulf %mul3A_442, %get3A_437 : vector<16xf32>
      %add3A_448 = arith.addf %add3A_372, %mul3A_447 : vector<16xf32>
      %get3A_449 = arith.index_cast %scan3A_224 : i32 to index
      %get3A_450 = arith.constant 176 : index
      %get3A_451 = tpu.vector_load %arg15[%get3A_449, %get3A_450] {strides = array<i32>} : memref<16x512xf32, #tpu.memory_space<vmem>>, vector<1x16xf32>,
      %get3A_452 = vector.shape_cast %get3A_451 : vector<1x16xf32> to vector<16xf32>
      %get3A_453 = arith.index_cast %scan3A_224 : i32 to index
      %get3A_454 = arith.constant 176 : index
      %get3A_455 = tpu.vector_load %arg16[%get3A_453, %get3A_454] {strides = array<i32>} : memref<16x512xf32, #tpu.memory_space<vmem>>, vector<1x16xf32>,
      %get3A_456 = vector.shape_cast %get3A_455 : vector<1x16xf32> to vector<16xf32>
      %get3A_457 = arith.index_cast %scan3A_224 : i32 to index
      %get3A_458 = arith.constant 176 : index
      %get3A_459 = tpu.vector_load %arg17[%get3A_457, %get3A_458] {strides = array<i32>} : memref<16x512xf32, #tpu.memory_space<vmem>>, vector<1x16xf32>,
      %get3A_460 = vector.shape_cast %get3A_459 : vector<1x16xf32> to vector<16xf32>
      %mul3A_461 = arith.mulf %get3A_452, %get3A_460 : vector<16xf32>
      %add3A_462 = arith.addf %add3A_386, %get3A_460 : vector<16xf32>
      %mul3A_463 = arith.mulf %get3A_456, %get3A_460 : vector<16xf32>
      %add3A_464 = arith.addf %add3A_388, %mul3A_463 : vector<16xf32>
      %add3A_465 = arith.addf %add3A_389, %mul3A_461 : vector<16xf32>
      %mul3A_466 = arith.mulf %mul3A_461, %get3A_456 : vector<16xf32>
      %add3A_467 = arith.addf %add3A_391, %mul3A_466 : vector<16xf32>
      %get3A_468 = arith.index_cast %scan3A_224 : i32 to index
      %get3A_469 = arith.constant 192 : index
      %get3A_470 = tpu.vector_load %arg15[%get3A_468, %get3A_469] {strides = array<i32>} : memref<16x512xf32, #tpu.memory_space<vmem>>, vector<1x16xf32>,
      %get3A_471 = vector.shape_cast %get3A_470 : vector<1x16xf32> to vector<16xf32>
      %get3A_472 = arith.index_cast %scan3A_224 : i32 to index
      %get3A_473 = arith.constant 192 : index
      %get3A_474 = tpu.vector_load %arg16[%get3A_472, %get3A_473] {strides = array<i32>} : memref<16x512xf32, #tpu.memory_space<vmem>>, vector<1x16xf32>,
      %get3A_475 = vector.shape_cast %get3A_474 : vector<1x16xf32> to vector<16xf32>
      %get3A_476 = arith.index_cast %scan3A_224 : i32 to index
      %get3A_477 = arith.constant 192 : index
      %get3A_478 = tpu.vector_load %arg17[%get3A_476, %get3A_477] {strides = array<i32>} : memref<16x512xf32, #tpu.memory_space<vmem>>, vector<1x16xf32>,
      %get3A_479 = vector.shape_cast %get3A_478 : vector<1x16xf32> to vector<16xf32>
      %mul3A_480 = arith.mulf %get3A_471, %get3A_479 : vector<16xf32>
      %add3A_481 = arith.addf %add3A_405, %get3A_479 : vector<16xf32>
      %mul3A_482 = arith.mulf %get3A_475, %get3A_479 : vector<16xf32>
      %add3A_483 = arith.addf %add3A_407, %mul3A_482 : vector<16xf32>
      %add3A_484 = arith.addf %add3A_408, %mul3A_480 : vector<16xf32>
      %mul3A_485 = arith.mulf %mul3A_480, %get3A_475 : vector<16xf32>
      %add3A_486 = arith.addf %add3A_410, %mul3A_485 : vector<16xf32>
      %get3A_487 = arith.index_cast %scan3A_224 : i32 to index
      %get3A_488 = arith.constant 208 : index
      %get3A_489 = tpu.vector_load %arg15[%get3A_487, %get3A_488] {strides = array<i32>} : memref<16x512xf32, #tpu.memory_space<vmem>>, vector<1x16xf32>,
      %get3A_490 = vector.shape_cast %get3A_489 : vector<1x16xf32> to vector<16xf32>
      %get3A_491 = arith.index_cast %scan3A_224 : i32 to index
      %get3A_492 = arith.constant 208 : index
      %get3A_493 = tpu.vector_load %arg16[%get3A_491, %get3A_492] {strides = array<i32>} : memref<16x512xf32, #tpu.memory_space<vmem>>, vector<1x16xf32>,
      %get3A_494 = vector.shape_cast %get3A_493 : vector<1x16xf32> to vector<16xf32>
      %get3A_495 = arith.index_cast %scan3A_224 : i32 to index
      %get3A_496 = arith.constant 208 : index
      %get3A_497 = tpu.vector_load %arg17[%get3A_495, %get3A_496] {strides = array<i32>} : memref<16x512xf32, #tpu.memory_space<vmem>>, vector<1x16xf32>,
      %get3A_498 = vector.shape_cast %get3A_497 : vector<1x16xf32> to vector<16xf32>
      %mul3A_499 = arith.mulf %get3A_490, %get3A_498 : vector<16xf32>
      %add3A_500 = arith.addf %add3A_424, %get3A_498 : vector<16xf32>
      %mul3A_501 = arith.mulf %get3A_494, %get3A_498 : vector<16xf32>
      %add3A_502 = arith.addf %add3A_426, %mul3A_501 : vector<16xf32>
      %add3A_503 = arith.addf %add3A_427, %mul3A_499 : vector<16xf32>
      %mul3A_504 = arith.mulf %mul3A_499, %get3A_494 : vector<16xf32>
      %add3A_505 = arith.addf %add3A_429, %mul3A_504 : vector<16xf32>
      %get3A_506 = arith.index_cast %scan3A_224 : i32 to index
      %get3A_507 = arith.constant 224 : index
      %get3A_508 = tpu.vector_load %arg15[%get3A_506, %get3A_507] {strides = array<i32>} : memref<16x512xf32, #tpu.memory_space<vmem>>, vector<1x16xf32>,
      %get3A_509 = vector.shape_cast %get3A_508 : vector<1x16xf32> to vector<16xf32>
      %get3A_510 = arith.index_cast %scan3A_224 : i32 to index
      %get3A_511 = arith.constant 224 : index
      %get3A_512 = tpu.vector_load %arg16[%get3A_510, %get3A_511] {strides = array<i32>} : memref<16x512xf32, #tpu.memory_space<vmem>>, vector<1x16xf32>,
      %get3A_513 = vector.shape_cast %get3A_512 : vector<1x16xf32> to vector<16xf32>
      %get3A_514 = arith.index_cast %scan3A_224 : i32 to index
      %get3A_515 = arith.constant 224 : index
      %get3A_516 = tpu.vector_load %arg17[%get3A_514, %get3A_515] {strides = array<i32>} : memref<16x512xf32, #tpu.memory_space<vmem>>, vector<1x16xf32>,
      %get3A_517 = vector.shape_cast %get3A_516 : vector<1x16xf32> to vector<16xf32>
      %mul3A_518 = arith.mulf %get3A_509, %get3A_517 : vector<16xf32>
      %add3A_519 = arith.addf %add3A_443, %get3A_517 : vector<16xf32>
      %mul3A_520 = arith.mulf %get3A_513, %get3A_517 : vector<16xf32>
      %add3A_521 = arith.addf %add3A_445, %mul3A_520 : vector<16xf32>
      %add3A_522 = arith.addf %add3A_446, %mul3A_518 : vector<16xf32>
      %mul3A_523 = arith.mulf %mul3A_518, %get3A_513 : vector<16xf32>
      %add3A_524 = arith.addf %add3A_448, %mul3A_523 : vector<16xf32>
      %get3A_525 = arith.index_cast %scan3A_224 : i32 to index
      %get3A_526 = arith.constant 240 : index
      %get3A_527 = tpu.vector_load %arg15[%get3A_525, %get3A_526] {strides = array<i32>} : memref<16x512xf32, #tpu.memory_space<vmem>>, vector<1x16xf32>,
      %get3A_528 = vector.shape_cast %get3A_527 : vector<1x16xf32> to vector<16xf32>
      %get3A_529 = arith.index_cast %scan3A_224 : i32 to index
      %get3A_530 = arith.constant 240 : index
      %get3A_531 = tpu.vector_load %arg16[%get3A_529, %get3A_530] {strides = array<i32>} : memref<16x512xf32, #tpu.memory_space<vmem>>, vector<1x16xf32>,
      %get3A_532 = vector.shape_cast %get3A_531 : vector<1x16xf32> to vector<16xf32>
      %get3A_533 = arith.index_cast %scan3A_224 : i32 to index
      %get3A_534 = arith.constant 240 : index
      %get3A_535 = tpu.vector_load %arg17[%get3A_533, %get3A_534] {strides = array<i32>} : memref<16x512xf32, #tpu.memory_space<vmem>>, vector<1x16xf32>,
      %get3A_536 = vector.shape_cast %get3A_535 : vector<1x16xf32> to vector<16xf32>
      %mul3A_537 = arith.mulf %get3A_528, %get3A_536 : vector<16xf32>
      %add3A_538 = arith.addf %add3A_462, %get3A_536 : vector<16xf32>
      %mul3A_539 = arith.mulf %get3A_532, %get3A_536 : vector<16xf32>
      %add3A_540 = arith.addf %add3A_464, %mul3A_539 : vector<16xf32>
      %add3A_541 = arith.addf %add3A_465, %mul3A_537 : vector<16xf32>
      %mul3A_542 = arith.mulf %mul3A_537, %get3A_532 : vector<16xf32>
      %add3A_543 = arith.addf %add3A_467, %mul3A_542 : vector<16xf32>
      %get3A_544 = arith.index_cast %scan3A_224 : i32 to index
      %get3A_545 = arith.constant 256 : index
      %get3A_546 = tpu.vector_load %arg15[%get3A_544, %get3A_545] {strides = array<i32>} : memref<16x512xf32, #tpu.memory_space<vmem>>, vector<1x16xf32>,
      %get3A_547 = vector.shape_cast %get3A_546 : vector<1x16xf32> to vector<16xf32>
      %get3A_548 = arith.index_cast %scan3A_224 : i32 to index
      %get3A_549 = arith.constant 256 : index
      %get3A_550 = tpu.vector_load %arg16[%get3A_548, %get3A_549] {strides = array<i32>} : memref<16x512xf32, #tpu.memory_space<vmem>>, vector<1x16xf32>,
      %get3A_551 = vector.shape_cast %get3A_550 : vector<1x16xf32> to vector<16xf32>
      %get3A_552 = arith.index_cast %scan3A_224 : i32 to index
      %get3A_553 = arith.constant 256 : index
      %get3A_554 = tpu.vector_load %arg17[%get3A_552, %get3A_553] {strides = array<i32>} : memref<16x512xf32, #tpu.memory_space<vmem>>, vector<1x16xf32>,
      %get3A_555 = vector.shape_cast %get3A_554 : vector<1x16xf32> to vector<16xf32>
      %mul3A_556 = arith.mulf %get3A_547, %get3A_555 : vector<16xf32>
      %add3A_557 = arith.addf %add3A_481, %get3A_555 : vector<16xf32>
      %mul3A_558 = arith.mulf %get3A_551, %get3A_555 : vector<16xf32>
      %add3A_559 = arith.addf %add3A_483, %mul3A_558 : vector<16xf32>
      %add3A_560 = arith.addf %add3A_484, %mul3A_556 : vector<16xf32>
      %mul3A_561 = arith.mulf %mul3A_556, %get3A_551 : vector<16xf32>
      %add3A_562 = arith.addf %add3A_486, %mul3A_561 : vector<16xf32>
      %get3A_563 = arith.index_cast %scan3A_224 : i32 to index
      %get3A_564 = arith.constant 272 : index
      %get3A_565 = tpu.vector_load %arg15[%get3A_563, %get3A_564] {strides = array<i32>} : memref<16x512xf32, #tpu.memory_space<vmem>>, vector<1x16xf32>,
      %get3A_566 = vector.shape_cast %get3A_565 : vector<1x16xf32> to vector<16xf32>
      %get3A_567 = arith.index_cast %scan3A_224 : i32 to index
      %get3A_568 = arith.constant 272 : index
      %get3A_569 = tpu.vector_load %arg16[%get3A_567, %get3A_568] {strides = array<i32>} : memref<16x512xf32, #tpu.memory_space<vmem>>, vector<1x16xf32>,
      %get3A_570 = vector.shape_cast %get3A_569 : vector<1x16xf32> to vector<16xf32>
      %get3A_571 = arith.index_cast %scan3A_224 : i32 to index
      %get3A_572 = arith.constant 272 : index
      %get3A_573 = tpu.vector_load %arg17[%get3A_571, %get3A_572] {strides = array<i32>} : memref<16x512xf32, #tpu.memory_space<vmem>>, vector<1x16xf32>,
      %get3A_574 = vector.shape_cast %get3A_573 : vector<1x16xf32> to vector<16xf32>
      %mul3A_575 = arith.mulf %get3A_566, %get3A_574 : vector<16xf32>
      %add3A_576 = arith.addf %add3A_500, %get3A_574 : vector<16xf32>
      %mul3A_577 = arith.mulf %get3A_570, %get3A_574 : vector<16xf32>
      %add3A_578 = arith.addf %add3A_502, %mul3A_577 : vector<16xf32>
      %add3A_579 = arith.addf %add3A_503, %mul3A_575 : vector<16xf32>
      %mul3A_580 = arith.mulf %mul3A_575, %get3A_570 : vector<16xf32>
      %add3A_581 = arith.addf %add3A_505, %mul3A_580 : vector<16xf32>
      %get3A_582 = arith.index_cast %scan3A_224 : i32 to index
      %get3A_583 = arith.constant 288 : index
      %get3A_584 = tpu.vector_load %arg15[%get3A_582, %get3A_583] {strides = array<i32>} : memref<16x512xf32, #tpu.memory_space<vmem>>, vector<1x16xf32>,
      %get3A_585 = vector.shape_cast %get3A_584 : vector<1x16xf32> to vector<16xf32>
      %get3A_586 = arith.index_cast %scan3A_224 : i32 to index
      %get3A_587 = arith.constant 288 : index
      %get3A_588 = tpu.vector_load %arg16[%get3A_586, %get3A_587] {strides = array<i32>} : memref<16x512xf32, #tpu.memory_space<vmem>>, vector<1x16xf32>,
      %get3A_589 = vector.shape_cast %get3A_588 : vector<1x16xf32> to vector<16xf32>
      %get3A_590 = arith.index_cast %scan3A_224 : i32 to index
      %get3A_591 = arith.constant 288 : index
      %get3A_592 = tpu.vector_load %arg17[%get3A_590, %get3A_591] {strides = array<i32>} : memref<16x512xf32, #tpu.memory_space<vmem>>, vector<1x16xf32>,
      %get3A_593 = vector.shape_cast %get3A_592 : vector<1x16xf32> to vector<16xf32>
      %mul3A_594 = arith.mulf %get3A_585, %get3A_593 : vector<16xf32>
      %add3A_595 = arith.addf %add3A_519, %get3A_593 : vector<16xf32>
      %mul3A_596 = arith.mulf %get3A_589, %get3A_593 : vector<16xf32>
      %add3A_597 = arith.addf %add3A_521, %mul3A_596 : vector<16xf32>
      %add3A_598 = arith.addf %add3A_522, %mul3A_594 : vector<16xf32>
      %mul3A_599 = arith.mulf %mul3A_594, %get3A_589 : vector<16xf32>
      %add3A_600 = arith.addf %add3A_524, %mul3A_599 : vector<16xf32>
      %get3A_601 = arith.index_cast %scan3A_224 : i32 to index
      %get3A_602 = arith.constant 304 : index
      %get3A_603 = tpu.vector_load %arg15[%get3A_601, %get3A_602] {strides = array<i32>} : memref<16x512xf32, #tpu.memory_space<vmem>>, vector<1x16xf32>,
      %get3A_604 = vector.shape_cast %get3A_603 : vector<1x16xf32> to vector<16xf32>
      %get3A_605 = arith.index_cast %scan3A_224 : i32 to index
      %get3A_606 = arith.constant 304 : index
      %get3A_607 = tpu.vector_load %arg16[%get3A_605, %get3A_606] {strides = array<i32>} : memref<16x512xf32, #tpu.memory_space<vmem>>, vector<1x16xf32>,
      %get3A_608 = vector.shape_cast %get3A_607 : vector<1x16xf32> to vector<16xf32>
      %get3A_609 = arith.index_cast %scan3A_224 : i32 to index
      %get3A_610 = arith.constant 304 : index
      %get3A_611 = tpu.vector_load %arg17[%get3A_609, %get3A_610] {strides = array<i32>} : memref<16x512xf32, #tpu.memory_space<vmem>>, vector<1x16xf32>,
      %get3A_612 = vector.shape_cast %get3A_611 : vector<1x16xf32> to vector<16xf32>
      %mul3A_613 = arith.mulf %get3A_604, %get3A_612 : vector<16xf32>
      %add3A_614 = arith.addf %add3A_538, %get3A_612 : vector<16xf32>
      %mul3A_615 = arith.mulf %get3A_608, %get3A_612 : vector<16xf32>
      %add3A_616 = arith.addf %add3A_540, %mul3A_615 : vector<16xf32>
      %add3A_617 = arith.addf %add3A_541, %mul3A_613 : vector<16xf32>
      %mul3A_618 = arith.mulf %mul3A_613, %get3A_608 : vector<16xf32>
      %add3A_619 = arith.addf %add3A_543, %mul3A_618 : vector<16xf32>
      %get3A_620 = arith.index_cast %scan3A_224 : i32 to index
      %get3A_621 = arith.constant 320 : index
      %get3A_622 = tpu.vector_load %arg15[%get3A_620, %get3A_621] {strides = array<i32>} : memref<16x512xf32, #tpu.memory_space<vmem>>, vector<1x16xf32>,
      %get3A_623 = vector.shape_cast %get3A_622 : vector<1x16xf32> to vector<16xf32>
      %get3A_624 = arith.index_cast %scan3A_224 : i32 to index
      %get3A_625 = arith.constant 320 : index
      %get3A_626 = tpu.vector_load %arg16[%get3A_624, %get3A_625] {strides = array<i32>} : memref<16x512xf32, #tpu.memory_space<vmem>>, vector<1x16xf32>,
      %get3A_627 = vector.shape_cast %get3A_626 : vector<1x16xf32> to vector<16xf32>
      %get3A_628 = arith.index_cast %scan3A_224 : i32 to index
      %get3A_629 = arith.constant 320 : index
      %get3A_630 = tpu.vector_load %arg17[%get3A_628, %get3A_629] {strides = array<i32>} : memref<16x512xf32, #tpu.memory_space<vmem>>, vector<1x16xf32>,
      %get3A_631 = vector.shape_cast %get3A_630 : vector<1x16xf32> to vector<16xf32>
      %mul3A_632 = arith.mulf %get3A_623, %get3A_631 : vector<16xf32>
      %add3A_633 = arith.addf %add3A_557, %get3A_631 : vector<16xf32>
      %mul3A_634 = arith.mulf %get3A_627, %get3A_631 : vector<16xf32>
      %add3A_635 = arith.addf %add3A_559, %mul3A_634 : vector<16xf32>
      %add3A_636 = arith.addf %add3A_560, %mul3A_632 : vector<16xf32>
      %mul3A_637 = arith.mulf %mul3A_632, %get3A_627 : vector<16xf32>
      %add3A_638 = arith.addf %add3A_562, %mul3A_637 : vector<16xf32>
      %get3A_639 = arith.index_cast %scan3A_224 : i32 to index
      %get3A_640 = arith.constant 336 : index
      %get3A_641 = tpu.vector_load %arg15[%get3A_639, %get3A_640] {strides = array<i32>} : memref<16x512xf32, #tpu.memory_space<vmem>>, vector<1x16xf32>,
      %get3A_642 = vector.shape_cast %get3A_641 : vector<1x16xf32> to vector<16xf32>
      %get3A_643 = arith.index_cast %scan3A_224 : i32 to index
      %get3A_644 = arith.constant 336 : index
      %get3A_645 = tpu.vector_load %arg16[%get3A_643, %get3A_644] {strides = array<i32>} : memref<16x512xf32, #tpu.memory_space<vmem>>, vector<1x16xf32>,
      %get3A_646 = vector.shape_cast %get3A_645 : vector<1x16xf32> to vector<16xf32>
      %get3A_647 = arith.index_cast %scan3A_224 : i32 to index
      %get3A_648 = arith.constant 336 : index
      %get3A_649 = tpu.vector_load %arg17[%get3A_647, %get3A_648] {strides = array<i32>} : memref<16x512xf32, #tpu.memory_space<vmem>>, vector<1x16xf32>,
      %get3A_650 = vector.shape_cast %get3A_649 : vector<1x16xf32> to vector<16xf32>
      %mul3A_651 = arith.mulf %get3A_642, %get3A_650 : vector<16xf32>
      %add3A_652 = arith.addf %add3A_576, %get3A_650 : vector<16xf32>
      %mul3A_653 = arith.mulf %get3A_646, %get3A_650 : vector<16xf32>
      %add3A_654 = arith.addf %add3A_578, %mul3A_653 : vector<16xf32>
      %add3A_655 = arith.addf %add3A_579, %mul3A_651 : vector<16xf32>
      %mul3A_656 = arith.mulf %mul3A_651, %get3A_646 : vector<16xf32>
      %add3A_657 = arith.addf %add3A_581, %mul3A_656 : vector<16xf32>
      %get3A_658 = arith.index_cast %scan3A_224 : i32 to index
      %get3A_659 = arith.constant 352 : index
      %get3A_660 = tpu.vector_load %arg15[%get3A_658, %get3A_659] {strides = array<i32>} : memref<16x512xf32, #tpu.memory_space<vmem>>, vector<1x16xf32>,
      %get3A_661 = vector.shape_cast %get3A_660 : vector<1x16xf32> to vector<16xf32>
      %get3A_662 = arith.index_cast %scan3A_224 : i32 to index
      %get3A_663 = arith.constant 352 : index
      %get3A_664 = tpu.vector_load %arg16[%get3A_662, %get3A_663] {strides = array<i32>} : memref<16x512xf32, #tpu.memory_space<vmem>>, vector<1x16xf32>,
      %get3A_665 = vector.shape_cast %get3A_664 : vector<1x16xf32> to vector<16xf32>
      %get3A_666 = arith.index_cast %scan3A_224 : i32 to index
      %get3A_667 = arith.constant 352 : index
      %get3A_668 = tpu.vector_load %arg17[%get3A_666, %get3A_667] {strides = array<i32>} : memref<16x512xf32, #tpu.memory_space<vmem>>, vector<1x16xf32>,
      %get3A_669 = vector.shape_cast %get3A_668 : vector<1x16xf32> to vector<16xf32>
      %mul3A_670 = arith.mulf %get3A_661, %get3A_669 : vector<16xf32>
      %add3A_671 = arith.addf %add3A_595, %get3A_669 : vector<16xf32>
      %mul3A_672 = arith.mulf %get3A_665, %get3A_669 : vector<16xf32>
      %add3A_673 = arith.addf %add3A_597, %mul3A_672 : vector<16xf32>
      %add3A_674 = arith.addf %add3A_598, %mul3A_670 : vector<16xf32>
      %mul3A_675 = arith.mulf %mul3A_670, %get3A_665 : vector<16xf32>
      %add3A_676 = arith.addf %add3A_600, %mul3A_675 : vector<16xf32>
      %get3A_677 = arith.index_cast %scan3A_224 : i32 to index
      %get3A_678 = arith.constant 368 : index
      %get3A_679 = tpu.vector_load %arg15[%get3A_677, %get3A_678] {strides = array<i32>} : memref<16x512xf32, #tpu.memory_space<vmem>>, vector<1x16xf32>,
      %get3A_680 = vector.shape_cast %get3A_679 : vector<1x16xf32> to vector<16xf32>
      %get3A_681 = arith.index_cast %scan3A_224 : i32 to index
      %get3A_682 = arith.constant 368 : index
      %get3A_683 = tpu.vector_load %arg16[%get3A_681, %get3A_682] {strides = array<i32>} : memref<16x512xf32, #tpu.memory_space<vmem>>, vector<1x16xf32>,
      %get3A_684 = vector.shape_cast %get3A_683 : vector<1x16xf32> to vector<16xf32>
      %get3A_685 = arith.index_cast %scan3A_224 : i32 to index
      %get3A_686 = arith.constant 368 : index
      %get3A_687 = tpu.vector_load %arg17[%get3A_685, %get3A_686] {strides = array<i32>} : memref<16x512xf32, #tpu.memory_space<vmem>>, vector<1x16xf32>,
      %get3A_688 = vector.shape_cast %get3A_687 : vector<1x16xf32> to vector<16xf32>
      %mul3A_689 = arith.mulf %get3A_680, %get3A_688 : vector<16xf32>
      %add3A_690 = arith.addf %add3A_614, %get3A_688 : vector<16xf32>
      %mul3A_691 = arith.mulf %get3A_684, %get3A_688 : vector<16xf32>
      %add3A_692 = arith.addf %add3A_616, %mul3A_691 : vector<16xf32>
      %add3A_693 = arith.addf %add3A_617, %mul3A_689 : vector<16xf32>
      %mul3A_694 = arith.mulf %mul3A_689, %get3A_684 : vector<16xf32>
      %add3A_695 = arith.addf %add3A_619, %mul3A_694 : vector<16xf32>
      %get3A_696 = arith.index_cast %scan3A_224 : i32 to index
      %get3A_697 = arith.constant 384 : index
      %get3A_698 = tpu.vector_load %arg15[%get3A_696, %get3A_697] {strides = array<i32>} : memref<16x512xf32, #tpu.memory_space<vmem>>, vector<1x16xf32>,
      %get3A_699 = vector.shape_cast %get3A_698 : vector<1x16xf32> to vector<16xf32>
      %get3A_700 = arith.index_cast %scan3A_224 : i32 to index
      %get3A_701 = arith.constant 384 : index
      %get3A_702 = tpu.vector_load %arg16[%get3A_700, %get3A_701] {strides = array<i32>} : memref<16x512xf32, #tpu.memory_space<vmem>>, vector<1x16xf32>,
      %get3A_703 = vector.shape_cast %get3A_702 : vector<1x16xf32> to vector<16xf32>
      %get3A_704 = arith.index_cast %scan3A_224 : i32 to index
      %get3A_705 = arith.constant 384 : index
      %get3A_706 = tpu.vector_load %arg17[%get3A_704, %get3A_705] {strides = array<i32>} : memref<16x512xf32, #tpu.memory_space<vmem>>, vector<1x16xf32>,
      %get3A_707 = vector.shape_cast %get3A_706 : vector<1x16xf32> to vector<16xf32>
      %mul3A_708 = arith.mulf %get3A_699, %get3A_707 : vector<16xf32>
      %add3A_709 = arith.addf %add3A_633, %get3A_707 : vector<16xf32>
      %mul3A_710 = arith.mulf %get3A_703, %get3A_707 : vector<16xf32>
      %add3A_711 = arith.addf %add3A_635, %mul3A_710 : vector<16xf32>
      %add3A_712 = arith.addf %add3A_636, %mul3A_708 : vector<16xf32>
      %mul3A_713 = arith.mulf %mul3A_708, %get3A_703 : vector<16xf32>
      %add3A_714 = arith.addf %add3A_638, %mul3A_713 : vector<16xf32>
      %get3A_715 = arith.index_cast %scan3A_224 : i32 to index
      %get3A_716 = arith.constant 400 : index
      %get3A_717 = tpu.vector_load %arg15[%get3A_715, %get3A_716] {strides = array<i32>} : memref<16x512xf32, #tpu.memory_space<vmem>>, vector<1x16xf32>,
      %get3A_718 = vector.shape_cast %get3A_717 : vector<1x16xf32> to vector<16xf32>
      %get3A_719 = arith.index_cast %scan3A_224 : i32 to index
      %get3A_720 = arith.constant 400 : index
      %get3A_721 = tpu.vector_load %arg16[%get3A_719, %get3A_720] {strides = array<i32>} : memref<16x512xf32, #tpu.memory_space<vmem>>, vector<1x16xf32>,
      %get3A_722 = vector.shape_cast %get3A_721 : vector<1x16xf32> to vector<16xf32>
      %get3A_723 = arith.index_cast %scan3A_224 : i32 to index
      %get3A_724 = arith.constant 400 : index
      %get3A_725 = tpu.vector_load %arg17[%get3A_723, %get3A_724] {strides = array<i32>} : memref<16x512xf32, #tpu.memory_space<vmem>>, vector<1x16xf32>,
      %get3A_726 = vector.shape_cast %get3A_725 : vector<1x16xf32> to vector<16xf32>
      %mul3A_727 = arith.mulf %get3A_718, %get3A_726 : vector<16xf32>
      %add3A_728 = arith.addf %add3A_652, %get3A_726 : vector<16xf32>
      %mul3A_729 = arith.mulf %get3A_722, %get3A_726 : vector<16xf32>
      %add3A_730 = arith.addf %add3A_654, %mul3A_729 : vector<16xf32>
      %add3A_731 = arith.addf %add3A_655, %mul3A_727 : vector<16xf32>
      %mul3A_732 = arith.mulf %mul3A_727, %get3A_722 : vector<16xf32>
      %add3A_733 = arith.addf %add3A_657, %mul3A_732 : vector<16xf32>
      %get3A_734 = arith.index_cast %scan3A_224 : i32 to index
      %get3A_735 = arith.constant 416 : index
      %get3A_736 = tpu.vector_load %arg15[%get3A_734, %get3A_735] {strides = array<i32>} : memref<16x512xf32, #tpu.memory_space<vmem>>, vector<1x16xf32>,
      %get3A_737 = vector.shape_cast %get3A_736 : vector<1x16xf32> to vector<16xf32>
      %get3A_738 = arith.index_cast %scan3A_224 : i32 to index
      %get3A_739 = arith.constant 416 : index
      %get3A_740 = tpu.vector_load %arg16[%get3A_738, %get3A_739] {strides = array<i32>} : memref<16x512xf32, #tpu.memory_space<vmem>>, vector<1x16xf32>,
      %get3A_741 = vector.shape_cast %get3A_740 : vector<1x16xf32> to vector<16xf32>
      %get3A_742 = arith.index_cast %scan3A_224 : i32 to index
      %get3A_743 = arith.constant 416 : index
      %get3A_744 = tpu.vector_load %arg17[%get3A_742, %get3A_743] {strides = array<i32>} : memref<16x512xf32, #tpu.memory_space<vmem>>, vector<1x16xf32>,
      %get3A_745 = vector.shape_cast %get3A_744 : vector<1x16xf32> to vector<16xf32>
      %mul3A_746 = arith.mulf %get3A_737, %get3A_745 : vector<16xf32>
      %add3A_747 = arith.addf %add3A_671, %get3A_745 : vector<16xf32>
      %mul3A_748 = arith.mulf %get3A_741, %get3A_745 : vector<16xf32>
      %add3A_749 = arith.addf %add3A_673, %mul3A_748 : vector<16xf32>
      %add3A_750 = arith.addf %add3A_674, %mul3A_746 : vector<16xf32>
      %mul3A_751 = arith.mulf %mul3A_746, %get3A_741 : vector<16xf32>
      %add3A_752 = arith.addf %add3A_676, %mul3A_751 : vector<16xf32>
      %get3A_753 = arith.index_cast %scan3A_224 : i32 to index
      %get3A_754 = arith.constant 432 : index
      %get3A_755 = tpu.vector_load %arg15[%get3A_753, %get3A_754] {strides = array<i32>} : memref<16x512xf32, #tpu.memory_space<vmem>>, vector<1x16xf32>,
      %get3A_756 = vector.shape_cast %get3A_755 : vector<1x16xf32> to vector<16xf32>
      %get3A_757 = arith.index_cast %scan3A_224 : i32 to index
      %get3A_758 = arith.constant 432 : index
      %get3A_759 = tpu.vector_load %arg16[%get3A_757, %get3A_758] {strides = array<i32>} : memref<16x512xf32, #tpu.memory_space<vmem>>, vector<1x16xf32>,
      %get3A_760 = vector.shape_cast %get3A_759 : vector<1x16xf32> to vector<16xf32>
      %get3A_761 = arith.index_cast %scan3A_224 : i32 to index
      %get3A_762 = arith.constant 432 : index
      %get3A_763 = tpu.vector_load %arg17[%get3A_761, %get3A_762] {strides = array<i32>} : memref<16x512xf32, #tpu.memory_space<vmem>>, vector<1x16xf32>,
      %get3A_764 = vector.shape_cast %get3A_763 : vector<1x16xf32> to vector<16xf32>
      %mul3A_765 = arith.mulf %get3A_756, %get3A_764 : vector<16xf32>
      %add3A_766 = arith.addf %add3A_690, %get3A_764 : vector<16xf32>
      %mul3A_767 = arith.mulf %get3A_760, %get3A_764 : vector<16xf32>
      %add3A_768 = arith.addf %add3A_692, %mul3A_767 : vector<16xf32>
      %add3A_769 = arith.addf %add3A_693, %mul3A_765 : vector<16xf32>
      %mul3A_770 = arith.mulf %mul3A_765, %get3A_760 : vector<16xf32>
      %add3A_771 = arith.addf %add3A_695, %mul3A_770 : vector<16xf32>
      %get3A_772 = arith.index_cast %scan3A_224 : i32 to index
      %get3A_773 = arith.constant 448 : index
      %get3A_774 = tpu.vector_load %arg15[%get3A_772, %get3A_773] {strides = array<i32>} : memref<16x512xf32, #tpu.memory_space<vmem>>, vector<1x16xf32>,
      %get3A_775 = vector.shape_cast %get3A_774 : vector<1x16xf32> to vector<16xf32>
      %get3A_776 = arith.index_cast %scan3A_224 : i32 to index
      %get3A_777 = arith.constant 448 : index
      %get3A_778 = tpu.vector_load %arg16[%get3A_776, %get3A_777] {strides = array<i32>} : memref<16x512xf32, #tpu.memory_space<vmem>>, vector<1x16xf32>,
      %get3A_779 = vector.shape_cast %get3A_778 : vector<1x16xf32> to vector<16xf32>
      %get3A_780 = arith.index_cast %scan3A_224 : i32 to index
      %get3A_781 = arith.constant 448 : index
      %get3A_782 = tpu.vector_load %arg17[%get3A_780, %get3A_781] {strides = array<i32>} : memref<16x512xf32, #tpu.memory_space<vmem>>, vector<1x16xf32>,
      %get3A_783 = vector.shape_cast %get3A_782 : vector<1x16xf32> to vector<16xf32>
      %mul3A_784 = arith.mulf %get3A_775, %get3A_783 : vector<16xf32>
      %add3A_785 = arith.addf %add3A_709, %get3A_783 : vector<16xf32>
      %mul3A_786 = arith.mulf %get3A_779, %get3A_783 : vector<16xf32>
      %add3A_787 = arith.addf %add3A_711, %mul3A_786 : vector<16xf32>
      %add3A_788 = arith.addf %add3A_712, %mul3A_784 : vector<16xf32>
      %mul3A_789 = arith.mulf %mul3A_784, %get3A_779 : vector<16xf32>
      %add3A_790 = arith.addf %add3A_714, %mul3A_789 : vector<16xf32>
      %get3A_791 = arith.index_cast %scan3A_224 : i32 to index
      %get3A_792 = arith.constant 464 : index
      %get3A_793 = tpu.vector_load %arg15[%get3A_791, %get3A_792] {strides = array<i32>} : memref<16x512xf32, #tpu.memory_space<vmem>>, vector<1x16xf32>,
      %get3A_794 = vector.shape_cast %get3A_793 : vector<1x16xf32> to vector<16xf32>
      %get3A_795 = arith.index_cast %scan3A_224 : i32 to index
      %get3A_796 = arith.constant 464 : index
      %get3A_797 = tpu.vector_load %arg16[%get3A_795, %get3A_796] {strides = array<i32>} : memref<16x512xf32, #tpu.memory_space<vmem>>, vector<1x16xf32>,
      %get3A_798 = vector.shape_cast %get3A_797 : vector<1x16xf32> to vector<16xf32>
      %get3A_799 = arith.index_cast %scan3A_224 : i32 to index
      %get3A_800 = arith.constant 464 : index
      %get3A_801 = tpu.vector_load %arg17[%get3A_799, %get3A_800] {strides = array<i32>} : memref<16x512xf32, #tpu.memory_space<vmem>>, vector<1x16xf32>,
      %get3A_802 = vector.shape_cast %get3A_801 : vector<1x16xf32> to vector<16xf32>
      %mul3A_803 = arith.mulf %get3A_794, %get3A_802 : vector<16xf32>
      %add3A_804 = arith.addf %add3A_728, %get3A_802 : vector<16xf32>
      %mul3A_805 = arith.mulf %get3A_798, %get3A_802 : vector<16xf32>
      %add3A_806 = arith.addf %add3A_730, %mul3A_805 : vector<16xf32>
      %add3A_807 = arith.addf %add3A_731, %mul3A_803 : vector<16xf32>
      %mul3A_808 = arith.mulf %mul3A_803, %get3A_798 : vector<16xf32>
      %add3A_809 = arith.addf %add3A_733, %mul3A_808 : vector<16xf32>
      %get3A_810 = arith.index_cast %scan3A_224 : i32 to index
      %get3A_811 = arith.constant 480 : index
      %get3A_812 = tpu.vector_load %arg15[%get3A_810, %get3A_811] {strides = array<i32>} : memref<16x512xf32, #tpu.memory_space<vmem>>, vector<1x16xf32>,
      %get3A_813 = vector.shape_cast %get3A_812 : vector<1x16xf32> to vector<16xf32>
      %get3A_814 = arith.index_cast %scan3A_224 : i32 to index
      %get3A_815 = arith.constant 480 : index
      %get3A_816 = tpu.vector_load %arg16[%get3A_814, %get3A_815] {strides = array<i32>} : memref<16x512xf32, #tpu.memory_space<vmem>>, vector<1x16xf32>,
      %get3A_817 = vector.shape_cast %get3A_816 : vector<1x16xf32> to vector<16xf32>
      %get3A_818 = arith.index_cast %scan3A_224 : i32 to index
      %get3A_819 = arith.constant 480 : index
      %get3A_820 = tpu.vector_load %arg17[%get3A_818, %get3A_819] {strides = array<i32>} : memref<16x512xf32, #tpu.memory_space<vmem>>, vector<1x16xf32>,
      %get3A_821 = vector.shape_cast %get3A_820 : vector<1x16xf32> to vector<16xf32>
      %mul3A_822 = arith.mulf %get3A_813, %get3A_821 : vector<16xf32>
      %add3A_823 = arith.addf %add3A_747, %get3A_821 : vector<16xf32>
      %mul3A_824 = arith.mulf %get3A_817, %get3A_821 : vector<16xf32>
      %add3A_825 = arith.addf %add3A_749, %mul3A_824 : vector<16xf32>
      %add3A_826 = arith.addf %add3A_750, %mul3A_822 : vector<16xf32>
      %mul3A_827 = arith.mulf %mul3A_822, %get3A_817 : vector<16xf32>
      %add3A_828 = arith.addf %add3A_752, %mul3A_827 : vector<16xf32>
      %get3A_829 = arith.index_cast %scan3A_224 : i32 to index
      %get3A_830 = arith.constant 496 : index
      %get3A_831 = tpu.vector_load %arg15[%get3A_829, %get3A_830] {strides = array<i32>} : memref<16x512xf32, #tpu.memory_space<vmem>>, vector<1x16xf32>,
      %get3A_832 = vector.shape_cast %get3A_831 : vector<1x16xf32> to vector<16xf32>
      %get3A_833 = arith.index_cast %scan3A_224 : i32 to index
      %get3A_834 = arith.constant 496 : index
      %get3A_835 = tpu.vector_load %arg16[%get3A_833, %get3A_834] {strides = array<i32>} : memref<16x512xf32, #tpu.memory_space<vmem>>, vector<1x16xf32>,
      %get3A_836 = vector.shape_cast %get3A_835 : vector<1x16xf32> to vector<16xf32>
      %get3A_837 = arith.index_cast %scan3A_224 : i32 to index
      %get3A_838 = arith.constant 496 : index
      %get3A_839 = tpu.vector_load %arg17[%get3A_837, %get3A_838] {strides = array<i32>} : memref<16x512xf32, #tpu.memory_space<vmem>>, vector<1x16xf32>,
      %get3A_840 = vector.shape_cast %get3A_839 : vector<1x16xf32> to vector<16xf32>
      %mul3A_841 = arith.mulf %get3A_832, %get3A_840 : vector<16xf32>
      %add3A_842 = arith.addf %add3A_766, %get3A_840 : vector<16xf32>
      %mul3A_843 = arith.mulf %get3A_836, %get3A_840 : vector<16xf32>
      %add3A_844 = arith.addf %add3A_768, %mul3A_843 : vector<16xf32>
      %add3A_845 = arith.addf %add3A_769, %mul3A_841 : vector<16xf32>
      %mul3A_846 = arith.mulf %mul3A_841, %get3A_836 : vector<16xf32>
      %add3A_847 = arith.addf %add3A_771, %mul3A_846 : vector<16xf32>
      scf.yield %add3A_785, %add3A_804, %add3A_823, %add3A_842, %add3A_787, %add3A_806, %add3A_825, %add3A_844, %add3A_788, %add3A_807, %add3A_826, %add3A_845, %add3A_790, %add3A_809, %add3A_828, %add3A_847 : vector<16xf32>, vector<16xf32>, vector<16xf32>, vector<16xf32>, vector<16xf32>, vector<16xf32>, vector<16xf32>, vector<16xf32>, vector<16xf32>, vector<16xf32>, vector<16xf32>, vector<16xf32>, vector<16xf32>, vector<16xf32>, vector<16xf32>, vector<16xf32>
    }
    %scan3A_172 = arith.constant 16 : i32
    %dma_wait3A_173 = arith.constant 0 : i32
    %dma_wait3A_174 = arith.constant 0 : i32
    %dma_wait3A_175 = tpu.memref_slice %arg2[%dma_wait3A_173, %dma_wait3A_174] : memref<8192x512xf32, #tpu.memory_space<hbm>> -> memref<16x512xf32, #tpu.memory_space<hbm>>
    %dma_wait3A_176 = arith.constant 0 : i32
    %dma_wait3A_177 = arith.constant 0 : i32
    %dma_wait3A_178 = tpu.memref_slice %arg2[%dma_wait3A_176, %dma_wait3A_177] : memref<8192x512xf32, #tpu.memory_space<hbm>> -> memref<16x512xf32, #tpu.memory_space<hbm>>
    tpu.wait_dma2 semaphore(%arg33 : memref<!tpu.dma_semaphore, #tpu.memory_space<semaphore_mem>>) src(%dma_wait3A_178 : memref<16x512xf32, #tpu.memory_space<hbm>>) dst(%arg18 : memref<16x512xf32, #tpu.memory_space<vmem>>)
    %dma_wait3A_179 = arith.constant 0 : i32
    %dma_wait3A_180 = arith.constant 0 : i32
    %dma_wait3A_181 = tpu.memref_slice %arg3[%dma_wait3A_179, %dma_wait3A_180] : memref<8192x512xf32, #tpu.memory_space<hbm>> -> memref<16x512xf32, #tpu.memory_space<hbm>>
    %dma_wait3A_182 = arith.constant 0 : i32
    %dma_wait3A_183 = arith.constant 0 : i32
    %dma_wait3A_184 = tpu.memref_slice %arg3[%dma_wait3A_182, %dma_wait3A_183] : memref<8192x512xf32, #tpu.memory_space<hbm>> -> memref<16x512xf32, #tpu.memory_space<hbm>>
    tpu.wait_dma2 semaphore(%arg34 : memref<!tpu.dma_semaphore, #tpu.memory_space<semaphore_mem>>) src(%dma_wait3A_184 : memref<16x512xf32, #tpu.memory_space<hbm>>) dst(%arg19 : memref<16x512xf32, #tpu.memory_space<vmem>>)
    %dma_wait3A_185 = arith.constant 0 : i32
    %dma_wait3A_186 = arith.constant 0 : i32
    %dma_wait3A_187 = tpu.memref_slice %arg4[%dma_wait3A_185, %dma_wait3A_186] : memref<8192x512xf32, #tpu.memory_space<hbm>> -> memref<16x512xf32, #tpu.memory_space<hbm>>
    %dma_wait3A_188 = arith.constant 0 : i32
    %dma_wait3A_189 = arith.constant 0 : i32
    %dma_wait3A_190 = tpu.memref_slice %arg4[%dma_wait3A_188, %dma_wait3A_189] : memref<8192x512xf32, #tpu.memory_space<hbm>> -> memref<16x512xf32, #tpu.memory_space<hbm>>
    tpu.wait_dma2 semaphore(%arg35 : memref<!tpu.dma_semaphore, #tpu.memory_space<semaphore_mem>>) src(%dma_wait3A_190 : memref<16x512xf32, #tpu.memory_space<hbm>>) dst(%arg20 : memref<16x512xf32, #tpu.memory_space<vmem>>)
    %scan3A_191 = arith.constant 0 : i32
    %scan3A_192 = arith.constant 16 : i32
    %scan3A_193 = arith.addi %scan3A_191, %scan3A_192 : i32
    %scan3A_194 = arith.constant 1 : i32
    %scan3A_195:16 = scf.for %scan3A_224 = %scan3A_191 to %scan3A_193 step %scan3A_194 iter_args(%scan3A_225 = %scan3A_171#0, %scan3A_226 = %scan3A_171#1, %scan3A_227 = %scan3A_171#2, %scan3A_228 = %scan3A_171#3, %scan3A_229 = %scan3A_171#4, %scan3A_230 = %scan3A_171#5, %scan3A_231 = %scan3A_171#6, %scan3A_232 = %scan3A_171#7, %scan3A_233 = %scan3A_171#8, %scan3A_234 = %scan3A_171#9, %scan3A_235 = %scan3A_171#10, %scan3A_236 = %scan3A_171#11, %scan3A_237 = %scan3A_171#12, %scan3A_238 = %scan3A_171#13, %scan3A_239 = %scan3A_171#14, %scan3A_240 = %scan3A_171#15) -> (vector<16xf32>, vector<16xf32>, vector<16xf32>, vector<16xf32>, vector<16xf32>, vector<16xf32>, vector<16xf32>, vector<16xf32>, vector<16xf32>, vector<16xf32>, vector<16xf32>, vector<16xf32>, vector<16xf32>, vector<16xf32>, vector<16xf32>, vector<16xf32>)  : i32 {
      %get3A = arith.index_cast %scan3A_224 : i32 to index
      %get3A_241 = arith.constant 0 : index
      %get3A_242 = tpu.vector_load %arg18[%get3A, %get3A_241] {strides = array<i32>} : memref<16x512xf32, #tpu.memory_space<vmem>>, vector<1x16xf32>,
      %get3A_243 = vector.shape_cast %get3A_242 : vector<1x16xf32> to vector<16xf32>
      %get3A_244 = arith.index_cast %scan3A_224 : i32 to index
      %get3A_245 = arith.constant 0 : index
      %get3A_246 = tpu.vector_load %arg19[%get3A_244, %get3A_245] {strides = array<i32>} : memref<16x512xf32, #tpu.memory_space<vmem>>, vector<1x16xf32>,
      %get3A_247 = vector.shape_cast %get3A_246 : vector<1x16xf32> to vector<16xf32>
      %get3A_248 = arith.index_cast %scan3A_224 : i32 to index
      %get3A_249 = arith.constant 0 : index
      %get3A_250 = tpu.vector_load %arg20[%get3A_248, %get3A_249] {strides = array<i32>} : memref<16x512xf32, #tpu.memory_space<vmem>>, vector<1x16xf32>,
      %get3A_251 = vector.shape_cast %get3A_250 : vector<1x16xf32> to vector<16xf32>
      %mul3A_252 = arith.mulf %get3A_243, %get3A_251 : vector<16xf32>
      %add3A_253 = arith.addf %scan3A_225, %get3A_251 : vector<16xf32>
      %mul3A_254 = arith.mulf %get3A_247, %get3A_251 : vector<16xf32>
      %add3A_255 = arith.addf %scan3A_229, %mul3A_254 : vector<16xf32>
      %add3A_256 = arith.addf %scan3A_233, %mul3A_252 : vector<16xf32>
      %mul3A_257 = arith.mulf %mul3A_252, %get3A_247 : vector<16xf32>
      %add3A_258 = arith.addf %scan3A_237, %mul3A_257 : vector<16xf32>
      %get3A_259 = arith.index_cast %scan3A_224 : i32 to index
      %get3A_260 = arith.constant 16 : index
      %get3A_261 = tpu.vector_load %arg18[%get3A_259, %get3A_260] {strides = array<i32>} : memref<16x512xf32, #tpu.memory_space<vmem>>, vector<1x16xf32>,
      %get3A_262 = vector.shape_cast %get3A_261 : vector<1x16xf32> to vector<16xf32>
      %get3A_263 = arith.index_cast %scan3A_224 : i32 to index
      %get3A_264 = arith.constant 16 : index
      %get3A_265 = tpu.vector_load %arg19[%get3A_263, %get3A_264] {strides = array<i32>} : memref<16x512xf32, #tpu.memory_space<vmem>>, vector<1x16xf32>,
      %get3A_266 = vector.shape_cast %get3A_265 : vector<1x16xf32> to vector<16xf32>
      %get3A_267 = arith.index_cast %scan3A_224 : i32 to index
      %get3A_268 = arith.constant 16 : index
      %get3A_269 = tpu.vector_load %arg20[%get3A_267, %get3A_268] {strides = array<i32>} : memref<16x512xf32, #tpu.memory_space<vmem>>, vector<1x16xf32>,
      %get3A_270 = vector.shape_cast %get3A_269 : vector<1x16xf32> to vector<16xf32>
      %mul3A_271 = arith.mulf %get3A_262, %get3A_270 : vector<16xf32>
      %add3A_272 = arith.addf %scan3A_226, %get3A_270 : vector<16xf32>
      %mul3A_273 = arith.mulf %get3A_266, %get3A_270 : vector<16xf32>
      %add3A_274 = arith.addf %scan3A_230, %mul3A_273 : vector<16xf32>
      %add3A_275 = arith.addf %scan3A_234, %mul3A_271 : vector<16xf32>
      %mul3A_276 = arith.mulf %mul3A_271, %get3A_266 : vector<16xf32>
      %add3A_277 = arith.addf %scan3A_238, %mul3A_276 : vector<16xf32>
      %get3A_278 = arith.index_cast %scan3A_224 : i32 to index
      %get3A_279 = arith.constant 32 : index
      %get3A_280 = tpu.vector_load %arg18[%get3A_278, %get3A_279] {strides = array<i32>} : memref<16x512xf32, #tpu.memory_space<vmem>>, vector<1x16xf32>,
      %get3A_281 = vector.shape_cast %get3A_280 : vector<1x16xf32> to vector<16xf32>
      %get3A_282 = arith.index_cast %scan3A_224 : i32 to index
      %get3A_283 = arith.constant 32 : index
      %get3A_284 = tpu.vector_load %arg19[%get3A_282, %get3A_283] {strides = array<i32>} : memref<16x512xf32, #tpu.memory_space<vmem>>, vector<1x16xf32>,
      %get3A_285 = vector.shape_cast %get3A_284 : vector<1x16xf32> to vector<16xf32>
      %get3A_286 = arith.index_cast %scan3A_224 : i32 to index
      %get3A_287 = arith.constant 32 : index
      %get3A_288 = tpu.vector_load %arg20[%get3A_286, %get3A_287] {strides = array<i32>} : memref<16x512xf32, #tpu.memory_space<vmem>>, vector<1x16xf32>,
      %get3A_289 = vector.shape_cast %get3A_288 : vector<1x16xf32> to vector<16xf32>
      %mul3A_290 = arith.mulf %get3A_281, %get3A_289 : vector<16xf32>
      %add3A_291 = arith.addf %scan3A_227, %get3A_289 : vector<16xf32>
      %mul3A_292 = arith.mulf %get3A_285, %get3A_289 : vector<16xf32>
      %add3A_293 = arith.addf %scan3A_231, %mul3A_292 : vector<16xf32>
      %add3A_294 = arith.addf %scan3A_235, %mul3A_290 : vector<16xf32>
      %mul3A_295 = arith.mulf %mul3A_290, %get3A_285 : vector<16xf32>
      %add3A_296 = arith.addf %scan3A_239, %mul3A_295 : vector<16xf32>
      %get3A_297 = arith.index_cast %scan3A_224 : i32 to index
      %get3A_298 = arith.constant 48 : index
      %get3A_299 = tpu.vector_load %arg18[%get3A_297, %get3A_298] {strides = array<i32>} : memref<16x512xf32, #tpu.memory_space<vmem>>, vector<1x16xf32>,
      %get3A_300 = vector.shape_cast %get3A_299 : vector<1x16xf32> to vector<16xf32>
      %get3A_301 = arith.index_cast %scan3A_224 : i32 to index
      %get3A_302 = arith.constant 48 : index
      %get3A_303 = tpu.vector_load %arg19[%get3A_301, %get3A_302] {strides = array<i32>} : memref<16x512xf32, #tpu.memory_space<vmem>>, vector<1x16xf32>,
      %get3A_304 = vector.shape_cast %get3A_303 : vector<1x16xf32> to vector<16xf32>
      %get3A_305 = arith.index_cast %scan3A_224 : i32 to index
      %get3A_306 = arith.constant 48 : index
      %get3A_307 = tpu.vector_load %arg20[%get3A_305, %get3A_306] {strides = array<i32>} : memref<16x512xf32, #tpu.memory_space<vmem>>, vector<1x16xf32>,
      %get3A_308 = vector.shape_cast %get3A_307 : vector<1x16xf32> to vector<16xf32>
      %mul3A_309 = arith.mulf %get3A_300, %get3A_308 : vector<16xf32>
      %add3A_310 = arith.addf %scan3A_228, %get3A_308 : vector<16xf32>
      %mul3A_311 = arith.mulf %get3A_304, %get3A_308 : vector<16xf32>
      %add3A_312 = arith.addf %scan3A_232, %mul3A_311 : vector<16xf32>
      %add3A_313 = arith.addf %scan3A_236, %mul3A_309 : vector<16xf32>
      %mul3A_314 = arith.mulf %mul3A_309, %get3A_304 : vector<16xf32>
      %add3A_315 = arith.addf %scan3A_240, %mul3A_314 : vector<16xf32>
      %get3A_316 = arith.index_cast %scan3A_224 : i32 to index
      %get3A_317 = arith.constant 64 : index
      %get3A_318 = tpu.vector_load %arg18[%get3A_316, %get3A_317] {strides = array<i32>} : memref<16x512xf32, #tpu.memory_space<vmem>>, vector<1x16xf32>,
      %get3A_319 = vector.shape_cast %get3A_318 : vector<1x16xf32> to vector<16xf32>
      %get3A_320 = arith.index_cast %scan3A_224 : i32 to index
      %get3A_321 = arith.constant 64 : index
      %get3A_322 = tpu.vector_load %arg19[%get3A_320, %get3A_321] {strides = array<i32>} : memref<16x512xf32, #tpu.memory_space<vmem>>, vector<1x16xf32>,
      %get3A_323 = vector.shape_cast %get3A_322 : vector<1x16xf32> to vector<16xf32>
      %get3A_324 = arith.index_cast %scan3A_224 : i32 to index
      %get3A_325 = arith.constant 64 : index
      %get3A_326 = tpu.vector_load %arg20[%get3A_324, %get3A_325] {strides = array<i32>} : memref<16x512xf32, #tpu.memory_space<vmem>>, vector<1x16xf32>,
      %get3A_327 = vector.shape_cast %get3A_326 : vector<1x16xf32> to vector<16xf32>
      %mul3A_328 = arith.mulf %get3A_319, %get3A_327 : vector<16xf32>
      %add3A_329 = arith.addf %add3A_253, %get3A_327 : vector<16xf32>
      %mul3A_330 = arith.mulf %get3A_323, %get3A_327 : vector<16xf32>
      %add3A_331 = arith.addf %add3A_255, %mul3A_330 : vector<16xf32>
      %add3A_332 = arith.addf %add3A_256, %mul3A_328 : vector<16xf32>
      %mul3A_333 = arith.mulf %mul3A_328, %get3A_323 : vector<16xf32>
      %add3A_334 = arith.addf %add3A_258, %mul3A_333 : vector<16xf32>
      %get3A_335 = arith.index_cast %scan3A_224 : i32 to index
      %get3A_336 = arith.constant 80 : index
      %get3A_337 = tpu.vector_load %arg18[%get3A_335, %get3A_336] {strides = array<i32>} : memref<16x512xf32, #tpu.memory_space<vmem>>, vector<1x16xf32>,
      %get3A_338 = vector.shape_cast %get3A_337 : vector<1x16xf32> to vector<16xf32>
      %get3A_339 = arith.index_cast %scan3A_224 : i32 to index
      %get3A_340 = arith.constant 80 : index
      %get3A_341 = tpu.vector_load %arg19[%get3A_339, %get3A_340] {strides = array<i32>} : memref<16x512xf32, #tpu.memory_space<vmem>>, vector<1x16xf32>,
      %get3A_342 = vector.shape_cast %get3A_341 : vector<1x16xf32> to vector<16xf32>
      %get3A_343 = arith.index_cast %scan3A_224 : i32 to index
      %get3A_344 = arith.constant 80 : index
      %get3A_345 = tpu.vector_load %arg20[%get3A_343, %get3A_344] {strides = array<i32>} : memref<16x512xf32, #tpu.memory_space<vmem>>, vector<1x16xf32>,
      %get3A_346 = vector.shape_cast %get3A_345 : vector<1x16xf32> to vector<16xf32>
      %mul3A_347 = arith.mulf %get3A_338, %get3A_346 : vector<16xf32>
      %add3A_348 = arith.addf %add3A_272, %get3A_346 : vector<16xf32>
      %mul3A_349 = arith.mulf %get3A_342, %get3A_346 : vector<16xf32>
      %add3A_350 = arith.addf %add3A_274, %mul3A_349 : vector<16xf32>
      %add3A_351 = arith.addf %add3A_275, %mul3A_347 : vector<16xf32>
      %mul3A_352 = arith.mulf %mul3A_347, %get3A_342 : vector<16xf32>
      %add3A_353 = arith.addf %add3A_277, %mul3A_352 : vector<16xf32>
      %get3A_354 = arith.index_cast %scan3A_224 : i32 to index
      %get3A_355 = arith.constant 96 : index
      %get3A_356 = tpu.vector_load %arg18[%get3A_354, %get3A_355] {strides = array<i32>} : memref<16x512xf32, #tpu.memory_space<vmem>>, vector<1x16xf32>,
      %get3A_357 = vector.shape_cast %get3A_356 : vector<1x16xf32> to vector<16xf32>
      %get3A_358 = arith.index_cast %scan3A_224 : i32 to index
      %get3A_359 = arith.constant 96 : index
      %get3A_360 = tpu.vector_load %arg19[%get3A_358, %get3A_359] {strides = array<i32>} : memref<16x512xf32, #tpu.memory_space<vmem>>, vector<1x16xf32>,
      %get3A_361 = vector.shape_cast %get3A_360 : vector<1x16xf32> to vector<16xf32>
      %get3A_362 = arith.index_cast %scan3A_224 : i32 to index
      %get3A_363 = arith.constant 96 : index
      %get3A_364 = tpu.vector_load %arg20[%get3A_362, %get3A_363] {strides = array<i32>} : memref<16x512xf32, #tpu.memory_space<vmem>>, vector<1x16xf32>,
      %get3A_365 = vector.shape_cast %get3A_364 : vector<1x16xf32> to vector<16xf32>
      %mul3A_366 = arith.mulf %get3A_357, %get3A_365 : vector<16xf32>
      %add3A_367 = arith.addf %add3A_291, %get3A_365 : vector<16xf32>
      %mul3A_368 = arith.mulf %get3A_361, %get3A_365 : vector<16xf32>
      %add3A_369 = arith.addf %add3A_293, %mul3A_368 : vector<16xf32>
      %add3A_370 = arith.addf %add3A_294, %mul3A_366 : vector<16xf32>
      %mul3A_371 = arith.mulf %mul3A_366, %get3A_361 : vector<16xf32>
      %add3A_372 = arith.addf %add3A_296, %mul3A_371 : vector<16xf32>
      %get3A_373 = arith.index_cast %scan3A_224 : i32 to index
      %get3A_374 = arith.constant 112 : index
      %get3A_375 = tpu.vector_load %arg18[%get3A_373, %get3A_374] {strides = array<i32>} : memref<16x512xf32, #tpu.memory_space<vmem>>, vector<1x16xf32>,
      %get3A_376 = vector.shape_cast %get3A_375 : vector<1x16xf32> to vector<16xf32>
      %get3A_377 = arith.index_cast %scan3A_224 : i32 to index
      %get3A_378 = arith.constant 112 : index
      %get3A_379 = tpu.vector_load %arg19[%get3A_377, %get3A_378] {strides = array<i32>} : memref<16x512xf32, #tpu.memory_space<vmem>>, vector<1x16xf32>,
      %get3A_380 = vector.shape_cast %get3A_379 : vector<1x16xf32> to vector<16xf32>
      %get3A_381 = arith.index_cast %scan3A_224 : i32 to index
      %get3A_382 = arith.constant 112 : index
      %get3A_383 = tpu.vector_load %arg20[%get3A_381, %get3A_382] {strides = array<i32>} : memref<16x512xf32, #tpu.memory_space<vmem>>, vector<1x16xf32>,
      %get3A_384 = vector.shape_cast %get3A_383 : vector<1x16xf32> to vector<16xf32>
      %mul3A_385 = arith.mulf %get3A_376, %get3A_384 : vector<16xf32>
      %add3A_386 = arith.addf %add3A_310, %get3A_384 : vector<16xf32>
      %mul3A_387 = arith.mulf %get3A_380, %get3A_384 : vector<16xf32>
      %add3A_388 = arith.addf %add3A_312, %mul3A_387 : vector<16xf32>
      %add3A_389 = arith.addf %add3A_313, %mul3A_385 : vector<16xf32>
      %mul3A_390 = arith.mulf %mul3A_385, %get3A_380 : vector<16xf32>
      %add3A_391 = arith.addf %add3A_315, %mul3A_390 : vector<16xf32>
      %get3A_392 = arith.index_cast %scan3A_224 : i32 to index
      %get3A_393 = arith.constant 128 : index
      %get3A_394 = tpu.vector_load %arg18[%get3A_392, %get3A_393] {strides = array<i32>} : memref<16x512xf32, #tpu.memory_space<vmem>>, vector<1x16xf32>,
      %get3A_395 = vector.shape_cast %get3A_394 : vector<1x16xf32> to vector<16xf32>
      %get3A_396 = arith.index_cast %scan3A_224 : i32 to index
      %get3A_397 = arith.constant 128 : index
      %get3A_398 = tpu.vector_load %arg19[%get3A_396, %get3A_397] {strides = array<i32>} : memref<16x512xf32, #tpu.memory_space<vmem>>, vector<1x16xf32>,
      %get3A_399 = vector.shape_cast %get3A_398 : vector<1x16xf32> to vector<16xf32>
      %get3A_400 = arith.index_cast %scan3A_224 : i32 to index
      %get3A_401 = arith.constant 128 : index
      %get3A_402 = tpu.vector_load %arg20[%get3A_400, %get3A_401] {strides = array<i32>} : memref<16x512xf32, #tpu.memory_space<vmem>>, vector<1x16xf32>,
      %get3A_403 = vector.shape_cast %get3A_402 : vector<1x16xf32> to vector<16xf32>
      %mul3A_404 = arith.mulf %get3A_395, %get3A_403 : vector<16xf32>
      %add3A_405 = arith.addf %add3A_329, %get3A_403 : vector<16xf32>
      %mul3A_406 = arith.mulf %get3A_399, %get3A_403 : vector<16xf32>
      %add3A_407 = arith.addf %add3A_331, %mul3A_406 : vector<16xf32>
      %add3A_408 = arith.addf %add3A_332, %mul3A_404 : vector<16xf32>
      %mul3A_409 = arith.mulf %mul3A_404, %get3A_399 : vector<16xf32>
      %add3A_410 = arith.addf %add3A_334, %mul3A_409 : vector<16xf32>
      %get3A_411 = arith.index_cast %scan3A_224 : i32 to index
      %get3A_412 = arith.constant 144 : index
      %get3A_413 = tpu.vector_load %arg18[%get3A_411, %get3A_412] {strides = array<i32>} : memref<16x512xf32, #tpu.memory_space<vmem>>, vector<1x16xf32>,
      %get3A_414 = vector.shape_cast %get3A_413 : vector<1x16xf32> to vector<16xf32>
      %get3A_415 = arith.index_cast %scan3A_224 : i32 to index
      %get3A_416 = arith.constant 144 : index
      %get3A_417 = tpu.vector_load %arg19[%get3A_415, %get3A_416] {strides = array<i32>} : memref<16x512xf32, #tpu.memory_space<vmem>>, vector<1x16xf32>,
      %get3A_418 = vector.shape_cast %get3A_417 : vector<1x16xf32> to vector<16xf32>
      %get3A_419 = arith.index_cast %scan3A_224 : i32 to index
      %get3A_420 = arith.constant 144 : index
      %get3A_421 = tpu.vector_load %arg20[%get3A_419, %get3A_420] {strides = array<i32>} : memref<16x512xf32, #tpu.memory_space<vmem>>, vector<1x16xf32>,
      %get3A_422 = vector.shape_cast %get3A_421 : vector<1x16xf32> to vector<16xf32>
      %mul3A_423 = arith.mulf %get3A_414, %get3A_422 : vector<16xf32>
      %add3A_424 = arith.addf %add3A_348, %get3A_422 : vector<16xf32>
      %mul3A_425 = arith.mulf %get3A_418, %get3A_422 : vector<16xf32>
      %add3A_426 = arith.addf %add3A_350, %mul3A_425 : vector<16xf32>
      %add3A_427 = arith.addf %add3A_351, %mul3A_423 : vector<16xf32>
      %mul3A_428 = arith.mulf %mul3A_423, %get3A_418 : vector<16xf32>
      %add3A_429 = arith.addf %add3A_353, %mul3A_428 : vector<16xf32>
      %get3A_430 = arith.index_cast %scan3A_224 : i32 to index
      %get3A_431 = arith.constant 160 : index
      %get3A_432 = tpu.vector_load %arg18[%get3A_430, %get3A_431] {strides = array<i32>} : memref<16x512xf32, #tpu.memory_space<vmem>>, vector<1x16xf32>,
      %get3A_433 = vector.shape_cast %get3A_432 : vector<1x16xf32> to vector<16xf32>
      %get3A_434 = arith.index_cast %scan3A_224 : i32 to index
      %get3A_435 = arith.constant 160 : index
      %get3A_436 = tpu.vector_load %arg19[%get3A_434, %get3A_435] {strides = array<i32>} : memref<16x512xf32, #tpu.memory_space<vmem>>, vector<1x16xf32>,
      %get3A_437 = vector.shape_cast %get3A_436 : vector<1x16xf32> to vector<16xf32>
      %get3A_438 = arith.index_cast %scan3A_224 : i32 to index
      %get3A_439 = arith.constant 160 : index
      %get3A_440 = tpu.vector_load %arg20[%get3A_438, %get3A_439] {strides = array<i32>} : memref<16x512xf32, #tpu.memory_space<vmem>>, vector<1x16xf32>,
      %get3A_441 = vector.shape_cast %get3A_440 : vector<1x16xf32> to vector<16xf32>
      %mul3A_442 = arith.mulf %get3A_433, %get3A_441 : vector<16xf32>
      %add3A_443 = arith.addf %add3A_367, %get3A_441 : vector<16xf32>
      %mul3A_444 = arith.mulf %get3A_437, %get3A_441 : vector<16xf32>
      %add3A_445 = arith.addf %add3A_369, %mul3A_444 : vector<16xf32>
      %add3A_446 = arith.addf %add3A_370, %mul3A_442 : vector<16xf32>
      %mul3A_447 = arith.mulf %mul3A_442, %get3A_437 : vector<16xf32>
      %add3A_448 = arith.addf %add3A_372, %mul3A_447 : vector<16xf32>
      %get3A_449 = arith.index_cast %scan3A_224 : i32 to index
      %get3A_450 = arith.constant 176 : index
      %get3A_451 = tpu.vector_load %arg18[%get3A_449, %get3A_450] {strides = array<i32>} : memref<16x512xf32, #tpu.memory_space<vmem>>, vector<1x16xf32>,
      %get3A_452 = vector.shape_cast %get3A_451 : vector<1x16xf32> to vector<16xf32>
      %get3A_453 = arith.index_cast %scan3A_224 : i32 to index
      %get3A_454 = arith.constant 176 : index
      %get3A_455 = tpu.vector_load %arg19[%get3A_453, %get3A_454] {strides = array<i32>} : memref<16x512xf32, #tpu.memory_space<vmem>>, vector<1x16xf32>,
      %get3A_456 = vector.shape_cast %get3A_455 : vector<1x16xf32> to vector<16xf32>
      %get3A_457 = arith.index_cast %scan3A_224 : i32 to index
      %get3A_458 = arith.constant 176 : index
      %get3A_459 = tpu.vector_load %arg20[%get3A_457, %get3A_458] {strides = array<i32>} : memref<16x512xf32, #tpu.memory_space<vmem>>, vector<1x16xf32>,
      %get3A_460 = vector.shape_cast %get3A_459 : vector<1x16xf32> to vector<16xf32>
      %mul3A_461 = arith.mulf %get3A_452, %get3A_460 : vector<16xf32>
      %add3A_462 = arith.addf %add3A_386, %get3A_460 : vector<16xf32>
      %mul3A_463 = arith.mulf %get3A_456, %get3A_460 : vector<16xf32>
      %add3A_464 = arith.addf %add3A_388, %mul3A_463 : vector<16xf32>
      %add3A_465 = arith.addf %add3A_389, %mul3A_461 : vector<16xf32>
      %mul3A_466 = arith.mulf %mul3A_461, %get3A_456 : vector<16xf32>
      %add3A_467 = arith.addf %add3A_391, %mul3A_466 : vector<16xf32>
      %get3A_468 = arith.index_cast %scan3A_224 : i32 to index
      %get3A_469 = arith.constant 192 : index
      %get3A_470 = tpu.vector_load %arg18[%get3A_468, %get3A_469] {strides = array<i32>} : memref<16x512xf32, #tpu.memory_space<vmem>>, vector<1x16xf32>,
      %get3A_471 = vector.shape_cast %get3A_470 : vector<1x16xf32> to vector<16xf32>
      %get3A_472 = arith.index_cast %scan3A_224 : i32 to index
      %get3A_473 = arith.constant 192 : index
      %get3A_474 = tpu.vector_load %arg19[%get3A_472, %get3A_473] {strides = array<i32>} : memref<16x512xf32, #tpu.memory_space<vmem>>, vector<1x16xf32>,
      %get3A_475 = vector.shape_cast %get3A_474 : vector<1x16xf32> to vector<16xf32>
      %get3A_476 = arith.index_cast %scan3A_224 : i32 to index
      %get3A_477 = arith.constant 192 : index
      %get3A_478 = tpu.vector_load %arg20[%get3A_476, %get3A_477] {strides = array<i32>} : memref<16x512xf32, #tpu.memory_space<vmem>>, vector<1x16xf32>,
      %get3A_479 = vector.shape_cast %get3A_478 : vector<1x16xf32> to vector<16xf32>
      %mul3A_480 = arith.mulf %get3A_471, %get3A_479 : vector<16xf32>
      %add3A_481 = arith.addf %add3A_405, %get3A_479 : vector<16xf32>
      %mul3A_482 = arith.mulf %get3A_475, %get3A_479 : vector<16xf32>
      %add3A_483 = arith.addf %add3A_407, %mul3A_482 : vector<16xf32>
      %add3A_484 = arith.addf %add3A_408, %mul3A_480 : vector<16xf32>
      %mul3A_485 = arith.mulf %mul3A_480, %get3A_475 : vector<16xf32>
      %add3A_486 = arith.addf %add3A_410, %mul3A_485 : vector<16xf32>
      %get3A_487 = arith.index_cast %scan3A_224 : i32 to index
      %get3A_488 = arith.constant 208 : index
      %get3A_489 = tpu.vector_load %arg18[%get3A_487, %get3A_488] {strides = array<i32>} : memref<16x512xf32, #tpu.memory_space<vmem>>, vector<1x16xf32>,
      %get3A_490 = vector.shape_cast %get3A_489 : vector<1x16xf32> to vector<16xf32>
      %get3A_491 = arith.index_cast %scan3A_224 : i32 to index
      %get3A_492 = arith.constant 208 : index
      %get3A_493 = tpu.vector_load %arg19[%get3A_491, %get3A_492] {strides = array<i32>} : memref<16x512xf32, #tpu.memory_space<vmem>>, vector<1x16xf32>,
      %get3A_494 = vector.shape_cast %get3A_493 : vector<1x16xf32> to vector<16xf32>
      %get3A_495 = arith.index_cast %scan3A_224 : i32 to index
      %get3A_496 = arith.constant 208 : index
      %get3A_497 = tpu.vector_load %arg20[%get3A_495, %get3A_496] {strides = array<i32>} : memref<16x512xf32, #tpu.memory_space<vmem>>, vector<1x16xf32>,
      %get3A_498 = vector.shape_cast %get3A_497 : vector<1x16xf32> to vector<16xf32>
      %mul3A_499 = arith.mulf %get3A_490, %get3A_498 : vector<16xf32>
      %add3A_500 = arith.addf %add3A_424, %get3A_498 : vector<16xf32>
      %mul3A_501 = arith.mulf %get3A_494, %get3A_498 : vector<16xf32>
      %add3A_502 = arith.addf %add3A_426, %mul3A_501 : vector<16xf32>
      %add3A_503 = arith.addf %add3A_427, %mul3A_499 : vector<16xf32>
      %mul3A_504 = arith.mulf %mul3A_499, %get3A_494 : vector<16xf32>
      %add3A_505 = arith.addf %add3A_429, %mul3A_504 : vector<16xf32>
      %get3A_506 = arith.index_cast %scan3A_224 : i32 to index
      %get3A_507 = arith.constant 224 : index
      %get3A_508 = tpu.vector_load %arg18[%get3A_506, %get3A_507] {strides = array<i32>} : memref<16x512xf32, #tpu.memory_space<vmem>>, vector<1x16xf32>,
      %get3A_509 = vector.shape_cast %get3A_508 : vector<1x16xf32> to vector<16xf32>
      %get3A_510 = arith.index_cast %scan3A_224 : i32 to index
      %get3A_511 = arith.constant 224 : index
      %get3A_512 = tpu.vector_load %arg19[%get3A_510, %get3A_511] {strides = array<i32>} : memref<16x512xf32, #tpu.memory_space<vmem>>, vector<1x16xf32>,
      %get3A_513 = vector.shape_cast %get3A_512 : vector<1x16xf32> to vector<16xf32>
      %get3A_514 = arith.index_cast %scan3A_224 : i32 to index
      %get3A_515 = arith.constant 224 : index
      %get3A_516 = tpu.vector_load %arg20[%get3A_514, %get3A_515] {strides = array<i32>} : memref<16x512xf32, #tpu.memory_space<vmem>>, vector<1x16xf32>,
      %get3A_517 = vector.shape_cast %get3A_516 : vector<1x16xf32> to vector<16xf32>
      %mul3A_518 = arith.mulf %get3A_509, %get3A_517 : vector<16xf32>
      %add3A_519 = arith.addf %add3A_443, %get3A_517 : vector<16xf32>
      %mul3A_520 = arith.mulf %get3A_513, %get3A_517 : vector<16xf32>
      %add3A_521 = arith.addf %add3A_445, %mul3A_520 : vector<16xf32>
      %add3A_522 = arith.addf %add3A_446, %mul3A_518 : vector<16xf32>
      %mul3A_523 = arith.mulf %mul3A_518, %get3A_513 : vector<16xf32>
      %add3A_524 = arith.addf %add3A_448, %mul3A_523 : vector<16xf32>
      %get3A_525 = arith.index_cast %scan3A_224 : i32 to index
      %get3A_526 = arith.constant 240 : index
      %get3A_527 = tpu.vector_load %arg18[%get3A_525, %get3A_526] {strides = array<i32>} : memref<16x512xf32, #tpu.memory_space<vmem>>, vector<1x16xf32>,
      %get3A_528 = vector.shape_cast %get3A_527 : vector<1x16xf32> to vector<16xf32>
      %get3A_529 = arith.index_cast %scan3A_224 : i32 to index
      %get3A_530 = arith.constant 240 : index
      %get3A_531 = tpu.vector_load %arg19[%get3A_529, %get3A_530] {strides = array<i32>} : memref<16x512xf32, #tpu.memory_space<vmem>>, vector<1x16xf32>,
      %get3A_532 = vector.shape_cast %get3A_531 : vector<1x16xf32> to vector<16xf32>
      %get3A_533 = arith.index_cast %scan3A_224 : i32 to index
      %get3A_534 = arith.constant 240 : index
      %get3A_535 = tpu.vector_load %arg20[%get3A_533, %get3A_534] {strides = array<i32>} : memref<16x512xf32, #tpu.memory_space<vmem>>, vector<1x16xf32>,
      %get3A_536 = vector.shape_cast %get3A_535 : vector<1x16xf32> to vector<16xf32>
      %mul3A_537 = arith.mulf %get3A_528, %get3A_536 : vector<16xf32>
      %add3A_538 = arith.addf %add3A_462, %get3A_536 : vector<16xf32>
      %mul3A_539 = arith.mulf %get3A_532, %get3A_536 : vector<16xf32>
      %add3A_540 = arith.addf %add3A_464, %mul3A_539 : vector<16xf32>
      %add3A_541 = arith.addf %add3A_465, %mul3A_537 : vector<16xf32>
      %mul3A_542 = arith.mulf %mul3A_537, %get3A_532 : vector<16xf32>
      %add3A_543 = arith.addf %add3A_467, %mul3A_542 : vector<16xf32>
      %get3A_544 = arith.index_cast %scan3A_224 : i32 to index
      %get3A_545 = arith.constant 256 : index
      %get3A_546 = tpu.vector_load %arg18[%get3A_544, %get3A_545] {strides = array<i32>} : memref<16x512xf32, #tpu.memory_space<vmem>>, vector<1x16xf32>,
      %get3A_547 = vector.shape_cast %get3A_546 : vector<1x16xf32> to vector<16xf32>
      %get3A_548 = arith.index_cast %scan3A_224 : i32 to index
      %get3A_549 = arith.constant 256 : index
      %get3A_550 = tpu.vector_load %arg19[%get3A_548, %get3A_549] {strides = array<i32>} : memref<16x512xf32, #tpu.memory_space<vmem>>, vector<1x16xf32>,
      %get3A_551 = vector.shape_cast %get3A_550 : vector<1x16xf32> to vector<16xf32>
      %get3A_552 = arith.index_cast %scan3A_224 : i32 to index
      %get3A_553 = arith.constant 256 : index
      %get3A_554 = tpu.vector_load %arg20[%get3A_552, %get3A_553] {strides = array<i32>} : memref<16x512xf32, #tpu.memory_space<vmem>>, vector<1x16xf32>,
      %get3A_555 = vector.shape_cast %get3A_554 : vector<1x16xf32> to vector<16xf32>
      %mul3A_556 = arith.mulf %get3A_547, %get3A_555 : vector<16xf32>
      %add3A_557 = arith.addf %add3A_481, %get3A_555 : vector<16xf32>
      %mul3A_558 = arith.mulf %get3A_551, %get3A_555 : vector<16xf32>
      %add3A_559 = arith.addf %add3A_483, %mul3A_558 : vector<16xf32>
      %add3A_560 = arith.addf %add3A_484, %mul3A_556 : vector<16xf32>
      %mul3A_561 = arith.mulf %mul3A_556, %get3A_551 : vector<16xf32>
      %add3A_562 = arith.addf %add3A_486, %mul3A_561 : vector<16xf32>
      %get3A_563 = arith.index_cast %scan3A_224 : i32 to index
      %get3A_564 = arith.constant 272 : index
      %get3A_565 = tpu.vector_load %arg18[%get3A_563, %get3A_564] {strides = array<i32>} : memref<16x512xf32, #tpu.memory_space<vmem>>, vector<1x16xf32>,
      %get3A_566 = vector.shape_cast %get3A_565 : vector<1x16xf32> to vector<16xf32>
      %get3A_567 = arith.index_cast %scan3A_224 : i32 to index
      %get3A_568 = arith.constant 272 : index
      %get3A_569 = tpu.vector_load %arg19[%get3A_567, %get3A_568] {strides = array<i32>} : memref<16x512xf32, #tpu.memory_space<vmem>>, vector<1x16xf32>,
      %get3A_570 = vector.shape_cast %get3A_569 : vector<1x16xf32> to vector<16xf32>
      %get3A_571 = arith.index_cast %scan3A_224 : i32 to index
      %get3A_572 = arith.constant 272 : index
      %get3A_573 = tpu.vector_load %arg20[%get3A_571, %get3A_572] {strides = array<i32>} : memref<16x512xf32, #tpu.memory_space<vmem>>, vector<1x16xf32>,
      %get3A_574 = vector.shape_cast %get3A_573 : vector<1x16xf32> to vector<16xf32>
      %mul3A_575 = arith.mulf %get3A_566, %get3A_574 : vector<16xf32>
      %add3A_576 = arith.addf %add3A_500, %get3A_574 : vector<16xf32>
      %mul3A_577 = arith.mulf %get3A_570, %get3A_574 : vector<16xf32>
      %add3A_578 = arith.addf %add3A_502, %mul3A_577 : vector<16xf32>
      %add3A_579 = arith.addf %add3A_503, %mul3A_575 : vector<16xf32>
      %mul3A_580 = arith.mulf %mul3A_575, %get3A_570 : vector<16xf32>
      %add3A_581 = arith.addf %add3A_505, %mul3A_580 : vector<16xf32>
      %get3A_582 = arith.index_cast %scan3A_224 : i32 to index
      %get3A_583 = arith.constant 288 : index
      %get3A_584 = tpu.vector_load %arg18[%get3A_582, %get3A_583] {strides = array<i32>} : memref<16x512xf32, #tpu.memory_space<vmem>>, vector<1x16xf32>,
      %get3A_585 = vector.shape_cast %get3A_584 : vector<1x16xf32> to vector<16xf32>
      %get3A_586 = arith.index_cast %scan3A_224 : i32 to index
      %get3A_587 = arith.constant 288 : index
      %get3A_588 = tpu.vector_load %arg19[%get3A_586, %get3A_587] {strides = array<i32>} : memref<16x512xf32, #tpu.memory_space<vmem>>, vector<1x16xf32>,
      %get3A_589 = vector.shape_cast %get3A_588 : vector<1x16xf32> to vector<16xf32>
      %get3A_590 = arith.index_cast %scan3A_224 : i32 to index
      %get3A_591 = arith.constant 288 : index
      %get3A_592 = tpu.vector_load %arg20[%get3A_590, %get3A_591] {strides = array<i32>} : memref<16x512xf32, #tpu.memory_space<vmem>>, vector<1x16xf32>,
      %get3A_593 = vector.shape_cast %get3A_592 : vector<1x16xf32> to vector<16xf32>
      %mul3A_594 = arith.mulf %get3A_585, %get3A_593 : vector<16xf32>
      %add3A_595 = arith.addf %add3A_519, %get3A_593 : vector<16xf32>
      %mul3A_596 = arith.mulf %get3A_589, %get3A_593 : vector<16xf32>
      %add3A_597 = arith.addf %add3A_521, %mul3A_596 : vector<16xf32>
      %add3A_598 = arith.addf %add3A_522, %mul3A_594 : vector<16xf32>
      %mul3A_599 = arith.mulf %mul3A_594, %get3A_589 : vector<16xf32>
      %add3A_600 = arith.addf %add3A_524, %mul3A_599 : vector<16xf32>
      %get3A_601 = arith.index_cast %scan3A_224 : i32 to index
      %get3A_602 = arith.constant 304 : index
      %get3A_603 = tpu.vector_load %arg18[%get3A_601, %get3A_602] {strides = array<i32>} : memref<16x512xf32, #tpu.memory_space<vmem>>, vector<1x16xf32>,
      %get3A_604 = vector.shape_cast %get3A_603 : vector<1x16xf32> to vector<16xf32>
      %get3A_605 = arith.index_cast %scan3A_224 : i32 to index
      %get3A_606 = arith.constant 304 : index
      %get3A_607 = tpu.vector_load %arg19[%get3A_605, %get3A_606] {strides = array<i32>} : memref<16x512xf32, #tpu.memory_space<vmem>>, vector<1x16xf32>,
      %get3A_608 = vector.shape_cast %get3A_607 : vector<1x16xf32> to vector<16xf32>
      %get3A_609 = arith.index_cast %scan3A_224 : i32 to index
      %get3A_610 = arith.constant 304 : index
      %get3A_611 = tpu.vector_load %arg20[%get3A_609, %get3A_610] {strides = array<i32>} : memref<16x512xf32, #tpu.memory_space<vmem>>, vector<1x16xf32>,
      %get3A_612 = vector.shape_cast %get3A_611 : vector<1x16xf32> to vector<16xf32>
      %mul3A_613 = arith.mulf %get3A_604, %get3A_612 : vector<16xf32>
      %add3A_614 = arith.addf %add3A_538, %get3A_612 : vector<16xf32>
      %mul3A_615 = arith.mulf %get3A_608, %get3A_612 : vector<16xf32>
      %add3A_616 = arith.addf %add3A_540, %mul3A_615 : vector<16xf32>
      %add3A_617 = arith.addf %add3A_541, %mul3A_613 : vector<16xf32>
      %mul3A_618 = arith.mulf %mul3A_613, %get3A_608 : vector<16xf32>
      %add3A_619 = arith.addf %add3A_543, %mul3A_618 : vector<16xf32>
      %get3A_620 = arith.index_cast %scan3A_224 : i32 to index
      %get3A_621 = arith.constant 320 : index
      %get3A_622 = tpu.vector_load %arg18[%get3A_620, %get3A_621] {strides = array<i32>} : memref<16x512xf32, #tpu.memory_space<vmem>>, vector<1x16xf32>,
      %get3A_623 = vector.shape_cast %get3A_622 : vector<1x16xf32> to vector<16xf32>
      %get3A_624 = arith.index_cast %scan3A_224 : i32 to index
      %get3A_625 = arith.constant 320 : index
      %get3A_626 = tpu.vector_load %arg19[%get3A_624, %get3A_625] {strides = array<i32>} : memref<16x512xf32, #tpu.memory_space<vmem>>, vector<1x16xf32>,
      %get3A_627 = vector.shape_cast %get3A_626 : vector<1x16xf32> to vector<16xf32>
      %get3A_628 = arith.index_cast %scan3A_224 : i32 to index
      %get3A_629 = arith.constant 320 : index
      %get3A_630 = tpu.vector_load %arg20[%get3A_628, %get3A_629] {strides = array<i32>} : memref<16x512xf32, #tpu.memory_space<vmem>>, vector<1x16xf32>,
      %get3A_631 = vector.shape_cast %get3A_630 : vector<1x16xf32> to vector<16xf32>
      %mul3A_632 = arith.mulf %get3A_623, %get3A_631 : vector<16xf32>
      %add3A_633 = arith.addf %add3A_557, %get3A_631 : vector<16xf32>
      %mul3A_634 = arith.mulf %get3A_627, %get3A_631 : vector<16xf32>
      %add3A_635 = arith.addf %add3A_559, %mul3A_634 : vector<16xf32>
      %add3A_636 = arith.addf %add3A_560, %mul3A_632 : vector<16xf32>
      %mul3A_637 = arith.mulf %mul3A_632, %get3A_627 : vector<16xf32>
      %add3A_638 = arith.addf %add3A_562, %mul3A_637 : vector<16xf32>
      %get3A_639 = arith.index_cast %scan3A_224 : i32 to index
      %get3A_640 = arith.constant 336 : index
      %get3A_641 = tpu.vector_load %arg18[%get3A_639, %get3A_640] {strides = array<i32>} : memref<16x512xf32, #tpu.memory_space<vmem>>, vector<1x16xf32>,
      %get3A_642 = vector.shape_cast %get3A_641 : vector<1x16xf32> to vector<16xf32>
      %get3A_643 = arith.index_cast %scan3A_224 : i32 to index
      %get3A_644 = arith.constant 336 : index
      %get3A_645 = tpu.vector_load %arg19[%get3A_643, %get3A_644] {strides = array<i32>} : memref<16x512xf32, #tpu.memory_space<vmem>>, vector<1x16xf32>,
      %get3A_646 = vector.shape_cast %get3A_645 : vector<1x16xf32> to vector<16xf32>
      %get3A_647 = arith.index_cast %scan3A_224 : i32 to index
      %get3A_648 = arith.constant 336 : index
      %get3A_649 = tpu.vector_load %arg20[%get3A_647, %get3A_648] {strides = array<i32>} : memref<16x512xf32, #tpu.memory_space<vmem>>, vector<1x16xf32>,
      %get3A_650 = vector.shape_cast %get3A_649 : vector<1x16xf32> to vector<16xf32>
      %mul3A_651 = arith.mulf %get3A_642, %get3A_650 : vector<16xf32>
      %add3A_652 = arith.addf %add3A_576, %get3A_650 : vector<16xf32>
      %mul3A_653 = arith.mulf %get3A_646, %get3A_650 : vector<16xf32>
      %add3A_654 = arith.addf %add3A_578, %mul3A_653 : vector<16xf32>
      %add3A_655 = arith.addf %add3A_579, %mul3A_651 : vector<16xf32>
      %mul3A_656 = arith.mulf %mul3A_651, %get3A_646 : vector<16xf32>
      %add3A_657 = arith.addf %add3A_581, %mul3A_656 : vector<16xf32>
      %get3A_658 = arith.index_cast %scan3A_224 : i32 to index
      %get3A_659 = arith.constant 352 : index
      %get3A_660 = tpu.vector_load %arg18[%get3A_658, %get3A_659] {strides = array<i32>} : memref<16x512xf32, #tpu.memory_space<vmem>>, vector<1x16xf32>,
      %get3A_661 = vector.shape_cast %get3A_660 : vector<1x16xf32> to vector<16xf32>
      %get3A_662 = arith.index_cast %scan3A_224 : i32 to index
      %get3A_663 = arith.constant 352 : index
      %get3A_664 = tpu.vector_load %arg19[%get3A_662, %get3A_663] {strides = array<i32>} : memref<16x512xf32, #tpu.memory_space<vmem>>, vector<1x16xf32>,
      %get3A_665 = vector.shape_cast %get3A_664 : vector<1x16xf32> to vector<16xf32>
      %get3A_666 = arith.index_cast %scan3A_224 : i32 to index
      %get3A_667 = arith.constant 352 : index
      %get3A_668 = tpu.vector_load %arg20[%get3A_666, %get3A_667] {strides = array<i32>} : memref<16x512xf32, #tpu.memory_space<vmem>>, vector<1x16xf32>,
      %get3A_669 = vector.shape_cast %get3A_668 : vector<1x16xf32> to vector<16xf32>
      %mul3A_670 = arith.mulf %get3A_661, %get3A_669 : vector<16xf32>
      %add3A_671 = arith.addf %add3A_595, %get3A_669 : vector<16xf32>
      %mul3A_672 = arith.mulf %get3A_665, %get3A_669 : vector<16xf32>
      %add3A_673 = arith.addf %add3A_597, %mul3A_672 : vector<16xf32>
      %add3A_674 = arith.addf %add3A_598, %mul3A_670 : vector<16xf32>
      %mul3A_675 = arith.mulf %mul3A_670, %get3A_665 : vector<16xf32>
      %add3A_676 = arith.addf %add3A_600, %mul3A_675 : vector<16xf32>
      %get3A_677 = arith.index_cast %scan3A_224 : i32 to index
      %get3A_678 = arith.constant 368 : index
      %get3A_679 = tpu.vector_load %arg18[%get3A_677, %get3A_678] {strides = array<i32>} : memref<16x512xf32, #tpu.memory_space<vmem>>, vector<1x16xf32>,
      %get3A_680 = vector.shape_cast %get3A_679 : vector<1x16xf32> to vector<16xf32>
      %get3A_681 = arith.index_cast %scan3A_224 : i32 to index
      %get3A_682 = arith.constant 368 : index
      %get3A_683 = tpu.vector_load %arg19[%get3A_681, %get3A_682] {strides = array<i32>} : memref<16x512xf32, #tpu.memory_space<vmem>>, vector<1x16xf32>,
      %get3A_684 = vector.shape_cast %get3A_683 : vector<1x16xf32> to vector<16xf32>
      %get3A_685 = arith.index_cast %scan3A_224 : i32 to index
      %get3A_686 = arith.constant 368 : index
      %get3A_687 = tpu.vector_load %arg20[%get3A_685, %get3A_686] {strides = array<i32>} : memref<16x512xf32, #tpu.memory_space<vmem>>, vector<1x16xf32>,
      %get3A_688 = vector.shape_cast %get3A_687 : vector<1x16xf32> to vector<16xf32>
      %mul3A_689 = arith.mulf %get3A_680, %get3A_688 : vector<16xf32>
      %add3A_690 = arith.addf %add3A_614, %get3A_688 : vector<16xf32>
      %mul3A_691 = arith.mulf %get3A_684, %get3A_688 : vector<16xf32>
      %add3A_692 = arith.addf %add3A_616, %mul3A_691 : vector<16xf32>
      %add3A_693 = arith.addf %add3A_617, %mul3A_689 : vector<16xf32>
      %mul3A_694 = arith.mulf %mul3A_689, %get3A_684 : vector<16xf32>
      %add3A_695 = arith.addf %add3A_619, %mul3A_694 : vector<16xf32>
      %get3A_696 = arith.index_cast %scan3A_224 : i32 to index
      %get3A_697 = arith.constant 384 : index
      %get3A_698 = tpu.vector_load %arg18[%get3A_696, %get3A_697] {strides = array<i32>} : memref<16x512xf32, #tpu.memory_space<vmem>>, vector<1x16xf32>,
      %get3A_699 = vector.shape_cast %get3A_698 : vector<1x16xf32> to vector<16xf32>
      %get3A_700 = arith.index_cast %scan3A_224 : i32 to index
      %get3A_701 = arith.constant 384 : index
      %get3A_702 = tpu.vector_load %arg19[%get3A_700, %get3A_701] {strides = array<i32>} : memref<16x512xf32, #tpu.memory_space<vmem>>, vector<1x16xf32>,
      %get3A_703 = vector.shape_cast %get3A_702 : vector<1x16xf32> to vector<16xf32>
      %get3A_704 = arith.index_cast %scan3A_224 : i32 to index
      %get3A_705 = arith.constant 384 : index
      %get3A_706 = tpu.vector_load %arg20[%get3A_704, %get3A_705] {strides = array<i32>} : memref<16x512xf32, #tpu.memory_space<vmem>>, vector<1x16xf32>,
      %get3A_707 = vector.shape_cast %get3A_706 : vector<1x16xf32> to vector<16xf32>
      %mul3A_708 = arith.mulf %get3A_699, %get3A_707 : vector<16xf32>
      %add3A_709 = arith.addf %add3A_633, %get3A_707 : vector<16xf32>
      %mul3A_710 = arith.mulf %get3A_703, %get3A_707 : vector<16xf32>
      %add3A_711 = arith.addf %add3A_635, %mul3A_710 : vector<16xf32>
      %add3A_712 = arith.addf %add3A_636, %mul3A_708 : vector<16xf32>
      %mul3A_713 = arith.mulf %mul3A_708, %get3A_703 : vector<16xf32>
      %add3A_714 = arith.addf %add3A_638, %mul3A_713 : vector<16xf32>
      %get3A_715 = arith.index_cast %scan3A_224 : i32 to index
      %get3A_716 = arith.constant 400 : index
      %get3A_717 = tpu.vector_load %arg18[%get3A_715, %get3A_716] {strides = array<i32>} : memref<16x512xf32, #tpu.memory_space<vmem>>, vector<1x16xf32>,
      %get3A_718 = vector.shape_cast %get3A_717 : vector<1x16xf32> to vector<16xf32>
      %get3A_719 = arith.index_cast %scan3A_224 : i32 to index
      %get3A_720 = arith.constant 400 : index
      %get3A_721 = tpu.vector_load %arg19[%get3A_719, %get3A_720] {strides = array<i32>} : memref<16x512xf32, #tpu.memory_space<vmem>>, vector<1x16xf32>,
      %get3A_722 = vector.shape_cast %get3A_721 : vector<1x16xf32> to vector<16xf32>
      %get3A_723 = arith.index_cast %scan3A_224 : i32 to index
      %get3A_724 = arith.constant 400 : index
      %get3A_725 = tpu.vector_load %arg20[%get3A_723, %get3A_724] {strides = array<i32>} : memref<16x512xf32, #tpu.memory_space<vmem>>, vector<1x16xf32>,
      %get3A_726 = vector.shape_cast %get3A_725 : vector<1x16xf32> to vector<16xf32>
      %mul3A_727 = arith.mulf %get3A_718, %get3A_726 : vector<16xf32>
      %add3A_728 = arith.addf %add3A_652, %get3A_726 : vector<16xf32>
      %mul3A_729 = arith.mulf %get3A_722, %get3A_726 : vector<16xf32>
      %add3A_730 = arith.addf %add3A_654, %mul3A_729 : vector<16xf32>
      %add3A_731 = arith.addf %add3A_655, %mul3A_727 : vector<16xf32>
      %mul3A_732 = arith.mulf %mul3A_727, %get3A_722 : vector<16xf32>
      %add3A_733 = arith.addf %add3A_657, %mul3A_732 : vector<16xf32>
      %get3A_734 = arith.index_cast %scan3A_224 : i32 to index
      %get3A_735 = arith.constant 416 : index
      %get3A_736 = tpu.vector_load %arg18[%get3A_734, %get3A_735] {strides = array<i32>} : memref<16x512xf32, #tpu.memory_space<vmem>>, vector<1x16xf32>,
      %get3A_737 = vector.shape_cast %get3A_736 : vector<1x16xf32> to vector<16xf32>
      %get3A_738 = arith.index_cast %scan3A_224 : i32 to index
      %get3A_739 = arith.constant 416 : index
      %get3A_740 = tpu.vector_load %arg19[%get3A_738, %get3A_739] {strides = array<i32>} : memref<16x512xf32, #tpu.memory_space<vmem>>, vector<1x16xf32>,
      %get3A_741 = vector.shape_cast %get3A_740 : vector<1x16xf32> to vector<16xf32>
      %get3A_742 = arith.index_cast %scan3A_224 : i32 to index
      %get3A_743 = arith.constant 416 : index
      %get3A_744 = tpu.vector_load %arg20[%get3A_742, %get3A_743] {strides = array<i32>} : memref<16x512xf32, #tpu.memory_space<vmem>>, vector<1x16xf32>,
      %get3A_745 = vector.shape_cast %get3A_744 : vector<1x16xf32> to vector<16xf32>
      %mul3A_746 = arith.mulf %get3A_737, %get3A_745 : vector<16xf32>
      %add3A_747 = arith.addf %add3A_671, %get3A_745 : vector<16xf32>
      %mul3A_748 = arith.mulf %get3A_741, %get3A_745 : vector<16xf32>
      %add3A_749 = arith.addf %add3A_673, %mul3A_748 : vector<16xf32>
      %add3A_750 = arith.addf %add3A_674, %mul3A_746 : vector<16xf32>
      %mul3A_751 = arith.mulf %mul3A_746, %get3A_741 : vector<16xf32>
      %add3A_752 = arith.addf %add3A_676, %mul3A_751 : vector<16xf32>
      %get3A_753 = arith.index_cast %scan3A_224 : i32 to index
      %get3A_754 = arith.constant 432 : index
      %get3A_755 = tpu.vector_load %arg18[%get3A_753, %get3A_754] {strides = array<i32>} : memref<16x512xf32, #tpu.memory_space<vmem>>, vector<1x16xf32>,
      %get3A_756 = vector.shape_cast %get3A_755 : vector<1x16xf32> to vector<16xf32>
      %get3A_757 = arith.index_cast %scan3A_224 : i32 to index
      %get3A_758 = arith.constant 432 : index
      %get3A_759 = tpu.vector_load %arg19[%get3A_757, %get3A_758] {strides = array<i32>} : memref<16x512xf32, #tpu.memory_space<vmem>>, vector<1x16xf32>,
      %get3A_760 = vector.shape_cast %get3A_759 : vector<1x16xf32> to vector<16xf32>
      %get3A_761 = arith.index_cast %scan3A_224 : i32 to index
      %get3A_762 = arith.constant 432 : index
      %get3A_763 = tpu.vector_load %arg20[%get3A_761, %get3A_762] {strides = array<i32>} : memref<16x512xf32, #tpu.memory_space<vmem>>, vector<1x16xf32>,
      %get3A_764 = vector.shape_cast %get3A_763 : vector<1x16xf32> to vector<16xf32>
      %mul3A_765 = arith.mulf %get3A_756, %get3A_764 : vector<16xf32>
      %add3A_766 = arith.addf %add3A_690, %get3A_764 : vector<16xf32>
      %mul3A_767 = arith.mulf %get3A_760, %get3A_764 : vector<16xf32>
      %add3A_768 = arith.addf %add3A_692, %mul3A_767 : vector<16xf32>
      %add3A_769 = arith.addf %add3A_693, %mul3A_765 : vector<16xf32>
      %mul3A_770 = arith.mulf %mul3A_765, %get3A_760 : vector<16xf32>
      %add3A_771 = arith.addf %add3A_695, %mul3A_770 : vector<16xf32>
      %get3A_772 = arith.index_cast %scan3A_224 : i32 to index
      %get3A_773 = arith.constant 448 : index
      %get3A_774 = tpu.vector_load %arg18[%get3A_772, %get3A_773] {strides = array<i32>} : memref<16x512xf32, #tpu.memory_space<vmem>>, vector<1x16xf32>,
      %get3A_775 = vector.shape_cast %get3A_774 : vector<1x16xf32> to vector<16xf32>
      %get3A_776 = arith.index_cast %scan3A_224 : i32 to index
      %get3A_777 = arith.constant 448 : index
      %get3A_778 = tpu.vector_load %arg19[%get3A_776, %get3A_777] {strides = array<i32>} : memref<16x512xf32, #tpu.memory_space<vmem>>, vector<1x16xf32>,
      %get3A_779 = vector.shape_cast %get3A_778 : vector<1x16xf32> to vector<16xf32>
      %get3A_780 = arith.index_cast %scan3A_224 : i32 to index
      %get3A_781 = arith.constant 448 : index
      %get3A_782 = tpu.vector_load %arg20[%get3A_780, %get3A_781] {strides = array<i32>} : memref<16x512xf32, #tpu.memory_space<vmem>>, vector<1x16xf32>,
      %get3A_783 = vector.shape_cast %get3A_782 : vector<1x16xf32> to vector<16xf32>
      %mul3A_784 = arith.mulf %get3A_775, %get3A_783 : vector<16xf32>
      %add3A_785 = arith.addf %add3A_709, %get3A_783 : vector<16xf32>
      %mul3A_786 = arith.mulf %get3A_779, %get3A_783 : vector<16xf32>
      %add3A_787 = arith.addf %add3A_711, %mul3A_786 : vector<16xf32>
      %add3A_788 = arith.addf %add3A_712, %mul3A_784 : vector<16xf32>
      %mul3A_789 = arith.mulf %mul3A_784, %get3A_779 : vector<16xf32>
      %add3A_790 = arith.addf %add3A_714, %mul3A_789 : vector<16xf32>
      %get3A_791 = arith.index_cast %scan3A_224 : i32 to index
      %get3A_792 = arith.constant 464 : index
      %get3A_793 = tpu.vector_load %arg18[%get3A_791, %get3A_792] {strides = array<i32>} : memref<16x512xf32, #tpu.memory_space<vmem>>, vector<1x16xf32>,
      %get3A_794 = vector.shape_cast %get3A_793 : vector<1x16xf32> to vector<16xf32>
      %get3A_795 = arith.index_cast %scan3A_224 : i32 to index
      %get3A_796 = arith.constant 464 : index
      %get3A_797 = tpu.vector_load %arg19[%get3A_795, %get3A_796] {strides = array<i32>} : memref<16x512xf32, #tpu.memory_space<vmem>>, vector<1x16xf32>,
      %get3A_798 = vector.shape_cast %get3A_797 : vector<1x16xf32> to vector<16xf32>
      %get3A_799 = arith.index_cast %scan3A_224 : i32 to index
      %get3A_800 = arith.constant 464 : index
      %get3A_801 = tpu.vector_load %arg20[%get3A_799, %get3A_800] {strides = array<i32>} : memref<16x512xf32, #tpu.memory_space<vmem>>, vector<1x16xf32>,
      %get3A_802 = vector.shape_cast %get3A_801 : vector<1x16xf32> to vector<16xf32>
      %mul3A_803 = arith.mulf %get3A_794, %get3A_802 : vector<16xf32>
      %add3A_804 = arith.addf %add3A_728, %get3A_802 : vector<16xf32>
      %mul3A_805 = arith.mulf %get3A_798, %get3A_802 : vector<16xf32>
      %add3A_806 = arith.addf %add3A_730, %mul3A_805 : vector<16xf32>
      %add3A_807 = arith.addf %add3A_731, %mul3A_803 : vector<16xf32>
      %mul3A_808 = arith.mulf %mul3A_803, %get3A_798 : vector<16xf32>
      %add3A_809 = arith.addf %add3A_733, %mul3A_808 : vector<16xf32>
      %get3A_810 = arith.index_cast %scan3A_224 : i32 to index
      %get3A_811 = arith.constant 480 : index
      %get3A_812 = tpu.vector_load %arg18[%get3A_810, %get3A_811] {strides = array<i32>} : memref<16x512xf32, #tpu.memory_space<vmem>>, vector<1x16xf32>,
      %get3A_813 = vector.shape_cast %get3A_812 : vector<1x16xf32> to vector<16xf32>
      %get3A_814 = arith.index_cast %scan3A_224 : i32 to index
      %get3A_815 = arith.constant 480 : index
      %get3A_816 = tpu.vector_load %arg19[%get3A_814, %get3A_815] {strides = array<i32>} : memref<16x512xf32, #tpu.memory_space<vmem>>, vector<1x16xf32>,
      %get3A_817 = vector.shape_cast %get3A_816 : vector<1x16xf32> to vector<16xf32>
      %get3A_818 = arith.index_cast %scan3A_224 : i32 to index
      %get3A_819 = arith.constant 480 : index
      %get3A_820 = tpu.vector_load %arg20[%get3A_818, %get3A_819] {strides = array<i32>} : memref<16x512xf32, #tpu.memory_space<vmem>>, vector<1x16xf32>,
      %get3A_821 = vector.shape_cast %get3A_820 : vector<1x16xf32> to vector<16xf32>
      %mul3A_822 = arith.mulf %get3A_813, %get3A_821 : vector<16xf32>
      %add3A_823 = arith.addf %add3A_747, %get3A_821 : vector<16xf32>
      %mul3A_824 = arith.mulf %get3A_817, %get3A_821 : vector<16xf32>
      %add3A_825 = arith.addf %add3A_749, %mul3A_824 : vector<16xf32>
      %add3A_826 = arith.addf %add3A_750, %mul3A_822 : vector<16xf32>
      %mul3A_827 = arith.mulf %mul3A_822, %get3A_817 : vector<16xf32>
      %add3A_828 = arith.addf %add3A_752, %mul3A_827 : vector<16xf32>
      %get3A_829 = arith.index_cast %scan3A_224 : i32 to index
      %get3A_830 = arith.constant 496 : index
      %get3A_831 = tpu.vector_load %arg18[%get3A_829, %get3A_830] {strides = array<i32>} : memref<16x512xf32, #tpu.memory_space<vmem>>, vector<1x16xf32>,
      %get3A_832 = vector.shape_cast %get3A_831 : vector<1x16xf32> to vector<16xf32>
      %get3A_833 = arith.index_cast %scan3A_224 : i32 to index
      %get3A_834 = arith.constant 496 : index
      %get3A_835 = tpu.vector_load %arg19[%get3A_833, %get3A_834] {strides = array<i32>} : memref<16x512xf32, #tpu.memory_space<vmem>>, vector<1x16xf32>,
      %get3A_836 = vector.shape_cast %get3A_835 : vector<1x16xf32> to vector<16xf32>
      %get3A_837 = arith.index_cast %scan3A_224 : i32 to index
      %get3A_838 = arith.constant 496 : index
      %get3A_839 = tpu.vector_load %arg20[%get3A_837, %get3A_838] {strides = array<i32>} : memref<16x512xf32, #tpu.memory_space<vmem>>, vector<1x16xf32>,
      %get3A_840 = vector.shape_cast %get3A_839 : vector<1x16xf32> to vector<16xf32>
      %mul3A_841 = arith.mulf %get3A_832, %get3A_840 : vector<16xf32>
      %add3A_842 = arith.addf %add3A_766, %get3A_840 : vector<16xf32>
      %mul3A_843 = arith.mulf %get3A_836, %get3A_840 : vector<16xf32>
      %add3A_844 = arith.addf %add3A_768, %mul3A_843 : vector<16xf32>
      %add3A_845 = arith.addf %add3A_769, %mul3A_841 : vector<16xf32>
      %mul3A_846 = arith.mulf %mul3A_841, %get3A_836 : vector<16xf32>
      %add3A_847 = arith.addf %add3A_771, %mul3A_846 : vector<16xf32>
      scf.yield %add3A_785, %add3A_804, %add3A_823, %add3A_842, %add3A_787, %add3A_806, %add3A_825, %add3A_844, %add3A_788, %add3A_807, %add3A_826, %add3A_845, %add3A_790, %add3A_809, %add3A_828, %add3A_847 : vector<16xf32>, vector<16xf32>, vector<16xf32>, vector<16xf32>, vector<16xf32>, vector<16xf32>, vector<16xf32>, vector<16xf32>, vector<16xf32>, vector<16xf32>, vector<16xf32>, vector<16xf32>, vector<16xf32>, vector<16xf32>, vector<16xf32>, vector<16xf32>
    }
    %scan3A_196 = arith.constant 16 : i32
    %add3A_197 = arith.addf %scan3A_195#0, %scan3A_195#1 : vector<16xf32>
    %add3A_198 = arith.addf %add3A_197, %scan3A_195#2 : vector<16xf32>
    %add3A_199 = arith.addf %add3A_198, %scan3A_195#3 : vector<16xf32>
    %add3A_200 = arith.addf %scan3A_195#4, %scan3A_195#5 : vector<16xf32>
    %add3A_201 = arith.addf %add3A_200, %scan3A_195#6 : vector<16xf32>
    %add3A_202 = arith.addf %add3A_201, %scan3A_195#7 : vector<16xf32>
    %add3A_203 = arith.addf %scan3A_195#8, %scan3A_195#9 : vector<16xf32>
    %add3A_204 = arith.addf %add3A_203, %scan3A_195#10 : vector<16xf32>
    %add3A_205 = arith.addf %add3A_204, %scan3A_195#11 : vector<16xf32>
    %add3A_206 = arith.addf %scan3A_195#12, %scan3A_195#13 : vector<16xf32>
    %add3A_207 = arith.addf %add3A_206, %scan3A_195#14 : vector<16xf32>
    %add3A_208 = arith.addf %add3A_207, %scan3A_195#15 : vector<16xf32>
    %swap3A = arith.constant 0 : index
    %swap3A_209 = tpu.vector_load %arg36[%swap3A] {strides = array<i32>} : memref<64xf32, #tpu.memory_space<vmem>>, vector<16xf32>,
    %swap3A_210 = vector.shape_cast %swap3A_209 : vector<16xf32> to vector<16xf32>
    %swap3A_211 = vector.shape_cast %add3A_199 : vector<16xf32> to vector<16xf32>
    tpu.vector_store %arg36[%swap3A], %swap3A_211 {strides = array<i32>} : memref<64xf32, #tpu.memory_space<vmem>>, vector<16xf32>,
    %swap3A_212 = arith.constant 16 : index
    %swap3A_213 = tpu.vector_load %arg36[%swap3A_212] {strides = array<i32>} : memref<64xf32, #tpu.memory_space<vmem>>, vector<16xf32>,
    %swap3A_214 = vector.shape_cast %swap3A_213 : vector<16xf32> to vector<16xf32>
    %swap3A_215 = vector.shape_cast %add3A_202 : vector<16xf32> to vector<16xf32>
    tpu.vector_store %arg36[%swap3A_212], %swap3A_215 {strides = array<i32>} : memref<64xf32, #tpu.memory_space<vmem>>, vector<16xf32>,
    %swap3A_216 = arith.constant 32 : index
    %swap3A_217 = tpu.vector_load %arg36[%swap3A_216] {strides = array<i32>} : memref<64xf32, #tpu.memory_space<vmem>>, vector<16xf32>,
    %swap3A_218 = vector.shape_cast %swap3A_217 : vector<16xf32> to vector<16xf32>
    %swap3A_219 = vector.shape_cast %add3A_205 : vector<16xf32> to vector<16xf32>
    tpu.vector_store %arg36[%swap3A_216], %swap3A_219 {strides = array<i32>} : memref<64xf32, #tpu.memory_space<vmem>>, vector<16xf32>,
    %swap3A_220 = arith.constant 48 : index
    %swap3A_221 = tpu.vector_load %arg36[%swap3A_220] {strides = array<i32>} : memref<64xf32, #tpu.memory_space<vmem>>, vector<16xf32>,
    %swap3A_222 = vector.shape_cast %swap3A_221 : vector<16xf32> to vector<16xf32>
    %swap3A_223 = vector.shape_cast %add3A_208 : vector<16xf32> to vector<16xf32>
    tpu.vector_store %arg36[%swap3A_220], %swap3A_223 {strides = array<i32>} : memref<64xf32, #tpu.memory_space<vmem>>, vector<16xf32>,
    "tpu.region"() ({
      %run_scoped3A = tpu.sem_alloc : memref<!tpu.dma_semaphore, #tpu.memory_space<semaphore_mem>>
      %dma_start3A_224 = arith.constant 0 : i32
      %dma_start3A_225 = tpu.memref_slice %arg5[%add3A, %dma_start3A_224] : memref<32x64xf32, #tpu.memory_space<hbm>> -> memref<1x64xf32, #tpu.memory_space<hbm>>
      %dma_start3A_226 = tpu.memref_squeeze %dma_start3A_225 : memref<1x64xf32, #tpu.memory_space<hbm>> -> memref<64xf32, #tpu.memory_space<hbm>>
      %dma_start3A_227 = arith.constant 0 : i32
      %dma_start3A_228 = tpu.memref_slice %arg5[%add3A, %dma_start3A_227] : memref<32x64xf32, #tpu.memory_space<hbm>> -> memref<1x64xf32, #tpu.memory_space<hbm>>
      %dma_start3A_229 = tpu.memref_squeeze %dma_start3A_228 : memref<1x64xf32, #tpu.memory_space<hbm>> -> memref<64xf32, #tpu.memory_space<hbm>>
      tpu.enqueue_dma source(%arg36 : memref<64xf32, #tpu.memory_space<vmem>>) target(%dma_start3A_229 : memref<64xf32, #tpu.memory_space<hbm>>) target_semaphore(%run_scoped3A : memref<!tpu.dma_semaphore, #tpu.memory_space<semaphore_mem>>)
      %dma_wait3A_230 = arith.constant 0 : i32
      %dma_wait3A_231 = tpu.memref_slice %arg5[%add3A, %dma_wait3A_230] : memref<32x64xf32, #tpu.memory_space<hbm>> -> memref<1x64xf32, #tpu.memory_space<hbm>>
      %dma_wait3A_232 = tpu.memref_squeeze %dma_wait3A_231 : memref<1x64xf32, #tpu.memory_space<hbm>> -> memref<64xf32, #tpu.memory_space<hbm>>
      %dma_wait3A_233 = arith.constant 0 : i32
      %dma_wait3A_234 = tpu.memref_slice %arg5[%add3A, %dma_wait3A_233] : memref<32x64xf32, #tpu.memory_space<hbm>> -> memref<1x64xf32, #tpu.memory_space<hbm>>
      %dma_wait3A_235 = tpu.memref_squeeze %dma_wait3A_234 : memref<1x64xf32, #tpu.memory_space<hbm>> -> memref<64xf32, #tpu.memory_space<hbm>>
      tpu.wait_dma2 semaphore(%run_scoped3A : memref<!tpu.dma_semaphore, #tpu.memory_space<semaphore_mem>>) src(%arg36 : memref<64xf32, #tpu.memory_space<vmem>>) dst(%dma_wait3A_235 : memref<64xf32, #tpu.memory_space<hbm>>)
      tpu.yield
    }) : () -> ()
    return
  }
}

module attributes {stable_mosaic.version = 14 : i64} {
  func.func @_epilogue_body(%arg0: memref<32x64xf32, #tpu.memory_space<vmem>>, %arg1: memref<4x512xf32, #tpu.memory_space<vmem>>, %arg2: memref<1x1xf32, #tpu.memory_space<smem>>) attributes {dimension_semantics = [], scalar_prefetch = 0 : i64, scratch_operands = 0 : i64, tpu.core_type = #tpu.core_type<tc>} {
    %get3A = arith.constant 0 : index
    %get3A_0 = arith.constant 0 : index
    %get3A_1 = vector.load %arg0[%get3A, %get3A_0] : memref<32x64xf32, #tpu.memory_space<vmem>>, vector<32x64xf32>
    %get3A_2 = arith.constant 0 : index
    %get3A_3 = arith.constant 0 : index
    %get3A_4 = vector.load %arg1[%get3A_2, %get3A_3] : memref<4x512xf32, #tpu.memory_space<vmem>>, vector<4x512xf32>
    %slice3A = vector.extract_strided_slice %get3A_1 {offsets = [0, 0], sizes = [32, 16], strides = [1, 1]} : vector<32x64xf32> to vector<32x16xf32>
    %reduce_sum3A = vector.shape_cast %slice3A : vector<32x16xf32> to vector<1x32x16xf32>
    %reduce_sum3A_5 = arith.constant dense<0.000000e+00> : vector<1xf32>
    %reduce_sum3A_6 = vector.multi_reduction <add>, %reduce_sum3A, %reduce_sum3A_5 [1, 2] : vector<1x32x16xf32> to vector<1xf32>
    %reduce_sum3A_7 = vector.shape_cast %reduce_sum3A_6 : vector<1xf32> to vector<1x1x1xf32>
    %reduce_sum3A_8 = vector.extract %reduce_sum3A_7[0, 0, 0] : f32 from vector<1x1x1xf32>
    %slice3A_9 = vector.extract_strided_slice %get3A_4 {offsets = [0, 0], sizes = [1, 512], strides = [1, 1]} : vector<4x512xf32> to vector<1x512xf32>
    %squeeze3A = vector.shape_cast %slice3A_9 : vector<1x512xf32> to vector<512xf32>
    %reduce_sum3A_10 = vector.shape_cast %squeeze3A : vector<512xf32> to vector<1x512xf32>
    %reduce_sum3A_11 = arith.constant dense<0.000000e+00> : vector<1xf32>
    %reduce_sum3A_12 = vector.multi_reduction <add>, %reduce_sum3A_10, %reduce_sum3A_11 [1] : vector<1x512xf32> to vector<1xf32>
    %reduce_sum3A_13 = vector.shape_cast %reduce_sum3A_12 : vector<1xf32> to vector<1x1xf32>
    %reduce_sum3A_14 = vector.extract %reduce_sum3A_13[0, 0] : f32 from vector<1x1xf32>
    %add3A = arith.addf %reduce_sum3A_8, %reduce_sum3A_14 : f32
    %slice3A_15 = vector.extract_strided_slice %get3A_1 {offsets = [0, 16], sizes = [32, 16], strides = [1, 1]} : vector<32x64xf32> to vector<32x16xf32>
    %reduce_sum3A_16 = vector.shape_cast %slice3A_15 : vector<32x16xf32> to vector<1x32x16xf32>
    %reduce_sum3A_17 = arith.constant dense<0.000000e+00> : vector<1xf32>
    %reduce_sum3A_18 = vector.multi_reduction <add>, %reduce_sum3A_16, %reduce_sum3A_17 [1, 2] : vector<1x32x16xf32> to vector<1xf32>
    %reduce_sum3A_19 = vector.shape_cast %reduce_sum3A_18 : vector<1xf32> to vector<1x1x1xf32>
    %reduce_sum3A_20 = vector.extract %reduce_sum3A_19[0, 0, 0] : f32 from vector<1x1x1xf32>
    %slice3A_21 = vector.extract_strided_slice %get3A_4 {offsets = [1, 0], sizes = [1, 512], strides = [1, 1]} : vector<4x512xf32> to vector<1x512xf32>
    %squeeze3A_22 = vector.shape_cast %slice3A_21 : vector<1x512xf32> to vector<512xf32>
    %reduce_sum3A_23 = vector.shape_cast %squeeze3A_22 : vector<512xf32> to vector<1x512xf32>
    %reduce_sum3A_24 = arith.constant dense<0.000000e+00> : vector<1xf32>
    %reduce_sum3A_25 = vector.multi_reduction <add>, %reduce_sum3A_23, %reduce_sum3A_24 [1] : vector<1x512xf32> to vector<1xf32>
    %reduce_sum3A_26 = vector.shape_cast %reduce_sum3A_25 : vector<1xf32> to vector<1x1xf32>
    %reduce_sum3A_27 = vector.extract %reduce_sum3A_26[0, 0] : f32 from vector<1x1xf32>
    %add3A_28 = arith.addf %reduce_sum3A_20, %reduce_sum3A_27 : f32
    %slice3A_29 = vector.extract_strided_slice %get3A_1 {offsets = [0, 32], sizes = [32, 16], strides = [1, 1]} : vector<32x64xf32> to vector<32x16xf32>
    %reduce_sum3A_30 = vector.shape_cast %slice3A_29 : vector<32x16xf32> to vector<1x32x16xf32>
    %reduce_sum3A_31 = arith.constant dense<0.000000e+00> : vector<1xf32>
    %reduce_sum3A_32 = vector.multi_reduction <add>, %reduce_sum3A_30, %reduce_sum3A_31 [1, 2] : vector<1x32x16xf32> to vector<1xf32>
    %reduce_sum3A_33 = vector.shape_cast %reduce_sum3A_32 : vector<1xf32> to vector<1x1x1xf32>
    %reduce_sum3A_34 = vector.extract %reduce_sum3A_33[0, 0, 0] : f32 from vector<1x1x1xf32>
    %slice3A_35 = vector.extract_strided_slice %get3A_4 {offsets = [2, 0], sizes = [1, 512], strides = [1, 1]} : vector<4x512xf32> to vector<1x512xf32>
    %squeeze3A_36 = vector.shape_cast %slice3A_35 : vector<1x512xf32> to vector<512xf32>
    %reduce_sum3A_37 = vector.shape_cast %squeeze3A_36 : vector<512xf32> to vector<1x512xf32>
    %reduce_sum3A_38 = arith.constant dense<0.000000e+00> : vector<1xf32>
    %reduce_sum3A_39 = vector.multi_reduction <add>, %reduce_sum3A_37, %reduce_sum3A_38 [1] : vector<1x512xf32> to vector<1xf32>
    %reduce_sum3A_40 = vector.shape_cast %reduce_sum3A_39 : vector<1xf32> to vector<1x1xf32>
    %reduce_sum3A_41 = vector.extract %reduce_sum3A_40[0, 0] : f32 from vector<1x1xf32>
    %add3A_42 = arith.addf %reduce_sum3A_34, %reduce_sum3A_41 : f32
    %slice3A_43 = vector.extract_strided_slice %get3A_1 {offsets = [0, 48], sizes = [32, 16], strides = [1, 1]} : vector<32x64xf32> to vector<32x16xf32>
    %reduce_sum3A_44 = vector.shape_cast %slice3A_43 : vector<32x16xf32> to vector<1x32x16xf32>
    %reduce_sum3A_45 = arith.constant dense<0.000000e+00> : vector<1xf32>
    %reduce_sum3A_46 = vector.multi_reduction <add>, %reduce_sum3A_44, %reduce_sum3A_45 [1, 2] : vector<1x32x16xf32> to vector<1xf32>
    %reduce_sum3A_47 = vector.shape_cast %reduce_sum3A_46 : vector<1xf32> to vector<1x1x1xf32>
    %reduce_sum3A_48 = vector.extract %reduce_sum3A_47[0, 0, 0] : f32 from vector<1x1x1xf32>
    %slice3A_49 = vector.extract_strided_slice %get3A_4 {offsets = [3, 0], sizes = [1, 512], strides = [1, 1]} : vector<4x512xf32> to vector<1x512xf32>
    %squeeze3A_50 = vector.shape_cast %slice3A_49 : vector<1x512xf32> to vector<512xf32>
    %reduce_sum3A_51 = vector.shape_cast %squeeze3A_50 : vector<512xf32> to vector<1x512xf32>
    %reduce_sum3A_52 = arith.constant dense<0.000000e+00> : vector<1xf32>
    %reduce_sum3A_53 = vector.multi_reduction <add>, %reduce_sum3A_51, %reduce_sum3A_52 [1] : vector<1x512xf32> to vector<1xf32>
    %reduce_sum3A_54 = vector.shape_cast %reduce_sum3A_53 : vector<1xf32> to vector<1x1xf32>
    %reduce_sum3A_55 = vector.extract %reduce_sum3A_54[0, 0] : f32 from vector<1x1xf32>
    %add3A_56 = arith.addf %reduce_sum3A_48, %reduce_sum3A_55 : f32
    %mul3A = arith.constant 2.000000e+00 : f32
    %mul3A_57 = arith.mulf %mul3A, %add3A_56 : f32
    %add3A_58 = arith.addf %add3A_42, %add3A_28 : f32
    %add3A_59 = arith.constant 1.000000e-07 : f32
    %add3A_60 = arith.addf %add3A_58, %add3A_59 : f32
    %div3A = arith.divf %mul3A_57, %add3A_60 : f32
    %sub3A = arith.constant 1.000000e+00 : f32
    %sub3A_61 = arith.subf %sub3A, %div3A : f32
    %sub3A_62 = arith.subf %add3A, %add3A_28 : f32
    %mul3A_63 = arith.constant 3.000000e+00 : f32
    %mul3A_64 = arith.mulf %mul3A_63, %add3A_28 : f32
    %min3A = arith.minimumf %sub3A_62, %mul3A_64 : f32
    %add3A_65 = arith.addf %add3A_28, %min3A : f32
    %mul3A_66 = arith.mulf %sub3A_61, %add3A_65 : f32
    %add3A_67 = arith.addf %add3A_28, %min3A : f32
    %add3A_68 = arith.constant 1.000000e-07 : f32
    %add3A_69 = arith.addf %add3A_67, %add3A_68 : f32
    %div3A_70 = arith.divf %mul3A_66, %add3A_69 : f32
    %mul3A_71 = arith.mulf %sub3A_61, %add3A_28 : f32
    %add3A_72 = arith.constant 1.000000e-07 : f32
    %add3A_73 = arith.addf %add3A_28, %add3A_72 : f32
    %div3A_74 = arith.divf %mul3A_71, %add3A_73 : f32
    %gt3A = arith.constant 0.000000e+00 : f32
    %gt3A_75 = arith.cmpf ogt, %min3A, %gt3A : f32
    %select_n3A = arith.select %gt3A_75, %div3A_70, %div3A_74 : f32
    %swap3A = arith.constant 0 : index
    %swap3A_76 = arith.constant 0 : index
    %swap3A_77 = memref.load %arg2[%swap3A, %swap3A_76] : memref<1x1xf32, #tpu.memory_space<smem>>
    memref.store %select_n3A, %arg2[%swap3A, %swap3A_76] : memref<1x1xf32, #tpu.memory_space<smem>>
    return
  }
}

module attributes {stable_mosaic.version = 14 : i64} {
  func.func @_tc_body(%arg0: i32, %arg1: memref<64x512xf32, #tpu.memory_space<vmem>>, %arg2: memref<64x512xf32, #tpu.memory_space<vmem>>, %arg3: memref<64x512xf32, #tpu.memory_space<vmem>>, %arg4: memref<64x512xf32, #tpu.memory_space<vmem>>, %arg5: memref<64x512xf32, #tpu.memory_space<vmem>>, %arg6: memref<64x512xf32, #tpu.memory_space<vmem>>, %arg7: memref<64x512xf32, #tpu.memory_space<vmem>>, %arg8: memref<64x512xf32, #tpu.memory_space<vmem>>, %arg9: memref<64x512xf32, #tpu.memory_space<vmem>>, %arg10: memref<64x512xf32, #tpu.memory_space<vmem>>, %arg11: memref<64x512xf32, #tpu.memory_space<vmem>>, %arg12: memref<64x512xf32, #tpu.memory_space<vmem>>, %arg13: memref<64x512xf32, #tpu.memory_space<vmem>>, %arg14: memref<64x512xf32, #tpu.memory_space<vmem>>, %arg15: memref<64x512xf32, #tpu.memory_space<vmem>>, %arg16: memref<64x512xf32, #tpu.memory_space<vmem>>, %arg17: memref<64x512xf32, #tpu.memory_space<vmem>>, %arg18: memref<64x512xf32, #tpu.memory_space<vmem>>, %arg19: memref<64x512xf32, #tpu.memory_space<vmem>>, %arg20: memref<64x512xf32, #tpu.memory_space<vmem>>, %arg21: memref<64x512xf32, #tpu.memory_space<vmem>>, %arg22: memref<64x512xf32, #tpu.memory_space<vmem>>, %arg23: memref<64x512xf32, #tpu.memory_space<vmem>>, %arg24: memref<64x512xf32, #tpu.memory_space<vmem>>, %arg25: memref<4x512xf32, #tpu.memory_space<vmem>>) attributes {dimension_semantics = [#tpu.dimension_semantics<arbitrary>], iteration_bounds = array<i64: 11>, scalar_prefetch = 0 : i64, scratch_operands = 0 : i64, tpu.core_type = #tpu.core_type<tc>, window_params = [{transform_indices = @transform_0, window_bounds = array<i64: 64, 512>}, {transform_indices = @transform_1, window_bounds = array<i64: 64, 512>}, {transform_indices = @transform_2, window_bounds = array<i64: 64, 512>}, {transform_indices = @transform_3, window_bounds = array<i64: 64, 512>}, {transform_indices = @transform_4, window_bounds = array<i64: 64, 512>}, {transform_indices = @transform_5, window_bounds = array<i64: 64, 512>}, {transform_indices = @transform_6, window_bounds = array<i64: 64, 512>}, {transform_indices = @transform_7, window_bounds = array<i64: 64, 512>}, {transform_indices = @transform_8, window_bounds = array<i64: 64, 512>}, {transform_indices = @transform_9, window_bounds = array<i64: 64, 512>}, {transform_indices = @transform_10, window_bounds = array<i64: 64, 512>}, {transform_indices = @transform_11, window_bounds = array<i64: 64, 512>}, {transform_indices = @transform_12, window_bounds = array<i64: 64, 512>}, {transform_indices = @transform_13, window_bounds = array<i64: 64, 512>}, {transform_indices = @transform_14, window_bounds = array<i64: 64, 512>}, {transform_indices = @transform_15, window_bounds = array<i64: 64, 512>}, {transform_indices = @transform_16, window_bounds = array<i64: 64, 512>}, {transform_indices = @transform_17, window_bounds = array<i64: 64, 512>}, {transform_indices = @transform_18, window_bounds = array<i64: 64, 512>}, {transform_indices = @transform_19, window_bounds = array<i64: 64, 512>}, {transform_indices = @transform_20, window_bounds = array<i64: 64, 512>}, {transform_indices = @transform_21, window_bounds = array<i64: 64, 512>}, {transform_indices = @transform_22, window_bounds = array<i64: 64, 512>}, {transform_indices = @transform_23, window_bounds = array<i64: 64, 512>}, {pipeline_mode = #tpu.pipeline_mode<synchronous>, transform_indices = @transform_24, window_bounds = array<i64: 4, 512>}]} {
    %eq3A = arith.constant 0 : i32
    %eq3A_0 = arith.cmpi eq, %arg0, %eq3A : i32
    %convert_element_type3A = arith.extui %eq3A_0 : i1 to i32
    %cond3A = arith.constant 0 : i32
    %cond3A_1 = arith.cmpi ne, %convert_element_type3A, %cond3A : i32
    scf.if %cond3A_1 {
      %broadcast_in_dim3A = arith.constant 0.000000e+00 : f32
      %broadcast_in_dim3A_225 = vector.broadcast %broadcast_in_dim3A : f32 to vector<4x512xf32>
      %swap3A_226 = arith.constant 0 : index
      %swap3A_227 = arith.constant 0 : index
      %swap3A_228 = vector.load %arg25[%swap3A_226, %swap3A_227] : memref<4x512xf32, #tpu.memory_space<vmem>>, vector<4x512xf32>
      tpu.vector_store %arg25[%swap3A_226, %swap3A_227], %broadcast_in_dim3A_225 {strides = array<i32>} : memref<4x512xf32, #tpu.memory_space<vmem>>, vector<4x512xf32>,
    } else {
    }
    %get3A = arith.constant 0 : index
    %get3A_2 = arith.constant 0 : index
    %get3A_3 = vector.load %arg25[%get3A, %get3A_2] : memref<4x512xf32, #tpu.memory_space<vmem>>, vector<1x512xf32>
    %get3A_4 = vector.shape_cast %get3A_3 : vector<1x512xf32> to vector<512xf32>
    %get3A_5 = arith.constant 1 : index
    %get3A_6 = arith.constant 0 : index
    %get3A_7 = vector.load %arg25[%get3A_5, %get3A_6] : memref<4x512xf32, #tpu.memory_space<vmem>>, vector<1x512xf32>
    %get3A_8 = vector.shape_cast %get3A_7 : vector<1x512xf32> to vector<512xf32>
    %get3A_9 = arith.constant 2 : index
    %get3A_10 = arith.constant 0 : index
    %get3A_11 = vector.load %arg25[%get3A_9, %get3A_10] : memref<4x512xf32, #tpu.memory_space<vmem>>, vector<1x512xf32>
    %get3A_12 = vector.shape_cast %get3A_11 : vector<1x512xf32> to vector<512xf32>
    %get3A_13 = arith.constant 3 : index
    %get3A_14 = arith.constant 0 : index
    %get3A_15 = vector.load %arg25[%get3A_13, %get3A_14] : memref<4x512xf32, #tpu.memory_space<vmem>>, vector<1x512xf32>
    %get3A_16 = vector.shape_cast %get3A_15 : vector<1x512xf32> to vector<512xf32>
    %get3A_17 = arith.constant 0 : index
    %get3A_18 = arith.constant 0 : index
    %get3A_19 = vector.load %arg1[%get3A_17, %get3A_18] : memref<64x512xf32, #tpu.memory_space<vmem>>, vector<64x512xf32>
    %get3A_20 = arith.constant 0 : index
    %get3A_21 = arith.constant 0 : index
    %get3A_22 = vector.load %arg2[%get3A_20, %get3A_21] : memref<64x512xf32, #tpu.memory_space<vmem>>, vector<64x512xf32>
    %get3A_23 = arith.constant 0 : index
    %get3A_24 = arith.constant 0 : index
    %get3A_25 = vector.load %arg3[%get3A_23, %get3A_24] : memref<64x512xf32, #tpu.memory_space<vmem>>, vector<64x512xf32>
    %mul3A = arith.mulf %get3A_19, %get3A_25 : vector<64x512xf32>
    %reduce_sum3A = arith.constant dense<0.000000e+00> : vector<512xf32>
    %reduce_sum3A_26 = vector.multi_reduction <add>, %get3A_25, %reduce_sum3A [0] : vector<64x512xf32> to vector<512xf32>
    %add3A = arith.addf %get3A_4, %reduce_sum3A_26 : vector<512xf32>
    %mul3A_27 = arith.mulf %get3A_22, %get3A_25 : vector<64x512xf32>
    %reduce_sum3A_28 = arith.constant dense<0.000000e+00> : vector<512xf32>
    %reduce_sum3A_29 = vector.multi_reduction <add>, %mul3A_27, %reduce_sum3A_28 [0] : vector<64x512xf32> to vector<512xf32>
    %add3A_30 = arith.addf %get3A_8, %reduce_sum3A_29 : vector<512xf32>
    %reduce_sum3A_31 = arith.constant dense<0.000000e+00> : vector<512xf32>
    %reduce_sum3A_32 = vector.multi_reduction <add>, %mul3A, %reduce_sum3A_31 [0] : vector<64x512xf32> to vector<512xf32>
    %add3A_33 = arith.addf %get3A_12, %reduce_sum3A_32 : vector<512xf32>
    %mul3A_34 = arith.mulf %mul3A, %get3A_22 : vector<64x512xf32>
    %reduce_sum3A_35 = arith.constant dense<0.000000e+00> : vector<512xf32>
    %reduce_sum3A_36 = vector.multi_reduction <add>, %mul3A_34, %reduce_sum3A_35 [0] : vector<64x512xf32> to vector<512xf32>
    %add3A_37 = arith.addf %get3A_16, %reduce_sum3A_36 : vector<512xf32>
    %get3A_38 = arith.constant 0 : index
    %get3A_39 = arith.constant 0 : index
    %get3A_40 = vector.load %arg4[%get3A_38, %get3A_39] : memref<64x512xf32, #tpu.memory_space<vmem>>, vector<64x512xf32>
    %get3A_41 = arith.constant 0 : index
    %get3A_42 = arith.constant 0 : index
    %get3A_43 = vector.load %arg5[%get3A_41, %get3A_42] : memref<64x512xf32, #tpu.memory_space<vmem>>, vector<64x512xf32>
    %get3A_44 = arith.constant 0 : index
    %get3A_45 = arith.constant 0 : index
    %get3A_46 = vector.load %arg6[%get3A_44, %get3A_45] : memref<64x512xf32, #tpu.memory_space<vmem>>, vector<64x512xf32>
    %mul3A_47 = arith.mulf %get3A_40, %get3A_46 : vector<64x512xf32>
    %reduce_sum3A_48 = arith.constant dense<0.000000e+00> : vector<512xf32>
    %reduce_sum3A_49 = vector.multi_reduction <add>, %get3A_46, %reduce_sum3A_48 [0] : vector<64x512xf32> to vector<512xf32>
    %add3A_50 = arith.addf %add3A, %reduce_sum3A_49 : vector<512xf32>
    %mul3A_51 = arith.mulf %get3A_43, %get3A_46 : vector<64x512xf32>
    %reduce_sum3A_52 = arith.constant dense<0.000000e+00> : vector<512xf32>
    %reduce_sum3A_53 = vector.multi_reduction <add>, %mul3A_51, %reduce_sum3A_52 [0] : vector<64x512xf32> to vector<512xf32>
    %add3A_54 = arith.addf %add3A_30, %reduce_sum3A_53 : vector<512xf32>
    %reduce_sum3A_55 = arith.constant dense<0.000000e+00> : vector<512xf32>
    %reduce_sum3A_56 = vector.multi_reduction <add>, %mul3A_47, %reduce_sum3A_55 [0] : vector<64x512xf32> to vector<512xf32>
    %add3A_57 = arith.addf %add3A_33, %reduce_sum3A_56 : vector<512xf32>
    %mul3A_58 = arith.mulf %mul3A_47, %get3A_43 : vector<64x512xf32>
    %reduce_sum3A_59 = arith.constant dense<0.000000e+00> : vector<512xf32>
    %reduce_sum3A_60 = vector.multi_reduction <add>, %mul3A_58, %reduce_sum3A_59 [0] : vector<64x512xf32> to vector<512xf32>
    %add3A_61 = arith.addf %add3A_37, %reduce_sum3A_60 : vector<512xf32>
    %get3A_62 = arith.constant 0 : index
    %get3A_63 = arith.constant 0 : index
    %get3A_64 = vector.load %arg7[%get3A_62, %get3A_63] : memref<64x512xf32, #tpu.memory_space<vmem>>, vector<64x512xf32>
    %get3A_65 = arith.constant 0 : index
    %get3A_66 = arith.constant 0 : index
    %get3A_67 = vector.load %arg8[%get3A_65, %get3A_66] : memref<64x512xf32, #tpu.memory_space<vmem>>, vector<64x512xf32>
    %get3A_68 = arith.constant 0 : index
    %get3A_69 = arith.constant 0 : index
    %get3A_70 = vector.load %arg9[%get3A_68, %get3A_69] : memref<64x512xf32, #tpu.memory_space<vmem>>, vector<64x512xf32>
    %mul3A_71 = arith.mulf %get3A_64, %get3A_70 : vector<64x512xf32>
    %reduce_sum3A_72 = arith.constant dense<0.000000e+00> : vector<512xf32>
    %reduce_sum3A_73 = vector.multi_reduction <add>, %get3A_70, %reduce_sum3A_72 [0] : vector<64x512xf32> to vector<512xf32>
    %add3A_74 = arith.addf %add3A_50, %reduce_sum3A_73 : vector<512xf32>
    %mul3A_75 = arith.mulf %get3A_67, %get3A_70 : vector<64x512xf32>
    %reduce_sum3A_76 = arith.constant dense<0.000000e+00> : vector<512xf32>
    %reduce_sum3A_77 = vector.multi_reduction <add>, %mul3A_75, %reduce_sum3A_76 [0] : vector<64x512xf32> to vector<512xf32>
    %add3A_78 = arith.addf %add3A_54, %reduce_sum3A_77 : vector<512xf32>
    %reduce_sum3A_79 = arith.constant dense<0.000000e+00> : vector<512xf32>
    %reduce_sum3A_80 = vector.multi_reduction <add>, %mul3A_71, %reduce_sum3A_79 [0] : vector<64x512xf32> to vector<512xf32>
    %add3A_81 = arith.addf %add3A_57, %reduce_sum3A_80 : vector<512xf32>
    %mul3A_82 = arith.mulf %mul3A_71, %get3A_67 : vector<64x512xf32>
    %reduce_sum3A_83 = arith.constant dense<0.000000e+00> : vector<512xf32>
    %reduce_sum3A_84 = vector.multi_reduction <add>, %mul3A_82, %reduce_sum3A_83 [0] : vector<64x512xf32> to vector<512xf32>
    %add3A_85 = arith.addf %add3A_61, %reduce_sum3A_84 : vector<512xf32>
    %get3A_86 = arith.constant 0 : index
    %get3A_87 = arith.constant 0 : index
    %get3A_88 = vector.load %arg10[%get3A_86, %get3A_87] : memref<64x512xf32, #tpu.memory_space<vmem>>, vector<64x512xf32>
    %get3A_89 = arith.constant 0 : index
    %get3A_90 = arith.constant 0 : index
    %get3A_91 = vector.load %arg11[%get3A_89, %get3A_90] : memref<64x512xf32, #tpu.memory_space<vmem>>, vector<64x512xf32>
    %get3A_92 = arith.constant 0 : index
    %get3A_93 = arith.constant 0 : index
    %get3A_94 = vector.load %arg12[%get3A_92, %get3A_93] : memref<64x512xf32, #tpu.memory_space<vmem>>, vector<64x512xf32>
    %mul3A_95 = arith.mulf %get3A_88, %get3A_94 : vector<64x512xf32>
    %reduce_sum3A_96 = arith.constant dense<0.000000e+00> : vector<512xf32>
    %reduce_sum3A_97 = vector.multi_reduction <add>, %get3A_94, %reduce_sum3A_96 [0] : vector<64x512xf32> to vector<512xf32>
    %add3A_98 = arith.addf %add3A_74, %reduce_sum3A_97 : vector<512xf32>
    %mul3A_99 = arith.mulf %get3A_91, %get3A_94 : vector<64x512xf32>
    %reduce_sum3A_100 = arith.constant dense<0.000000e+00> : vector<512xf32>
    %reduce_sum3A_101 = vector.multi_reduction <add>, %mul3A_99, %reduce_sum3A_100 [0] : vector<64x512xf32> to vector<512xf32>
    %add3A_102 = arith.addf %add3A_78, %reduce_sum3A_101 : vector<512xf32>
    %reduce_sum3A_103 = arith.constant dense<0.000000e+00> : vector<512xf32>
    %reduce_sum3A_104 = vector.multi_reduction <add>, %mul3A_95, %reduce_sum3A_103 [0] : vector<64x512xf32> to vector<512xf32>
    %add3A_105 = arith.addf %add3A_81, %reduce_sum3A_104 : vector<512xf32>
    %mul3A_106 = arith.mulf %mul3A_95, %get3A_91 : vector<64x512xf32>
    %reduce_sum3A_107 = arith.constant dense<0.000000e+00> : vector<512xf32>
    %reduce_sum3A_108 = vector.multi_reduction <add>, %mul3A_106, %reduce_sum3A_107 [0] : vector<64x512xf32> to vector<512xf32>
    %add3A_109 = arith.addf %add3A_85, %reduce_sum3A_108 : vector<512xf32>
    %get3A_110 = arith.constant 0 : index
    %get3A_111 = arith.constant 0 : index
    %get3A_112 = vector.load %arg13[%get3A_110, %get3A_111] : memref<64x512xf32, #tpu.memory_space<vmem>>, vector<64x512xf32>
    %get3A_113 = arith.constant 0 : index
    %get3A_114 = arith.constant 0 : index
    %get3A_115 = vector.load %arg14[%get3A_113, %get3A_114] : memref<64x512xf32, #tpu.memory_space<vmem>>, vector<64x512xf32>
    %get3A_116 = arith.constant 0 : index
    %get3A_117 = arith.constant 0 : index
    %get3A_118 = vector.load %arg15[%get3A_116, %get3A_117] : memref<64x512xf32, #tpu.memory_space<vmem>>, vector<64x512xf32>
    %mul3A_119 = arith.mulf %get3A_112, %get3A_118 : vector<64x512xf32>
    %reduce_sum3A_120 = arith.constant dense<0.000000e+00> : vector<512xf32>
    %reduce_sum3A_121 = vector.multi_reduction <add>, %get3A_118, %reduce_sum3A_120 [0] : vector<64x512xf32> to vector<512xf32>
    %add3A_122 = arith.addf %add3A_98, %reduce_sum3A_121 : vector<512xf32>
    %mul3A_123 = arith.mulf %get3A_115, %get3A_118 : vector<64x512xf32>
    %reduce_sum3A_124 = arith.constant dense<0.000000e+00> : vector<512xf32>
    %reduce_sum3A_125 = vector.multi_reduction <add>, %mul3A_123, %reduce_sum3A_124 [0] : vector<64x512xf32> to vector<512xf32>
    %add3A_126 = arith.addf %add3A_102, %reduce_sum3A_125 : vector<512xf32>
    %reduce_sum3A_127 = arith.constant dense<0.000000e+00> : vector<512xf32>
    %reduce_sum3A_128 = vector.multi_reduction <add>, %mul3A_119, %reduce_sum3A_127 [0] : vector<64x512xf32> to vector<512xf32>
    %add3A_129 = arith.addf %add3A_105, %reduce_sum3A_128 : vector<512xf32>
    %mul3A_130 = arith.mulf %mul3A_119, %get3A_115 : vector<64x512xf32>
    %reduce_sum3A_131 = arith.constant dense<0.000000e+00> : vector<512xf32>
    %reduce_sum3A_132 = vector.multi_reduction <add>, %mul3A_130, %reduce_sum3A_131 [0] : vector<64x512xf32> to vector<512xf32>
    %add3A_133 = arith.addf %add3A_109, %reduce_sum3A_132 : vector<512xf32>
    %get3A_134 = arith.constant 0 : index
    %get3A_135 = arith.constant 0 : index
    %get3A_136 = vector.load %arg16[%get3A_134, %get3A_135] : memref<64x512xf32, #tpu.memory_space<vmem>>, vector<64x512xf32>
    %get3A_137 = arith.constant 0 : index
    %get3A_138 = arith.constant 0 : index
    %get3A_139 = vector.load %arg17[%get3A_137, %get3A_138] : memref<64x512xf32, #tpu.memory_space<vmem>>, vector<64x512xf32>
    %get3A_140 = arith.constant 0 : index
    %get3A_141 = arith.constant 0 : index
    %get3A_142 = vector.load %arg18[%get3A_140, %get3A_141] : memref<64x512xf32, #tpu.memory_space<vmem>>, vector<64x512xf32>
    %mul3A_143 = arith.mulf %get3A_136, %get3A_142 : vector<64x512xf32>
    %reduce_sum3A_144 = arith.constant dense<0.000000e+00> : vector<512xf32>
    %reduce_sum3A_145 = vector.multi_reduction <add>, %get3A_142, %reduce_sum3A_144 [0] : vector<64x512xf32> to vector<512xf32>
    %add3A_146 = arith.addf %add3A_122, %reduce_sum3A_145 : vector<512xf32>
    %mul3A_147 = arith.mulf %get3A_139, %get3A_142 : vector<64x512xf32>
    %reduce_sum3A_148 = arith.constant dense<0.000000e+00> : vector<512xf32>
    %reduce_sum3A_149 = vector.multi_reduction <add>, %mul3A_147, %reduce_sum3A_148 [0] : vector<64x512xf32> to vector<512xf32>
    %add3A_150 = arith.addf %add3A_126, %reduce_sum3A_149 : vector<512xf32>
    %reduce_sum3A_151 = arith.constant dense<0.000000e+00> : vector<512xf32>
    %reduce_sum3A_152 = vector.multi_reduction <add>, %mul3A_143, %reduce_sum3A_151 [0] : vector<64x512xf32> to vector<512xf32>
    %add3A_153 = arith.addf %add3A_129, %reduce_sum3A_152 : vector<512xf32>
    %mul3A_154 = arith.mulf %mul3A_143, %get3A_139 : vector<64x512xf32>
    %reduce_sum3A_155 = arith.constant dense<0.000000e+00> : vector<512xf32>
    %reduce_sum3A_156 = vector.multi_reduction <add>, %mul3A_154, %reduce_sum3A_155 [0] : vector<64x512xf32> to vector<512xf32>
    %add3A_157 = arith.addf %add3A_133, %reduce_sum3A_156 : vector<512xf32>
    %get3A_158 = arith.constant 0 : index
    %get3A_159 = arith.constant 0 : index
    %get3A_160 = vector.load %arg19[%get3A_158, %get3A_159] : memref<64x512xf32, #tpu.memory_space<vmem>>, vector<64x512xf32>
    %get3A_161 = arith.constant 0 : index
    %get3A_162 = arith.constant 0 : index
    %get3A_163 = vector.load %arg20[%get3A_161, %get3A_162] : memref<64x512xf32, #tpu.memory_space<vmem>>, vector<64x512xf32>
    %get3A_164 = arith.constant 0 : index
    %get3A_165 = arith.constant 0 : index
    %get3A_166 = vector.load %arg21[%get3A_164, %get3A_165] : memref<64x512xf32, #tpu.memory_space<vmem>>, vector<64x512xf32>
    %mul3A_167 = arith.mulf %get3A_160, %get3A_166 : vector<64x512xf32>
    %reduce_sum3A_168 = arith.constant dense<0.000000e+00> : vector<512xf32>
    %reduce_sum3A_169 = vector.multi_reduction <add>, %get3A_166, %reduce_sum3A_168 [0] : vector<64x512xf32> to vector<512xf32>
    %add3A_170 = arith.addf %add3A_146, %reduce_sum3A_169 : vector<512xf32>
    %mul3A_171 = arith.mulf %get3A_163, %get3A_166 : vector<64x512xf32>
    %reduce_sum3A_172 = arith.constant dense<0.000000e+00> : vector<512xf32>
    %reduce_sum3A_173 = vector.multi_reduction <add>, %mul3A_171, %reduce_sum3A_172 [0] : vector<64x512xf32> to vector<512xf32>
    %add3A_174 = arith.addf %add3A_150, %reduce_sum3A_173 : vector<512xf32>
    %reduce_sum3A_175 = arith.constant dense<0.000000e+00> : vector<512xf32>
    %reduce_sum3A_176 = vector.multi_reduction <add>, %mul3A_167, %reduce_sum3A_175 [0] : vector<64x512xf32> to vector<512xf32>
    %add3A_177 = arith.addf %add3A_153, %reduce_sum3A_176 : vector<512xf32>
    %mul3A_178 = arith.mulf %mul3A_167, %get3A_163 : vector<64x512xf32>
    %reduce_sum3A_179 = arith.constant dense<0.000000e+00> : vector<512xf32>
    %reduce_sum3A_180 = vector.multi_reduction <add>, %mul3A_178, %reduce_sum3A_179 [0] : vector<64x512xf32> to vector<512xf32>
    %add3A_181 = arith.addf %add3A_157, %reduce_sum3A_180 : vector<512xf32>
    %get3A_182 = arith.constant 0 : index
    %get3A_183 = arith.constant 0 : index
    %get3A_184 = vector.load %arg22[%get3A_182, %get3A_183] : memref<64x512xf32, #tpu.memory_space<vmem>>, vector<64x512xf32>
    %get3A_185 = arith.constant 0 : index
    %get3A_186 = arith.constant 0 : index
    %get3A_187 = vector.load %arg23[%get3A_185, %get3A_186] : memref<64x512xf32, #tpu.memory_space<vmem>>, vector<64x512xf32>
    %get3A_188 = arith.constant 0 : index
    %get3A_189 = arith.constant 0 : index
    %get3A_190 = vector.load %arg24[%get3A_188, %get3A_189] : memref<64x512xf32, #tpu.memory_space<vmem>>, vector<64x512xf32>
    %mul3A_191 = arith.mulf %get3A_184, %get3A_190 : vector<64x512xf32>
    %reduce_sum3A_192 = arith.constant dense<0.000000e+00> : vector<512xf32>
    %reduce_sum3A_193 = vector.multi_reduction <add>, %get3A_190, %reduce_sum3A_192 [0] : vector<64x512xf32> to vector<512xf32>
    %add3A_194 = arith.addf %add3A_170, %reduce_sum3A_193 : vector<512xf32>
    %mul3A_195 = arith.mulf %get3A_187, %get3A_190 : vector<64x512xf32>
    %reduce_sum3A_196 = arith.constant dense<0.000000e+00> : vector<512xf32>
    %reduce_sum3A_197 = vector.multi_reduction <add>, %mul3A_195, %reduce_sum3A_196 [0] : vector<64x512xf32> to vector<512xf32>
    %add3A_198 = arith.addf %add3A_174, %reduce_sum3A_197 : vector<512xf32>
    %reduce_sum3A_199 = arith.constant dense<0.000000e+00> : vector<512xf32>
    %reduce_sum3A_200 = vector.multi_reduction <add>, %mul3A_191, %reduce_sum3A_199 [0] : vector<64x512xf32> to vector<512xf32>
    %add3A_201 = arith.addf %add3A_177, %reduce_sum3A_200 : vector<512xf32>
    %mul3A_202 = arith.mulf %mul3A_191, %get3A_187 : vector<64x512xf32>
    %reduce_sum3A_203 = arith.constant dense<0.000000e+00> : vector<512xf32>
    %reduce_sum3A_204 = vector.multi_reduction <add>, %mul3A_202, %reduce_sum3A_203 [0] : vector<64x512xf32> to vector<512xf32>
    %add3A_205 = arith.addf %add3A_181, %reduce_sum3A_204 : vector<512xf32>
    %swap3A = arith.constant 0 : index
    %swap3A_206 = arith.constant 0 : index
    %swap3A_207 = vector.load %arg25[%swap3A, %swap3A_206] : memref<4x512xf32, #tpu.memory_space<vmem>>, vector<1x512xf32>
    %swap3A_208 = vector.shape_cast %swap3A_207 : vector<1x512xf32> to vector<512xf32>
    %swap3A_209 = vector.shape_cast %add3A_194 : vector<512xf32> to vector<1x512xf32>
    tpu.vector_store %arg25[%swap3A, %swap3A_206], %swap3A_209 {strides = array<i32>} : memref<4x512xf32, #tpu.memory_space<vmem>>, vector<1x512xf32>,
    %swap3A_210 = arith.constant 1 : index
    %swap3A_211 = arith.constant 0 : index
    %swap3A_212 = vector.load %arg25[%swap3A_210, %swap3A_211] : memref<4x512xf32, #tpu.memory_space<vmem>>, vector<1x512xf32>
    %swap3A_213 = vector.shape_cast %swap3A_212 : vector<1x512xf32> to vector<512xf32>
    %swap3A_214 = vector.shape_cast %add3A_198 : vector<512xf32> to vector<1x512xf32>
    tpu.vector_store %arg25[%swap3A_210, %swap3A_211], %swap3A_214 {strides = array<i32>} : memref<4x512xf32, #tpu.memory_space<vmem>>, vector<1x512xf32>,
    %swap3A_215 = arith.constant 2 : index
    %swap3A_216 = arith.constant 0 : index
    %swap3A_217 = vector.load %arg25[%swap3A_215, %swap3A_216] : memref<4x512xf32, #tpu.memory_space<vmem>>, vector<1x512xf32>
    %swap3A_218 = vector.shape_cast %swap3A_217 : vector<1x512xf32> to vector<512xf32>
    %swap3A_219 = vector.shape_cast %add3A_201 : vector<512xf32> to vector<1x512xf32>
    tpu.vector_store %arg25[%swap3A_215, %swap3A_216], %swap3A_219 {strides = array<i32>} : memref<4x512xf32, #tpu.memory_space<vmem>>, vector<1x512xf32>,
    %swap3A_220 = arith.constant 3 : index
    %swap3A_221 = arith.constant 0 : index
    %swap3A_222 = vector.load %arg25[%swap3A_220, %swap3A_221] : memref<4x512xf32, #tpu.memory_space<vmem>>, vector<1x512xf32>
    %swap3A_223 = vector.shape_cast %swap3A_222 : vector<1x512xf32> to vector<512xf32>
    %swap3A_224 = vector.shape_cast %add3A_205 : vector<512xf32> to vector<1x512xf32>
    tpu.vector_store %arg25[%swap3A_220, %swap3A_221], %swap3A_224 {strides = array<i32>} : memref<4x512xf32, #tpu.memory_space<vmem>>, vector<1x512xf32>,
    return
  }
  func.func @transform_0(%arg0: i32) -> (i32, i32) {
    %mul3A = arith.constant 8 : i32
    %mul3A_0 = arith.muli %mul3A, %arg0 : i32
    %add3A = arith.constant 40 : i32
    %add3A_1 = arith.addi %add3A, %mul3A_0 : i32
    %add3A_2 = arith.constant 0 : i32
    %add3A_3 = arith.addi %add3A_1, %add3A_2 : i32
    %c0_i32 = arith.constant 0 : i32
    %c0_i32_4 = arith.constant 0 : i32
    return %add3A_3, %c0_i32 : i32, i32
  }
  func.func @transform_1(%arg0: i32) -> (i32, i32) {
    %mul3A = arith.constant 8 : i32
    %mul3A_0 = arith.muli %mul3A, %arg0 : i32
    %add3A = arith.constant 40 : i32
    %add3A_1 = arith.addi %add3A, %mul3A_0 : i32
    %add3A_2 = arith.constant 0 : i32
    %add3A_3 = arith.addi %add3A_1, %add3A_2 : i32
    %c0_i32 = arith.constant 0 : i32
    %c0_i32_4 = arith.constant 0 : i32
    return %add3A_3, %c0_i32 : i32, i32
  }
  func.func @transform_2(%arg0: i32) -> (i32, i32) {
    %mul3A = arith.constant 8 : i32
    %mul3A_0 = arith.muli %mul3A, %arg0 : i32
    %add3A = arith.constant 40 : i32
    %add3A_1 = arith.addi %add3A, %mul3A_0 : i32
    %add3A_2 = arith.constant 0 : i32
    %add3A_3 = arith.addi %add3A_1, %add3A_2 : i32
    %c0_i32 = arith.constant 0 : i32
    %c0_i32_4 = arith.constant 0 : i32
    return %add3A_3, %c0_i32 : i32, i32
  }
  func.func @transform_3(%arg0: i32) -> (i32, i32) {
    %mul3A = arith.constant 8 : i32
    %mul3A_0 = arith.muli %mul3A, %arg0 : i32
    %add3A = arith.constant 40 : i32
    %add3A_1 = arith.addi %add3A, %mul3A_0 : i32
    %add3A_2 = arith.constant 1 : i32
    %add3A_3 = arith.addi %add3A_1, %add3A_2 : i32
    %c0_i32 = arith.constant 0 : i32
    %c0_i32_4 = arith.constant 0 : i32
    return %add3A_3, %c0_i32 : i32, i32
  }
  func.func @transform_4(%arg0: i32) -> (i32, i32) {
    %mul3A = arith.constant 8 : i32
    %mul3A_0 = arith.muli %mul3A, %arg0 : i32
    %add3A = arith.constant 40 : i32
    %add3A_1 = arith.addi %add3A, %mul3A_0 : i32
    %add3A_2 = arith.constant 1 : i32
    %add3A_3 = arith.addi %add3A_1, %add3A_2 : i32
    %c0_i32 = arith.constant 0 : i32
    %c0_i32_4 = arith.constant 0 : i32
    return %add3A_3, %c0_i32 : i32, i32
  }
  func.func @transform_5(%arg0: i32) -> (i32, i32) {
    %mul3A = arith.constant 8 : i32
    %mul3A_0 = arith.muli %mul3A, %arg0 : i32
    %add3A = arith.constant 40 : i32
    %add3A_1 = arith.addi %add3A, %mul3A_0 : i32
    %add3A_2 = arith.constant 1 : i32
    %add3A_3 = arith.addi %add3A_1, %add3A_2 : i32
    %c0_i32 = arith.constant 0 : i32
    %c0_i32_4 = arith.constant 0 : i32
    return %add3A_3, %c0_i32 : i32, i32
  }
  func.func @transform_6(%arg0: i32) -> (i32, i32) {
    %mul3A = arith.constant 8 : i32
    %mul3A_0 = arith.muli %mul3A, %arg0 : i32
    %add3A = arith.constant 40 : i32
    %add3A_1 = arith.addi %add3A, %mul3A_0 : i32
    %add3A_2 = arith.constant 2 : i32
    %add3A_3 = arith.addi %add3A_1, %add3A_2 : i32
    %c0_i32 = arith.constant 0 : i32
    %c0_i32_4 = arith.constant 0 : i32
    return %add3A_3, %c0_i32 : i32, i32
  }
  func.func @transform_7(%arg0: i32) -> (i32, i32) {
    %mul3A = arith.constant 8 : i32
    %mul3A_0 = arith.muli %mul3A, %arg0 : i32
    %add3A = arith.constant 40 : i32
    %add3A_1 = arith.addi %add3A, %mul3A_0 : i32
    %add3A_2 = arith.constant 2 : i32
    %add3A_3 = arith.addi %add3A_1, %add3A_2 : i32
    %c0_i32 = arith.constant 0 : i32
    %c0_i32_4 = arith.constant 0 : i32
    return %add3A_3, %c0_i32 : i32, i32
  }
  func.func @transform_8(%arg0: i32) -> (i32, i32) {
    %mul3A = arith.constant 8 : i32
    %mul3A_0 = arith.muli %mul3A, %arg0 : i32
    %add3A = arith.constant 40 : i32
    %add3A_1 = arith.addi %add3A, %mul3A_0 : i32
    %add3A_2 = arith.constant 2 : i32
    %add3A_3 = arith.addi %add3A_1, %add3A_2 : i32
    %c0_i32 = arith.constant 0 : i32
    %c0_i32_4 = arith.constant 0 : i32
    return %add3A_3, %c0_i32 : i32, i32
  }
  func.func @transform_9(%arg0: i32) -> (i32, i32) {
    %mul3A = arith.constant 8 : i32
    %mul3A_0 = arith.muli %mul3A, %arg0 : i32
    %add3A = arith.constant 40 : i32
    %add3A_1 = arith.addi %add3A, %mul3A_0 : i32
    %add3A_2 = arith.constant 3 : i32
    %add3A_3 = arith.addi %add3A_1, %add3A_2 : i32
    %c0_i32 = arith.constant 0 : i32
    %c0_i32_4 = arith.constant 0 : i32
    return %add3A_3, %c0_i32 : i32, i32
  }
  func.func @transform_10(%arg0: i32) -> (i32, i32) {
    %mul3A = arith.constant 8 : i32
    %mul3A_0 = arith.muli %mul3A, %arg0 : i32
    %add3A = arith.constant 40 : i32
    %add3A_1 = arith.addi %add3A, %mul3A_0 : i32
    %add3A_2 = arith.constant 3 : i32
    %add3A_3 = arith.addi %add3A_1, %add3A_2 : i32
    %c0_i32 = arith.constant 0 : i32
    %c0_i32_4 = arith.constant 0 : i32
    return %add3A_3, %c0_i32 : i32, i32
  }
  func.func @transform_11(%arg0: i32) -> (i32, i32) {
    %mul3A = arith.constant 8 : i32
    %mul3A_0 = arith.muli %mul3A, %arg0 : i32
    %add3A = arith.constant 40 : i32
    %add3A_1 = arith.addi %add3A, %mul3A_0 : i32
    %add3A_2 = arith.constant 3 : i32
    %add3A_3 = arith.addi %add3A_1, %add3A_2 : i32
    %c0_i32 = arith.constant 0 : i32
    %c0_i32_4 = arith.constant 0 : i32
    return %add3A_3, %c0_i32 : i32, i32
  }
  func.func @transform_12(%arg0: i32) -> (i32, i32) {
    %mul3A = arith.constant 8 : i32
    %mul3A_0 = arith.muli %mul3A, %arg0 : i32
    %add3A = arith.constant 40 : i32
    %add3A_1 = arith.addi %add3A, %mul3A_0 : i32
    %add3A_2 = arith.constant 4 : i32
    %add3A_3 = arith.addi %add3A_1, %add3A_2 : i32
    %c0_i32 = arith.constant 0 : i32
    %c0_i32_4 = arith.constant 0 : i32
    return %add3A_3, %c0_i32 : i32, i32
  }
  func.func @transform_13(%arg0: i32) -> (i32, i32) {
    %mul3A = arith.constant 8 : i32
    %mul3A_0 = arith.muli %mul3A, %arg0 : i32
    %add3A = arith.constant 40 : i32
    %add3A_1 = arith.addi %add3A, %mul3A_0 : i32
    %add3A_2 = arith.constant 4 : i32
    %add3A_3 = arith.addi %add3A_1, %add3A_2 : i32
    %c0_i32 = arith.constant 0 : i32
    %c0_i32_4 = arith.constant 0 : i32
    return %add3A_3, %c0_i32 : i32, i32
  }
  func.func @transform_14(%arg0: i32) -> (i32, i32) {
    %mul3A = arith.constant 8 : i32
    %mul3A_0 = arith.muli %mul3A, %arg0 : i32
    %add3A = arith.constant 40 : i32
    %add3A_1 = arith.addi %add3A, %mul3A_0 : i32
    %add3A_2 = arith.constant 4 : i32
    %add3A_3 = arith.addi %add3A_1, %add3A_2 : i32
    %c0_i32 = arith.constant 0 : i32
    %c0_i32_4 = arith.constant 0 : i32
    return %add3A_3, %c0_i32 : i32, i32
  }
  func.func @transform_15(%arg0: i32) -> (i32, i32) {
    %mul3A = arith.constant 8 : i32
    %mul3A_0 = arith.muli %mul3A, %arg0 : i32
    %add3A = arith.constant 40 : i32
    %add3A_1 = arith.addi %add3A, %mul3A_0 : i32
    %add3A_2 = arith.constant 5 : i32
    %add3A_3 = arith.addi %add3A_1, %add3A_2 : i32
    %c0_i32 = arith.constant 0 : i32
    %c0_i32_4 = arith.constant 0 : i32
    return %add3A_3, %c0_i32 : i32, i32
  }
  func.func @transform_16(%arg0: i32) -> (i32, i32) {
    %mul3A = arith.constant 8 : i32
    %mul3A_0 = arith.muli %mul3A, %arg0 : i32
    %add3A = arith.constant 40 : i32
    %add3A_1 = arith.addi %add3A, %mul3A_0 : i32
    %add3A_2 = arith.constant 5 : i32
    %add3A_3 = arith.addi %add3A_1, %add3A_2 : i32
    %c0_i32 = arith.constant 0 : i32
    %c0_i32_4 = arith.constant 0 : i32
    return %add3A_3, %c0_i32 : i32, i32
  }
  func.func @transform_17(%arg0: i32) -> (i32, i32) {
    %mul3A = arith.constant 8 : i32
    %mul3A_0 = arith.muli %mul3A, %arg0 : i32
    %add3A = arith.constant 40 : i32
    %add3A_1 = arith.addi %add3A, %mul3A_0 : i32
    %add3A_2 = arith.constant 5 : i32
    %add3A_3 = arith.addi %add3A_1, %add3A_2 : i32
    %c0_i32 = arith.constant 0 : i32
    %c0_i32_4 = arith.constant 0 : i32
    return %add3A_3, %c0_i32 : i32, i32
  }
  func.func @transform_18(%arg0: i32) -> (i32, i32) {
    %mul3A = arith.constant 8 : i32
    %mul3A_0 = arith.muli %mul3A, %arg0 : i32
    %add3A = arith.constant 40 : i32
    %add3A_1 = arith.addi %add3A, %mul3A_0 : i32
    %add3A_2 = arith.constant 6 : i32
    %add3A_3 = arith.addi %add3A_1, %add3A_2 : i32
    %c0_i32 = arith.constant 0 : i32
    %c0_i32_4 = arith.constant 0 : i32
    return %add3A_3, %c0_i32 : i32, i32
  }
  func.func @transform_19(%arg0: i32) -> (i32, i32) {
    %mul3A = arith.constant 8 : i32
    %mul3A_0 = arith.muli %mul3A, %arg0 : i32
    %add3A = arith.constant 40 : i32
    %add3A_1 = arith.addi %add3A, %mul3A_0 : i32
    %add3A_2 = arith.constant 6 : i32
    %add3A_3 = arith.addi %add3A_1, %add3A_2 : i32
    %c0_i32 = arith.constant 0 : i32
    %c0_i32_4 = arith.constant 0 : i32
    return %add3A_3, %c0_i32 : i32, i32
  }
  func.func @transform_20(%arg0: i32) -> (i32, i32) {
    %mul3A = arith.constant 8 : i32
    %mul3A_0 = arith.muli %mul3A, %arg0 : i32
    %add3A = arith.constant 40 : i32
    %add3A_1 = arith.addi %add3A, %mul3A_0 : i32
    %add3A_2 = arith.constant 6 : i32
    %add3A_3 = arith.addi %add3A_1, %add3A_2 : i32
    %c0_i32 = arith.constant 0 : i32
    %c0_i32_4 = arith.constant 0 : i32
    return %add3A_3, %c0_i32 : i32, i32
  }
  func.func @transform_21(%arg0: i32) -> (i32, i32) {
    %mul3A = arith.constant 8 : i32
    %mul3A_0 = arith.muli %mul3A, %arg0 : i32
    %add3A = arith.constant 40 : i32
    %add3A_1 = arith.addi %add3A, %mul3A_0 : i32
    %add3A_2 = arith.constant 7 : i32
    %add3A_3 = arith.addi %add3A_1, %add3A_2 : i32
    %c0_i32 = arith.constant 0 : i32
    %c0_i32_4 = arith.constant 0 : i32
    return %add3A_3, %c0_i32 : i32, i32
  }
  func.func @transform_22(%arg0: i32) -> (i32, i32) {
    %mul3A = arith.constant 8 : i32
    %mul3A_0 = arith.muli %mul3A, %arg0 : i32
    %add3A = arith.constant 40 : i32
    %add3A_1 = arith.addi %add3A, %mul3A_0 : i32
    %add3A_2 = arith.constant 7 : i32
    %add3A_3 = arith.addi %add3A_1, %add3A_2 : i32
    %c0_i32 = arith.constant 0 : i32
    %c0_i32_4 = arith.constant 0 : i32
    return %add3A_3, %c0_i32 : i32, i32
  }
  func.func @transform_23(%arg0: i32) -> (i32, i32) {
    %mul3A = arith.constant 8 : i32
    %mul3A_0 = arith.muli %mul3A, %arg0 : i32
    %add3A = arith.constant 40 : i32
    %add3A_1 = arith.addi %add3A, %mul3A_0 : i32
    %add3A_2 = arith.constant 7 : i32
    %add3A_3 = arith.addi %add3A_1, %add3A_2 : i32
    %c0_i32 = arith.constant 0 : i32
    %c0_i32_4 = arith.constant 0 : i32
    return %add3A_3, %c0_i32 : i32, i32
  }
  func.func @transform_24(%arg0: i32) -> (i32, i32) {
    %c0_i32 = arith.constant 0 : i32
    %c0_i32_0 = arith.constant 0 : i32
    %c0_i32_1 = arith.constant 0 : i32
    return %c0_i32, %c0_i32_0 : i32, i32
  }
}

</mosaic_0001>

<sc_bundles>
// kernel: kernel.5.cloned.1.call-start
scs
__scs_entry_jumppad:
0x0: {  	(pc) =	sbr.rel $0x88, $3  }
0x1: {  	(tag) =	ssettag $0x0;
	lr =	simm.s32 $0x1  }
0x2: {  	[smem:$0x3F9E] =	sst lr;
	_ =	strace $0xD0000000  }
0x3: {  	_ = 	snop  }
0x4: {  	_ = 	snop  }
0x5: {  	_ = 	snop  }
0x6: {  	_ = 	snop  }
0x7: {  	_ = 	snop  }
__scs_overlays_trampoline_lowered:
0x8: {  	[smem:$0x3FAD] =	sst s0  }
0x9: {  	[smem:$0x3FAE] =	sst s1  }
0xa: {  	[smem:$0x3FAF] =	sst s2  }
0xb: {  	[smem:$0x3FB0] =	sst s3  }
0xc: {  	[smem:$0x3FB1] =	sst s4  }
0xd: {  	[smem:$0x3FB2] =	sst s5  }
0xe: {  	[smem:$0x3FB3] =	sst s6  }
0xf: {  	[smem:$0x3FB4] =	sst s7  }
0x10: {  	[smem:$0x3FB5] =	sst s8  }
0x11: {  	[smem:$0x3FB6] =	sst s9;
	s0 =	simm.s32 @!p0 $0x0  }
0x12: {  	s1 =	sld [smem:$0x3F9C];
	s0 =	simm.s32 @p0 $0x1  }
0x13: {  	[smem:$0x3FB7] =	sst s0;
	s0 =	simm.s32 @!p1 $0x0  }
0x14: {  	s2 =	sld [smem:$0x3F9B];
	s0 =	simm.s32 @p1 $0x1  }
0x15: {  	[smem:$0x3FB8] =	sst s0;
	s0 =	simm.s32 @!p2 $0x0  }
0x16: {  	s3 =	sld [smem:$0x3FDB];
	s0 =	simm.s32 @p2 $0x1  }
0x17: {  	s4 =	simm.s32 $0x1BF5;
	[smem:$0x3FBA] =	sst s0  }
0x18: {  	s0 =	sld [smem:$0x3F9D];
	_ =	swait.ge [sflag:s4], $0x0  }
0x19: {  	s7 =	sld [smem:$0x3F9E]  }
0x1a: {  	s8 =	sadd.s32 $0xFFFFE003, lr  }
0x1b: {  	s9 =	sadd.s32 $0xFFFFFEF7, lr;
	s5 =	simm.s32 $0xFFFFFFFF;
	p2 =	slt.u32 s8, $0xFFFFF086  }
0x1c: {  	p1 =	slt.u32 s9, $0xF7A;
	s5 =	simm.s32 @!p2 $0x0  }
0x1d: {  	s5 =	simm.s32 @p1 $0x1;
	p0 =	seq.s32 s7, s2  }
0x1e: {  	s7 =	smul.u32 @!p0 $0xF7A, s2;
	p2 =	seq.s32 @!p0 s5, $0x0  }
0x1f: {  	s9 =	smul.u32 $0xF7A, s1;
	s8 =	simm.s32 @!p0 $0x1BF5;
	p2 =	por !p2, p0  }
0x20: {  	[sflag:s8] =	ssyncset.s32 @!p0 $0xFFFFF086;
	s6 =	sadd.s32 @!p0 s3, s7;
	s7 =	simm.s32 @!p0 $0x108  }
0x21: {  	s3 =	sadd.s32 s3, s9;
	s6 =	sadd.s32 @!p0 $0x88, s6;
	s7 =	simm.s32 @p2 $0x1082  }
0x22: {  	[simem:s7], [sflag:s8] =	dma.local @!p0 [hbm:s6], $0xF7A  }
0x23: {  	s9 =	sor.u32 $0xD0000000, s2;
	s6 =	simm.s32 $0x108;
	_ =	swait.ge @!p0 [sflag:s8], $0x0  }
0x24: {  	s3 =	sadd.s32 $0x88, s3;
	s6 =	simm.s32 @!p1 $0x1082;
	[sflag:s4] =	ssyncset.s32 $0xFFFFF086  }
0x25: {  	[simem:s6], [sflag:s4] =	dma.local [hbm:s3], $0xF7A  }
0x26: {  	[smem:$0x3F9E] =	sst s1;
	(tag) =	ssettag s2;
	_ =	strace s9  }
0x27: {  	s1 =	sld [smem:$0x3FAE]  }
0x28: {  	s2 =	sld [smem:$0x3FAF]  }
0x29: {  	s4 =	sld [smem:$0x3FB1]  }
0x2a: {  	p0 =	seq.s32 s5, $0x0;
	s5 =	sld [smem:$0x3FB2]  }
0x2b: {  	s6 =	sld [smem:$0x3FB3]  }
0x2c: {  	s7 =	sld [smem:$0x3FB4]  }
0x2d: {  	s3 =	simm.s32 $0x108;
	s8 =	sld [smem:$0x3FB5]  }
0x2e: {  	s3 =	simm.s32 @!p0 $0x1082;
	s9 =	sld [smem:$0x3FB6]  }
0x2f: {  	lr =	sadd.s32 s0, s3;
	s0 =	sld [smem:$0x3FAD]  }
0x30: {  	s3 =	sld [smem:$0x3FB0]  }
0x31: {  	[smem:$0x3FB9] =	sst s10  }
0x32: {  	s10 =	sld [smem:$0x3FB7];
	_ =	sdelay $0x3  }
0x33: {  	p0 =	seq.s32 s10, $0x1;
	s10 =	sld [smem:$0x3FB9];
	_ =	sdelay $0x3  }
0x34: {  	[smem:$0x3FB9] =	sst s10  }
0x35: {  	s10 =	sld [smem:$0x3FB8];
	_ =	sdelay $0x3  }
0x36: {  	p1 =	seq.s32 s10, $0x1;
	s10 =	sld [smem:$0x3FB9];
	_ =	sdelay $0x3  }
0x37: {  	[smem:$0x3FB9] =	sst s10  }
0x38: {  	s10 =	sld [smem:$0x3FBA]  }
0x39: {  	_ = 	snop;
	(pc) =	sbr.ind lr, $3  }
0x3a: {  	_ = 	snop  }
0x3b: {  	_ = 	snop  }
0x3c: {  	p2 =	seq.s32 s10, $0x1;
	s10 =	sld [smem:$0x3FB9]  }
0x3d: {  	_ =	shalt  }
0x3e: {  	_ =	shalt  }
0x3f: {  	_ =	shalt  }
0x40: {  	_ =	shalt  }
0x41: {  	_ =	shalt  }
0x42: {  	_ =	shalt  }
0x43: {  	_ =	shalt  }
0x44: {  	_ =	shalt  }
0x45: {  	_ =	shalt  }
0x46: {  	_ =	shalt  }
0x47: {  	_ =	shalt  }
0x48: {  	_ =	shalt  }
0x49: {  	_ =	shalt  }
0x4a: {  	_ =	shalt  }
0x4b: {  	_ =	shalt  }
0x4c: {  	_ =	shalt  }
0x4d: {  	_ =	shalt  }
0x4e: {  	_ =	shalt  }
0x4f: {  	_ =	shalt  }
0x50: {  	_ =	shalt  }
0x51: {  	_ =	shalt  }
0x52: {  	_ =	shalt  }
0x53: {  	_ =	shalt  }
0x54: {  	_ =	shalt  }
0x55: {  	_ =	shalt  }
0x56: {  	_ =	shalt  }
0x57: {  	_ =	shalt  }
0x58: {  	_ =	shalt  }
0x59: {  	_ =	shalt  }
0x5a: {  	_ =	shalt  }
0x5b: {  	_ =	shalt  }
0x5c: {  	_ =	shalt  }
0x5d: {  	_ =	shalt  }
0x5e: {  	_ =	shalt  }
0x5f: {  	_ =	shalt  }
0x60: {  	_ =	shalt  }
0x61: {  	_ =	shalt  }
0x62: {  	_ =	shalt  }
0x63: {  	_ =	shalt  }
0x64: {  	_ =	shalt  }
0x65: {  	_ =	shalt  }
0x66: {  	_ =	shalt  }
0x67: {  	_ =	shalt  }
0x68: {  	_ =	shalt  }
0x69: {  	_ =	shalt  }
0x6a: {  	_ =	shalt  }
0x6b: {  	_ =	shalt  }
0x6c: {  	_ =	shalt  }
0x6d: {  	_ =	shalt  }
0x6e: {  	_ =	shalt  }
0x6f: {  	_ =	shalt  }
0x70: {  	_ =	shalt  }
0x71: {  	_ =	shalt  }
0x72: {  	_ =	shalt  }
0x73: {  	_ =	shalt  }
0x74: {  	_ =	shalt  }
0x75: {  	_ =	shalt  }
0x76: {  	_ =	shalt  }
0x77: {  	_ =	shalt  }
0x78: {  	_ =	shalt  }
0x79: {  	_ =	shalt  }
0x7a: {  	_ =	shalt  }
0x7b: {  	_ =	shalt  }
0x7c: {  	_ =	shalt  }
0x7d: {  	_ =	shalt  }
0x7e: {  	_ =	shalt  }
0x7f: {  	_ =	shalt  }
0x80: {  	_ =	shalt  }
0x81: {  	_ =	shalt  }
0x82: {  	_ =	shalt  }
0x83: {  	_ =	shalt  }
0x84: {  	_ =	shalt  }
0x85: {  	_ =	shalt  }
0x86: {  	_ =	shalt  }
0x87: {  	_ =	shalt  }
.Lfunc_end0:
.L_simem_size_0:
called_computation_lowered:
.L_overlay_start_0:
0x88: {  	s2 =	sld [smem:$0x3FD9]  }
0x89: {  	s3 =	sld [smem:$0x3FFE];
	_ =	sdelay $0x1  }
0x8a: {  	s1 =	srdreg.scid  }
0x8b: {  	s0 =	sand.u32 $0x1, s1  }
0x8c: {  	s17 =	sshll.u32 s0, $0xA;
	s2 =	sadd.s32 s3, s2  }
0x8d: {  	s2 =	sadd.s32 s2, s17  }
0x8e: {  	[smem:$0x3FC5] =	sst s2  }
0x8f: {  	_ = 	snop  }
0x90: {  	s2 =	sld [smem:$0x3FC9]  }
0x91: {  	s18 =	sld [smem:$0x3FC8]  }
0x92: {  	s4 =	sld [smem:$0x3FC7];
	(tm) =	ssettm $0x1  }
0x93: {  	s5 =	sld [smem:$0x3FFB];
	_ =	sdelay $0x3  }
0x94: {  	_ =	strace s5  }
0x95: {  	s5 =	sld [smem:$0x3FFC];
	_ =	sdelay $0x3  }
0x96: {  	_ =	strace s5  }
0x97: {  	s5 =	sld [smem:$0x3FFD];
	_ =	sdelay $0x3  }
0x98: {  	_ =	strace s5  }
0x99: {  	_ =	strace $0x8FFFFFFF  }
0x9a: {  	s19 =	sld [smem:$0x3FDB];
	_ =	sdelay $0x1  }
0x9b: {  	s6 =	simm.s32 $_scs_section_size  }
0x9c: {  	s7 =	simm.s32 $_size__tile_overlayer_lowered;
	s8 =	simm.s32 $_tile_overlayer_lowered  }
0x9d: {  	s22 =	simm.s32 $0x1BFF;
	s21 =	sshll.u32 s8, $0x1;
	s5 =	sadd.s32 s6, s19  }
0x9e: {  	s9 =	simm.s32 $0x0;
	s20 =	sshll.u32 s7, $0x1;
	s7 =	sadd.s32 s21, s5  }
0x9f: {  	[timem:s9], [sflag:s22] =	dma.local [hbm:s7], s20  }
0xa0: {  	_ =	swait.ge [sflag:s22], s20  }
0xa1: {  	s6 =	ssub.s32 $0x0, s20;
	[sflag:s22] =	ssyncset.done $0x0  }
0xa2: {  	[sflag:s22] =	ssyncadd.s32 s6;
	_ =	sdelay $0x1  }
0xa3: {  	s23 =	simm.s32 $0x1B8B  }
0xa4: {  	_ =	swait.ge [sflag:s23], $0x1  }
0xa5: {  	[sflag:s23] =	ssyncset.done $0x0  }
0xa6: {  	s25 =	simm.s32 $0x1B8E;
	s24 =	sld [smem:$0x3FFE];
	[sflag:s23] =	ssyncadd.s32 $0xFFFFFFFF  }
0xa7: {  	s26 =	simm.s32 $execute0_lowered;
	[smem:$0x3FD2] =	sst s25  }
0xa8: {  	s7 =	sshll.u32 s26, $0x1;
	_ =	strace $0x80000046;
	[dreg:$0x1] =	wrdreg $0xFFFFFFFF  }
0xa9: {  	s28 =	simm.s32 $_size_execute0_lowered;
	s5 =	sadd.s32 s5, s7;
	[dreg:$0x0] =	wrdreg $0x0  }
0xaa: {  	s7 =	sshll.u32 s28, $0x1;
	[dreg:$0x2] =	wrdreg s5  }
0xab: {  	[dreg:$0x3] =	wrdreg s7  }
0xac: {  	[dreg:$0x4] =	wrdreg $0xC0  }
0xad: {  	_ =	task [dreg:s9], $0x5FFFF  }
0xae: {  	[dreg:$0x1] =	wrdreg $0xFFFFFFFF  }
0xaf: {  	[dreg:$0x0] =	wrdreg $0x60  }
0xb0: {  	[dreg:$0x2] =	wrdreg s2  }
0xb1: {  	[dreg:$0x3] =	wrdreg s18  }
0xb2: {  	[dreg:$0x4] =	wrdreg s4  }
0xb3: {  	[dreg:$0x5] =	wrdreg s24  }
0xb4: {  	[dreg:$0x6] =	wrdreg $0x9  }
0xb5: {  	_ =	task.clear_ibuf [dreg:s9], $0x7FFFF;
	_ =	strace $0x90000046  }
0xb6: {  	s29 =	simm.s32 $0x9;
	_ =	strace $0x80000048  }
0xb7: {  	_ =	swait.ge [sflag:s29], $0x1  }
0xb8: {  	[sflag:s29] =	ssyncadd.s32 $0xFFFFFFFF  }
0xb9: {  	_ =	strace $0x90000048  }
0xba: {  	_ =	sfence  }
0xbb: {  	s30 =	sld [smem:$0x0];
	_ =	sdelay $0x2  }
0xbc: {  	s31 =	sshll.u32 s1, $0xD;
	s1 =	sshrl.u32 s1, $0x2  }
0xbd: {  	s3 =	sand.u32 $0x4000, s31;
	s1 =	sadd.s32 s1, s30  }
0xbe: {  	s0 =	sor.u32 s3, s0;
	s1 =	sshll.u32 s1, $0x11  }
0xbf: {  	s0 =	sor.u32 s1, s0  }
0xc0: {  	s0 =	sadd.s32 $0x8F2B, s0  }
0xc1: {  	[sflag:s0] =	ssyncadd.remote.s32 $0x1  }
0xc2: {  	_ =	sfence.sel $0xFFFF  }
0xc3: {  	[dreg:$0x0] =	wrdreg $0xFFFFFFFF;
	(pc) =	sbr.abs _section_cstart, $3  }
0xc4: {  	[dreg:$0x1] =	wrdreg $0xFFFFFFFF  }
0xc5: {  	_ =	task.clear_ibuf [dreg:s9], $0x2FFFF;
	_ =	strace $0x9FFFFFFF  }
0xc6: {  	(tm) =	ssettm $0x7FFFFFFF  }
0xc7: {  	_ =	shalt  }
tec
execute0_lowered:
.L_overlay_start_1:
0x0: {  	(tag) =	ssettag $0x1  }
0x1: {  	s0 =	rddreg [dreg:$0x0]  }
0x2: {  	s1 =	rddreg [dreg:$0x1]  }
0x3: {  	s3 =	rddreg [dreg:$0x2]  }
0x4: {  	s4 =	rddreg [dreg:$0x3];
	s5 =	srdreg.scid  }
0x5: {  	s6 =	stileid.u32;
	s2 =	simm.s32 $0x0;
	s28 =	simm.s32 $0x7  }
0x6: {  	s29 =	simm.s32 $0x8;
	s5 =	sand.u32 $0x1, s5;
	s6 =	sshll.u32 s6, $0x1  }
0x7: {  	s30 =	simm.s32 $0x9;
	[smem:$0x7FF] =	sst s2;
	s6 =	sor.u32 s5, s6  }
0x8: {  	s5 =	ssub.s32 $0x2, s5;
	s7 =	sshll.u32 s6, $0x4;
	s6 =	smul.u32 $0x1400, s6  }
0x9: {  	s31 =	simm.s32 $0xA;
	_ =	strace $0x80000047;
	s17 =	sshrl.u32 s5, $0x1  }
0xa: {  	s4 =	sadd.s32 s7, s4;
	s5 =	ssub.s32 s5, s17;
	s18 =	sadd.s32 s0, s6  }
0xb: {  	s19 =	sadd.s32 $0x400, s6;
	s8 =	sadd.s32 s1, s6;
	[dreg:$0x5] =	wrdreg s18  }
0xc: {  	s20 =	sadd.s32 s3, s6;
	s23 =	sadd.s32 $0x800, s6;
	[dreg:$0x6] =	wrdreg s8  }
0xd: {  	s26 =	sadd.s32 $0xC00, s6;
	s6 =	sadd.s32 $0x1000, s6;
	[dreg:$0x7] =	wrdreg s20  }
0xe: {  	s21 =	sadd.s32 s0, s19;
	s22 =	sadd.s32 s1, s19;
	s7 =	sadd.s32 s3, s19  }
0xf: {  	s24 =	sadd.s32 s0, s23;
	s25 =	sadd.s32 s1, s23;
	s12 =	sadd.s32 s0, s26  }
0x10: {  	s13 =	sadd.s32 s1, s26;
	s14 =	sadd.s32 s3, s26;
	s15 =	sadd.s32 s0, s6  }
0x11: {  	s16 =	sadd.s32 s1, s6;
	s17 =	sadd.s32 s3, s6;
	s18 =	sadd.s32 $0x800, s4  }
0x12: {  	s19 =	smax.u32 s5, $0x1;
	s26 =	simm.s32 $0x6;
	[dreg:$0x8] =	wrdreg s21  }
0x13: {  	s0 =	simm.s32 $0xB;
	s1 =	simm.s32 $0xC;
	[dreg:$0x9] =	wrdreg s22  }
0x14: {  	s20 =	simm.s32 $0xD;
	s4 =	simm.s32 $0xF;
	[dreg:$0xa] =	wrdreg s7  }
0x15: {  	s5 =	simm.s32 $0x10;
	s6 =	simm.s32 $0x0;
	[dreg:$0xb] =	wrdreg s24  }
0x16: {  	[dreg:$0xc] =	wrdreg s25;
	s7 =	sadd.s32 s3, s23;
	s21 =	simm.s32 $0x1  }
0x17: {  	s22 =	simm.s32 $0x2;
	s23 =	simm.s32 $0x3;
	s24 =	simm.s32 $0x4  }
0x18: {  	s25 =	simm.s32 $0x5;
	s3 =	simm.s32 $0xE;
	[dreg:$0xd] =	wrdreg s7  }
.LBB2_1:
0x19: {  	s7 =	rddreg [dreg:$0x5]  }
0x1a: {  	[tilespmem:s2], [sflag:$0x1] =	stream.linear.gather [hbm4b:s7+s2], $0x2000, $0x38;
	[tilespmem:$0x1E080] =	vst v63  }
0x1b: {  	s9 =	rddreg [dreg:$0x6];
	s8 =	simm.s32 $0x2000  }
0x1c: {  	[tilespmem:s8], [sflag:$0x2] =	stream.linear.gather [hbm4b:s9+s2], $0x2000, $0x38;
	[tilespmem:$0x1E080] =	vst v63  }
0x1d: {  	s10 =	rddreg [dreg:$0x7];
	s11 =	simm.s32 $0x4000  }
0x1e: {  	[tilespmem:s11], [sflag:$0x3] =	stream.linear.gather [hbm4b:s10+s2], $0x2000, $0x38;
	[tilespmem:$0x1E080] =	vst v63  }
0x1f: {  	s8 =	rddreg [dreg:$0x8];
	s9 =	simm.s32 $0x6000  }
0x20: {  	[tilespmem:s9], [sflag:$0x4] =	stream.linear.gather [hbm4b:s8+s2], $0x2000, $0x38;
	[tilespmem:$0x1E080] =	vst v63  }
0x21: {  	s10 =	rddreg [dreg:$0x9];
	s11 =	simm.s32 $0x8000  }
0x22: {  	[tilespmem:s11], [sflag:$0x5] =	stream.linear.gather [hbm4b:s10+s2], $0x2000, $0x38;
	[tilespmem:$0x1E080] =	vst v63  }
0x23: {  	s8 =	rddreg [dreg:$0xa];
	s9 =	simm.s32 $0xA000  }
0x24: {  	[tilespmem:s9], [sflag:$0x6] =	stream.linear.gather [hbm4b:s8+s2], $0x2000, $0x38;
	[tilespmem:$0x1E080] =	vst v63  }
0x25: {  	s10 =	rddreg [dreg:$0xb];
	s11 =	simm.s32 $0xC000  }
0x26: {  	[tilespmem:s11], [sflag:$0x7] =	stream.linear.gather [hbm4b:s10+s2], $0x2000, $0x38;
	[tilespmem:$0x1E080] =	vst v63  }
0x27: {  	s8 =	rddreg [dreg:$0xc];
	s9 =	simm.s32 $0xE000  }
0x28: {  	[tilespmem:s9], [sflag:$0x8] =	stream.linear.gather [hbm4b:s8+s2], $0x2000, $0x38;
	[tilespmem:$0x1E080] =	vst v63  }
0x29: {  	s10 =	rddreg [dreg:$0xd];
	s11 =	simm.s32 $0x10000  }
0x2a: {  	[tilespmem:s11], [sflag:$0x9] =	stream.linear.gather [hbm4b:s10+s2], $0x2000, $0x38;
	[tilespmem:$0x1E080] =	vst v63  }
0x2b: {  	s8 =	simm.s32 $0x12000  }
0x2c: {  	[tilespmem:s8], [sflag:$0xA] =	stream.linear.gather [hbm4b:s12+s2], $0x2000, $0x38;
	[tilespmem:$0x1E080] =	vst v63  }
0x2d: {  	s9 =	simm.s32 $0x14000  }
0x2e: {  	[tilespmem:s9], [sflag:$0xB] =	stream.linear.gather [hbm4b:s13+s2], $0x2000, $0x38;
	[tilespmem:$0x1E080] =	vst v63  }
0x2f: {  	s10 =	simm.s32 $0x16000  }
0x30: {  	[tilespmem:s10], [sflag:$0xC] =	stream.linear.gather [hbm4b:s14+s2], $0x2000, $0x38;
	[tilespmem:$0x1E080] =	vst v63  }
0x31: {  	s11 =	simm.s32 $0x18000  }
0x32: {  	[tilespmem:s11], [sflag:$0xD] =	stream.linear.gather [hbm4b:s15+s2], $0x2000, $0x38;
	[tilespmem:$0x1E080] =	vst v63  }
0x33: {  	s8 =	simm.s32 $0x1A000  }
0x34: {  	[tilespmem:s8], [sflag:$0xE] =	stream.linear.gather [hbm4b:s16+s2], $0x2000, $0x38;
	[tilespmem:$0x1E080] =	vst v63  }
0x35: {  	s9 =	simm.s32 $0x1C000  }
0x36: {  	[tilespmem:s9], [sflag:$0xF] =	stream.linear.gather [hbm4b:s17+s2], $0x2000, $0x38;
	[tilespmem:$0x1E080] =	vst v63  }
0x37: {  	_ =	swait.ge [sflag:s21], $0x2000  }
0x38: {  	[sflag:s21] =	ssyncset.done $0x0  }
0x39: {  	[sflag:s21] =	ssyncadd.s32 $0xFFFFE000  }
0x3a: {  	_ =	swait.ge [sflag:s22], $0x2000  }
0x3b: {  	[sflag:s22] =	ssyncset.done $0x0  }
0x3c: {  	[sflag:s22] =	ssyncadd.s32 $0xFFFFE000  }
0x3d: {  	_ =	swait.ge [sflag:s23], $0x2000  }
0x3e: {  	s10 =	sand.u32 $0x1000, s2;
	s11 =	sand.u32 $0x380, s2;
	[sflag:s23] =	ssyncset.done $0x0  }
0x3f: {  	s7 =	sor.u32 s11, s10;
	[sflag:s23] =	ssyncadd.s32 $0xFFFFE000  }
0x40: {  	v19 =	vld [tilespmem:s7+$0x2C40]  }
0x41: {  	v0 =	vld [tilespmem:s7+$0x2C50]  }
0x42: {  	v62 =	vld [tilespmem:s7+$0x2C60]  }
0x43: {  	v20 =	vld [tilespmem:s7+$0x2C00]  }
0x44: {  	v7 =	vld [tilespmem:s7+$0x2C10]  }
0x45: {  	v1 =	vld [tilespmem:s7+$0x2C20]  }
0x46: {  	v55 =	vld [tilespmem:s7+$0x2C30]  }
0x47: {  	v14 =	vld [tilespmem:s7+$0xC40]  }
0x48: {  	v26 =	vld [tilespmem:s7+$0x4C40]  }
0x49: {  	v18 =	vld [tilespmem:s7+$0xC50]  }
0x4a: {  	v2 =	vld [tilespmem:s7+$0x4C50]  }
0x4b: {  	v27 =	vld [tilespmem:s7+$0xC60]  }
0x4c: {  	v3 =	vld [tilespmem:s7+$0x4C60]  }
0x4d: {  	v28 =	vld [tilespmem:s7+$0x2840]  }
0x4e: {  	v12 =	vld [tilespmem:s7+$0x2850]  }
0x4f: {  	v11 =	vld [tilespmem:s7+$0x2860]  }
0x50: {  	v61 =	vld [tilespmem:s7+$0x2870]  }
0x51: {  	v33 =	vld [tilespmem:s7+$0xC00]  }
0x52: {  	v34 =	vld [tilespmem:s7+$0x4C00]  }
0x53: {  	v31 =	vld [tilespmem:s7+$0xC10]  }
0x54: {  	v21 =	vld [tilespmem:s7+$0x4C10]  }
0x55: {  	v17 =	vld [tilespmem:s7+$0xC20]  }
0x56: {  	v5 =	vld [tilespmem:s7+$0x4C20]  }
0x57: {  	v48 =	vld [tilespmem:s7+$0x4C30]  }
0x58: {  	v35 =	vld [tilespmem:s7+$0x2800]  }
0x59: {  	v29 =	vld [tilespmem:s7+$0x2000]  }
0x5a: {  	v13 =	vld [tilespmem:s7+$0x0]  }
0x5b: {  	v30 =	vld [tilespmem:s7+$0x4000]  }
0x5c: {  	v38 =	vld [tilespmem:s7+$0x4040]  }
0x5d: {  	v39 =	vld [tilespmem:s7+$0x40]  }
0x5e: {  	v41 =	vld [tilespmem:s7+$0x2040]  }
0x5f: {  	v42 =	vld [tilespmem:s7+$0x2400]  }
0x60: {  	v44 =	vld [tilespmem:s7+$0x4400]  }
0x61: {  	v46 =	vld [tilespmem:s7+$0x400]  }
0x62: {  	v57 =	vld [tilespmem:s7+$0x2440];
	v40 =	vmul.f32 v26, v19  }
0x63: {  	v49 =	vld [tilespmem:s7+$0x4440];
	v22 =	vmul.f32 v2, v0;
	v43 =	vmul.f32 v34, v20  }
0x64: {  	v52 =	vld [tilespmem:s7+$0x4800];
	v4 =	vmul.f32 v3, v62;
	v23 =	vmul.f32 v21, v7  }
0x65: {  	v59 =	vld [tilespmem:s7+$0x800];
	v45 =	vmul.f32 v30, v13;
	[tilespmem:$0x1FF30] =	vst v1;
	v1 =	vmul.f32 v5, v1  }
0x66: {  	v24 =	vld [tilespmem:s7+$0x2810];
	v47 =	vmul.f32 v30, v29;
	v39 =	vmul.f32 v38, v39  }
0x67: {  	v36 =	vld [tilespmem:s7+$0x840];
	v50 =	vmul.f32 v38, v41;
	v58 =	vmul.f32 v44, v42  }
0x68: {  	v37 =	vld [tilespmem:s7+$0x4840];
	v46 =	vmul.f32 v44, v46;
	v53 =	vmul.f32 v26, v14;
	[tilespmem:$0x1FF40] =	vst v1;
	v1 =	vimm.f32 $0.0e+00  }
0x69: {  	v6 =	vld [tilespmem:s7+$0x2820];
	v18 =	vmul.f32 v2, v18;
	v60 =	vmul.f32 v49, v57;
	v30 =	vadd.f32 v30, v1  }
0x6a: {  	v63 =	vld [tilespmem:s7+$0x2830];
	v54 =	vmul.f32 v52, v59;
	v29 =	vmul.f32 v45, v29  }
0x6b: {  	v51 =	vld [tilespmem:s7+$0x440];
	v56 =	vmul.f32 v52, v35;
	v47 =	vadd.f32 v47, v1;
	v30 =	vadd.f32 v38, v30  }
0x6c: {  	v32 =	vld [tilespmem:s7+$0x850];
	v41 =	vmul.f32 v39, v41;
	v45 =	vadd.f32 v45, v1;
	v29 =	vadd.f32 v29, v1  }
0x6d: {  	v8 =	vld [tilespmem:s7+$0x2010];
	v36 =	vmul.f32 v37, v36;
	v47 =	vadd.f32 v50, v47;
	v14 =	vadd.f32 v44, v30  }
0x6e: {  	v9 =	vld [tilespmem:s7+$0x4010];
	v1 =	vmul.f32 v48, v55;
	v39 =	vadd.f32 v39, v45;
	v41 =	vadd.f32 v41, v29  }
0x6f: {  	v59 =	vld [tilespmem:s7+$0x50];
	v42 =	vmul.f32 v46, v42;
	v38 =	vadd.f32 v58, v47;
	v14 =	vadd.f32 v49, v14  }
0x70: {  	v45 =	vld [tilespmem:s7+$0x4850];
	[tilespmem:$0x1FF50] =	vst v1;
	v1 =	vmul.f32 v49, v51;
	v44 =	vmov v3;
	v39 =	vadd.f32 v46, v39  }
0x71: {  	v3 =	vld [tilespmem:s7+$0x860];
	v47 =	vmul.f32 v44, v27;
	v38 =	vadd.f32 v60, v38;
	v14 =	vadd.f32 v52, v14  }
0x72: {  	[tilespmem:$0x1FF20] =	vst v4;
	v30 =	vld [tilespmem:s7+$0x4860];
	v27 =	vadd.f32 v42, v41;
	v4 =	vmul.f32 v1, v57;
	v39 =	vadd.f32 v1, v39  }
0x73: {  	v58 =	vld [tilespmem:s7+$0x10];
	v57 =	vmul.f32 v37, v28;
	v38 =	vadd.f32 v56, v38;
	v37 =	vadd.f32 v37, v14  }
0x74: {  	v35 =	vmul.f32 v54, v35;
	v41 =	vld [tilespmem:s7+$0x2410];
	v27 =	vadd.f32 v4, v27;
	v39 =	vadd.f32 v54, v39  }
0x75: {  	v33 =	vmul.f32 v34, v33;
	v42 =	vld [tilespmem:s7+$0x4410];
	v38 =	vadd.f32 v57, v38;
	v34 =	vadd.f32 v34, v37  }
0x76: {  	v28 =	vmul.f32 v36, v28;
	v4 =	vld [tilespmem:s7+$0x4870];
	v27 =	vadd.f32 v35, v27;
	v36 =	vadd.f32 v36, v39  }
0x77: {  	v20 =	vmul.f32 v33, v20;
	v54 =	vld [tilespmem:s7+$0x4050];
	v56 =	vadd.f32 v43, v38;
	v1 =	vadd.f32 v26, v34  }
0x78: {  	v0 =	vmul.f32 v18, v0;
	v46 =	vmul.f32 v9, v58;
	v58 =	vld [tilespmem:s7+$0x410];
	v27 =	vadd.f32 v28, v27  }
0x79: {  	v49 =	vmul.f32 v45, v12;
	v28 =	vld [tilespmem:s7+$0x2050];
	v33 =	vadd.f32 v33, v36;
	[tilespmem:$0x1FF60] =	vst v1;
	v1 =	vadd.f32 v40, v56  }
0x7a: {  	v14 =	vimm.f32 $0.0e+00;
	v57 =	vmul.f32 v9, v8;
	v51 =	vmul.f32 v46, v8;
	v8 =	vld [tilespmem:s7+$0x4810]  }
0x7b: {  	v43 =	vld [tilespmem:s7+$0x2450];
	v20 =	vadd.f32 v20, v27;
	v27 =	vmul.f32 v53, v19;
	[tilespmem:$0x1FF70] =	vst v1;
	v1 =	vadd.f32 v53, v33  }
0x7c: {  	v60 =	vmul.f32 v42, v41;
	v46 =	vadd.f32 v46, v14;
	v34 =	vld [tilespmem:s7+$0x2460];
	v26 =	vmul.f32 v54, v59  }
0x7d: {  	v38 =	vadd.f32 v57, v14;
	v57 =	vmul.f32 v45, v32;
	v59 =	vld [tilespmem:s7+$0x4450];
	[tilespmem:$0x1FF80] =	vst v1;
	v1 =	vadd.f32 v27, v20  }
0x7e: {  	v37 =	vadd.f32 v51, v14;
	v36 =	vmul.f32 v42, v58;
	v58 =	vld [tilespmem:s7+$0x4470];
	v46 =	vadd.f32 v26, v46  }
0x7f: {  	v51 =	vmul.f32 v21, v31;
	v52 =	vmul.f32 v54, v28;
	v27 =	vadd.f32 v9, v14;
	[tilespmem:$0x1FF90] =	vst v1;
	v1 =	vld [tilespmem:s7+$0x450]  }
0x80: {  	v41 =	vmul.f32 v36, v41;
	v53 =	vmul.f32 v26, v28;
	v36 =	vadd.f32 v36, v46;
	v46 =	vld [tilespmem:s7+$0x2060]  }
0x81: {  	v39 =	vmul.f32 v5, v17;
	v40 =	vadd.f32 v52, v38;
	v27 =	vadd.f32 v54, v27;
	v54 =	vld [tilespmem:s7+$0x810]  }
0x82: {  	v12 =	vmul.f32 v57, v12;
	v7 =	vmul.f32 v51, v7;
	v26 =	vmovc v5;
	v5 =	vld [tilespmem:s7+$0x4060];
	v50 =	vadd.f32 v53, v37  }
0x83: {  	v9 =	vld [tilespmem:s7+$0x2470];
	v40 =	vadd.f32 v60, v40;
	v53 =	vmul.f32 v59, v43;
	v42 =	vadd.f32 v42, v27  }
0x84: {  	v31 =	vimm.f32 $0.0e+00;
	v56 =	vmul.f32 v8, v24;
	v60 =	vld [tilespmem:s7+$0x4830];
	v52 =	vmul.f32 v59, v1  }
0x85: {  	v38 =	vmul.f32 v30, v11;
	v37 =	vld [tilespmem:s7+$0x4820];
	v40 =	vadd.f32 v53, v40;
	v33 =	vadd.f32 v59, v42  }
0x86: {  	v17 =	vadd.f32 v41, v50;
	v50 =	vld [tilespmem:s7+$0x420];
	v35 =	vmul.f32 v8, v54;
	v54 =	vmul.f32 v52, v43  }
0x87: {  	v40 =	vadd.f32 v56, v40;
	v42 =	vmul.f32 v30, v3;
	v3 =	vld [tilespmem:s7+$0x2020];
	v33 =	vadd.f32 v8, v33  }
0x88: {  	v59 =	vld [tilespmem:s7+$0x4020];
	v36 =	vadd.f32 v52, v36;
	v24 =	vmul.f32 v35, v24;
	v17 =	vadd.f32 v54, v17  }
0x89: {  	v32 =	vmovc v60;
	v29 =	vmul.f32 v60, v63;
	v60 =	vld [tilespmem:s7+$0x60];
	v40 =	vadd.f32 v49, v40;
	v33 =	vadd.f32 v45, v33  }
0x8a: {  	v28 =	vmovc v4;
	v4 =	vmul.f32 v4, v61;
	v35 =	vadd.f32 v35, v36;
	v17 =	vadd.f32 v24, v17;
	v24 =	vld [tilespmem:s7+$0x20]  }
0x8b: {  	v27 =	vmovc v6;
	v49 =	vmul.f32 v58, v9;
	v1 =	vld [tilespmem:s7+$0x4460];
	v23 =	vadd.f32 v23, v40;
	v21 =	vadd.f32 v21, v33  }
0x8c: {  	v43 =	vmul.f32 v37, v27;
	v35 =	vadd.f32 v57, v35;
	v12 =	vadd.f32 v12, v17;
	v17 =	vld [tilespmem:s7+$0x4420]  }
0x8d: {  	v40 =	vld [tilespmem:s7+$0x2420];
	v53 =	vadd.f32 v22, v23;
	v36 =	vadd.f32 v2, v21;
	v21 =	vmul.f32 v59, v3  }
0x8e: {  	v45 =	vmul.f32 v5, v60;
	v2 =	vld [tilespmem:s7+$0x460];
	v35 =	vadd.f32 v51, v35;
	v7 =	vadd.f32 v7, v12  }
0x8f: {  	v57 =	vadd.f32 v21, v14;
	v12 =	vmul.f32 v5, v46;
	v52 =	vmul.f32 v59, v24  }
0x90: {  	v56 =	vld [tilespmem:s7+$0x820];
	v8 =	vmul.f32 v1, v34;
	v54 =	vadd.f32 v18, v35;
	v0 =	vadd.f32 v0, v7  }
0x91: {  	[tilespmem:$0x1FFC0] =	vst v49;
	v49 =	vld [tilespmem:s7+$0x2430];
	v7 =	vadd.f32 v12, v57;
	v18 =	vmul.f32 v52, v3;
	v21 =	vmul.f32 v17, v50  }
0x92: {  	v3 =	vmul.f32 v45, v46;
	v50 =	vld [tilespmem:s7+$0x4430];
	v12 =	vmul.f32 v17, v40;
	[tilespmem:$0x1FFF0] =	vst v0;
	v0 =	vadd.f32 v59, v14  }
0x93: {  	v59 =	vadd.f32 v52, v14;
	v60 =	vadd.f32 v18, v14;
	v18 =	vmul.f32 v1, v2  }
0x94: {  	v40 =	vmul.f32 v21, v40;
	v7 =	vadd.f32 v12, v7;
	v0 =	vadd.f32 v5, v0  }
0x95: {  	[tilespmem:$0x1FFE0] =	vst v54;
	v54 =	vld [tilespmem:s7+$0x4070];
	v2 =	vmul.f32 v37, v56;
	v33 =	vadd.f32 v45, v59;
	v41 =	vadd.f32 v3, v60  }
0x96: {  	[tilespmem:$0x1FFA0] =	vst v4;
	v52 =	vld [tilespmem:s7+$0x2070];
	v46 =	vmul.f32 v18, v34;
	v34 =	vimm.f32 $0.0e+00;
	v0 =	vadd.f32 v17, v0  }
0x97: {  	[tilespmem:$0x1FFD0] =	vst v53;
	v12 =	vld [tilespmem:s7+$0x2030];
	v45 =	vadd.f32 v21, v33;
	v53 =	vmul.f32 v50, v49;
	v21 =	vadd.f32 v8, v7  }
0x98: {  	s8 =	simm.s32 $0x200;
	s9 =	simm.s32 $0x0;
	[tilespmem:$0x1FFB0] =	vst v9;
	v17 =	vld [tilespmem:s7+$0x4030];
	v33 =	vimm.f32 $0.0e+00;
	v40 =	vadd.f32 v40, v41;
	v41 =	vadd.f32 v1, v0  }
.LBB2_2:
0x99: {  	v0 =	vadd.f32 v18, v45;
	_ =	sdelay $0x1  }
0x9a: {  	v0 =	vadd.f32 v2, v0;
	_ =	sdelay $0x1  }
0x9b: {  	v57 =	vadd.f32 v42, v0;
	v0 =	vld [tilespmem:$0x1FF30];
	_ =	sdelay $0x3  }
0x9c: {  	v7 =	vld [tilespmem:s7+$0x30];
	v37 =	vadd.f32 v37, v41;
	v18 =	vadd.f32 v46, v40;
	v16 =	vmul.f32 v2, v27  }
0x9d: {  	v21 =	vadd.f32 v43, v21;
	v6 =	vmul.f32 v39, v0;
	v0 =	vld [tilespmem:$0x1FF40]  }
0x9e: {  	v56 =	vld [tilespmem:s7+$0x70];
	v2 =	vadd.f32 v16, v18;
	v18 =	vadd.f32 v30, v37  }
0x9f: {  	v9 =	vmul.f32 v42, v11;
	v13 =	vld [tilespmem:s7+$0x2C70]  }
0xa0: {  	s9 =	sadd.s32 $0x80, s9;
	v1 =	vld [tilespmem:$0x1FFA0];
	v21 =	vadd.f32 v38, v21;
	v59 =	vadd.f32 v26, v18  }
0xa1: {  	s10 =	sand.u32 $0x1000, s8;
	s11 =	sand.u32 $0x380, s9;
	v30 =	vld [tilespmem:s7+$0x430];
	v2 =	vadd.f32 v9, v2  }
0xa2: {  	v3 =	vld [tilespmem:$0x1FF50];
	s10 =	sor.u32 s11, s10;
	v9 =	vmul.f32 v17, v7;
	v11 =	vadd.f32 v0, v21;
	v0 =	vadd.f32 v44, v59  }
0xa3: {  	v45 =	vld [tilespmem:s10+$0x2C40]  }
0xa4: {  	v25 =	vmul.f32 v54, v56;
	v10 =	vmul.f32 v9, v12;
	[tilespmem:$0x1FEC0] =	vst v0;
	v0 =	vld [tilespmem:$0x1FF20]  }
0xa5: {  	v4 =	vld [tilespmem:s10+$0x2C50];
	v16 =	vmul.f32 v17, v12  }
0xa6: {  	v35 =	vld [tilespmem:s10+$0x2C60];
	v15 =	vmul.f32 v25, v52;
	v12 =	vmul.f32 v50, v30;
	v10 =	vadd.f32 v10, v31  }
0xa7: {  	v60 =	vmul.f32 v47, v62;
	v18 =	vld [tilespmem:s7+$0x470]  }
0xa8: {  	v62 =	vadd.f32 v16, v34;
	v16 =	vld [tilespmem:s7+$0x870];
	v10 =	vadd.f32 v15, v10;
	v15 =	vmul.f32 v12, v49  }
0xa9: {  	v34 =	vld [tilespmem:s10+$0x2C00];
	v21 =	vadd.f32 v39, v57;
	v0 =	vadd.f32 v0, v11  }
0xaa: {  	v10 =	vadd.f32 v15, v10;
	v15 =	vld [tilespmem:s7+$0x4C70]  }
0xab: {  	v2 =	vadd.f32 v6, v2;
	v11 =	vld [tilespmem:s7+$0x830];
	[tilespmem:$0x1FED0] =	vst v0;
	v0 =	vadd.f32 v47, v21  }
0xac: {  	v21 =	vld [tilespmem:s7+$0xC70]  }
0xad: {  	[tilespmem:$0x1FEE0] =	vst v0;
	v0 =	vadd.f32 v60, v2;
	v2 =	vadd.f32 v17, v14;
	v17 =	vmul.f32 v58, v18;
	v18 =	vld [tilespmem:s7+$0xC30];
	s7 =	smov.u32 s10  }
0xae: {  	v9 =	vadd.f32 v9, v33;
	v33 =	vld [tilespmem:s7+$0x2C10]  }
0xaf: {  	v51 =	vmul.f32 v54, v52;
	v52 =	vld [tilespmem:s7+$0x4C40]  }
0xb0: {  	v46 =	vld [tilespmem:s7+$0x4C50]  }
0xb1: {  	v16 =	vmul.f32 v28, v16;
	v27 =	vld [tilespmem:s7+$0xC60]  }
0xb2: {  	v44 =	vld [tilespmem:s7+$0x4C60]  }
0xb3: {  	v5 =	vmul.f32 v16, v61;
	v61 =	vld [tilespmem:s7+$0x2870]  }
0xb4: {  	v6 =	vadd.f32 v51, v62;
	v62 =	vld [tilespmem:s7+$0x4C00]  }
0xb5: {  	[tilespmem:$0x1FE00] =	vst v36;
	v36 =	vld [tilespmem:s7+$0xC10]  }
0xb6: {  	v39 =	vld [tilespmem:s7+$0xC20]  }
0xb7: {  	v26 =	vld [tilespmem:s7+$0x4C20]  }
0xb8: {  	[tilespmem:$0x1FEF0] =	vst v0;
	v0 =	vld [tilespmem:$0x1FFB0]  }
0xb9: {  	v6 =	vadd.f32 v53, v6;
	v53 =	vld [tilespmem:s7+$0x2810]  }
0xba: {  	v31 =	vld [tilespmem:s7+$0x2820]  }
0xbb: {  	v9 =	vadd.f32 v25, v9;
	v41 =	vld [tilespmem:s7+$0x840]  }
0xbc: {  	v30 =	vld [tilespmem:s7+$0x4860]  }
0xbd: {  	v9 =	vadd.f32 v12, v9;
	v2 =	vadd.f32 v54, v2;
	v12 =	vmul.f32 v17, v0;
	v0 =	vld [tilespmem:$0x1FFC0]  }
0xbe: {  	v22 =	vld [tilespmem:s7+$0x2440]  }
0xbf: {  	v19 =	vld [tilespmem:s7+$0x4800];
	v2 =	vadd.f32 v50, v2  }
0xc0: {  	v59 =	vld [tilespmem:s7+$0x4810]  }
0xc1: {  	v11 =	vmul.f32 v32, v11;
	v47 =	vld [tilespmem:s7+$0x4830];
	v2 =	vadd.f32 v58, v2  }
0xc2: {  	v24 =	vld [tilespmem:s7+$0x4440];
	v9 =	vadd.f32 v17, v9;
	v25 =	vadd.f32 v0, v6  }
0xc3: {  	v51 =	vld [tilespmem:s7+$0x4460];
	v8 =	vmul.f32 v11, v63;
	v2 =	vadd.f32 v32, v2;
	v10 =	vadd.f32 v12, v10  }
0xc4: {  	v54 =	vld [tilespmem:s7+$0x4850];
	v9 =	vadd.f32 v11, v9;
	v11 =	vmul.f32 v15, v21;
	v17 =	vadd.f32 v29, v25  }
0xc5: {  	v21 =	vld [tilespmem:s7+$0xC50];
	v18 =	vmul.f32 v48, v18;
	v2 =	vadd.f32 v28, v2;
	v8 =	vadd.f32 v8, v10  }
0xc6: {  	v50 =	vld [tilespmem:s7+$0x4C10];
	v9 =	vadd.f32 v16, v9;
	v10 =	vadd.f32 v1, v17  }
0xc7: {  	v16 =	vld [tilespmem:s7+$0x2460];
	v2 =	vadd.f32 v48, v2;
	v5 =	vadd.f32 v5, v8;
	v1 =	vmul.f32 v18, v55  }
0xc8: {  	v58 =	vld [tilespmem:s7+$0x4470];
	v3 =	vadd.f32 v3, v10  }
0xc9: {  	v32 =	vld [tilespmem:s7+$0xC00];
	v8 =	vmul.f32 v15, v13;
	v5 =	vadd.f32 v1, v5;
	v1 =	vadd.f32 v15, v2  }
0xca: {  	v12 =	vld [tilespmem:s7+$0x2C30]  }
0xcb: {  	v9 =	vadd.f32 v18, v9;
	v63 =	vmul.f32 v50, v36;
	v36 =	vld [tilespmem:s7+$0x40];
	[tilespmem:$0x1FE90] =	vst v1;
	v1 =	vadd.f32 v8, v3  }
0xcc: {  	v0 =	vld [tilespmem:s7+$0x2C20]  }
0xcd: {  	v14 =	vmul.f32 v11, v13;
	v10 =	vld [tilespmem:s7+$0x2470];
	[tilespmem:$0x1FE10] =	vst v1;
	v1 =	vadd.f32 v11, v9  }
0xce: {  	[tilespmem:$0x1FF00] =	vst v16;
	v28 =	vmul.f32 v51, v16;
	v6 =	vld [tilespmem:s7+$0x2860]  }
0xcf: {  	[tilespmem:$0x1FDF0] =	vst v1;
	v1 =	vadd.f32 v14, v5;
	v5 =	vld [tilespmem:s7+$0x4C30]  }
0xd0: {  	v48 =	vmul.f32 v44, v27;
	v27 =	vld [tilespmem:s7+$0x0];
	[tilespmem:$0x1FF10] =	vst v28  }
0xd1: {  	[tilespmem:$0x1FF30] =	vst v0;
	v0 =	vmul.f32 v26, v0;
	v3 =	vld [tilespmem:s7+$0x2850]  }
0xd2: {  	v25 =	vld [tilespmem:s7+$0x4000];
	[tilespmem:$0x1FFB0] =	vst v10;
	v10 =	vmul.f32 v58, v10  }
0xd3: {  	v7 =	vmov v12;
	[tilespmem:$0x1FF40] =	vst v0;
	v11 =	vld [tilespmem:s7+$0x4870]  }
0xd4: {  	v15 =	vld [tilespmem:s7+$0x2000];
	[tilespmem:$0x1FFC0] =	vst v10;
	v0 =	vmul.f32 v5, v7  }
0xd5: {  	v28 =	vld [tilespmem:$0x1FF80];
	[tilespmem:$0x1FDE0] =	vst v1;
	v1 =	vmul.f32 v46, v4  }
0xd6: {  	v29 =	vld [tilespmem:s7+$0xC40];
	[tilespmem:$0x1FF50] =	vst v0;
	v0 =	vmul.f32 v54, v3  }
0xd7: {  	v17 =	vld [tilespmem:s7+$0x2800];
	[tilespmem:$0x1FEB0] =	vst v1;
	v1 =	vmul.f32 v44, v35  }
0xd8: {  	v27 =	vmul.f32 v25, v27;
	v9 =	vld [tilespmem:s7+$0x2830];
	[tilespmem:$0x1FE40] =	vst v0;
	v0 =	vmul.f32 v11, v61  }
0xd9: {  	v16 =	vmul.f32 v25, v15;
	v10 =	vld [tilespmem:$0x1FF60];
	[tilespmem:$0x1FF20] =	vst v1;
	v1 =	vmul.f32 v50, v33  }
0xda: {  	v15 =	vmul.f32 v27, v15;
	v27 =	vadd.f32 v27, v28;
	v28 =	vld [tilespmem:$0x1FF90];
	[tilespmem:$0x1FFA0] =	vst v0;
	v0 =	vmul.f32 v59, v53  }
0xdb: {  	[tilespmem:$0x1FE60] =	vst v1;
	v1 =	vld [tilespmem:s7+$0x2040]  }
0xdc: {  	[tilespmem:$0x1FE20] =	vst v0;
	v0 =	vld [tilespmem:s7+$0x4040]  }
0xdd: {  	[tilespmem:$0x1FEA0] =	vst v4;
	v4 =	vld [tilespmem:s7+$0x4400]  }
0xde: {  	v25 =	vadd.f32 v25, v10;
	v10 =	vld [tilespmem:$0x1FF70]  }
0xdf: {  	v13 =	vmul.f32 v52, v29;
	[tilespmem:$0x1FE80] =	vst v9;
	v29 =	vmul.f32 v47, v9;
	v9 =	vld [tilespmem:s7+$0x400]  }
0xe0: {  	v23 =	vld [tilespmem:s7+$0x2400];
	v20 =	vmul.f32 v62, v34;
	v57 =	vmul.f32 v46, v21  }
0xe1: {  	v18 =	vmov v35;
	v38 =	vmul.f32 v30, v6;
	v35 =	vld [tilespmem:s7+$0x440];
	v55 =	vmul.f32 v0, v1  }
0xe2: {  	v42 =	vld [tilespmem:s7+$0x850];
	v21 =	vmov v6;
	v8 =	vmul.f32 v62, v32;
	v6 =	vmul.f32 v19, v17  }
0xe3: {  	v56 =	vld [tilespmem:s7+$0x860];
	v15 =	vadd.f32 v15, v28;
	v16 =	vadd.f32 v16, v10;
	v32 =	vmul.f32 v0, v36  }
0xe4: {  	[tilespmem:$0x1FE50] =	vst v33;
	v33 =	vmul.f32 v24, v22;
	v9 =	vmul.f32 v4, v9;
	v36 =	vld [tilespmem:s7+$0x800];
	v0 =	vadd.f32 v0, v25  }
0xe5: {  	v2 =	vld [tilespmem:s7+$0x4840];
	v1 =	vmul.f32 v32, v1;
	v16 =	vadd.f32 v55, v16;
	v55 =	vmovc v7;
	v7 =	vadd.f32 v32, v27  }
0xe6: {  	v60 =	vld [tilespmem:s7+$0x2450];
	v14 =	vmovc v34;
	v34 =	vmul.f32 v4, v23;
	v35 =	vmul.f32 v24, v35;
	v0 =	vadd.f32 v4, v0  }
0xe7: {  	v12 =	vld [tilespmem:s7+$0x2840];
	v23 =	vmul.f32 v9, v23;
	v1 =	vadd.f32 v1, v15;
	v9 =	vadd.f32 v9, v7  }
0xe8: {  	v37 =	vld [tilespmem:s7+$0x4820];
	v22 =	vmul.f32 v35, v22;
	v4 =	vadd.f32 v34, v16;
	v0 =	vadd.f32 v24, v0  }
0xe9: {  	v40 =	vld [tilespmem:s7+$0x4450];
	v16 =	vmul.f32 v19, v36;
	v1 =	vadd.f32 v23, v1;
	v9 =	vadd.f32 v35, v9  }
0xea: {  	[tilespmem:$0x1FE30] =	vst v3;
	v28 =	vld [tilespmem:s7+$0x4410];
	v3 =	vmul.f32 v2, v41;
	v4 =	vadd.f32 v33, v4;
	v0 =	vadd.f32 v19, v0  }
0xeb: {  	v25 =	vld [tilespmem:s7+$0x2050];
	v17 =	vmul.f32 v16, v17;
	v1 =	vadd.f32 v22, v1;
	v9 =	vadd.f32 v16, v9  }
0xec: {  	[tilespmem:$0x1FE70] =	vst v5;
	v5 =	vmul.f32 v2, v12;
	v34 =	vld [tilespmem:s7+$0x4010];
	v4 =	vadd.f32 v6, v4;
	v0 =	vadd.f32 v2, v0  }
0xed: {  	v24 =	vld [tilespmem:s7+$0x10];
	v1 =	vadd.f32 v17, v1;
	v16 =	vmul.f32 v3, v12;
	v3 =	vadd.f32 v3, v9  }
0xee: {  	v32 =	vld [tilespmem:s7+$0x2010];
	v2 =	vadd.f32 v5, v4;
	v0 =	vadd.f32 v62, v0  }
0xef: {  	v35 =	vmul.f32 v8, v14;
	v1 =	vadd.f32 v16, v1;
	v3 =	vadd.f32 v8, v3;
	v8 =	vld [tilespmem:$0x1FFE0]  }
0xf0: {  	v49 =	vmul.f32 v52, v45;
	v15 =	vld [tilespmem:s7+$0x4050];
	v2 =	vadd.f32 v20, v2;
	v0 =	vadd.f32 v52, v0  }
0xf1: {  	v36 =	vmul.f32 v13, v45;
	v6 =	vld [tilespmem:s7+$0x50];
	v1 =	vadd.f32 v35, v1  }
0xf2: {  	v4 =	vld [tilespmem:s7+$0x410];
	v9 =	vmul.f32 v34, v24;
	[tilespmem:$0x1FF60] =	vst v0;
	v0 =	vadd.f32 v49, v2  }
0xf3: {  	v16 =	vld [tilespmem:s7+$0x450];
	v1 =	vadd.f32 v36, v1  }
0xf4: {  	[tilespmem:$0x1FF70] =	vst v0;
	v0 =	vmul.f32 v9, v32;
	v8 =	vadd.f32 v9, v8;
	v9 =	vld [tilespmem:$0x1FFF0]  }
0xf5: {  	v3 =	vadd.f32 v13, v3;
	[tilespmem:$0x1FF90] =	vst v1;
	v1 =	vld [tilespmem:$0x1FE00]  }
0xf6: {  	v10 =	vld [tilespmem:s7+$0x2410]  }
0xf7: {  	v43 =	vmul.f32 v37, v31;
	v6 =	vmul.f32 v15, v6;
	[tilespmem:$0x1FF80] =	vst v3;
	v3 =	vld [tilespmem:$0x1FFD0]  }
0xf8: {  	v41 =	vmul.f32 v54, v42;
	v2 =	vld [tilespmem:s7+$0x810];
	v4 =	vmul.f32 v28, v4  }
0xf9: {  	v27 =	vmovc v31;
	v31 =	vld [tilespmem:$0x1FDE0];
	v0 =	vadd.f32 v0, v9;
	v9 =	vmul.f32 v6, v25;
	v6 =	vadd.f32 v6, v8  }
0xfa: {  	v45 =	vld [tilespmem:$0x1FEA0];
	v17 =	vmul.f32 v34, v32;
	v16 =	vmul.f32 v40, v16;
	v1 =	vadd.f32 v34, v1  }
0xfb: {  	v33 =	vld [tilespmem:$0x1FDF0];
	v0 =	vadd.f32 v9, v0;
	v9 =	vmul.f32 v4, v10;
	v4 =	vadd.f32 v4, v6  }
0xfc: {  	v42 =	vmul.f32 v30, v56;
	v22 =	vmul.f32 v15, v25;
	v36 =	vld [tilespmem:$0x1FE30];
	v3 =	vadd.f32 v17, v3  }
0xfd: {  	v19 =	vld [tilespmem:s7+$0x460];
	v2 =	vmul.f32 v59, v2;
	v1 =	vadd.f32 v15, v1;
	v4 =	vadd.f32 v16, v4  }
0xfe: {  	v56 =	vmul.f32 v40, v60;
	v23 =	vmul.f32 v28, v10;
	v14 =	vld [tilespmem:$0x1FE60];
	v3 =	vadd.f32 v22, v3  }
0xff: {  	v5 =	vld [tilespmem:s7+$0x2420];
	v35 =	vmul.f32 v2, v53;
	v1 =	vadd.f32 v28, v1;
	v2 =	vadd.f32 v2, v4  }
0x100: {  	v12 =	vld [tilespmem:$0x1FE20];
	v52 =	vmul.f32 v16, v60;
	v3 =	vadd.f32 v23, v3;
	v0 =	vadd.f32 v9, v0  }
0x101: {  	v1 =	vadd.f32 v40, v1;
	v4 =	vmul.f32 v41, v36;
	v2 =	vadd.f32 v41, v2;
	v41 =	vld [tilespmem:$0x1FE50]  }
0x102: {  	v62 =	vmov v18;
	v18 =	vld [tilespmem:s7+$0x60];
	v0 =	vadd.f32 v52, v0  }
0x103: {  	v13 =	vld [tilespmem:s7+$0x4420];
	v3 =	vadd.f32 v56, v3;
	v1 =	vadd.f32 v59, v1  }
0x104: {  	v60 =	vld [tilespmem:s7+$0x20];
	v0 =	vadd.f32 v35, v0  }
0x105: {  	v3 =	vadd.f32 v12, v3;
	v12 =	vld [tilespmem:$0x1FE40];
	v1 =	vadd.f32 v54, v1  }
0x106: {  	v17 =	vld [tilespmem:s7+$0x4020];
	v0 =	vadd.f32 v4, v0;
	v4 =	vmul.f32 v63, v41  }
0x107: {  	v8 =	vld [tilespmem:s7+$0x4060];
	v1 =	vadd.f32 v50, v1  }
0x108: {  	v15 =	vld [tilespmem:s7+$0x2060];
	v0 =	vadd.f32 v4, v0;
	v4 =	vmul.f32 v57, v45  }
0x109: {  	v36 =	vadd.f32 v46, v1;
	v1 =	vld [tilespmem:$0x1FEB0]  }
0x10a: {  	v10 =	vld [tilespmem:s7+$0x2020];
	v3 =	vadd.f32 v12, v3;
	v0 =	vadd.f32 v4, v0  }
0x10b: {  	v2 =	vadd.f32 v63, v2;
	v12 =	vld [tilespmem:s7+$0x420]  }
0x10c: {  	v3 =	vadd.f32 v14, v3;
	[tilespmem:$0x1FFF0] =	vst v0;
	v0 =	vld [tilespmem:$0x1FEC0]  }
0x10d: {  	v2 =	vadd.f32 v57, v2;
	v57 =	vld [tilespmem:$0x1FEF0]  }
0x10e: {  	v49 =	vld [tilespmem:s7+$0x2430];
	v7 =	vmul.f32 v17, v60;
	v1 =	vadd.f32 v1, v3  }
0x10f: {  	v32 =	vmov v47;
	v47 =	vmov v48;
	v48 =	vld [tilespmem:$0x1FE70]  }
0x110: {  	v34 =	vld [tilespmem:$0x1FE10];
	v20 =	vmul.f32 v8, v18;
	[tilespmem:$0x1FFD0] =	vst v1;
	v1 =	vmul.f32 v7, v10  }
0x111: {  	[tilespmem:$0x1FFE0] =	vst v2;
	v2 =	vld [tilespmem:$0x1FED0];
	v0 =	vadd.f32 v17, v0  }
0x112: {  	v56 =	vld [tilespmem:$0x1FEE0];
	v59 =	vmul.f32 v20, v15;
	v46 =	vmul.f32 v13, v12;
	v1 =	vadd.f32 v1, v57  }
0x113: {  	v9 =	vmul.f32 v13, v5;
	v52 =	vld [tilespmem:s7+$0x2070];
	v0 =	vadd.f32 v8, v0  }
0x114: {  	v40 =	vmul.f32 v17, v10;
	v50 =	vld [tilespmem:s7+$0x4430];
	v5 =	vmul.f32 v46, v5;
	v1 =	vadd.f32 v59, v1  }
0x115: {  	v3 =	vld [tilespmem:s7+$0x820];
	v0 =	vadd.f32 v13, v0  }
0x116: {  	v16 =	vmul.f32 v8, v15;
	v2 =	vadd.f32 v40, v2;
	v40 =	vadd.f32 v5, v1;
	v1 =	vld [tilespmem:$0x1FF00]  }
0x117: {  	p0 =	sne.s32 s8, $0x1E00;
	v6 =	vadd.f32 v7, v56;
	v41 =	vadd.f32 v51, v0;
	v0 =	vld [tilespmem:$0x1FF10]  }
.Ltmp0:
0x118: {  	v54 =	vld [tilespmem:s7+$0x4070];
	v2 =	vadd.f32 v16, v2;
	(pc) =	sbr.rel @p0 .LBB2_2-.Ltmp0, $4  }
0x119: {  	v6 =	vadd.f32 v20, v6;
	v63 =	vld [tilespmem:$0x1FE80]  }
0x11a: {  	v18 =	vmul.f32 v51, v19;
	v14 =	vld [tilespmem:$0x1FE90];
	v60 =	vadd.f32 v9, v2  }
0x11b: {  	v39 =	vmul.f32 v26, v39;
	v28 =	vmovc v11;
	v53 =	vmul.f32 v50, v49;
	v12 =	vld [tilespmem:s7+$0x2030];
	v45 =	vadd.f32 v46, v6  }
0x11c: {  	s8 =	sadd.s32 $0x200, s8;
	v11 =	vmovc v21;
	v2 =	vmul.f32 v37, v3;
	v17 =	vld [tilespmem:s7+$0x4030];
	v46 =	vmul.f32 v18, v1;
	v21 =	vadd.f32 v0, v60  }
0x11d: {  	v3 =	vld [tilespmem:s7+$0x30]  }
0x11e: {  	v5 =	vld [tilespmem:s7+$0x70]  }
0x11f: {  	v6 =	vld [tilespmem:s7+$0x430]  }
0x120: {  	v8 =	vld [tilespmem:s7+$0x470]  }
0x121: {  	v10 =	vld [tilespmem:s7+$0x830]  }
0x122: {  	v13 =	vld [tilespmem:s7+$0x2C70]  }
0x123: {  	v16 =	vld [tilespmem:s7+$0x870]  }
0x124: {  	v19 =	vld [tilespmem:s7+$0xC30]  }
0x125: {  	v20 =	vld [tilespmem:s7+$0xC70]  }
0x126: {  	v22 =	vld [tilespmem:s7+$0x4C70];
	_ =	swait.ge [sflag:s24], $0x2000  }
0x127: {  	[sflag:s24] =	ssyncset.done $0x0  }
0x128: {  	[sflag:s24] =	ssyncadd.s32 $0xFFFFE000  }
0x129: {  	_ =	swait.ge [sflag:s25], $0x2000  }
0x12a: {  	[sflag:s25] =	ssyncset.done $0x0  }
0x12b: {  	[sflag:s25] =	ssyncadd.s32 $0xFFFFE000  }
0x12c: {  	s8 =	simm.s32 $0x0;
	_ =	swait.ge [sflag:s26], $0x2000  }
0x12d: {  	v15 =	vadd.f32 v37, v41;
	s11 =	sand.u32 $0x1000, s8;
	s9 =	sand.u32 $0x380, s8;
	[sflag:s26] =	ssyncset.done $0x0;
	v41 =	vld [tilespmem:$0x1FF30]  }
0x12e: {  	v9 =	vadd.f32 v46, v40;
	s7 =	sor.u32 s9, s11;
	v46 =	vld [tilespmem:$0x1FF40];
	[sflag:s26] =	ssyncadd.s32 $0xFFFFE000  }
0x12f: {  	v35 =	vld [tilespmem:s7+$0x8C40]  }
0x130: {  	v1 =	vld [tilespmem:s7+$0x8C50]  }
0x131: {  	v60 =	vld [tilespmem:s7+$0x8C60]  }
0x132: {  	v0 =	vld [tilespmem:s7+$0x8C00]  }
0x133: {  	v7 =	vld [tilespmem:s7+$0x8C10]  }
0x134: {  	v25 =	vld [tilespmem:s7+$0x8C20]  }
0x135: {  	v59 =	vld [tilespmem:s7+$0x8C30]  }
0x136: {  	v57 =	vld [tilespmem:s7+$0x6C40]  }
0x137: {  	v51 =	vld [tilespmem:s7+$0xAC40]  }
0x138: {  	v4 =	vadd.f32 v18, v45;
	v56 =	vmul.f32 v2, v27;
	v45 =	vld [tilespmem:s7+$0x6C50]  }
0x139: {  	v21 =	vadd.f32 v43, v21;
	v37 =	vld [tilespmem:s7+$0xAC50]  }
0x13a: {  	v40 =	vmul.f32 v42, v11;
	v2 =	vadd.f32 v2, v4;
	v4 =	vadd.f32 v56, v9;
	v43 =	vld [tilespmem:s7+$0x6C60]  }
0x13b: {  	v9 =	vld [tilespmem:s7+$0xAC60]  }
0x13c: {  	v23 =	vadd.f32 v42, v2;
	v4 =	vadd.f32 v40, v4;
	v2 =	vld [tilespmem:s7+$0x8840];
	v42 =	vmul.f32 v39, v41  }
0x13d: {  	v15 =	vadd.f32 v30, v15;
	v30 =	vld [tilespmem:s7+$0x8850]  }
0x13e: {  	v18 =	vadd.f32 v42, v4;
	v4 =	vld [tilespmem:$0x1FF20]  }
0x13f: {  	v21 =	vadd.f32 v38, v21;
	v11 =	vld [tilespmem:s7+$0x8860]  }
0x140: {  	v24 =	vmul.f32 v47, v62;
	v23 =	vadd.f32 v39, v23;
	v62 =	vld [tilespmem:s7+$0x8870]  }
0x141: {  	v3 =	vmul.f32 v17, v3;
	v27 =	vld [tilespmem:s7+$0x6C00];
	v21 =	vadd.f32 v46, v21  }
0x142: {  	v15 =	vadd.f32 v26, v15;
	v5 =	vmul.f32 v54, v5;
	v40 =	vadd.f32 v47, v23;
	v38 =	vld [tilespmem:s7+$0x6C20]  }
0x143: {  	v26 =	vld [tilespmem:s7+$0xA000];
	v4 =	vadd.f32 v4, v21;
	v21 =	vmul.f32 v17, v12;
	v12 =	vmul.f32 v3, v12  }
0x144: {  	v46 =	vadd.f32 v44, v15;
	v15 =	vld [tilespmem:s7+$0xAC00];
	v3 =	vadd.f32 v3, v33  }
0x145: {  	v23 =	vmul.f32 v50, v6;
	v6 =	vmul.f32 v5, v52;
	v44 =	vld [tilespmem:$0x1FFC0];
	v12 =	vadd.f32 v12, v31  }
0x146: {  	v39 =	vld [tilespmem:$0x1FF80];
	v17 =	vadd.f32 v17, v14;
	v3 =	vadd.f32 v5, v3  }
0x147: {  	v41 =	vld [tilespmem:$0x1FF90];
	v5 =	vmul.f32 v58, v8;
	v8 =	vadd.f32 v6, v12;
	v12 =	vmul.f32 v23, v49  }
0x148: {  	v42 =	vld [tilespmem:s7+$0x6C10];
	v47 =	vadd.f32 v21, v34  }
0x149: {  	v21 =	vmul.f32 v54, v52;
	v17 =	vadd.f32 v54, v17;
	v8 =	vadd.f32 v12, v8;
	v12 =	vld [tilespmem:$0x1FFB0]  }
0x14a: {  	v56 =	vadd.f32 v24, v18;
	v24 =	vld [tilespmem:s7+$0x8000]  }
0x14b: {  	v33 =	vld [tilespmem:s7+$0xAC10];
	v18 =	vadd.f32 v21, v47;
	v17 =	vadd.f32 v50, v17  }
0x14c: {  	v34 =	vld [tilespmem:s7+$0x8810];
	v3 =	vadd.f32 v23, v3  }
0x14d: {  	v52 =	vld [tilespmem:$0x1FF50];
	v18 =	vadd.f32 v53, v18;
	v17 =	vadd.f32 v58, v17  }
0x14e: {  	v23 =	vmul.f32 v32, v10;
	v49 =	vld [tilespmem:$0x1FFA0];
	v3 =	vadd.f32 v5, v3;
	v12 =	vmul.f32 v5, v12  }
0x14f: {  	v19 =	vmul.f32 v48, v19;
	v50 =	vld [tilespmem:s7+$0xA040];
	v18 =	vadd.f32 v44, v18;
	v17 =	vadd.f32 v32, v17  }
0x150: {  	v32 =	vld [tilespmem:$0x1FF70];
	v5 =	vadd.f32 v12, v8;
	v12 =	vmul.f32 v28, v16;
	v16 =	vmul.f32 v23, v63  }
0x151: {  	v20 =	vmul.f32 v22, v20;
	v3 =	vadd.f32 v23, v3;
	v18 =	vadd.f32 v29, v18;
	v23 =	vld [tilespmem:s7+$0x6000]  }
0x152: {  	v14 =	vadd.f32 v28, v17;
	v8 =	vld [tilespmem:s7+$0x8400];
	v5 =	vadd.f32 v16, v5;
	v16 =	vmul.f32 v12, v61  }
0x153: {  	v53 =	vmul.f32 v22, v13;
	v17 =	vadd.f32 v49, v18;
	v28 =	vld [tilespmem:s7+$0x6040];
	v3 =	vadd.f32 v12, v3  }
0x154: {  	v14 =	vadd.f32 v48, v14;
	v63 =	vld [tilespmem:$0x1FF60];
	v12 =	vmul.f32 v19, v55;
	v5 =	vadd.f32 v16, v5  }
0x155: {  	v13 =	vmul.f32 v20, v13;
	v16 =	vadd.f32 v52, v17;
	v17 =	vld [tilespmem:s7+$0x8040];
	v3 =	vadd.f32 v19, v3  }
0x156: {  	v55 =	vadd.f32 v22, v14;
	v14 =	vld [tilespmem:s7+$0x6400];
	v22 =	vmul.f32 v26, v23;
	v5 =	vadd.f32 v12, v5  }
0x157: {  	v61 =	vmul.f32 v26, v24;
	v12 =	vld [tilespmem:s7+$0xA400];
	v31 =	vadd.f32 v20, v3  }
0x158: {  	v3 =	vld [tilespmem:s7+$0xA440];
	v20 =	vmul.f32 v50, v28;
	v5 =	vadd.f32 v13, v5;
	v13 =	vmul.f32 v22, v24  }
0x159: {  	v19 =	vadd.f32 v61, v32;
	v23 =	vadd.f32 v26, v63;
	v24 =	vld [tilespmem:s7+$0x8440]  }
0x15a: {  	v26 =	vmul.f32 v50, v17;
	v17 =	vmul.f32 v20, v17;
	[tilespmem:$0x1FD00] =	vst v5;
	v5 =	vld [tilespmem:s7+$0x6440];
	v13 =	vadd.f32 v13, v41  }
0x15b: {  	v21 =	vld [tilespmem:s7+$0x8800];
	v18 =	vadd.f32 v50, v23;
	v22 =	vadd.f32 v22, v39  }
0x15c: {  	v28 =	vld [tilespmem:s7+$0xA800];
	v19 =	vadd.f32 v26, v19;
	v13 =	vadd.f32 v17, v13;
	v17 =	vmul.f32 v12, v8  }
0x15d: {  	v23 =	vld [tilespmem:s7+$0x6800];
	v20 =	vadd.f32 v20, v22;
	v14 =	vmul.f32 v12, v14  }
0x15e: {  	v18 =	vadd.f32 v12, v18;
	v26 =	vld [tilespmem:s7+$0xA840];
	v49 =	vmul.f32 v3, v24;
	v17 =	vadd.f32 v17, v19  }
0x15f: {  	v22 =	vld [tilespmem:s7+$0x6840];
	v8 =	vmul.f32 v14, v8;
	v14 =	vadd.f32 v14, v20;
	v5 =	vmul.f32 v3, v5  }
0x160: {  	v54 =	vld [tilespmem:s7+$0x8820];
	v3 =	vadd.f32 v3, v18;
	v17 =	vadd.f32 v49, v17  }
0x161: {  	v47 =	vld [tilespmem:s7+$0xAC20];
	v20 =	vmul.f32 v5, v24;
	v5 =	vadd.f32 v5, v14;
	v14 =	vmul.f32 v28, v21  }
0x162: {  	v6 =	vld [tilespmem:s7+$0xAC30];
	v8 =	vadd.f32 v8, v13  }
0x163: {  	v44 =	vld [tilespmem:s7+$0x8830];
	v3 =	vadd.f32 v28, v3;
	v14 =	vadd.f32 v14, v17;
	v17 =	vmul.f32 v26, v2  }
0x164: {  	v29 =	vld [tilespmem:s7+$0x8050];
	v52 =	vmul.f32 v28, v23;
	v8 =	vadd.f32 v20, v8;
	v20 =	vmul.f32 v26, v22  }
0x165: {  	v63 =	vld [tilespmem:s7+$0xA810];
	v3 =	vadd.f32 v26, v3;
	v26 =	vmul.f32 v15, v0;
	v14 =	vadd.f32 v17, v14  }
0x166: {  	v58 =	vadd.f32 v53, v16;
	v53 =	vmul.f32 v15, v27;
	v27 =	vld [tilespmem:s7+$0x6010];
	v50 =	vmul.f32 v51, v35  }
0x167: {  	v23 =	vld [tilespmem:s7+$0xA410];
	v12 =	vmul.f32 v9, v60;
	v21 =	vmul.f32 v52, v21;
	v14 =	vadd.f32 v26, v14  }
0x168: {  	v28 =	vld [tilespmem:s7+$0x8010]  }
0x169: {  	[tilespmem:$0x1FD10] =	vst v12;
	v8 =	vadd.f32 v21, v8;
	v21 =	vld [tilespmem:s7+$0xA010];
	v12 =	vadd.f32 v50, v14  }
0x16a: {  	v13 =	vld [tilespmem:s7+$0x6850]  }
0x16b: {  	v5 =	vadd.f32 v52, v5;
	[tilespmem:$0x1FD30] =	vst v12;
	v12 =	vld [tilespmem:$0x1FFD0]  }
0x16c: {  	v24 =	vld [tilespmem:s7+$0xA850];
	v2 =	vmul.f32 v20, v2  }
0x16d: {  	v22 =	vld [tilespmem:s7+$0xA050];
	v0 =	vmul.f32 v53, v0;
	v5 =	vadd.f32 v20, v5;
	v3 =	vadd.f32 v15, v3  }
0x16e: {  	v20 =	vld [tilespmem:s7+$0x6050];
	v2 =	vadd.f32 v2, v8;
	v8 =	vmul.f32 v51, v57;
	v14 =	vmul.f32 v21, v28  }
0x16f: {  	v26 =	vld [tilespmem:s7+$0x6410];
	v3 =	vadd.f32 v51, v3  }
0x170: {  	[tilespmem:$0x1FCE0] =	vst v55;
	v0 =	vadd.f32 v0, v2;
	v55 =	vmul.f32 v8, v35;
	v14 =	vadd.f32 v14, v12;
	v12 =	vld [tilespmem:$0x1FFE0]  }
0x171: {  	v5 =	vadd.f32 v53, v5;
	v57 =	vld [tilespmem:s7+$0x8450]  }
0x172: {  	[tilespmem:$0x1FD20] =	vst v3;
	v3 =	vld [tilespmem:s7+$0x8410];
	v0 =	vadd.f32 v55, v0  }
0x173: {  	v38 =	vmul.f32 v47, v38;
	v5 =	vadd.f32 v8, v5;
	v8 =	vld [tilespmem:s7+$0xA450];
	v27 =	vmul.f32 v21, v27  }
0x174: {  	v19 =	vmul.f32 v33, v7;
	v15 =	vmul.f32 v37, v1;
	v21 =	vadd.f32 v21, v36;
	[tilespmem:$0x1FD50] =	vst v0;
	v0 =	vld [tilespmem:s7+$0x6450]  }
0x175: {  	[tilespmem:$0x1FCF0] =	vst v58;
	v58 =	vmul.f32 v22, v29;
	v61 =	vmul.f32 v23, v26;
	v26 =	vadd.f32 v27, v12;
	v12 =	vld [tilespmem:$0x1FFF0]  }
0x176: {  	v39 =	vld [tilespmem:s7+$0xA460];
	v13 =	vmul.f32 v24, v13;
	v53 =	vmul.f32 v47, v25;
	v21 =	vadd.f32 v22, v21  }
0x177: {  	v18 =	vld [tilespmem:s7+$0x6810];
	[tilespmem:$0x1FD40] =	vst v5;
	v5 =	vmul.f32 v22, v20;
	v22 =	vmul.f32 v23, v3;
	v14 =	vadd.f32 v58, v14  }
0x178: {  	v49 =	vld [tilespmem:s7+$0x8430];
	v28 =	vmul.f32 v27, v28;
	v3 =	vmul.f32 v61, v3;
	v21 =	vadd.f32 v23, v21  }
0x179: {  	v2 =	vld [tilespmem:s7+$0x6860];
	v0 =	vmul.f32 v8, v0;
	v14 =	vadd.f32 v22, v14;
	v22 =	vmul.f32 v8, v57  }
0x17a: {  	v35 =	vld [tilespmem:s7+$0xA860];
	v27 =	vadd.f32 v28, v12;
	v28 =	vmul.f32 v5, v29;
	v29 =	vadd.f32 v5, v26  }
0x17b: {  	v50 =	vld [tilespmem:s7+$0xA060];
	v8 =	vadd.f32 v8, v21;
	v14 =	vadd.f32 v22, v14;
	v22 =	vmul.f32 v63, v34  }
0x17c: {  	v55 =	vld [tilespmem:s7+$0xA420];
	v32 =	vmul.f32 v0, v57;
	v27 =	vadd.f32 v28, v27;
	v23 =	vadd.f32 v61, v29  }
0x17d: {  	v57 =	vld [tilespmem:s7+$0xA820];
	v21 =	vmul.f32 v63, v18;
	v8 =	vadd.f32 v63, v8;
	v14 =	vadd.f32 v22, v14  }
0x17e: {  	v58 =	vmul.f32 v6, v59;
	v28 =	vmovc v44;
	v44 =	vld [tilespmem:s7+$0xA870];
	v3 =	vadd.f32 v3, v27;
	v0 =	vadd.f32 v0, v23  }
0x17f: {  	v18 =	vld [tilespmem:s7+$0x6060];
	v22 =	vmul.f32 v33, v42;
	v8 =	vadd.f32 v24, v8;
	v23 =	vmul.f32 v21, v34  }
0x180: {  	v63 =	vld [tilespmem:s7+$0xA020];
	v26 =	vmovc v9;
	v3 =	vadd.f32 v32, v3;
	v0 =	vadd.f32 v21, v0;
	v21 =	vmul.f32 v24, v30  }
0x181: {  	v5 =	vld [tilespmem:s7+$0x8470];
	v8 =	vadd.f32 v33, v8;
	v61 =	vmul.f32 v37, v45;
	v29 =	vmul.f32 v26, v43  }
0x182: {  	v24 =	vmul.f32 v13, v30;
	v3 =	vadd.f32 v23, v3;
	v23 =	vld [tilespmem:s7+$0x6020];
	v14 =	vadd.f32 v21, v14  }
0x183: {  	[tilespmem:$0x1FD60] =	vst v58;
	v0 =	vadd.f32 v13, v0;
	v13 =	vld [tilespmem:s7+$0x8020];
	v21 =	vmul.f32 v22, v7;
	v7 =	vmul.f32 v44, v62  }
0x184: {  	v9 =	vld [tilespmem:s7+$0x8060];
	v1 =	vmul.f32 v61, v1;
	v27 =	vmovc v11;
	v3 =	vadd.f32 v24, v3;
	v14 =	vadd.f32 v19, v14  }
0x185: {  	v11 =	vld [tilespmem:s7+$0xA830];
	v34 =	vmul.f32 v35, v27;
	v0 =	vadd.f32 v22, v0;
	[tilespmem:$0x1FD80] =	vst v7;
	v7 =	vadd.f32 v37, v8  }
0x186: {  	v32 =	vld [tilespmem:s7+$0xA470];
	[tilespmem:$0x1FD70] =	vst v44;
	v44 =	vmul.f32 v35, v2;
	v24 =	vmul.f32 v57, v54;
	v3 =	vadd.f32 v21, v3  }
0x187: {  	v19 =	vld [tilespmem:s7+$0x8420];
	v0 =	vadd.f32 v61, v0;
	v58 =	vmul.f32 v63, v23;
	[tilespmem:$0x1FD90] =	vst v7;
	v7 =	vadd.f32 v15, v14  }
0x188: {  	v8 =	vmul.f32 v63, v13;
	v14 =	vld [tilespmem:s7+$0x6420];
	v15 =	vmul.f32 v50, v18;
	v41 =	vadd.f32 v1, v3  }
0x189: {  	v51 =	vld [tilespmem:s7+$0x8460];
	[tilespmem:$0x1FDB0] =	vst v0;
	v1 =	vadd.f32 v63, v46;
	v3 =	vmul.f32 v50, v9;
	v0 =	vmul.f32 v58, v13  }
0x18a: {  	v8 =	vadd.f32 v8, v4;
	v13 =	vld [tilespmem:s7+$0x6460];
	v61 =	vadd.f32 v58, v40;
	v4 =	vmul.f32 v11, v28  }
0x18b: {  	v33 =	vmovc v5;
	v5 =	vmul.f32 v32, v5;
	v1 =	vadd.f32 v50, v1;
	v50 =	vld [tilespmem:s7+$0xA430];
	v0 =	vadd.f32 v0, v56  }
0x18c: {  	v63 =	vld [tilespmem:s7+$0x6820];
	[tilespmem:$0x1FDC0] =	vst v4;
	v4 =	vmul.f32 v15, v9;
	v3 =	vadd.f32 v3, v8;
	v8 =	vmul.f32 v55, v19  }
0x18d: {  	v15 =	vadd.f32 v15, v61;
	v14 =	vmul.f32 v55, v14;
	v1 =	vadd.f32 v55, v1  }
0x18e: {  	v48 =	vld [tilespmem:s7+$0x8070];
	v30 =	vmovc v11;
	v0 =	vadd.f32 v4, v0;
	v4 =	vmul.f32 v39, v51;
	v3 =	vadd.f32 v8, v3  }
0x18f: {  	v23 =	vmovc v54;
	v54 =	vld [tilespmem:s7+$0xA070];
	v2 =	vmul.f32 v14, v19;
	v13 =	vmul.f32 v39, v13;
	v45 =	vadd.f32 v14, v15  }
0x190: {  	[tilespmem:$0x1FDD0] =	vst v5;
	v14 =	vld [tilespmem:s7+$0x8030];
	v15 =	vadd.f32 v39, v1;
	v40 =	vadd.f32 v4, v3;
	v55 =	vmul.f32 v50, v49  }
0x191: {  	s9 =	simm.s32 $0x200;
	[tilespmem:$0x1FDA0] =	vst v7;
	v39 =	vld [tilespmem:s7+$0xA030];
	v46 =	vadd.f32 v2, v0;
	v2 =	vmul.f32 v57, v63;
	v58 =	vmul.f32 v13, v51  }
.LBB2_4:
0x192: {  	_ = 	snop  }
0x193: {  	v1 =	vadd.f32 v13, v45;
	v13 =	vadd.f32 v57, v15;
	_ =	sdelay $0x1  }
0x194: {  	v5 =	vadd.f32 v35, v13  }
0x195: {  	v3 =	vadd.f32 v58, v46;
	v8 =	vmul.f32 v2, v23;
	v15 =	vadd.f32 v24, v40  }
0x196: {  	v1 =	vadd.f32 v2, v1;
	v5 =	vadd.f32 v47, v5  }
0x197: {  	v2 =	vadd.f32 v8, v3;
	v8 =	vadd.f32 v34, v15  }
0x198: {  	v15 =	vadd.f32 v44, v1;
	v1 =	vadd.f32 v26, v5;
	_ =	sdelay $0x1  }
0x199: {  	[tilespmem:$0x1FC70] =	vst v1;
	v1 =	vld [tilespmem:$0x1FD10];
	_ =	sdelay $0x1  }
0x19a: {  	v3 =	vmul.f32 v44, v27  }
0x19b: {  	v7 =	vadd.f32 v53, v8  }
0x19c: {  	v2 =	vadd.f32 v3, v2  }
0x19d: {  	v3 =	vmul.f32 v38, v25;
	v15 =	vadd.f32 v38, v15;
	v1 =	vadd.f32 v1, v7;
	_ =	sdelay $0x1  }
0x19e: {  	v52 =	vmul.f32 v29, v60;
	v2 =	vadd.f32 v3, v2;
	[tilespmem:$0x1FC80] =	vst v1;
	v1 =	vadd.f32 v29, v15;
	_ =	sdelay $0x1  }
0x19f: {  	[tilespmem:$0x1FC90] =	vst v1;
	v1 =	vadd.f32 v52, v2;
	_ =	sdelay $0x1  }
0x1a0: {  	[tilespmem:$0x1FCA0] =	vst v1;
	v1 =	vld [tilespmem:$0x1FCE0];
	_ =	sdelay $0x1  }
0x1a1: {  	v0 =	vld [tilespmem:s7+$0x6030]  }
0x1a2: {  	s8 =	sadd.s32 $0x80, s8;
	v36 =	vld [tilespmem:s7+$0x6070]  }
0x1a3: {  	s10 =	sand.u32 $0x1000, s9;
	v16 =	vld [tilespmem:s7+$0x6C30];
	s11 =	sand.u32 $0x380, s8  }
0x1a4: {  	s10 =	sor.u32 s11, s10;
	v2 =	vadd.f32 v39, v1;
	v1 =	vld [tilespmem:$0x1FCF0]  }
0x1a5: {  	v20 =	vld [tilespmem:s10+$0x8C40]  }
0x1a6: {  	v13 =	vld [tilespmem:s7+$0x6430]  }
0x1a7: {  	v19 =	vld [tilespmem:s10+$0x8C50];
	v11 =	vmul.f32 v39, v14  }
0x1a8: {  	v21 =	vld [tilespmem:s10+$0x8C60]  }
0x1a9: {  	v9 =	vadd.f32 v11, v1;
	v1 =	vld [tilespmem:$0x1FD00]  }
0x1aa: {  	v22 =	vld [tilespmem:s10+$0x8C00];
	v0 =	vmul.f32 v39, v0  }
0x1ab: {  	v25 =	vld [tilespmem:s7+$0x6470]  }
0x1ac: {  	v36 =	vmul.f32 v54, v36;
	v5 =	vmul.f32 v0, v14;
	v0 =	vadd.f32 v0, v31;
	v31 =	vld [tilespmem:s7+$0x6C70]  }
0x1ad: {  	v10 =	vmul.f32 v54, v48;
	v3 =	vld [tilespmem:$0x1FDC0]  }
0x1ae: {  	v14 =	vmul.f32 v36, v48;
	v53 =	vmul.f32 v50, v13;
	v7 =	vld [tilespmem:s7+$0x6830];
	v5 =	vadd.f32 v5, v1  }
0x1af: {  	v1 =	vld [tilespmem:$0x1FDD0]  }
0x1b0: {  	v13 =	vld [tilespmem:s7+$0x8C70];
	v9 =	vadd.f32 v10, v9;
	v5 =	vadd.f32 v14, v5;
	v14 =	vmul.f32 v53, v49  }
0x1b1: {  	v15 =	vld [tilespmem:s7+$0x6870];
	v2 =	vadd.f32 v54, v2  }
0x1b2: {  	v9 =	vadd.f32 v55, v9;
	v5 =	vadd.f32 v14, v5;
	v14 =	vld [tilespmem:s7+$0xAC70];
	s7 =	smov.u32 s10  }
0x1b3: {  	v54 =	vmul.f32 v32, v25;
	v25 =	vmul.f32 v30, v7;
	v7 =	vld [tilespmem:s7+$0x8C10]  }
0x1b4: {  	v2 =	vadd.f32 v50, v2;
	v9 =	vadd.f32 v1, v9;
	v1 =	vld [tilespmem:$0x1FD70]  }
0x1b5: {  	v63 =	vld [tilespmem:s7+$0x8C30]  }
0x1b6: {  	v2 =	vadd.f32 v32, v2;
	v32 =	vld [tilespmem:s7+$0x6C40]  }
0x1b7: {  	v52 =	vld [tilespmem:s7+$0xAC40]  }
0x1b8: {  	v2 =	vadd.f32 v30, v2;
	v30 =	vld [tilespmem:s7+$0x6C50]  }
0x1b9: {  	v49 =	vld [tilespmem:s7+$0xAC50]  }
0x1ba: {  	[tilespmem:$0x1FBD0] =	vst v41;
	v41 =	vld [tilespmem:s7+$0xAC60]  }
0x1bb: {  	v10 =	vld [tilespmem:s7+$0x8850]  }
0x1bc: {  	v8 =	vld [tilespmem:s7+$0x8870]  }
0x1bd: {  	v37 =	vld [tilespmem:s7+$0x6C10]  }
0x1be: {  	v0 =	vadd.f32 v36, v0;
	v50 =	vld [tilespmem:s7+$0xAC10]  }
0x1bf: {  	v38 =	vld [tilespmem:s7+$0x6C20]  }
0x1c0: {  	v0 =	vadd.f32 v53, v0;
	v26 =	vld [tilespmem:s7+$0x8810]  }
0x1c1: {  	v60 =	vmul.f32 v54, v33;
	v61 =	vmul.f32 v25, v28;
	v28 =	vld [tilespmem:s7+$0x8830]  }
0x1c2: {  	v0 =	vadd.f32 v54, v0;
	v40 =	vld [tilespmem:s7+$0x6840]  }
0x1c3: {  	v5 =	vadd.f32 v60, v5;
	v15 =	vmul.f32 v1, v15;
	v2 =	vadd.f32 v1, v2;
	v1 =	vld [tilespmem:$0x1FD80]  }
0x1c4: {  	v0 =	vadd.f32 v25, v0;
	v39 =	vld [tilespmem:s7+$0xA840]  }
0x1c5: {  	v44 =	vld [tilespmem:s7+$0x6850];
	v5 =	vadd.f32 v61, v5;
	v4 =	vmul.f32 v15, v62  }
0x1c6: {  	v12 =	vmul.f32 v6, v16;
	v54 =	vld [tilespmem:s7+$0xA850];
	v9 =	vadd.f32 v3, v9;
	v0 =	vadd.f32 v15, v0  }
0x1c7: {  	v56 =	vld [tilespmem:s7+$0x6860];
	v18 =	vmul.f32 v14, v31;
	v4 =	vadd.f32 v4, v5  }
0x1c8: {  	v5 =	vmul.f32 v12, v59;
	v0 =	vadd.f32 v12, v0;
	v3 =	vadd.f32 v1, v9;
	v1 =	vld [tilespmem:$0x1FD60]  }
0x1c9: {  	v36 =	vld [tilespmem:s7+$0xA860]  }
0x1ca: {  	v16 =	vld [tilespmem:s7+$0x8440];
	v4 =	vadd.f32 v5, v4;
	v5 =	vmul.f32 v18, v13;
	v0 =	vadd.f32 v18, v0  }
0x1cb: {  	v25 =	vld [tilespmem:s7+$0x8460];
	v2 =	vadd.f32 v6, v2  }
0x1cc: {  	v51 =	vld [tilespmem:s7+$0xA460];
	[tilespmem:$0x1FBC0] =	vst v0;
	v0 =	vadd.f32 v5, v4  }
0x1cd: {  	v15 =	vmul.f32 v14, v13;
	v62 =	vld [tilespmem:s7+$0xAC00];
	v2 =	vadd.f32 v14, v2;
	v6 =	vadd.f32 v1, v3  }
0x1ce: {  	[tilespmem:$0x1FD00] =	vst v0;
	v0 =	vld [tilespmem:s7+$0xAC30]  }
0x1cf: {  	[tilespmem:$0x1FCE0] =	vst v2;
	v4 =	vld [tilespmem:s7+$0xA870];
	v2 =	vadd.f32 v15, v6  }
0x1d0: {  	[tilespmem:$0x1FBE0] =	vst v21;
	v59 =	vld [tilespmem:s7+$0xA810];
	v3 =	vmul.f32 v49, v19  }
0x1d1: {  	v6 =	vmul.f32 v41, v21;
	[tilespmem:$0x1FCF0] =	vst v2;
	v2 =	vld [tilespmem:s7+$0x6C00]  }
0x1d2: {  	v45 =	vld [tilespmem:s7+$0x8470];
	v35 =	vmov v63;
	[tilespmem:$0x1FC60] =	vst v3  }
0x1d3: {  	v17 =	vld [tilespmem:s7+$0xA800];
	[tilespmem:$0x1FD10] =	vst v6;
	v6 =	vmul.f32 v0, v35  }
0x1d4: {  	v27 =	vld [tilespmem:s7+$0x6000];
	v3 =	vmul.f32 v50, v7;
	v21 =	vmul.f32 v52, v32;
	[tilespmem:$0x1FD70] =	vst v4  }
0x1d5: {  	v12 =	vld [tilespmem:s7+$0xA000];
	v4 =	vmul.f32 v4, v8;
	[tilespmem:$0x1FD60] =	vst v6;
	v6 =	vmul.f32 v59, v26  }
0x1d6: {  	[tilespmem:$0x1FC30] =	vst v7;
	v32 =	vld [tilespmem:s7+$0xA470];
	v7 =	vmul.f32 v62, v2;
	v2 =	vmov v26;
	v26 =	vmul.f32 v51, v25  }
0x1d7: {  	[tilespmem:$0x1FD80] =	vst v4;
	v4 =	vld [tilespmem:s7+$0x8000]  }
0x1d8: {  	[tilespmem:$0x1FCC0] =	vst v26;
	v26 =	vld [tilespmem:$0x1FD20]  }
0x1d9: {  	v24 =	vld [tilespmem:s7+$0xA400]  }
0x1da: {  	v29 =	vld [tilespmem:s7+$0x6440]  }
0x1db: {  	v61 =	vld [tilespmem:s7+$0x8840];
	[tilespmem:$0x1FCB0] =	vst v25;
	v25 =	vmul.f32 v32, v45  }
0x1dc: {  	v31 =	vld [tilespmem:s7+$0x6040];
	v46 =	vmul.f32 v49, v30;
	v30 =	vmul.f32 v39, v40  }
0x1dd: {  	v27 =	vmul.f32 v12, v27;
	[tilespmem:$0x1FDD0] =	vst v25;
	v25 =	vmul.f32 v12, v4;
	v12 =	vadd.f32 v12, v26;
	v26 =	vld [tilespmem:$0x1FD30]  }
0x1de: {  	v40 =	vmul.f32 v54, v44;
	v44 =	vmul.f32 v36, v56;
	v56 =	vld [tilespmem:s7+$0x6400]  }
0x1df: {  	v5 =	vld [tilespmem:s7+$0xA830]  }
0x1e0: {  	v48 =	vmovc v20;
	v55 =	vmul.f32 v52, v20;
	v20 =	vmul.f32 v62, v22;
	v15 =	vmov v22;
	v22 =	vld [tilespmem:s7+$0x8040]  }
0x1e1: {  	[tilespmem:$0x1FC00] =	vst v6;
	v6 =	vld [tilespmem:s7+$0xA040]  }
0x1e2: {  	v25 =	vadd.f32 v25, v26;
	v26 =	vld [tilespmem:$0x1FD40]  }
0x1e3: {  	v14 =	vld [tilespmem:s7+$0x8800]  }
0x1e4: {  	v63 =	vmul.f32 v50, v37;
	v18 =	vld [tilespmem:s7+$0x8400];
	v43 =	vmul.f32 v5, v28  }
0x1e5: {  	[tilespmem:$0x1FC50] =	vst v19;
	v42 =	vmul.f32 v39, v61;
	v9 =	vmul.f32 v24, v56;
	v19 =	vld [tilespmem:s7+$0xA440]  }
0x1e6: {  	v47 =	vld [tilespmem:s7+$0xAC20];
	[tilespmem:$0x1FDC0] =	vst v43;
	v4 =	vmul.f32 v27, v4;
	v43 =	vmul.f32 v6, v22  }
0x1e7: {  	v31 =	vmul.f32 v6, v31;
	v6 =	vadd.f32 v6, v12;
	v27 =	vadd.f32 v27, v26;
	v26 =	vld [tilespmem:$0x1FD50]  }
0x1e8: {  	v23 =	vld [tilespmem:s7+$0x8820];
	v11 =	vmul.f32 v17, v14;
	[tilespmem:$0x1FCD0] =	vst v0;
	v0 =	vmul.f32 v54, v10  }
0x1e9: {  	v57 =	vld [tilespmem:s7+$0xA820];
	[tilespmem:$0x1FBF0] =	vst v35;
	v35 =	vmul.f32 v24, v18;
	v6 =	vadd.f32 v24, v6;
	v12 =	vadd.f32 v43, v25  }
0x1ea: {  	[tilespmem:$0x1FC10] =	vst v10;
	v37 =	vld [tilespmem:s7+$0x6800];
	v10 =	vmul.f32 v19, v16;
	v29 =	vmul.f32 v19, v29  }
0x1eb: {  	v18 =	vmul.f32 v9, v18;
	v6 =	vadd.f32 v19, v6;
	v12 =	vadd.f32 v35, v12  }
0x1ec: {  	v22 =	vmul.f32 v31, v22;
	v43 =	vadd.f32 v31, v27;
	v4 =	vadd.f32 v4, v26  }
0x1ed: {  	[tilespmem:$0x1FC20] =	vst v0;
	v0 =	vmul.f32 v47, v38;
	v6 =	vadd.f32 v17, v6;
	v10 =	vadd.f32 v10, v12  }
0x1ee: {  	v38 =	vmul.f32 v57, v23;
	v9 =	vadd.f32 v9, v43;
	v4 =	vadd.f32 v22, v4  }
0x1ef: {  	v24 =	vmul.f32 v17, v37;
	v6 =	vadd.f32 v39, v6;
	v10 =	vadd.f32 v11, v10  }
0x1f0: {  	v16 =	vmul.f32 v29, v16;
	v9 =	vadd.f32 v29, v9;
	v4 =	vadd.f32 v18, v4  }
0x1f1: {  	v6 =	vadd.f32 v62, v6;
	v10 =	vadd.f32 v42, v10  }
0x1f2: {  	v14 =	vmul.f32 v24, v14;
	v9 =	vadd.f32 v24, v9;
	v4 =	vadd.f32 v16, v4  }
0x1f3: {  	v10 =	vadd.f32 v20, v10;
	v24 =	vmovc v38;
	v38 =	vmov v0;
	v0 =	vadd.f32 v52, v6  }
0x1f4: {  	v9 =	vadd.f32 v30, v9;
	v4 =	vadd.f32 v14, v4;
	v14 =	vmul.f32 v30, v61  }
0x1f5: {  	[tilespmem:$0x1FD20] =	vst v0;
	v0 =	vadd.f32 v55, v10  }
0x1f6: {  	v4 =	vadd.f32 v14, v4;
	v14 =	vmul.f32 v7, v15;
	v7 =	vadd.f32 v7, v9;
	_ =	sdelay $0x1  }
0x1f7: {  	v48 =	vmul.f32 v21, v48;
	[tilespmem:$0x1FD30] =	vst v0;
	v4 =	vadd.f32 v14, v4;
	v0 =	vadd.f32 v21, v7;
	_ =	sdelay $0x1  }
0x1f8: {  	[tilespmem:$0x1FD40] =	vst v0;
	v0 =	vadd.f32 v48, v4  }
0x1f9: {  	v35 =	vld [tilespmem:s7+$0xA010]  }
0x1fa: {  	[tilespmem:$0x1FD50] =	vst v0;
	v0 =	vld [tilespmem:$0x1FD90];
	_ =	sdelay $0x2  }
0x1fb: {  	v31 =	vld [tilespmem:s7+$0x8010];
	_ =	sdelay $0x1  }
0x1fc: {  	v4 =	vadd.f32 v35, v0;
	v0 =	vld [tilespmem:$0x1FDA0];
	_ =	sdelay $0x1  }
0x1fd: {  	v33 =	vld [tilespmem:s7+$0x6C60]  }
0x1fe: {  	v12 =	vld [tilespmem:s7+$0x6010];
	v17 =	vmul.f32 v35, v31  }
0x1ff: {  	v60 =	vld [tilespmem:s7+$0x8450]  }
0x200: {  	v7 =	vadd.f32 v17, v0;
	v0 =	vld [tilespmem:$0x1FDB0]  }
0x201: {  	v25 =	vld [tilespmem:s7+$0x8050]  }
0x202: {  	v22 =	vld [tilespmem:s7+$0xA050]  }
0x203: {  	v56 =	vld [tilespmem:s7+$0x8410];
	v12 =	vmul.f32 v35, v12  }
0x204: {  	v26 =	vld [tilespmem:s7+$0xA410]  }
0x205: {  	v6 =	vmul.f32 v12, v31;
	v12 =	vadd.f32 v12, v0;
	v0 =	vld [tilespmem:$0x1FBD0]  }
0x206: {  	v13 =	vld [tilespmem:s7+$0xA450]  }
0x207: {  	v16 =	vmul.f32 v22, v25  }
0x208: {  	v55 =	vld [tilespmem:s7+$0x6810]  }
0x209: {  	v18 =	vmul.f32 v26, v56;
	v7 =	vadd.f32 v16, v7  }
0x20a: {  	v6 =	vadd.f32 v6, v0;
	v0 =	vld [tilespmem:$0x1FC00]  }
0x20b: {  	v58 =	vld [tilespmem:s7+$0x8C20];
	v53 =	vmul.f32 v41, v33;
	v33 =	vmul.f32 v13, v60;
	v7 =	vadd.f32 v18, v7  }
0x20c: {  	v1 =	vld [tilespmem:s7+$0x8860]  }
0x20d: {  	v11 =	vld [tilespmem:s7+$0x6050];
	v10 =	vmul.f32 v59, v55;
	v7 =	vadd.f32 v33, v7  }
0x20e: {  	v43 =	vld [tilespmem:s7+$0x6410]  }
0x20f: {  	v48 =	vmul.f32 v10, v2;
	v2 =	vadd.f32 v0, v7;
	v0 =	vld [tilespmem:$0x1FC10]  }
0x210: {  	v20 =	vld [tilespmem:s7+$0x6450];
	_ =	sdelay $0x1  }
0x211: {  	v11 =	vmul.f32 v22, v11  }
0x212: {  	[tilespmem:$0x1FC40] =	vst v3;
	v3 =	vmul.f32 v47, v58;
	v61 =	vmul.f32 v26, v43  }
0x213: {  	v15 =	vmul.f32 v11, v25;
	v4 =	vadd.f32 v22, v4;
	v55 =	vmul.f32 v40, v0;
	v0 =	vld [tilespmem:$0x1FC20]  }
0x214: {  	v34 =	vmul.f32 v36, v1;
	v29 =	vmovc v53;
	v35 =	vmov v36;
	v36 =	vmul.f32 v13, v20  }
0x215: {  	v53 =	vmovc v3;
	v3 =	vld [tilespmem:$0x1FC40];
	v4 =	vadd.f32 v26, v4;
	v6 =	vadd.f32 v15, v6;
	v15 =	vmul.f32 v61, v56;
	_ =	sdelay $0x1  }
0x216: {  	v43 =	vmul.f32 v36, v60;
	v4 =	vadd.f32 v13, v4;
	v6 =	vadd.f32 v15, v6  }
0x217: {  	v27 =	vmov v1;
	v1 =	vld [tilespmem:$0x1FC30];
	v0 =	vadd.f32 v0, v2  }
0x218: {  	v4 =	vadd.f32 v59, v4;
	v6 =	vadd.f32 v43, v6  }
0x219: {  	v11 =	vadd.f32 v11, v12;
	v0 =	vadd.f32 v3, v0;
	v3 =	vld [tilespmem:$0x1FC50]  }
0x21a: {  	v4 =	vadd.f32 v54, v4;
	v6 =	vadd.f32 v48, v6  }
0x21b: {  	v9 =	vadd.f32 v61, v11  }
0x21c: {  	v1 =	vmul.f32 v63, v1;
	v4 =	vadd.f32 v50, v4;
	v6 =	vadd.f32 v55, v6  }
0x21d: {  	v9 =	vadd.f32 v36, v9  }
0x21e: {  	v1 =	vadd.f32 v1, v6;
	v6 =	vmul.f32 v46, v3;
	v3 =	vadd.f32 v49, v4  }
0x21f: {  	v9 =	vadd.f32 v10, v9  }
0x220: {  	[tilespmem:$0x1FD90] =	vst v3;
	v3 =	vld [tilespmem:$0x1FC60]  }
0x221: {  	v9 =	vadd.f32 v40, v9;
	_ =	sdelay $0x1  }
0x222: {  	v37 =	vld [tilespmem:s7+$0xA020];
	v9 =	vadd.f32 v63, v9  }
0x223: {  	v20 =	vld [tilespmem:s7+$0x8020]  }
0x224: {  	v17 =	vld [tilespmem:s7+$0xA420];
	v0 =	vadd.f32 v3, v0;
	v3 =	vadd.f32 v46, v9  }
0x225: {  	v13 =	vld [tilespmem:s7+$0x6020]  }
0x226: {  	[tilespmem:$0x1FDB0] =	vst v3;
	v3 =	vld [tilespmem:$0x1FC80]  }
0x227: {  	v16 =	vld [tilespmem:s7+$0x8060]  }
0x228: {  	v12 =	vld [tilespmem:s7+$0xA060]  }
0x229: {  	v56 =	vmul.f32 v37, v20;
	v7 =	vld [tilespmem:s7+$0x6060]  }
0x22a: {  	v2 =	vld [tilespmem:s7+$0x6420]  }
0x22b: {  	v26 =	vmov v41;
	v41 =	vadd.f32 v6, v1;
	v6 =	vadd.f32 v56, v3;
	v3 =	vld [tilespmem:$0x1FCA0]  }
0x22c: {  	v25 =	vmov v58;
	v58 =	vmul.f32 v37, v13  }
0x22d: {  	v14 =	vld [tilespmem:s7+$0x8420]  }
0x22e: {  	v7 =	vmul.f32 v12, v7;
	[tilespmem:$0x1FDA0] =	vst v0;
	v0 =	vmul.f32 v58, v20  }
0x22f: {  	v39 =	vld [tilespmem:s7+$0xA030]  }
0x230: {  	v62 =	vmovc v8;
	v31 =	vld [tilespmem:$0x1FBC0];
	v61 =	vmul.f32 v7, v16;
	v8 =	vmul.f32 v17, v2;
	v0 =	vadd.f32 v0, v3  }
0x231: {  	v13 =	vld [tilespmem:s7+$0x6460]  }
0x232: {  	v2 =	vld [tilespmem:$0x1FC90];
	v63 =	vmul.f32 v8, v14;
	v0 =	vadd.f32 v61, v0  }
0x233: {  	v1 =	vld [tilespmem:$0x1FC70]  }
0x234: {  	v46 =	vadd.f32 v63, v0;
	v0 =	vld [tilespmem:$0x1FCB0]  }
0x235: {  	v60 =	vld [tilespmem:$0x1FBE0]  }
0x236: {  	v50 =	vld [tilespmem:s7+$0xA430]  }
0x237: {  	v13 =	vmul.f32 v51, v13;
	v4 =	vld [tilespmem:s7+$0x6820]  }
0x238: {  	v52 =	vmul.f32 v12, v16;
	v49 =	vld [tilespmem:s7+$0x8430];
	v1 =	vadd.f32 v37, v1  }
0x239: {  	p0 =	sne.s32 s9, $0x1E00;
	v2 =	vadd.f32 v58, v2;
	v58 =	vmul.f32 v13, v0;
	v0 =	vld [tilespmem:$0x1FCC0]  }
.Ltmp1:
0x23a: {  	v59 =	vld [tilespmem:$0x1FBF0];
	v15 =	vmul.f32 v17, v14;
	v1 =	vadd.f32 v12, v1;
	v6 =	vadd.f32 v52, v6;
	(pc) =	sbr.rel @p0 .LBB2_4-.Ltmp1, $4  }
0x23b: {  	v54 =	vld [tilespmem:s7+$0xA070];
	v7 =	vadd.f32 v7, v2  }
0x23c: {  	v48 =	vld [tilespmem:s7+$0x8070];
	v1 =	vadd.f32 v17, v1;
	v6 =	vadd.f32 v15, v6  }
0x23d: {  	v33 =	vmov v45;
	v14 =	vld [tilespmem:s7+$0x8030];
	v2 =	vmul.f32 v57, v4;
	v45 =	vadd.f32 v8, v7  }
0x23e: {  	s9 =	sadd.s32 $0x200, s9;
	v30 =	vmovc v5;
	v55 =	vmul.f32 v50, v49;
	v15 =	vadd.f32 v51, v1;
	v40 =	vadd.f32 v0, v6;
	v6 =	vld [tilespmem:$0x1FCD0]  }
0x23f: {  	v7 =	vld [tilespmem:s7+$0x6030]  }
0x240: {  	v9 =	vld [tilespmem:s7+$0x6070]  }
0x241: {  	v12 =	vld [tilespmem:s7+$0x6430]  }
0x242: {  	v16 =	vld [tilespmem:s7+$0x6470]  }
0x243: {  	v17 =	vld [tilespmem:s7+$0x6830]  }
0x244: {  	v18 =	vld [tilespmem:s7+$0x8C70]  }
0x245: {  	v19 =	vld [tilespmem:s7+$0x6870]  }
0x246: {  	v20 =	vld [tilespmem:s7+$0x6C30]  }
0x247: {  	v21 =	vld [tilespmem:s7+$0x6C70]  }
0x248: {  	v22 =	vld [tilespmem:s7+$0xAC70];
	_ =	swait.ge [sflag:s28], $0x2000;
	v10 =	vadd.f32 v13, v45  }
0x249: {  	v11 =	vadd.f32 v58, v46;
	[sflag:s28] =	ssyncset.done $0x0;
	v13 =	vadd.f32 v57, v15;
	v15 =	vmul.f32 v2, v23  }
0x24a: {  	[sflag:s28] =	ssyncadd.s32 $0xFFFFE000  }
0x24b: {  	_ =	swait.ge [sflag:s29], $0x2000;
	v11 =	vadd.f32 v15, v11;
	v5 =	vadd.f32 v35, v13;
	v15 =	vmul.f32 v44, v27  }
0x24c: {  	v23 =	vadd.f32 v24, v40;
	[sflag:s29] =	ssyncset.done $0x0  }
0x24d: {  	[sflag:s29] =	ssyncadd.s32 $0xFFFFE000;
	v15 =	vadd.f32 v15, v11;
	v24 =	vadd.f32 v47, v5;
	v5 =	vmul.f32 v38, v25  }
0x24e: {  	_ =	swait.ge [sflag:s30], $0x2000  }
0x24f: {  	v15 =	vadd.f32 v5, v15;
	v5 =	vld [tilespmem:$0x1FD10]  }
0x250: {  	v23 =	vadd.f32 v34, v23;
	_ =	sdelay $0x1  }
0x251: {  	v2 =	vadd.f32 v2, v10;
	v23 =	vadd.f32 v53, v23;
	_ =	sdelay $0x1  }
0x252: {  	v2 =	vadd.f32 v44, v2;
	v44 =	vadd.f32 v5, v23;
	v5 =	vld [tilespmem:$0x1FCE0];
	_ =	sdelay $0x1  }
0x253: {  	v2 =	vadd.f32 v38, v2  }
0x254: {  	v25 =	vmul.f32 v29, v60  }
0x255: {  	v45 =	vadd.f32 v29, v2  }
0x256: {  	v2 =	vadd.f32 v25, v15;
	v25 =	vadd.f32 v39, v5;
	v5 =	vld [tilespmem:$0x1FCF0];
	_ =	sdelay $0x2  }
0x257: {  	v23 =	vmul.f32 v39, v14;
	_ =	sdelay $0x1  }
0x258: {  	v23 =	vadd.f32 v23, v5;
	v5 =	vld [tilespmem:$0x1FD00]  }
0x259: {  	v7 =	vmul.f32 v39, v7;
	_ =	sdelay $0x1  }
0x25a: {  	v9 =	vmul.f32 v54, v9;
	v15 =	vmul.f32 v7, v14;
	_ =	sdelay $0x1  }
0x25b: {  	v27 =	vmul.f32 v9, v48;
	v29 =	vadd.f32 v54, v25;
	v15 =	vadd.f32 v15, v5  }
0x25c: {  	v12 =	vmul.f32 v50, v12;
	v46 =	vadd.f32 v26, v24;
	v7 =	vadd.f32 v7, v31  }
0x25d: {  	v26 =	vmul.f32 v54, v48;
	v15 =	vadd.f32 v27, v15;
	v27 =	vadd.f32 v50, v29  }
0x25e: {  	v9 =	vadd.f32 v9, v7;
	v50 =	vld [tilespmem:$0x1FD70]  }
0x25f: {  	v23 =	vadd.f32 v26, v23;
	v26 =	vmul.f32 v12, v49;
	v49 =	vld [tilespmem:$0x1FDD0];
	v27 =	vadd.f32 v32, v27  }
0x260: {  	v16 =	vmul.f32 v32, v16  }
0x261: {  	s8 =	simm.s32 $0x0;
	v17 =	vmul.f32 v30, v17;
	v12 =	vadd.f32 v12, v9;
	v27 =	vadd.f32 v30, v27;
	v30 =	vld [tilespmem:$0x1FDC0]  }
0x262: {  	s11 =	sand.u32 $0x1000, s8;
	s9 =	sand.u32 $0x380, s8;
	[sflag:s30] =	ssyncset.done $0x0;
	v23 =	vadd.f32 v55, v23  }
0x263: {  	s7 =	sor.u32 s9, s11;
	v20 =	vmul.f32 v6, v20;
	v53 =	vld [tilespmem:$0x1FD80];
	[sflag:s30] =	ssyncadd.s32 $0xFFFFE000;
	v12 =	vadd.f32 v16, v12;
	v27 =	vadd.f32 v50, v27  }
0x264: {  	v52 =	vld [tilespmem:s7+$0xEC40];
	v23 =	vadd.f32 v49, v23;
	v15 =	vadd.f32 v26, v15;
	v26 =	vmul.f32 v16, v33  }
0x265: {  	v12 =	vadd.f32 v17, v12;
	v19 =	vmul.f32 v50, v19;
	v27 =	vadd.f32 v6, v27;
	v6 =	vld [tilespmem:$0x1FD60]  }
0x266: {  	v0 =	vld [tilespmem:s7+$0xEC50];
	v15 =	vadd.f32 v26, v15;
	v26 =	vmul.f32 v17, v28;
	v23 =	vadd.f32 v30, v23  }
0x267: {  	v61 =	vld [tilespmem:s7+$0xEC60];
	v12 =	vadd.f32 v19, v12  }
0x268: {  	v1 =	vld [tilespmem:s7+$0xEC00];
	v15 =	vadd.f32 v26, v15;
	v23 =	vadd.f32 v53, v23  }
0x269: {  	v4 =	vld [tilespmem:s7+$0xEC10];
	v26 =	vmul.f32 v19, v62;
	v19 =	vmul.f32 v20, v59;
	v12 =	vadd.f32 v20, v12  }
0x26a: {  	v8 =	vld [tilespmem:s7+$0xEC20];
	v20 =	vmul.f32 v22, v18;
	v23 =	vadd.f32 v6, v23;
	v6 =	vadd.f32 v22, v27  }
0x26b: {  	v43 =	vld [tilespmem:s7+$0xEC30]  }
0x26c: {  	v21 =	vmul.f32 v22, v21;
	v36 =	vld [tilespmem:s7+$0xCC40];
	v15 =	vadd.f32 v26, v15;
	[tilespmem:$0x1FAC0] =	vst v6;
	v6 =	vadd.f32 v20, v23  }
0x26d: {  	v37 =	vld [tilespmem:s7+$0x10C40]  }
0x26e: {  	v56 =	vld [tilespmem:s7+$0xCC50];
	v18 =	vmul.f32 v21, v18;
	v15 =	vadd.f32 v19, v15;
	[tilespmem:$0x1FAD0] =	vst v6;
	v6 =	vadd.f32 v21, v12  }
0x26f: {  	v3 =	vld [tilespmem:s7+$0x10C50]  }
0x270: {  	v42 =	vld [tilespmem:s7+$0xCC60];
	[tilespmem:$0x1FAE0] =	vst v6;
	v6 =	vadd.f32 v18, v15  }
0x271: {  	v30 =	vld [tilespmem:s7+$0x10000]  }
0x272: {  	[tilespmem:$0x1FAF0] =	vst v6;
	v6 =	vld [tilespmem:$0x1FD20]  }
0x273: {  	v10 =	vld [tilespmem:s7+$0x10C60]  }
0x274: {  	v13 =	vld [tilespmem:s7+$0xE840]  }
0x275: {  	v28 =	vld [tilespmem:s7+$0xE000]  }
0x276: {  	v47 =	vld [tilespmem:s7+$0xE850]  }
0x277: {  	v23 =	vadd.f32 v30, v6;
	v6 =	vld [tilespmem:$0x1FD30]  }
0x278: {  	v31 =	vld [tilespmem:s7+$0x10040]  }
0x279: {  	v55 =	vld [tilespmem:s7+$0xE040]  }
0x27a: {  	v17 =	vld [tilespmem:s7+$0xC000];
	v12 =	vmul.f32 v30, v28  }
0x27b: {  	v16 =	vld [tilespmem:s7+$0xE400]  }
0x27c: {  	v12 =	vadd.f32 v12, v6;
	v6 =	vld [tilespmem:$0x1FD40]  }
0x27d: {  	v26 =	vld [tilespmem:s7+$0xC040]  }
0x27e: {  	v19 =	vld [tilespmem:s7+$0x10400]  }
0x27f: {  	v22 =	vld [tilespmem:s7+$0xC400];
	v17 =	vmul.f32 v30, v17  }
0x280: {  	v20 =	vld [tilespmem:s7+$0x10440]  }
0x281: {  	v18 =	vmul.f32 v17, v28;
	v17 =	vadd.f32 v17, v6;
	v6 =	vld [tilespmem:$0x1FD50]  }
0x282: {  	v27 =	vmul.f32 v31, v55;
	v15 =	vld [tilespmem:s7+$0xC440]  }
0x283: {  	v28 =	vld [tilespmem:s7+$0x10800]  }
0x284: {  	v21 =	vmul.f32 v31, v26;
	v12 =	vadd.f32 v27, v12;
	v27 =	vld [tilespmem:s7+$0xC800]  }
0x285: {  	v26 =	vld [tilespmem:s7+$0xE440]  }
0x286: {  	v11 =	vld [tilespmem:s7+$0xE860];
	v30 =	vmul.f32 v21, v55;
	v18 =	vadd.f32 v18, v6  }
0x287: {  	v29 =	vld [tilespmem:s7+$0xE800];
	v22 =	vmul.f32 v19, v22;
	v15 =	vmul.f32 v20, v15;
	v23 =	vadd.f32 v31, v23  }
0x288: {  	v17 =	vadd.f32 v21, v17;
	v21 =	vld [tilespmem:s7+$0xC840];
	v18 =	vadd.f32 v30, v18;
	v30 =	vmul.f32 v19, v16  }
0x289: {  	v27 =	vmul.f32 v28, v27;
	v19 =	vadd.f32 v19, v23;
	v23 =	vld [tilespmem:s7+$0x10840];
	v16 =	vmul.f32 v22, v16  }
0x28a: {  	v24 =	vld [tilespmem:s7+$0xCC00];
	v17 =	vadd.f32 v22, v17;
	v22 =	vmul.f32 v20, v26;
	v30 =	vadd.f32 v30, v12  }
0x28b: {  	v14 =	vld [tilespmem:s7+$0x10C00];
	v16 =	vadd.f32 v16, v18;
	v18 =	vmul.f32 v15, v26;
	v19 =	vadd.f32 v20, v19  }
0x28c: {  	v63 =	vld [tilespmem:s7+$0xE870];
	v15 =	vadd.f32 v15, v17;
	v17 =	vmul.f32 v28, v29;
	v22 =	vadd.f32 v22, v30  }
0x28d: {  	v51 =	vld [tilespmem:s7+$0xCC10];
	v16 =	vadd.f32 v18, v16;
	v19 =	vadd.f32 v28, v19;
	v28 =	vmul.f32 v27, v29  }
0x28e: {  	v5 =	vld [tilespmem:s7+$0x10C30];
	v18 =	vmul.f32 v23, v21;
	v17 =	vadd.f32 v17, v22  }
0x28f: {  	v38 =	vld [tilespmem:s7+$0x10C10];
	v22 =	vmul.f32 v23, v13;
	v16 =	vadd.f32 v28, v16;
	v19 =	vadd.f32 v23, v19  }
0x290: {  	v34 =	vld [tilespmem:s7+$0xE810];
	v24 =	vmul.f32 v14, v24;
	v15 =	vadd.f32 v27, v15;
	v13 =	vmul.f32 v18, v13  }
0x291: {  	v57 =	vld [tilespmem:s7+$0xE050];
	v23 =	vmul.f32 v14, v1;
	v17 =	vadd.f32 v22, v17;
	v14 =	vadd.f32 v14, v19  }
0x292: {  	v58 =	vld [tilespmem:s7+$0xC410];
	v15 =	vadd.f32 v18, v15;
	v13 =	vadd.f32 v13, v16  }
0x293: {  	v60 =	vld [tilespmem:s7+$0x10810];
	v26 =	vmul.f32 v37, v52;
	v16 =	vmovc v5;
	v17 =	vadd.f32 v23, v17;
	v5 =	vadd.f32 v37, v14  }
0x294: {  	v48 =	vld [tilespmem:s7+$0xE470]  }
0x295: {  	v7 =	vld [tilespmem:s7+$0x10C20];
	v18 =	vmul.f32 v37, v36;
	v15 =	vadd.f32 v24, v15;
	[tilespmem:$0x1FB00] =	vst v5;
	v5 =	vadd.f32 v26, v17  }
0x296: {  	v27 =	vld [tilespmem:s7+$0xE010]  }
0x297: {  	v28 =	vld [tilespmem:s7+$0x10010];
	[tilespmem:$0x1FB10] =	vst v5;
	v5 =	vadd.f32 v18, v15  }
0x298: {  	v22 =	vld [tilespmem:s7+$0xC010]  }
0x299: {  	[tilespmem:$0x1FB20] =	vst v5;
	v5 =	vld [tilespmem:$0x1FD90]  }
0x29a: {  	v39 =	vld [tilespmem:s7+$0x10460]  }
0x29b: {  	v54 =	vld [tilespmem:s7+$0xCC20]  }
0x29c: {  	v32 =	vld [tilespmem:s7+$0xC850]  }
0x29d: {  	v20 =	vld [tilespmem:s7+$0x10850];
	v1 =	vmul.f32 v24, v1  }
0x29e: {  	v24 =	vmul.f32 v28, v27;
	v22 =	vmul.f32 v28, v22;
	v28 =	vadd.f32 v28, v5;
	v5 =	vld [tilespmem:$0x1FDA0]  }
0x29f: {  	v29 =	vld [tilespmem:s7+$0xC050]  }
0x2a0: {  	v21 =	vld [tilespmem:s7+$0x10050];
	v19 =	vmul.f32 v18, v52;
	v1 =	vadd.f32 v1, v13  }
0x2a1: {  	v30 =	vld [tilespmem:s7+$0x10410]  }
0x2a2: {  	v1 =	vadd.f32 v19, v1;
	v15 =	vld [tilespmem:s7+$0x10450]  }
0x2a3: {  	v40 =	vmul.f32 v38, v4;
	v24 =	vadd.f32 v24, v5;
	v5 =	vld [tilespmem:$0x1FDB0]  }
0x2a4: {  	v31 =	vmul.f32 v10, v61;
	v32 =	vmul.f32 v20, v32;
	[tilespmem:$0x1FB30] =	vst v1;
	v1 =	vld [tilespmem:s7+$0xC450]  }
0x2a5: {  	v14 =	vld [tilespmem:s7+$0xE410];
	v26 =	vmul.f32 v21, v29;
	v27 =	vmul.f32 v22, v27  }
0x2a6: {  	v35 =	vmul.f32 v30, v58;
	v59 =	vmul.f32 v21, v57;
	v29 =	vld [tilespmem:s7+$0xE450]  }
0x2a7: {  	v25 =	vmovc v8;
	v8 =	vld [tilespmem:s7+$0x10870];
	v33 =	vmul.f32 v26, v57;
	v27 =	vadd.f32 v27, v41;
	v21 =	vadd.f32 v21, v28  }
0x2a8: {  	v62 =	vld [tilespmem:s7+$0xC810];
	v23 =	vmul.f32 v3, v0;
	v6 =	vmul.f32 v16, v43;
	v22 =	vadd.f32 v22, v5  }
0x2a9: {  	v9 =	vld [tilespmem:s7+$0xE820];
	v27 =	vadd.f32 v33, v27;
	v1 =	vmul.f32 v15, v1;
	v21 =	vadd.f32 v30, v21  }
0x2aa: {  	v53 =	vld [tilespmem:s7+$0x10820];
	v28 =	vmul.f32 v30, v14;
	v36 =	vadd.f32 v59, v24;
	v22 =	vadd.f32 v26, v22  }
0x2ab: {  	v55 =	vld [tilespmem:s7+$0xE830];
	v14 =	vmul.f32 v35, v14;
	v30 =	vmul.f32 v15, v29;
	v15 =	vadd.f32 v15, v21  }
0x2ac: {  	v58 =	vld [tilespmem:s7+$0x10020];
	v50 =	vmul.f32 v1, v29;
	v28 =	vadd.f32 v28, v36;
	v22 =	vadd.f32 v35, v22  }
0x2ad: {  	v13 =	vld [tilespmem:s7+$0xC860];
	v14 =	vadd.f32 v14, v27;
	v21 =	vmul.f32 v60, v62;
	v15 =	vadd.f32 v60, v15  }
0x2ae: {  	[tilespmem:$0x1FB40] =	vst v6;
	v6 =	vld [tilespmem:s7+$0xE060];
	v30 =	vadd.f32 v30, v28;
	v1 =	vadd.f32 v1, v22;
	v22 =	vmul.f32 v60, v34  }
0x2af: {  	v29 =	vld [tilespmem:s7+$0x10830];
	v14 =	vadd.f32 v50, v14;
	v57 =	vmul.f32 v21, v34;
	v15 =	vadd.f32 v20, v15  }
0x2b0: {  	v62 =	vld [tilespmem:s7+$0x10060];
	v22 =	vadd.f32 v22, v30;
	v1 =	vadd.f32 v21, v1;
	v21 =	vmul.f32 v20, v47  }
0x2b1: {  	v33 =	vmul.f32 v3, v56;
	v24 =	vld [tilespmem:s7+$0x10860];
	v59 =	vmul.f32 v38, v51;
	v15 =	vadd.f32 v38, v15  }
0x2b2: {  	v14 =	vadd.f32 v57, v14;
	v28 =	vmovc v7;
	v20 =	vld [tilespmem:s7+$0xC020];
	v30 =	vmul.f32 v32, v47;
	v21 =	vadd.f32 v21, v22  }
0x2b3: {  	v38 =	vmul.f32 v28, v54;
	v54 =	vld [tilespmem:s7+$0xC060];
	v3 =	vadd.f32 v3, v15;
	v1 =	vadd.f32 v32, v1  }
0x2b4: {  	v4 =	vmul.f32 v59, v4;
	v60 =	vld [tilespmem:s7+$0xE020];
	v14 =	vadd.f32 v30, v14;
	v21 =	vadd.f32 v40, v21  }
0x2b5: {  	v35 =	vmul.f32 v7, v25;
	v7 =	vmul.f32 v8, v63;
	v32 =	vld [tilespmem:s7+$0x10470];
	v1 =	vadd.f32 v59, v1  }
0x2b6: {  	v0 =	vmul.f32 v33, v0;
	v15 =	vld [tilespmem:s7+$0xC420];
	[tilespmem:$0x1FB70] =	vst v3;
	v4 =	vadd.f32 v4, v14;
	v3 =	vadd.f32 v23, v21  }
0x2b7: {  	v37 =	vmul.f32 v53, v9;
	[tilespmem:$0x1FB60] =	vst v7;
	v14 =	vld [tilespmem:s7+$0x10420];
	v56 =	vmul.f32 v58, v20;
	v1 =	vadd.f32 v33, v1  }
0x2b8: {  	v5 =	vld [tilespmem:s7+$0xE460];
	v41 =	vmul.f32 v24, v11;
	v34 =	vmul.f32 v10, v42;
	v0 =	vadd.f32 v0, v4;
	[tilespmem:$0x1FB80] =	vst v3  }
0x2b9: {  	v7 =	vld [tilespmem:s7+$0xE420];
	v4 =	vmul.f32 v62, v6;
	v59 =	vadd.f32 v56, v45;
	v3 =	vmul.f32 v58, v60;
	[tilespmem:$0x1FB90] =	vst v1  }
0x2ba: {  	v49 =	vld [tilespmem:s7+$0xE430];
	v42 =	vmul.f32 v32, v48;
	[tilespmem:$0x1FBA0] =	vst v0;
	v0 =	vmul.f32 v56, v60;
	v1 =	vadd.f32 v58, v46  }
0x2bb: {  	v57 =	vld [tilespmem:s7+$0xC460];
	v58 =	vmul.f32 v62, v54;
	v60 =	vmul.f32 v29, v55;
	v3 =	vadd.f32 v3, v44  }
0x2bc: {  	v50 =	vld [tilespmem:s7+$0x10430];
	v15 =	vmul.f32 v14, v15;
	v0 =	vadd.f32 v0, v2;
	v1 =	vadd.f32 v62, v1  }
0x2bd: {  	v2 =	vld [tilespmem:s7+$0xC820];
	v62 =	vmul.f32 v58, v6;
	v40 =	vadd.f32 v58, v59;
	v44 =	vmul.f32 v24, v13  }
0x2be: {  	[tilespmem:$0x1FB50] =	vst v8;
	v6 =	vmul.f32 v39, v5;
	v4 =	vadd.f32 v4, v3;
	v3 =	vmul.f32 v14, v7  }
0x2bf: {  	v27 =	vmovc v11;
	v54 =	vld [tilespmem:s7+$0xE070];
	v13 =	vadd.f32 v62, v0;
	v1 =	vadd.f32 v14, v1;
	v14 =	vmul.f32 v15, v7  }
0x2c0: {  	v26 =	vmovc v10;
	v0 =	vmul.f32 v39, v57;
	v40 =	vadd.f32 v15, v40;
	v57 =	vld [tilespmem:s7+$0x10070];
	v3 =	vadd.f32 v3, v4  }
0x2c1: {  	v23 =	vmovc v9;
	v58 =	vmul.f32 v50, v49;
	v45 =	vadd.f32 v14, v13;
	v4 =	vld [tilespmem:s7+$0xE030];
	v15 =	vadd.f32 v39, v1  }
0x2c2: {  	s9 =	simm.s32 $0x200;
	[tilespmem:$0x1FBB0] =	vst v60;
	v13 =	vld [tilespmem:s7+$0x10030];
	v46 =	vmul.f32 v0, v5;
	v14 =	vmul.f32 v53, v2;
	v39 =	vadd.f32 v6, v3  }
.LBB2_6:
0x2c3: {  	v0 =	vadd.f32 v0, v40;
	v15 =	vadd.f32 v53, v15  }
0x2c4: {  	v36 =	vadd.f32 v37, v39  }
0x2c5: {  	v6 =	vmul.f32 v14, v23;
	v0 =	vadd.f32 v14, v0;
	v14 =	vadd.f32 v24, v15  }
0x2c6: {  	v2 =	vadd.f32 v46, v45  }
0x2c7: {  	v15 =	vadd.f32 v41, v36;
	v8 =	vadd.f32 v28, v14  }
0x2c8: {  	v2 =	vadd.f32 v6, v2;
	v6 =	vmul.f32 v44, v27;
	v47 =	vadd.f32 v44, v0  }
0x2c9: {  	v14 =	vadd.f32 v35, v15;
	v0 =	vadd.f32 v26, v8  }
0x2ca: {  	v2 =	vadd.f32 v6, v2  }
0x2cb: {  	v6 =	vmul.f32 v38, v25;
	v25 =	vadd.f32 v38, v47;
	[tilespmem:$0x1FA40] =	vst v0;
	v0 =	vadd.f32 v31, v14;
	_ =	sdelay $0x1  }
0x2cc: {  	v52 =	vmul.f32 v34, v61;
	v51 =	vadd.f32 v6, v2;
	[tilespmem:$0x1FA70] =	vst v0;
	v0 =	vadd.f32 v34, v25;
	_ =	sdelay $0x1  }
0x2cd: {  	[tilespmem:$0x1FA80] =	vst v0;
	v0 =	vadd.f32 v52, v51;
	_ =	sdelay $0x1  }
0x2ce: {  	[tilespmem:$0x1FA90] =	vst v0;
	v0 =	vld [tilespmem:$0x1FAC0];
	_ =	sdelay $0x4  }
0x2cf: {  	v10 =	vadd.f32 v13, v0;
	v0 =	vld [tilespmem:$0x1FAD0];
	_ =	sdelay $0x2  }
0x2d0: {  	v1 =	vld [tilespmem:s7+$0xC030];
	v11 =	vmul.f32 v13, v4  }
0x2d1: {  	v56 =	vld [tilespmem:s7+$0xC830]  }
0x2d2: {  	s8 =	sadd.s32 $0x80, s8;
	v11 =	vadd.f32 v11, v0;
	v0 =	vld [tilespmem:$0x1FAE0]  }
0x2d3: {  	s10 =	sand.u32 $0x1000, s9;
	v60 =	vld [tilespmem:s7+$0xCC70];
	s11 =	sand.u32 $0x380, s8  }
0x2d4: {  	v46 =	vld [tilespmem:s7+$0xC070];
	s10 =	sor.u32 s11, s10  }
0x2d5: {  	v20 =	vld [tilespmem:s10+$0xEC40];
	v1 =	vmul.f32 v13, v1  }
0x2d6: {  	v24 =	vld [tilespmem:s7+$0xC430]  }
0x2d7: {  	v4 =	vmul.f32 v1, v4;
	v1 =	vadd.f32 v1, v0;
	v0 =	vld [tilespmem:$0x1FAF0]  }
0x2d8: {  	v15 =	vld [tilespmem:s7+$0xC470]  }
0x2d9: {  	v19 =	vld [tilespmem:s10+$0xEC50]  }
0x2da: {  	v21 =	vld [tilespmem:s10+$0xEC00];
	v53 =	vmul.f32 v57, v46  }
0x2db: {  	v2 =	vld [tilespmem:$0x1FBB0]  }
0x2dc: {  	v14 =	vld [tilespmem:s7+$0xEC70];
	v13 =	vmul.f32 v50, v24;
	v24 =	vmul.f32 v53, v54;
	v4 =	vadd.f32 v4, v0  }
0x2dd: {  	v59 =	vmul.f32 v32, v15;
	v25 =	vld [tilespmem:s7+$0xC870]  }
0x2de: {  	v10 =	vadd.f32 v57, v10;
	v15 =	vmul.f32 v13, v49;
	v0 =	vld [tilespmem:$0x1FB50];
	v4 =	vadd.f32 v24, v4  }
0x2df: {  	v24 =	vld [tilespmem:s7+$0xCC30]  }
0x2e0: {  	v10 =	vadd.f32 v50, v10;
	v4 =	vadd.f32 v15, v4;
	v15 =	vld [tilespmem:s7+$0x10C70];
	s7 =	smov.u32 s10  }
0x2e1: {  	v6 =	vld [tilespmem:s7+$0xEC10]  }
0x2e2: {  	v10 =	vadd.f32 v32, v10;
	v8 =	vld [tilespmem:s7+$0xEC20]  }
0x2e3: {  	v12 =	vld [tilespmem:s7+$0xEC30]  }
0x2e4: {  	v9 =	vmul.f32 v57, v54;
	v10 =	vadd.f32 v29, v10;
	v32 =	vld [tilespmem:s7+$0xCC40]  }
0x2e5: {  	v52 =	vld [tilespmem:s7+$0x10C40]  }
0x2e6: {  	v9 =	vadd.f32 v9, v11;
	v25 =	vmul.f32 v0, v25;
	v10 =	vadd.f32 v0, v10;
	v0 =	vld [tilespmem:$0x1FB60]  }
0x2e7: {  	v30 =	vld [tilespmem:s7+$0xCC50]  }
0x2e8: {  	v9 =	vadd.f32 v58, v9;
	v46 =	vld [tilespmem:s7+$0x10C50]  }
0x2e9: {  	v1 =	vadd.f32 v53, v1;
	v33 =	vld [tilespmem:s7+$0xCC60]  }
0x2ea: {  	v31 =	vmul.f32 v29, v56;
	v9 =	vadd.f32 v42, v9;
	v29 =	vld [tilespmem:s7+$0x10C60]  }
0x2eb: {  	v1 =	vadd.f32 v13, v1;
	v13 =	vmul.f32 v59, v48;
	v48 =	vld [tilespmem:s7+$0xE840]  }
0x2ec: {  	v9 =	vadd.f32 v2, v9;
	v50 =	vld [tilespmem:s7+$0x10C10]  }
0x2ed: {  	v38 =	vld [tilespmem:s7+$0xCC20]  }
0x2ee: {  	v1 =	vadd.f32 v59, v1;
	v9 =	vadd.f32 v0, v9;
	v0 =	vld [tilespmem:$0x1FB40]  }
0x2ef: {  	v41 =	vld [tilespmem:s7+$0x10C20]  }
0x2f0: {  	v62 =	vmul.f32 v31, v55;
	v1 =	vadd.f32 v31, v1;
	v45 =	vld [tilespmem:s7+$0xE810];
	v4 =	vadd.f32 v13, v4  }
0x2f1: {  	v47 =	vld [tilespmem:s7+$0xE830];
	v13 =	vmul.f32 v16, v24;
	v7 =	vadd.f32 v16, v10  }
0x2f2: {  	v44 =	vld [tilespmem:s7+$0xC840];
	v5 =	vmul.f32 v25, v63;
	v1 =	vadd.f32 v25, v1;
	v4 =	vadd.f32 v62, v4  }
0x2f3: {  	v54 =	vld [tilespmem:s7+$0x10850];
	v24 =	vmul.f32 v15, v14;
	v9 =	vadd.f32 v0, v9;
	v0 =	vadd.f32 v15, v7  }
0x2f4: {  	v17 =	vld [tilespmem:s7+$0xE440];
	v63 =	vmul.f32 v15, v60;
	v1 =	vadd.f32 v13, v1  }
0x2f5: {  	v27 =	vld [tilespmem:s7+$0xE470];
	v4 =	vadd.f32 v5, v4;
	v5 =	vmul.f32 v13, v43;
	[tilespmem:$0x1FAC0] =	vst v0;
	v0 =	vadd.f32 v24, v9  }
0x2f6: {  	v59 =	vld [tilespmem:s7+$0x10810]  }
0x2f7: {  	v49 =	vld [tilespmem:s7+$0x10830];
	v4 =	vadd.f32 v5, v4;
	v5 =	vmul.f32 v63, v14;
	[tilespmem:$0x1FAD0] =	vst v0;
	v0 =	vadd.f32 v63, v1  }
0x2f8: {  	v25 =	vld [tilespmem:s7+$0xE460]  }
0x2f9: {  	v7 =	vld [tilespmem:s7+$0xE870];
	[tilespmem:$0x1FAE0] =	vst v0;
	v0 =	vadd.f32 v5, v4  }
0x2fa: {  	v51 =	vld [tilespmem:s7+$0x10460];
	[tilespmem:$0x1F9F0] =	vst v6  }
0x2fb: {  	[tilespmem:$0x1FAF0] =	vst v0;
	v0 =	vld [tilespmem:s7+$0x10870]  }
0x2fc: {  	v3 =	vld [tilespmem:s7+$0xE400];
	[tilespmem:$0x1F9A0] =	vst v8  }
0x2fd: {  	v35 =	vld [tilespmem:s7+$0xC000];
	[tilespmem:$0x1FAA0] =	vst v25;
	v5 =	vmul.f32 v46, v19  }
0x2fe: {  	v58 =	vmul.f32 v41, v8;
	v8 =	vld [tilespmem:s7+$0xE000];
	[tilespmem:$0x1FA10] =	vst v7  }
0x2ff: {  	[tilespmem:$0x1FA30] =	vst v5;
	v5 =	vmul.f32 v50, v6;
	v6 =	vmul.f32 v51, v25;
	v25 =	vld [tilespmem:$0x1FB00]  }
0x300: {  	[tilespmem:$0x1FB50] =	vst v0;
	v0 =	vmul.f32 v0, v7;
	v7 =	vld [tilespmem:s7+$0x10000]  }
0x301: {  	v31 =	vld [tilespmem:s7+$0xC040]  }
0x302: {  	v16 =	vld [tilespmem:s7+$0xC860]  }
0x303: {  	v62 =	vld [tilespmem:s7+$0x10C00]  }
0x304: {  	v13 =	vld [tilespmem:s7+$0x10840]  }
0x305: {  	v11 =	vmul.f32 v7, v35;
	v43 =	vmul.f32 v7, v8;
	v7 =	vadd.f32 v7, v25;
	v25 =	vld [tilespmem:$0x1FB10]  }
0x306: {  	v1 =	vld [tilespmem:s7+$0x10C30]  }
0x307: {  	v57 =	vmul.f32 v46, v30;
	v30 =	vld [tilespmem:s7+$0x10040]  }
0x308: {  	v22 =	vmov v12;
	v36 =	vmul.f32 v29, v33;
	v33 =	vld [tilespmem:s7+$0xC440]  }
0x309: {  	v40 =	vmul.f32 v52, v20;
	[tilespmem:$0x1F9B0] =	vst v22;
	v15 =	vmov v20;
	v24 =	vld [tilespmem:s7+$0x10860]  }
0x30a: {  	v20 =	vmul.f32 v62, v21;
	[tilespmem:$0x1FB60] =	vst v0;
	v0 =	vmul.f32 v59, v45;
	v35 =	vadd.f32 v43, v25;
	v43 =	vld [tilespmem:$0x1FB20]  }
0x30b: {  	v2 =	vmov v21;
	v21 =	vmul.f32 v52, v32;
	v32 =	vld [tilespmem:s7+$0x10470];
	[tilespmem:$0x1FA00] =	vst v5;
	v5 =	vmul.f32 v1, v22  }
0x30c: {  	v22 =	vld [tilespmem:s7+$0xE040];
	[tilespmem:$0x1F9C0] =	vst v0;
	v0 =	vmul.f32 v49, v47  }
0x30d: {  	[tilespmem:$0x1FB40] =	vst v5;
	v5 =	vld [tilespmem:s7+$0x10400]  }
0x30e: {  	[tilespmem:$0x1FBB0] =	vst v0;
	v0 =	vmul.f32 v13, v44;
	v44 =	vmul.f32 v24, v16;
	v16 =	vld [tilespmem:s7+$0xC400]  }
0x30f: {  	v8 =	vmul.f32 v11, v8;
	v11 =	vadd.f32 v11, v43;
	v43 =	vld [tilespmem:$0x1FB30]  }
0x310: {  	[tilespmem:$0x1FA20] =	vst v19;
	v19 =	vld [tilespmem:s7+$0x10440]  }
0x311: {  	v18 =	vld [tilespmem:s7+$0x10800];
	v31 =	vmul.f32 v30, v31  }
0x312: {  	[tilespmem:$0x1FA60] =	vst v27;
	v38 =	vmul.f32 v41, v38;
	v42 =	vmul.f32 v32, v27;
	v27 =	vld [tilespmem:s7+$0xC800]  }
0x313: {  	v10 =	vld [tilespmem:s7+$0xE850];
	v55 =	vmul.f32 v30, v22;
	v22 =	vmul.f32 v31, v22  }
0x314: {  	v4 =	vld [tilespmem:s7+$0xCC00];
	v16 =	vmul.f32 v5, v16;
	v11 =	vadd.f32 v31, v11;
	v8 =	vadd.f32 v8, v43  }
0x315: {  	v14 =	vld [tilespmem:s7+$0xE800];
	[tilespmem:$0x1FAB0] =	vst v6;
	v33 =	vmul.f32 v19, v33;
	v6 =	vmul.f32 v5, v3;
	v7 =	vadd.f32 v30, v7  }
0x316: {  	v9 =	vld [tilespmem:s7+$0xE860];
	v3 =	vmul.f32 v16, v3;
	v11 =	vadd.f32 v16, v11;
	v8 =	vadd.f32 v22, v8  }
0x317: {  	v5 =	vadd.f32 v5, v7;
	v7 =	vmul.f32 v18, v27;
	v30 =	vadd.f32 v55, v35  }
0x318: {  	v55 =	vmovc v47;
	v47 =	vmul.f32 v33, v17;
	v11 =	vadd.f32 v33, v11;
	v3 =	vadd.f32 v3, v8  }
0x319: {  	[tilespmem:$0x1FA50] =	vst v1;
	v1 =	vmul.f32 v54, v10;
	v28 =	vmul.f32 v62, v4  }
0x31a: {  	v27 =	vld [tilespmem:s7+$0x10010];
	v3 =	vadd.f32 v47, v3;
	v47 =	vmul.f32 v7, v14;
	v7 =	vadd.f32 v7, v11  }
0x31b: {  	v34 =	vmul.f32 v13, v48;
	[tilespmem:$0x1F9E0] =	vst v1;
	v1 =	vmul.f32 v24, v9;
	v31 =	vld [tilespmem:s7+$0xE010]  }
0x31c: {  	v48 =	vmul.f32 v0, v48;
	v5 =	vadd.f32 v19, v5;
	v0 =	vadd.f32 v0, v7  }
0x31d: {  	v56 =	vld [tilespmem:s7+$0xC850];
	[tilespmem:$0x1F9D0] =	vst v10;
	v10 =	vmul.f32 v19, v17;
	v6 =	vadd.f32 v6, v30;
	v3 =	vadd.f32 v47, v3  }
0x31e: {  	v7 =	vmul.f32 v28, v2;
	v0 =	vadd.f32 v28, v0;
	v28 =	vmovc v41;
	v41 =	vmov v1;
	v1 =	vld [tilespmem:$0x1FB80]  }
0x31f: {  	v39 =	vld [tilespmem:s7+$0x10450];
	v12 =	vmul.f32 v18, v14;
	v3 =	vadd.f32 v48, v3  }
0x320: {  	v60 =	vld [tilespmem:s7+$0xE450];
	v5 =	vadd.f32 v18, v5;
	v6 =	vadd.f32 v10, v6;
	v47 =	vmul.f32 v27, v31  }
0x321: {  	v10 =	vld [tilespmem:s7+$0xC010];
	v3 =	vadd.f32 v7, v3;
	v7 =	vmul.f32 v21, v15;
	v0 =	vadd.f32 v21, v0  }
0x322: {  	v25 =	vld [tilespmem:s7+$0xE410];
	v5 =	vadd.f32 v13, v5;
	v6 =	vadd.f32 v12, v6  }
0x323: {  	[tilespmem:$0x1FB20] =	vst v0;
	v0 =	vadd.f32 v7, v3;
	v3 =	vadd.f32 v47, v1;
	v1 =	vld [tilespmem:$0x1FB90]  }
0x324: {  	v35 =	vld [tilespmem:s7+$0xE050];
	v5 =	vadd.f32 v62, v5  }
0x325: {  	v6 =	vadd.f32 v34, v6;
	v22 =	vld [tilespmem:s7+$0x10050]  }
0x326: {  	v12 =	vld [tilespmem:s7+$0xC050];
	v5 =	vadd.f32 v52, v5;
	v48 =	vmul.f32 v27, v10  }
0x327: {  	v43 =	vld [tilespmem:s7+$0x10410];
	v6 =	vadd.f32 v20, v6  }
0x328: {  	[tilespmem:$0x1FB00] =	vst v5;
	v8 =	vadd.f32 v48, v1;
	v1 =	vld [tilespmem:$0x1FBA0]  }
0x329: {  	v5 =	vadd.f32 v40, v6;
	[tilespmem:$0x1FB30] =	vst v0;
	v0 =	vld [tilespmem:$0x1FB70]  }
0x32a: {  	v13 =	vld [tilespmem:s7+$0xC410];
	v14 =	vmul.f32 v22, v35  }
0x32b: {  	v62 =	vld [tilespmem:s7+$0xC450];
	[tilespmem:$0x1FB10] =	vst v5;
	v5 =	vmul.f32 v48, v31  }
0x32c: {  	v6 =	vld [tilespmem:s7+$0xC810];
	v16 =	vmul.f32 v43, v25;
	v3 =	vadd.f32 v14, v3  }
0x32d: {  	v4 =	vmul.f32 v54, v56;
	v12 =	vmul.f32 v22, v12;
	v5 =	vadd.f32 v5, v1;
	v1 =	vld [tilespmem:$0x1F9C0]  }
0x32e: {  	v61 =	vld [tilespmem:s10+$0xEC60];
	v56 =	vmul.f32 v39, v60;
	v3 =	vadd.f32 v16, v3;
	v0 =	vadd.f32 v27, v0  }
0x32f: {  	v37 =	vld [tilespmem:s7+$0xCC10];
	v7 =	vmul.f32 v43, v13;
	v13 =	vmul.f32 v12, v35  }
0x330: {  	v23 =	vld [tilespmem:s7+$0xE820];
	v10 =	vmul.f32 v39, v62;
	v3 =	vadd.f32 v56, v3;
	v0 =	vadd.f32 v22, v0  }
0x331: {  	v53 =	vld [tilespmem:s7+$0x10820];
	v8 =	vadd.f32 v12, v8;
	v5 =	vadd.f32 v13, v5;
	v13 =	vmul.f32 v7, v25  }
0x332: {  	v6 =	vmul.f32 v59, v6;
	v0 =	vadd.f32 v43, v0;
	v3 =	vadd.f32 v1, v3;
	v1 =	vld [tilespmem:$0x1F9D0]  }
0x333: {  	v17 =	vld [tilespmem:s7+$0xE020];
	v47 =	vmul.f32 v10, v60;
	v7 =	vadd.f32 v7, v8;
	v5 =	vadd.f32 v13, v5  }
0x334: {  	v26 =	vmul.f32 v29, v61;
	v2 =	vld [tilespmem:$0x1F9F0];
	v0 =	vadd.f32 v39, v0  }
0x335: {  	v18 =	vld [tilespmem:s7+$0xC060];
	v52 =	vmul.f32 v6, v45;
	v7 =	vadd.f32 v10, v7;
	v5 =	vadd.f32 v47, v5  }
0x336: {  	v63 =	vmul.f32 v50, v37;
	v34 =	vmov v36;
	v36 =	vld [tilespmem:s7+$0xE420];
	v0 =	vadd.f32 v59, v0  }
0x337: {  	v15 =	vld [tilespmem:s7+$0x10420];
	v6 =	vadd.f32 v6, v7;
	v5 =	vadd.f32 v52, v5;
	v7 =	vmul.f32 v4, v1  }
0x338: {  	v31 =	vmov v26;
	v26 =	vmov v29;
	v29 =	vmov v49;
	v49 =	vld [tilespmem:s7+$0xE430]  }
0x339: {  	v2 =	vmul.f32 v63, v2;
	v14 =	vld [tilespmem:s7+$0xE060];
	v0 =	vadd.f32 v54, v0;
	v5 =	vadd.f32 v7, v5  }
0x33a: {  	v1 =	vld [tilespmem:$0x1F9E0]  }
0x33b: {  	v0 =	vadd.f32 v50, v0;
	v2 =	vadd.f32 v2, v5;
	v5 =	vld [tilespmem:$0x1FA20]  }
0x33c: {  	v16 =	vld [tilespmem:s7+$0x10020]  }
0x33d: {  	v0 =	vadd.f32 v46, v0;
	v7 =	vld [tilespmem:$0x1FA00]  }
0x33e: {  	v48 =	vld [tilespmem:s7+$0xC020]  }
0x33f: {  	[tilespmem:$0x1FB70] =	vst v0;
	v0 =	vld [tilespmem:$0x1FA30]  }
0x340: {  	v12 =	vld [tilespmem:s7+$0x10060];
	v1 =	vadd.f32 v1, v3;
	v5 =	vmul.f32 v57, v5  }
0x341: {  	v43 =	vld [tilespmem:$0x1F9B0];
	v4 =	vadd.f32 v4, v6  }
0x342: {  	v1 =	vadd.f32 v7, v1;
	v2 =	vadd.f32 v5, v2;
	v5 =	vld [tilespmem:$0x1FA80]  }
0x343: {  	v25 =	vld [tilespmem:$0x1F9A0]  }
0x344: {  	v4 =	vadd.f32 v63, v4;
	v0 =	vadd.f32 v0, v1;
	v1 =	vld [tilespmem:s7+$0xC820]  }
0x345: {  	v6 =	vmul.f32 v16, v48;
	v7 =	vld [tilespmem:s7+$0xC460]  }
0x346: {  	v4 =	vadd.f32 v57, v4;
	[tilespmem:$0x1FBA0] =	vst v2;
	v2 =	vld [tilespmem:$0x1FA40]  }
0x347: {  	v59 =	vmul.f32 v12, v18;
	[tilespmem:$0x1FB80] =	vst v0;
	v0 =	vmul.f32 v6, v17;
	v5 =	vadd.f32 v6, v5;
	v6 =	vld [tilespmem:$0x1FA90]  }
0x348: {  	v56 =	vmul.f32 v12, v14;
	[tilespmem:$0x1FB90] =	vst v4;
	v4 =	vld [tilespmem:$0x1FA70]  }
0x349: {  	v60 =	vmul.f32 v59, v14;
	v14 =	vmul.f32 v53, v1;
	v1 =	vld [tilespmem:$0x1FAA0]  }
0x34a: {  	v3 =	vld [tilespmem:s7+$0xC420]  }
0x34b: {  	v35 =	vmov v58;
	v58 =	vmul.f32 v16, v17;
	v54 =	vld [tilespmem:s7+$0xE070]  }
0x34c: {  	v50 =	vld [tilespmem:s7+$0x10430];
	v2 =	vadd.f32 v16, v2;
	v6 =	vadd.f32 v0, v6;
	v0 =	vmul.f32 v51, v7  }
0x34d: {  	v48 =	vld [tilespmem:$0x1FA60];
	v4 =	vadd.f32 v58, v4  }
0x34e: {  	p0 =	sne.s32 s9, $0x1E00;
	v2 =	vadd.f32 v12, v2;
	v46 =	vmul.f32 v0, v1;
	v1 =	vld [tilespmem:$0x1FAB0]  }
.Ltmp2:
0x34f: {  	v13 =	vmul.f32 v15, v36;
	v63 =	vld [tilespmem:$0x1FA10];
	v3 =	vmul.f32 v15, v3;
	v10 =	vadd.f32 v56, v4;
	(pc) =	sbr.rel @p0 .LBB2_6-.Ltmp2, $4  }
0x350: {  	v57 =	vld [tilespmem:s7+$0x10070];
	v5 =	vadd.f32 v59, v5;
	v2 =	vadd.f32 v15, v2  }
0x351: {  	v4 =	vld [tilespmem:s7+$0xE030];
	v62 =	vadd.f32 v13, v10;
	v7 =	vmul.f32 v3, v36;
	v6 =	vadd.f32 v60, v6  }
0x352: {  	v37 =	vmul.f32 v53, v23;
	v13 =	vld [tilespmem:s7+$0x10030];
	v40 =	vadd.f32 v3, v5;
	v15 =	vadd.f32 v51, v2  }
0x353: {  	s9 =	sadd.s32 $0x200, s9;
	v27 =	vmovc v9;
	v58 =	vmul.f32 v50, v49;
	v16 =	vld [tilespmem:$0x1FA50];
	v45 =	vadd.f32 v7, v6;
	v39 =	vadd.f32 v1, v62  }
0x354: {  	v3 =	vld [tilespmem:s7+$0xC030]  }
0x355: {  	v7 =	vld [tilespmem:s7+$0xC070]  }
0x356: {  	v10 =	vld [tilespmem:s7+$0xC430]  }
0x357: {  	v12 =	vld [tilespmem:s7+$0xC470]  }
0x358: {  	v17 =	vld [tilespmem:s7+$0xC830]  }
0x359: {  	v18 =	vld [tilespmem:s7+$0xEC70];
	v8 =	vadd.f32 v0, v40  }
0x35a: {  	v19 =	vld [tilespmem:s7+$0xC870];
	v11 =	vadd.f32 v53, v15;
	v15 =	vmul.f32 v14, v23;
	v9 =	vadd.f32 v46, v45  }
0x35b: {  	v20 =	vld [tilespmem:s7+$0xCC30];
	v8 =	vadd.f32 v14, v8  }
0x35c: {  	v21 =	vld [tilespmem:s7+$0xCC70];
	v14 =	vadd.f32 v15, v9;
	v15 =	vadd.f32 v24, v11;
	v24 =	vmul.f32 v44, v27  }
0x35d: {  	v22 =	vld [tilespmem:s7+$0x10C70];
	_ =	swait.ge [sflag:s31], $0x2000  }
0x35e: {  	[sflag:s31] =	ssyncset.done $0x0;
	v14 =	vadd.f32 v24, v14;
	v24 =	vmul.f32 v38, v25  }
0x35f: {  	[sflag:s31] =	ssyncadd.s32 $0xFFFFE000  }
0x360: {  	_ =	swait.ge [sflag:s0], $0x2000;
	v27 =	vmul.f32 v34, v61;
	v14 =	vadd.f32 v24, v14  }
0x361: {  	[sflag:s0] =	ssyncset.done $0x0  }
0x362: {  	[sflag:s0] =	ssyncadd.s32 $0xFFFFE000;
	v14 =	vadd.f32 v27, v14  }
0x363: {  	v23 =	vadd.f32 v37, v39;
	_ =	swait.ge [sflag:s1], $0x2000  }
0x364: {  	[tilespmem:$0x1F990] =	vst v14;
	v14 =	vld [tilespmem:$0x1FAC0]  }
0x365: {  	v23 =	vadd.f32 v41, v23;
	_ =	sdelay $0x1  }
0x366: {  	v23 =	vadd.f32 v35, v23  }
0x367: {  	v8 =	vadd.f32 v44, v8;
	v24 =	vmul.f32 v13, v3  }
0x368: {  	v44 =	vadd.f32 v31, v23;
	v23 =	vmul.f32 v13, v4;
	v13 =	vadd.f32 v13, v14;
	v14 =	vld [tilespmem:$0x1FAD0];
	_ =	sdelay $0x1  }
0x369: {  	v15 =	vadd.f32 v28, v15;
	v25 =	vadd.f32 v38, v8;
	_ =	sdelay $0x1  }
0x36a: {  	v3 =	vadd.f32 v26, v15;
	v15 =	vadd.f32 v34, v25;
	v25 =	vld [tilespmem:$0x1FAF0]  }
0x36b: {  	v14 =	vadd.f32 v23, v14;
	v23 =	vld [tilespmem:$0x1FAE0];
	_ =	sdelay $0x2  }
0x36c: {  	v7 =	vmul.f32 v57, v7;
	v4 =	vmul.f32 v24, v4  }
0x36d: {  	v13 =	vadd.f32 v57, v13  }
0x36e: {  	v4 =	vadd.f32 v4, v25;
	v25 =	vmul.f32 v7, v54;
	v23 =	vadd.f32 v24, v23  }
0x36f: {  	v13 =	vadd.f32 v50, v13  }
0x370: {  	v24 =	vmul.f32 v57, v54;
	v7 =	vadd.f32 v7, v23;
	v23 =	vadd.f32 v25, v4;
	v4 =	vld [tilespmem:$0x1FB50]  }
0x371: {  	v13 =	vadd.f32 v32, v13  }
0x372: {  	v14 =	vadd.f32 v24, v14  }
0x373: {  	v26 =	vld [tilespmem:$0x1FBB0];
	v13 =	vadd.f32 v29, v13  }
0x374: {  	v10 =	vmul.f32 v50, v10;
	v14 =	vadd.f32 v58, v14  }
0x375: {  	v19 =	vmul.f32 v4, v19;
	v13 =	vadd.f32 v4, v13;
	v4 =	vld [tilespmem:$0x1FB60]  }
0x376: {  	v12 =	vmul.f32 v32, v12;
	v7 =	vadd.f32 v10, v7;
	v14 =	vadd.f32 v42, v14  }
0x377: {  	v25 =	vmul.f32 v10, v49  }
0x378: {  	s8 =	simm.s32 $0x0;
	v17 =	vmul.f32 v29, v17;
	v7 =	vadd.f32 v12, v7;
	v14 =	vadd.f32 v26, v14  }
0x379: {  	s11 =	sand.u32 $0x1000, s8;
	s9 =	sand.u32 $0x380, s8;
	[sflag:s1] =	ssyncset.done $0x0;
	v10 =	vadd.f32 v25, v23  }
0x37a: {  	s7 =	sor.u32 s9, s11;
	[sflag:s1] =	ssyncadd.s32 $0xFFFFE000;
	v23 =	vmul.f32 v12, v48;
	v7 =	vadd.f32 v17, v7;
	v14 =	vadd.f32 v4, v14;
	v4 =	vld [tilespmem:$0x1FB40]  }
0x37b: {  	v20 =	vmul.f32 v16, v20;
	v51 =	vld [tilespmem:s7+$0x14C40]  }
0x37c: {  	v1 =	vld [tilespmem:s7+$0x14C50];
	v10 =	vadd.f32 v23, v10;
	v23 =	vmul.f32 v17, v55;
	v7 =	vadd.f32 v19, v7  }
0x37d: {  	v45 =	vmul.f32 v20, v43;
	v62 =	vld [tilespmem:s7+$0x14C60];
	v13 =	vadd.f32 v16, v13  }
0x37e: {  	v33 =	vld [tilespmem:s7+$0x14C00];
	v10 =	vadd.f32 v23, v10;
	v23 =	vmul.f32 v19, v63;
	v7 =	vadd.f32 v20, v7  }
0x37f: {  	v6 =	vld [tilespmem:s7+$0x14C10];
	v20 =	vmul.f32 v22, v18;
	v14 =	vadd.f32 v4, v14;
	v4 =	vadd.f32 v22, v13  }
0x380: {  	v2 =	vld [tilespmem:s7+$0x14C20]  }
0x381: {  	v21 =	vmul.f32 v22, v21;
	v60 =	vld [tilespmem:s7+$0x14C30];
	v10 =	vadd.f32 v23, v10;
	[tilespmem:$0x1F890] =	vst v4;
	v4 =	vadd.f32 v20, v14  }
0x382: {  	v59 =	vld [tilespmem:s7+$0x12C40]  }
0x383: {  	v5 =	vld [tilespmem:s7+$0x16C40];
	v18 =	vmul.f32 v21, v18;
	v10 =	vadd.f32 v45, v10;
	[tilespmem:$0x1F8A0] =	vst v4;
	v4 =	vadd.f32 v21, v7  }
0x384: {  	v0 =	vld [tilespmem:s7+$0x12C50]  }
0x385: {  	v46 =	vld [tilespmem:s7+$0x12C60];
	[tilespmem:$0x1F8B0] =	vst v4;
	v4 =	vadd.f32 v18, v10  }
0x386: {  	v29 =	vld [tilespmem:s7+$0x16000]  }
0x387: {  	[tilespmem:$0x1F8C0] =	vst v4;
	v4 =	vld [tilespmem:$0x1FB00]  }
0x388: {  	v28 =	vld [tilespmem:s7+$0x12C00]  }
0x389: {  	v30 =	vld [tilespmem:s7+$0x14800]  }
0x38a: {  	v25 =	vld [tilespmem:s7+$0x14000]  }
0x38b: {  	v40 =	vld [tilespmem:s7+$0x12000]  }
0x38c: {  	v22 =	vadd.f32 v29, v4;
	v4 =	vld [tilespmem:$0x1FB10]  }
0x38d: {  	v31 =	vld [tilespmem:s7+$0x14040]  }
0x38e: {  	[tilespmem:$0x1F980] =	vst v15;
	v15 =	vld [tilespmem:s7+$0x16C00]  }
0x38f: {  	v48 =	vld [tilespmem:s7+$0x16400];
	v20 =	vmul.f32 v29, v25  }
0x390: {  	v26 =	vld [tilespmem:s7+$0x16040]  }
0x391: {  	v20 =	vadd.f32 v20, v4;
	v4 =	vld [tilespmem:$0x1FB20]  }
0x392: {  	v23 =	vld [tilespmem:s7+$0x12040]  }
0x393: {  	v12 =	vld [tilespmem:s7+$0x14400]  }
0x394: {  	v17 =	vmul.f32 v29, v40;
	v13 =	vld [tilespmem:s7+$0x12400]  }
0x395: {  	v7 =	vld [tilespmem:s7+$0x16440]  }
0x396: {  	v49 =	vmul.f32 v17, v25;
	v17 =	vadd.f32 v17, v4;
	v4 =	vld [tilespmem:$0x1FB30]  }
0x397: {  	v21 =	vmul.f32 v26, v23;
	v23 =	vld [tilespmem:s7+$0x14440]  }
0x398: {  	v10 =	vld [tilespmem:s7+$0x12440];
	v22 =	vadd.f32 v26, v22  }
0x399: {  	v25 =	vmul.f32 v26, v31;
	v29 =	vld [tilespmem:s7+$0x16800]  }
0x39a: {  	v31 =	vmul.f32 v21, v31;
	v19 =	vadd.f32 v48, v22;
	v22 =	vld [tilespmem:s7+$0x16840]  }
0x39b: {  	v26 =	vmul.f32 v48, v12;
	v20 =	vadd.f32 v25, v20;
	v25 =	vld [tilespmem:s7+$0x12800];
	v18 =	vadd.f32 v49, v4  }
0x39c: {  	v13 =	vmul.f32 v48, v13;
	v50 =	vmul.f32 v7, v23;
	v17 =	vadd.f32 v21, v17;
	v21 =	vld [tilespmem:s7+$0x12840]  }
0x39d: {  	v11 =	vld [tilespmem:s7+$0x14840];
	v20 =	vadd.f32 v26, v20;
	v18 =	vadd.f32 v31, v18;
	v31 =	vmul.f32 v7, v10  }
0x39e: {  	v9 =	vld [tilespmem:s7+$0x16C60];
	v28 =	vmul.f32 v15, v28;
	v12 =	vmul.f32 v13, v12;
	v7 =	vadd.f32 v7, v19  }
0x39f: {  	v47 =	vld [tilespmem:s7+$0x14850];
	v13 =	vadd.f32 v13, v17;
	v17 =	vadd.f32 v50, v20;
	v54 =	vmul.f32 v31, v23  }
0x3a0: {  	v8 =	vld [tilespmem:s7+$0x14860];
	v23 =	vmul.f32 v29, v25;
	v25 =	vmul.f32 v29, v30;
	v7 =	vadd.f32 v29, v7  }
0x3a1: {  	v61 =	vld [tilespmem:s7+$0x14870];
	v57 =	vmul.f32 v22, v21;
	v12 =	vadd.f32 v12, v18;
	v13 =	vadd.f32 v31, v13  }
0x3a2: {  	v52 =	vld [tilespmem:s7+$0x12C10];
	v17 =	vadd.f32 v25, v17;
	v25 =	vmul.f32 v22, v11;
	v7 =	vadd.f32 v22, v7  }
0x3a3: {  	v38 =	vld [tilespmem:s7+$0x16C10];
	v12 =	vadd.f32 v54, v12;
	v29 =	vmul.f32 v23, v30;
	v13 =	vadd.f32 v23, v13  }
0x3a4: {  	v27 =	vld [tilespmem:s7+$0x12C20];
	v22 =	vmul.f32 v15, v33;
	v17 =	vadd.f32 v25, v17;
	v7 =	vadd.f32 v15, v7  }
0x3a5: {  	v41 =	vld [tilespmem:s7+$0x16C20];
	v11 =	vmul.f32 v57, v11;
	v12 =	vadd.f32 v29, v12;
	v13 =	vadd.f32 v57, v13  }
0x3a6: {  	v56 =	vld [tilespmem:s7+$0x16C30];
	v24 =	vmovc v2;
	v20 =	vmul.f32 v5, v51;
	v17 =	vadd.f32 v22, v17;
	v2 =	vadd.f32 v5, v7  }
0x3a7: {  	v34 =	vld [tilespmem:s7+$0x14810];
	v30 =	vmul.f32 v5, v59;
	v11 =	vadd.f32 v11, v12  }
0x3a8: {  	v53 =	vld [tilespmem:s7+$0x12850];
	v12 =	vmul.f32 v28, v33;
	v13 =	vadd.f32 v28, v13;
	[tilespmem:$0x1F8D0] =	vst v2;
	v2 =	vadd.f32 v20, v17  }
0x3a9: {  	v39 =	vld [tilespmem:s7+$0x16460]  }
0x3aa: {  	v37 =	vld [tilespmem:s7+$0x14060];
	v28 =	vmul.f32 v30, v51;
	v11 =	vadd.f32 v12, v11;
	[tilespmem:$0x1F8E0] =	vst v2;
	v2 =	vadd.f32 v30, v13  }
0x3ab: {  	v58 =	vld [tilespmem:s7+$0x12050]  }
0x3ac: {  	v63 =	vld [tilespmem:s7+$0x12410];
	[tilespmem:$0x1F8F0] =	vst v2;
	v2 =	vadd.f32 v28, v11  }
0x3ad: {  	v29 =	vld [tilespmem:s7+$0x16010]  }
0x3ae: {  	[tilespmem:$0x1F900] =	vst v2;
	v2 =	vld [tilespmem:$0x1FB70]  }
0x3af: {  	v26 =	vld [tilespmem:s7+$0x16410]  }
0x3b0: {  	v21 =	vld [tilespmem:s7+$0x16050]  }
0x3b1: {  	v23 =	vld [tilespmem:s7+$0x14010]  }
0x3b2: {  	v59 =	vld [tilespmem:s7+$0x14050]  }
0x3b3: {  	v28 =	vadd.f32 v29, v2;
	v2 =	vld [tilespmem:$0x1FB80]  }
0x3b4: {  	v25 =	vld [tilespmem:s7+$0x12010]  }
0x3b5: {  	v5 =	vld [tilespmem:s7+$0x14410]  }
0x3b6: {  	v7 =	vmul.f32 v29, v23;
	v13 =	vld [tilespmem:s7+$0x16450]  }
0x3b7: {  	v30 =	vld [tilespmem:s7+$0x14450]  }
0x3b8: {  	v7 =	vadd.f32 v7, v2;
	v2 =	vld [tilespmem:$0x1FB90]  }
0x3b9: {  	v43 =	vld [tilespmem:s7+$0x16020];
	v20 =	vmul.f32 v29, v25  }
0x3ba: {  	[tilespmem:$0x1F920] =	vst v0;
	v0 =	vld [tilespmem:s7+$0x16C50];
	v25 =	vmul.f32 v21, v58;
	v29 =	vmul.f32 v21, v59;
	v21 =	vadd.f32 v21, v28  }
0x3bb: {  	v35 =	vmul.f32 v26, v63;
	v11 =	vld [tilespmem:s7+$0x12450]  }
0x3bc: {  	v16 =	vld [tilespmem:s7+$0x16810];
	v23 =	vmul.f32 v20, v23;
	v28 =	vmul.f32 v26, v5;
	v21 =	vadd.f32 v26, v21  }
0x3bd: {  	v26 =	vmul.f32 v13, v30;
	v7 =	vadd.f32 v29, v7;
	v20 =	vadd.f32 v20, v2;
	v2 =	vld [tilespmem:$0x1FBA0]  }
0x3be: {  	v17 =	vld [tilespmem:s7+$0x12810]  }
0x3bf: {  	v42 =	vld [tilespmem:s7+$0x14820];
	v7 =	vadd.f32 v28, v7;
	v20 =	vadd.f32 v25, v20  }
0x3c0: {  	v55 =	vld [tilespmem:s7+$0x16850];
	v11 =	vmul.f32 v13, v11  }
0x3c1: {  	v63 =	vld [tilespmem:s7+$0x14020];
	v7 =	vadd.f32 v26, v7;
	v26 =	vmovc v8;
	v8 =	vmul.f32 v56, v60;
	v20 =	vadd.f32 v35, v20  }
0x3c2: {  	v50 =	vld [tilespmem:s7+$0x16430];
	v33 =	vmul.f32 v25, v59;
	v30 =	vmul.f32 v11, v30;
	v36 =	vadd.f32 v23, v2  }
0x3c3: {  	v13 =	vadd.f32 v13, v21;
	v21 =	vmul.f32 v16, v17;
	[tilespmem:$0x1F910] =	vst v8;
	v8 =	vld [tilespmem:$0x1F920];
	v11 =	vadd.f32 v11, v20  }
0x3c4: {  	v5 =	vmul.f32 v35, v5;
	v23 =	vld [tilespmem:s7+$0x16860];
	v29 =	vadd.f32 v33, v36  }
0x3c5: {  	v32 =	vmul.f32 v55, v53;
	v2 =	vld [tilespmem:s7+$0x16870];
	v11 =	vadd.f32 v21, v11  }
0x3c6: {  	v4 =	vld [tilespmem:s7+$0x14830];
	v5 =	vadd.f32 v5, v29  }
0x3c7: {  	v31 =	vld [tilespmem:s7+$0x14470];
	v11 =	vadd.f32 v32, v11  }
0x3c8: {  	v12 =	vld [tilespmem:s7+$0x12860];
	v5 =	vadd.f32 v30, v5;
	v30 =	vmul.f32 v21, v34;
	v21 =	vmul.f32 v38, v52  }
0x3c9: {  	v45 =	vmul.f32 v9, v62;
	v17 =	vld [tilespmem:s7+$0x12060];
	v13 =	vadd.f32 v16, v13;
	v20 =	vmul.f32 v16, v34  }
0x3ca: {  	v28 =	vld [tilespmem:s7+$0x16830];
	v33 =	vmul.f32 v0, v8;
	v34 =	vmovc v2;
	v2 =	vmul.f32 v23, v26;
	v11 =	vadd.f32 v21, v11  }
0x3cb: {  	v13 =	vadd.f32 v55, v13;
	v25 =	vmovc v9;
	v9 =	vld [tilespmem:s7+$0x14460];
	v7 =	vadd.f32 v20, v7;
	v20 =	vmul.f32 v55, v47  }
0x3cc: {  	v29 =	vmul.f32 v25, v46;
	v46 =	vld [tilespmem:s7+$0x12020];
	[tilespmem:$0x1F930] =	vst v2;
	v2 =	vadd.f32 v33, v11  }
0x3cd: {  	v40 =	vmul.f32 v38, v6;
	v13 =	vadd.f32 v38, v13;
	v16 =	vld [tilespmem:s7+$0x16060];
	v7 =	vadd.f32 v20, v7  }
0x3ce: {  	v5 =	vadd.f32 v30, v5;
	v30 =	vmul.f32 v32, v47;
	[tilespmem:$0x1F960] =	vst v2;
	v2 =	vld [tilespmem:$0x1F980]  }
0x3cf: {  	v22 =	vmul.f32 v0, v1;
	v36 =	vld [tilespmem:s7+$0x16820];
	v0 =	vadd.f32 v0, v13;
	v7 =	vadd.f32 v40, v7  }
0x3d0: {  	v57 =	vmul.f32 v41, v24;
	v6 =	vmul.f32 v21, v6;
	v32 =	vld [tilespmem:s7+$0x16470];
	v5 =	vadd.f32 v30, v5  }
0x3d1: {  	v59 =	vmul.f32 v41, v27;
	[tilespmem:$0x1F940] =	vst v0;
	v54 =	vmul.f32 v43, v46;
	v0 =	vadd.f32 v22, v7;
	v7 =	vld [tilespmem:s7+$0x12420]  }
0x3d2: {  	v58 =	vmul.f32 v39, v9;
	v1 =	vmul.f32 v33, v1;
	v5 =	vadd.f32 v6, v5;
	v6 =	vld [tilespmem:s7+$0x16420]  }
0x3d3: {  	v53 =	vmul.f32 v34, v61;
	v40 =	vmul.f32 v16, v17;
	v55 =	vadd.f32 v54, v2;
	v2 =	vld [tilespmem:$0x1F990]  }
0x3d4: {  	v18 =	vld [tilespmem:s7+$0x14420];
	v22 =	vmul.f32 v36, v42;
	v11 =	vmul.f32 v16, v37;
	v1 =	vadd.f32 v1, v5  }
0x3d5: {  	v13 =	vld [tilespmem:s7+$0x12460];
	v33 =	vmul.f32 v28, v4;
	[tilespmem:$0x1F950] =	vst v0;
	v0 =	vmul.f32 v43, v63;
	v5 =	vadd.f32 v43, v3  }
0x3d6: {  	v49 =	vld [tilespmem:s7+$0x14430];
	v37 =	vmul.f32 v40, v37;
	[tilespmem:$0x1F970] =	vst v1;
	v1 =	vmul.f32 v54, v63  }
0x3d7: {  	v0 =	vadd.f32 v0, v44;
	v44 =	vmul.f32 v23, v12;
	v5 =	vadd.f32 v16, v5  }
0x3d8: {  	v38 =	vmul.f32 v32, v31;
	v7 =	vmul.f32 v6, v7;
	v1 =	vadd.f32 v1, v2;
	v2 =	vld [tilespmem:s7+$0x12820]  }
0x3d9: {  	v0 =	vadd.f32 v11, v0;
	v11 =	vmul.f32 v6, v18;
	v6 =	vadd.f32 v6, v5  }
0x3da: {  	v48 =	vld [tilespmem:s7+$0x16030];
	v5 =	vmul.f32 v39, v13;
	v40 =	vadd.f32 v40, v55;
	v12 =	vmul.f32 v7, v18  }
0x3db: {  	v52 =	vld [tilespmem:s7+$0x14070];
	v63 =	vadd.f32 v11, v0;
	v55 =	vmul.f32 v50, v49;
	v1 =	vadd.f32 v37, v1  }
0x3dc: {  	v0 =	vld [tilespmem:s7+$0x16070];
	v13 =	vadd.f32 v39, v6;
	v47 =	vmul.f32 v5, v9;
	v43 =	vadd.f32 v7, v40  }
0x3dd: {  	s9 =	simm.s32 $0x200;
	v30 =	vmovc v4;
	v11 =	vld [tilespmem:s7+$0x14030];
	v39 =	vadd.f32 v58, v63;
	v46 =	vadd.f32 v12, v1;
	v12 =	vmul.f32 v36, v2  }
.LBB2_8:
0x3de: {  	v2 =	vld [tilespmem:$0x1F930]  }
0x3df: {  	v1 =	vadd.f32 v5, v43;
	v13 =	vadd.f32 v36, v13  }
0x3e0: {  	v54 =	vadd.f32 v22, v39  }
0x3e1: {  	v7 =	vmul.f32 v12, v42;
	v1 =	vadd.f32 v12, v1;
	v12 =	vadd.f32 v23, v13  }
0x3e2: {  	v5 =	vadd.f32 v47, v46  }
0x3e3: {  	v13 =	vadd.f32 v2, v54;
	v12 =	vadd.f32 v41, v12  }
0x3e4: {  	v5 =	vadd.f32 v7, v5;
	v7 =	vmul.f32 v44, v26;
	v63 =	vadd.f32 v44, v1  }
0x3e5: {  	v13 =	vadd.f32 v57, v13;
	v1 =	vadd.f32 v25, v12  }
0x3e6: {  	v5 =	vadd.f32 v7, v5  }
0x3e7: {  	v7 =	vmul.f32 v59, v24;
	v24 =	vadd.f32 v59, v63;
	[tilespmem:$0x1F830] =	vst v1;
	v1 =	vadd.f32 v45, v13;
	_ =	sdelay $0x1  }
0x3e8: {  	v35 =	vmul.f32 v29, v62;
	v5 =	vadd.f32 v7, v5;
	[tilespmem:$0x1F840] =	vst v1;
	v1 =	vadd.f32 v29, v24;
	_ =	sdelay $0x1  }
0x3e9: {  	[tilespmem:$0x1F850] =	vst v1;
	v1 =	vadd.f32 v35, v5;
	_ =	sdelay $0x1  }
0x3ea: {  	[tilespmem:$0x1F860] =	vst v1;
	v1 =	vld [tilespmem:$0x1F890];
	_ =	sdelay $0x4  }
0x3eb: {  	v5 =	vadd.f32 v48, v1;
	v1 =	vld [tilespmem:$0x1F8A0];
	_ =	sdelay $0x1  }
0x3ec: {  	v6 =	vld [tilespmem:s7+$0x12030]  }
0x3ed: {  	s8 =	sadd.s32 $0x80, s8;
	v58 =	vld [tilespmem:s7+$0x12070];
	v8 =	vmul.f32 v48, v11  }
0x3ee: {  	s10 =	sand.u32 $0x1000, s9;
	v16 =	vld [tilespmem:s7+$0x12470];
	s11 =	sand.u32 $0x380, s8  }
0x3ef: {  	s10 =	sor.u32 s11, s10;
	v8 =	vadd.f32 v8, v1;
	v1 =	vld [tilespmem:$0x1F8B0]  }
0x3f0: {  	v18 =	vld [tilespmem:s10+$0x14C40]  }
0x3f1: {  	v23 =	vld [tilespmem:s7+$0x12430]  }
0x3f2: {  	v19 =	vld [tilespmem:s10+$0x14C60];
	v6 =	vmul.f32 v48, v6  }
0x3f3: {  	v20 =	vld [tilespmem:s10+$0x14C00]  }
0x3f4: {  	v9 =	vmul.f32 v6, v11;
	v6 =	vadd.f32 v6, v1;
	v1 =	vld [tilespmem:$0x1F8C0]  }
0x3f5: {  	v2 =	vld [tilespmem:s10+$0x14C50]  }
0x3f6: {  	v17 =	vmul.f32 v0, v58;
	v58 =	vld [tilespmem:$0x1F8F0]  }
0x3f7: {  	v11 =	vld [tilespmem:s7+$0x12830]  }
0x3f8: {  	v12 =	vmul.f32 v50, v23;
	v23 =	vld [tilespmem:s7+$0x12870]  }
0x3f9: {  	v27 =	vmul.f32 v0, v52;
	v14 =	vmul.f32 v17, v52;
	v13 =	vld [tilespmem:s7+$0x14C70];
	v9 =	vadd.f32 v9, v1  }
0x3fa: {  	v24 =	vld [tilespmem:s7+$0x12C30];
	v0 =	vadd.f32 v0, v5  }
0x3fb: {  	v5 =	vadd.f32 v27, v8;
	v27 =	vld [tilespmem:s7+$0x12C70];
	v9 =	vadd.f32 v14, v9;
	v14 =	vmul.f32 v12, v49  }
0x3fc: {  	v1 =	vld [tilespmem:$0x1F910]  }
0x3fd: {  	v9 =	vadd.f32 v14, v9;
	v14 =	vld [tilespmem:s7+$0x16C70];
	s7 =	smov.u32 s10  }
0x3fe: {  	v7 =	vld [tilespmem:s7+$0x14C10]  }
0x3ff: {  	v0 =	vadd.f32 v50, v0;
	v8 =	vmul.f32 v32, v16;
	v5 =	vadd.f32 v55, v5;
	v16 =	vld [tilespmem:s7+$0x14C20]  }
0x400: {  	v10 =	vld [tilespmem:s7+$0x14C30]  }
0x401: {  	v0 =	vadd.f32 v32, v0;
	v5 =	vadd.f32 v38, v5;
	v32 =	vld [tilespmem:s7+$0x12C40]  }
0x402: {  	v52 =	vld [tilespmem:s7+$0x16C40]  }
0x403: {  	v5 =	vadd.f32 v33, v5;
	v33 =	vld [tilespmem:s7+$0x12C60]  }
0x404: {  	v25 =	vld [tilespmem:s7+$0x16C60]  }
0x405: {  	v23 =	vmul.f32 v34, v23;
	v45 =	vld [tilespmem:s7+$0x14840]  }
0x406: {  	v6 =	vadd.f32 v17, v6;
	v42 =	vld [tilespmem:s7+$0x14860]  }
0x407: {  	v3 =	vmul.f32 v23, v61;
	v61 =	vld [tilespmem:s7+$0x14870]  }
0x408: {  	v6 =	vadd.f32 v12, v6;
	v62 =	vld [tilespmem:s7+$0x16C00]  }
0x409: {  	v0 =	vadd.f32 v28, v0;
	v50 =	vld [tilespmem:s7+$0x16C10]  }
0x40a: {  	v11 =	vmul.f32 v28, v11;
	v6 =	vadd.f32 v8, v6;
	v37 =	vld [tilespmem:s7+$0x12C20]  }
0x40b: {  	v0 =	vadd.f32 v34, v0;
	v12 =	vmul.f32 v8, v31;
	v41 =	vld [tilespmem:s7+$0x16C20]  }
0x40c: {  	v5 =	vadd.f32 v53, v5;
	v6 =	vadd.f32 v11, v6;
	v48 =	vld [tilespmem:s7+$0x16C30]  }
0x40d: {  	v0 =	vadd.f32 v56, v0;
	v39 =	vld [tilespmem:s7+$0x12840];
	v8 =	vadd.f32 v12, v9;
	v9 =	vmul.f32 v11, v30  }
0x40e: {  	v6 =	vadd.f32 v23, v6;
	v4 =	vadd.f32 v1, v5;
	v44 =	vld [tilespmem:s7+$0x12850];
	v12 =	vmul.f32 v56, v24  }
0x40f: {  	v54 =	vld [tilespmem:s7+$0x16850];
	v8 =	vadd.f32 v9, v8;
	v5 =	vmul.f32 v14, v13;
	v0 =	vadd.f32 v14, v0  }
0x410: {  	v23 =	vld [tilespmem:s7+$0x16860];
	v6 =	vadd.f32 v12, v6;
	v11 =	vmul.f32 v14, v27  }
0x411: {  	v34 =	vld [tilespmem:s7+$0x16870];
	v3 =	vadd.f32 v3, v8;
	v8 =	vmul.f32 v12, v60;
	[tilespmem:$0x1F890] =	vst v0;
	v0 =	vadd.f32 v5, v4  }
0x412: {  	v9 =	vld [tilespmem:s7+$0x16C50]  }
0x413: {  	v15 =	vld [tilespmem:s7+$0x16800];
	v3 =	vadd.f32 v8, v3;
	v8 =	vmul.f32 v11, v13;
	[tilespmem:$0x1F8A0] =	vst v0;
	v0 =	vadd.f32 v11, v6  }
0x414: {  	v59 =	vld [tilespmem:s7+$0x16810]  }
0x415: {  	v17 =	vld [tilespmem:s7+$0x14400];
	[tilespmem:$0x1F8B0] =	vst v0;
	v0 =	vadd.f32 v8, v3;
	v3 =	vmul.f32 v52, v18  }
0x416: {  	v51 =	vld [tilespmem:s7+$0x16460]  }
0x417: {  	v22 =	vld [tilespmem:s7+$0x16400];
	[tilespmem:$0x1F750] =	vst v3;
	v3 =	vmul.f32 v9, v2  }
0x418: {  	v35 =	vld [tilespmem:s7+$0x12000]  }
0x419: {  	v4 =	vld [tilespmem:s7+$0x14810];
	[tilespmem:$0x1F810] =	vst v3;
	v3 =	vmul.f32 v25, v19  }
0x41a: {  	v31 =	vld [tilespmem:s7+$0x12400]  }
0x41b: {  	v1 =	vmov v10;
	v5 =	vld [tilespmem:s7+$0x16840];
	[tilespmem:$0x1F820] =	vst v3;
	v3 =	vmul.f32 v50, v7  }
0x41c: {  	v56 =	vld [tilespmem:s7+$0x12860];
	[tilespmem:$0x1F770] =	vst v1  }
0x41d: {  	v30 =	vld [tilespmem:s7+$0x12C50];
	[tilespmem:$0x1F7E0] =	vst v3;
	v3 =	vmul.f32 v48, v1  }
0x41e: {  	v24 =	vld [tilespmem:s7+$0x14460];
	[tilespmem:$0x1F780] =	vst v4;
	v1 =	vmul.f32 v41, v37  }
0x41f: {  	v8 =	vld [tilespmem:s7+$0x16000];
	[tilespmem:$0x1F910] =	vst v3  }
0x420: {  	v3 =	vld [tilespmem:s7+$0x14000];
	[tilespmem:$0x1F790] =	vst v1;
	v1 =	vmul.f32 v59, v4;
	v4 =	vmul.f32 v5, v39  }
0x421: {  	v39 =	vmul.f32 v54, v44;
	v44 =	vmul.f32 v23, v56;
	v56 =	vld [tilespmem:$0x1F8D0]  }
0x422: {  	v14 =	vld [tilespmem:s7+$0x14440]  }
0x423: {  	v12 =	vld [tilespmem:s7+$0x14800]  }
0x424: {  	[tilespmem:$0x1F7D0] =	vst v7;
	v10 =	vld [tilespmem:s7+$0x16040];
	v29 =	vmul.f32 v51, v24  }
0x425: {  	v49 =	vmovc v18;
	[tilespmem:$0x1F760] =	vst v16;
	v43 =	vmul.f32 v62, v20;
	v18 =	vmov v20;
	v20 =	vld [tilespmem:s7+$0x14040];
	v7 =	vmul.f32 v41, v16  }
0x426: {  	[tilespmem:$0x1F880] =	vst v29;
	v16 =	vmul.f32 v8, v35;
	v29 =	vmul.f32 v8, v3;
	v8 =	vadd.f32 v8, v56;
	v56 =	vld [tilespmem:$0x1F8E0]  }
0x427: {  	v31 =	vmul.f32 v22, v31;
	[tilespmem:$0x1F8C0] =	vst v0;
	v0 =	vld [tilespmem:s7+$0x14850]  }
0x428: {  	v57 =	vmul.f32 v25, v33;
	v46 =	vmul.f32 v9, v30;
	v30 =	vld [tilespmem:s7+$0x12040]  }
0x429: {  	[tilespmem:$0x1F7F0] =	vst v2;
	v33 =	vmul.f32 v22, v17;
	v17 =	vmul.f32 v31, v17;
	v2 =	vld [tilespmem:s7+$0x16440]  }
0x42a: {  	v27 =	vmov v19;
	v26 =	vmul.f32 v15, v12;
	v19 =	vmul.f32 v52, v32;
	v35 =	vld [tilespmem:s7+$0x12440]  }
0x42b: {  	v53 =	vld [tilespmem:s7+$0x14470];
	[tilespmem:$0x1F870] =	vst v24;
	v24 =	vmul.f32 v10, v20;
	v8 =	vadd.f32 v10, v8;
	v29 =	vadd.f32 v29, v56  }
0x42c: {  	v32 =	vld [tilespmem:s7+$0x16470];
	[tilespmem:$0x1F7B0] =	vst v0;
	v0 =	vmul.f32 v54, v0;
	v3 =	vmul.f32 v16, v3;
	v16 =	vadd.f32 v16, v58  }
0x42d: {  	[tilespmem:$0x1F800] =	vst v9;
	v30 =	vmul.f32 v10, v30;
	v58 =	vld [tilespmem:$0x1F900];
	v8 =	vadd.f32 v22, v8;
	v10 =	vadd.f32 v24, v29  }
0x42e: {  	v28 =	vld [tilespmem:s7+$0x16830];
	v9 =	vmul.f32 v2, v14;
	[tilespmem:$0x1F7C0] =	vst v0;
	v0 =	vmul.f32 v23, v42  }
0x42f: {  	v13 =	vld [tilespmem:s7+$0x14830];
	v29 =	vmul.f32 v2, v35;
	v2 =	vadd.f32 v2, v8;
	v10 =	vadd.f32 v33, v10  }
0x430: {  	v11 =	vld [tilespmem:s7+$0x12C10];
	v20 =	vmul.f32 v30, v20;
	[tilespmem:$0x1F930] =	vst v0;
	v0 =	vmul.f32 v34, v61;
	v16 =	vadd.f32 v30, v16  }
0x431: {  	v37 =	vld [tilespmem:s7+$0x12800];
	v38 =	vmul.f32 v32, v53;
	v2 =	vadd.f32 v15, v2;
	v8 =	vadd.f32 v9, v10  }
0x432: {  	v16 =	vadd.f32 v31, v16;
	v31 =	vmovc v53;
	v53 =	vmov v0;
	v0 =	vld [tilespmem:$0x1F750];
	v3 =	vadd.f32 v3, v58  }
0x433: {  	v21 =	vmul.f32 v5, v45;
	v33 =	vld [tilespmem:s7+$0x16010];
	v2 =	vadd.f32 v5, v2;
	v8 =	vadd.f32 v26, v8  }
0x434: {  	v3 =	vadd.f32 v20, v3;
	v9 =	vld [tilespmem:s7+$0x12010]  }
0x435: {  	v2 =	vadd.f32 v62, v2;
	v5 =	vadd.f32 v21, v8  }
0x436: {  	v30 =	vld [tilespmem:s7+$0x14010];
	v22 =	vmul.f32 v15, v37;
	v3 =	vadd.f32 v17, v3;
	v14 =	vmul.f32 v29, v14  }
0x437: {  	v40 =	vld [tilespmem:s7+$0x16450];
	v63 =	vmul.f32 v50, v11;
	v2 =	vadd.f32 v52, v2;
	v5 =	vadd.f32 v43, v5  }
0x438: {  	v6 =	vld [tilespmem:s7+$0x12C00];
	v12 =	vmul.f32 v22, v12;
	v10 =	vadd.f32 v29, v16;
	v3 =	vadd.f32 v14, v3  }
0x439: {  	v11 =	vmul.f32 v28, v13;
	v56 =	vld [tilespmem:s7+$0x14410];
	v9 =	vmul.f32 v33, v9;
	[tilespmem:$0x1F8D0] =	vst v2;
	v2 =	vadd.f32 v0, v5  }
0x43a: {  	v58 =	vld [tilespmem:s7+$0x16410];
	v10 =	vadd.f32 v22, v10;
	v3 =	vadd.f32 v12, v3;
	v12 =	vmul.f32 v4, v45  }
0x43b: {  	v45 =	vmul.f32 v33, v30;
	[tilespmem:$0x1F8E0] =	vst v2;
	v2 =	vmul.f32 v9, v30;
	v30 =	vmov v13;
	v13 =	vld [tilespmem:$0x1F960]  }
0x43c: {  	v24 =	vld [tilespmem:s7+$0x14050]  }
0x43d: {  	v6 =	vmul.f32 v62, v6;
	v20 =	vld [tilespmem:s7+$0x16050];
	v4 =	vadd.f32 v4, v10  }
0x43e: {  	v15 =	vld [tilespmem:s7+$0x12050]  }
0x43f: {  	v8 =	vld [tilespmem:s7+$0x12410];
	v4 =	vadd.f32 v6, v4  }
0x440: {  	v3 =	vadd.f32 v12, v3;
	v10 =	vmul.f32 v6, v18;
	v9 =	vadd.f32 v9, v13;
	v13 =	vld [tilespmem:$0x1F970]  }
0x441: {  	v12 =	vld [tilespmem:s7+$0x12450];
	v4 =	vadd.f32 v19, v4  }
0x442: {  	v3 =	vadd.f32 v10, v3;
	v6 =	vmul.f32 v19, v49;
	v5 =	vld [tilespmem:s7+$0x12810]  }
0x443: {  	v10 =	vmul.f32 v20, v15;
	[tilespmem:$0x1F8F0] =	vst v4;
	v4 =	vld [tilespmem:$0x1F950]  }
0x444: {  	v60 =	vld [tilespmem:s7+$0x14450];
	v3 =	vadd.f32 v6, v3  }
0x445: {  	v6 =	vmul.f32 v58, v8;
	v2 =	vadd.f32 v2, v13;
	v13 =	vmul.f32 v10, v24  }
0x446: {  	v0 =	vld [tilespmem:$0x1F780];
	v12 =	vmul.f32 v40, v12  }
0x447: {  	v9 =	vadd.f32 v10, v9;
	v2 =	vadd.f32 v13, v2;
	v13 =	vmul.f32 v6, v56  }
0x448: {  	v14 =	vmul.f32 v20, v24;
	v5 =	vmul.f32 v59, v5;
	v4 =	vadd.f32 v45, v4  }
0x449: {  	v55 =	vld [tilespmem:s7+$0x14820];
	v6 =	vadd.f32 v6, v9;
	v9 =	vmul.f32 v12, v60;
	v2 =	vadd.f32 v13, v2  }
0x44a: {  	v36 =	vld [tilespmem:s7+$0x16820];
	[tilespmem:$0x1F7A0] =	vst v1;
	v37 =	vmul.f32 v58, v56;
	v4 =	vadd.f32 v14, v4  }
0x44b: {  	v2 =	vadd.f32 v9, v2;
	v9 =	vmul.f32 v5, v0;
	v0 =	vld [tilespmem:$0x1F7A0]  }
0x44c: {  	v47 =	vmul.f32 v40, v60;
	v4 =	vadd.f32 v37, v4  }
0x44d: {  	[tilespmem:$0x1F900] =	vst v3;
	v3 =	vld [tilespmem:$0x1F940]  }
0x44e: {  	v4 =	vadd.f32 v47, v4;
	_ =	sdelay $0x1  }
0x44f: {  	v1 =	vmul.f32 v36, v55;
	v4 =	vadd.f32 v0, v4;
	v0 =	vld [tilespmem:$0x1F7B0];
	_ =	sdelay $0x1  }
0x450: {  	v22 =	vmov v1;
	v1 =	vld [tilespmem:$0x1F7D0];
	v3 =	vadd.f32 v33, v3  }
0x451: {  	v6 =	vadd.f32 v12, v6  }
0x452: {  	v26 =	vmov v42;
	v42 =	vmov v55;
	v55 =	vld [tilespmem:s7+$0x12020];
	v3 =	vadd.f32 v20, v3  }
0x453: {  	v52 =	vld [tilespmem:s7+$0x16020];
	v5 =	vadd.f32 v5, v6;
	v2 =	vadd.f32 v9, v2;
	v6 =	vmul.f32 v39, v0  }
0x454: {  	v15 =	vld [tilespmem:s7+$0x16420];
	v3 =	vadd.f32 v58, v3  }
0x455: {  	v49 =	vld [tilespmem:s7+$0x14020];
	v2 =	vadd.f32 v6, v2;
	v6 =	vmul.f32 v63, v1  }
0x456: {  	v33 =	vmov v11;
	v11 =	vld [tilespmem:s7+$0x12060];
	v3 =	vadd.f32 v40, v3  }
0x457: {  	v5 =	vadd.f32 v39, v5;
	v2 =	vadd.f32 v6, v2;
	v6 =	vld [tilespmem:$0x1F7F0]  }
0x458: {  	v14 =	vld [tilespmem:s7+$0x14060]  }
0x459: {  	v3 =	vadd.f32 v59, v3;
	v5 =	vadd.f32 v63, v5;
	v0 =	vld [tilespmem:$0x1F7C0]  }
0x45a: {  	v63 =	vld [tilespmem:$0x1F800]  }
0x45b: {  	v3 =	vadd.f32 v54, v3;
	v5 =	vadd.f32 v46, v5;
	v1 =	vld [tilespmem:$0x1F7E0]  }
0x45c: {  	v10 =	vld [tilespmem:s7+$0x16060];
	v6 =	vmul.f32 v46, v6  }
0x45d: {  	v3 =	vadd.f32 v50, v3;
	[tilespmem:$0x1F960] =	vst v5;
	v5 =	vld [tilespmem:$0x1F840]  }
0x45e: {  	v0 =	vadd.f32 v0, v4;
	v2 =	vadd.f32 v6, v2;
	v6 =	vld [tilespmem:$0x1F850]  }
0x45f: {  	v4 =	vld [tilespmem:s7+$0x12420];
	v3 =	vadd.f32 v63, v3  }
0x460: {  	v9 =	vmul.f32 v52, v49;
	v0 =	vadd.f32 v1, v0;
	v1 =	vld [tilespmem:s7+$0x12460]  }
0x461: {  	v29 =	vmov v57;
	v57 =	vmov v7;
	v7 =	vmul.f32 v52, v55;
	[tilespmem:$0x1F940] =	vst v3;
	v3 =	vld [tilespmem:$0x1F810]  }
0x462: {  	v8 =	vld [tilespmem:s7+$0x14420];
	v12 =	vmul.f32 v10, v14;
	v5 =	vadd.f32 v9, v5  }
0x463: {  	v45 =	vld [tilespmem:$0x1F820];
	v11 =	vmul.f32 v10, v11;
	v6 =	vadd.f32 v7, v6  }
0x464: {  	v24 =	vld [tilespmem:$0x1F760];
	v9 =	vadd.f32 v12, v5  }
0x465: {  	v4 =	vmul.f32 v15, v4;
	v5 =	vmul.f32 v51, v1;
	[tilespmem:$0x1F970] =	vst v2;
	v2 =	vld [tilespmem:$0x1F830];
	v1 =	vadd.f32 v11, v6  }
0x466: {  	v60 =	vld [tilespmem:$0x1F770];
	v0 =	vadd.f32 v3, v0  }
0x467: {  	v43 =	vadd.f32 v4, v1;
	v1 =	vld [tilespmem:$0x1F870]  }
0x468: {  	[tilespmem:$0x1F950] =	vst v0;
	v0 =	vmul.f32 v7, v49;
	v7 =	vld [tilespmem:$0x1F860]  }
0x469: {  	v50 =	vld [tilespmem:s7+$0x16430]  }
0x46a: {  	v3 =	vld [tilespmem:s7+$0x12820];
	v2 =	vadd.f32 v52, v2  }
0x46b: {  	v49 =	vld [tilespmem:s7+$0x14430]  }
0x46c: {  	p0 =	sne.s32 s9, $0x1E00;
	v2 =	vadd.f32 v10, v2;
	v47 =	vmul.f32 v5, v1;
	v1 =	vld [tilespmem:$0x1F880]  }
.Ltmp3:
0x46d: {  	v56 =	vmovc v48;
	v48 =	vld [tilespmem:s7+$0x16030];
	v13 =	vmul.f32 v15, v8;
	v0 =	vadd.f32 v0, v7;
	v7 =	vmul.f32 v11, v14;
	(pc) =	sbr.rel @p0 .LBB2_8-.Ltmp3, $4  }
0x46e: {  	v59 =	vld [tilespmem:$0x1F790];
	v2 =	vadd.f32 v15, v2  }
0x46f: {  	v52 =	vld [tilespmem:s7+$0x14070];
	v6 =	vadd.f32 v7, v0;
	v7 =	vmul.f32 v4, v8;
	v8 =	vadd.f32 v13, v9  }
0x470: {  	v12 =	vmul.f32 v36, v3;
	v11 =	vld [tilespmem:s7+$0x14030];
	v13 =	vadd.f32 v51, v2  }
0x471: {  	s9 =	sadd.s32 $0x200, s9;
	v62 =	vmovc v27;
	v55 =	vmul.f32 v50, v49;
	v0 =	vld [tilespmem:s7+$0x16070];
	v46 =	vadd.f32 v7, v6;
	v39 =	vadd.f32 v1, v8  }
0x472: {  	v2 =	vld [tilespmem:s7+$0x12030]  }
0x473: {  	v6 =	vld [tilespmem:s7+$0x12070]  }
0x474: {  	v9 =	vld [tilespmem:s7+$0x12430]  }
0x475: {  	v10 =	vld [tilespmem:s7+$0x12470]  }
0x476: {  	v14 =	vld [tilespmem:s7+$0x12830]  }
0x477: {  	v15 =	vld [tilespmem:s7+$0x14C70]  }
0x478: {  	v16 =	vld [tilespmem:s7+$0x12870]  }
0x479: {  	v17 =	vld [tilespmem:s7+$0x12C30];
	v21 =	vmul.f32 v12, v42;
	v20 =	vadd.f32 v47, v46  }
0x47a: {  	v18 =	vld [tilespmem:s7+$0x12C70]  }
0x47b: {  	v19 =	vld [tilespmem:s7+$0x16C70];
	_ =	swait.ge [sflag:s20], $0x2000;
	v20 =	vadd.f32 v21, v20;
	v21 =	vmul.f32 v44, v26  }
0x47c: {  	[sflag:s20] =	ssyncset.done $0x0  }
0x47d: {  	[sflag:s20] =	ssyncadd.s32 $0xFFFFE000;
	v20 =	vadd.f32 v21, v20;
	v21 =	vmul.f32 v59, v24  }
0x47e: {  	_ =	swait.ge [sflag:s3], $0x2000  }
0x47f: {  	v26 =	vmul.f32 v29, v62;
	[sflag:s3] =	ssyncset.done $0x0;
	v20 =	vadd.f32 v21, v20  }
0x480: {  	v8 =	vadd.f32 v5, v43;
	[sflag:s3] =	ssyncadd.s32 $0xFFFFE000  }
0x481: {  	_ =	swait.ge [sflag:s4], $0x2000;
	v21 =	vmul.f32 v48, v2;
	v2 =	vadd.f32 v26, v20  }
0x482: {  	v12 =	vadd.f32 v12, v8;
	v8 =	vld [tilespmem:$0x1F930]  }
0x483: {  	[tilespmem:$0x1F740] =	vst v2;
	v2 =	vld [tilespmem:$0x1F890];
	_ =	sdelay $0x1  }
0x484: {  	v22 =	vadd.f32 v22, v39;
	_ =	sdelay $0x1  }
0x485: {  	v22 =	vadd.f32 v8, v22  }
0x486: {  	v20 =	vadd.f32 v48, v2;
	v2 =	vld [tilespmem:$0x1F8A0]  }
0x487: {  	v22 =	vadd.f32 v57, v22;
	_ =	sdelay $0x1  }
0x488: {  	v8 =	vadd.f32 v45, v22;
	v22 =	vmul.f32 v48, v11;
	_ =	sdelay $0x1  }
0x489: {  	v22 =	vadd.f32 v22, v2;
	v2 =	vld [tilespmem:$0x1F8B0]  }
0x48a: {  	v13 =	vadd.f32 v36, v13;
	_ =	sdelay $0x1  }
0x48b: {  	v13 =	vadd.f32 v23, v13;
	v23 =	vadd.f32 v44, v12;
	_ =	sdelay $0x1  }
0x48c: {  	v24 =	vadd.f32 v59, v23;
	v11 =	vmul.f32 v21, v11;
	v21 =	vadd.f32 v21, v2;
	v2 =	vld [tilespmem:$0x1F8C0];
	_ =	sdelay $0x1  }
0x48d: {  	s8 =	simm.s32 $0x0;
	v42 =	vadd.f32 v29, v24;
	v24 =	vmul.f32 v0, v52  }
0x48e: {  	s11 =	sand.u32 $0x1000, s8;
	s9 =	sand.u32 $0x380, s8;
	v6 =	vmul.f32 v0, v6;
	[sflag:s4] =	ssyncset.done $0x0  }
0x48f: {  	s7 =	sor.u32 s9, s11;
	v9 =	vmul.f32 v50, v9;
	[sflag:s4] =	ssyncadd.s32 $0xFFFFE000;
	v0 =	vadd.f32 v0, v20;
	v20 =	vadd.f32 v24, v22  }
0x490: {  	v29 =	vmul.f32 v6, v52;
	v51 =	vld [tilespmem:s7+$0x1AC40];
	v21 =	vadd.f32 v6, v21;
	v26 =	vadd.f32 v11, v2  }
0x491: {  	v10 =	vmul.f32 v32, v10;
	v3 =	vld [tilespmem:s7+$0x1AC50];
	v20 =	vadd.f32 v55, v20  }
0x492: {  	v58 =	vld [tilespmem:s7+$0x1AC60];
	v24 =	vmul.f32 v9, v49;
	v9 =	vadd.f32 v9, v21;
	v22 =	vadd.f32 v29, v26  }
0x493: {  	v14 =	vmul.f32 v28, v14;
	v1 =	vld [tilespmem:s7+$0x1AC00];
	v20 =	vadd.f32 v38, v20  }
0x494: {  	v2 =	vld [tilespmem:$0x1F910];
	v9 =	vadd.f32 v10, v9;
	v21 =	vadd.f32 v24, v22;
	v22 =	vmul.f32 v10, v31  }
0x495: {  	v16 =	vmul.f32 v34, v16;
	v54 =	vld [tilespmem:s7+$0x1AC10];
	v20 =	vadd.f32 v33, v20  }
0x496: {  	v63 =	vld [tilespmem:s7+$0x1AC20];
	v9 =	vadd.f32 v14, v9;
	v10 =	vadd.f32 v22, v21;
	v22 =	vmul.f32 v14, v30  }
0x497: {  	v17 =	vmul.f32 v56, v17;
	v37 =	vld [tilespmem:s7+$0x1AC30];
	v20 =	vadd.f32 v53, v20  }
0x498: {  	v40 =	vld [tilespmem:s7+$0x18C40];
	v9 =	vadd.f32 v16, v9;
	v10 =	vadd.f32 v22, v10;
	v22 =	vmul.f32 v16, v61  }
0x499: {  	v18 =	vmul.f32 v19, v18;
	v35 =	vld [tilespmem:s7+$0x1CC40];
	v20 =	vadd.f32 v2, v20;
	v16 =	vmul.f32 v17, v60  }
0x49a: {  	v4 =	vld [tilespmem:s7+$0x18C50];
	v17 =	vadd.f32 v17, v9;
	v9 =	vmul.f32 v19, v15;
	v10 =	vadd.f32 v22, v10  }
0x49b: {  	v13 =	vadd.f32 v41, v13;
	v5 =	vld [tilespmem:s7+$0x1CC50];
	v0 =	vadd.f32 v50, v0  }
0x49c: {  	v46 =	vld [tilespmem:s7+$0x18C60];
	v15 =	vmul.f32 v18, v15;
	v2 =	vadd.f32 v9, v20;
	v10 =	vadd.f32 v16, v10  }
0x49d: {  	v43 =	vadd.f32 v25, v13;
	v25 =	vld [tilespmem:s7+$0x1C040]  }
0x49e: {  	v0 =	vadd.f32 v32, v0;
	v29 =	vld [tilespmem:s7+$0x1C000];
	[tilespmem:$0x1F6E0] =	vst v2;
	v2 =	vadd.f32 v15, v10  }
0x49f: {  	v22 =	vld [tilespmem:s7+$0x18040]  }
0x4a0: {  	v0 =	vadd.f32 v28, v0;
	[tilespmem:$0x1F6F0] =	vst v2;
	v2 =	vld [tilespmem:$0x1F8D0]  }
0x4a1: {  	v7 =	vld [tilespmem:s7+$0x1CC60]  }
0x4a2: {  	v12 =	vld [tilespmem:s7+$0x1A840];
	v0 =	vadd.f32 v34, v0  }
0x4a3: {  	v28 =	vld [tilespmem:s7+$0x1A000]  }
0x4a4: {  	v45 =	vld [tilespmem:s7+$0x1C800];
	v0 =	vadd.f32 v56, v0  }
0x4a5: {  	v20 =	vmul.f32 v25, v22;
	v22 =	vadd.f32 v29, v2;
	v2 =	vld [tilespmem:$0x1F8E0]  }
0x4a6: {  	v52 =	vadd.f32 v19, v0;
	v0 =	vld [tilespmem:s7+$0x18400]  }
0x4a7: {  	v14 =	vld [tilespmem:s7+$0x18000]  }
0x4a8: {  	v21 =	vld [tilespmem:s7+$0x1A400];
	v61 =	vadd.f32 v18, v17;
	v18 =	vmul.f32 v29, v28  }
0x4a9: {  	v30 =	vld [tilespmem:s7+$0x1A040]  }
0x4aa: {  	v18 =	vadd.f32 v18, v2;
	v2 =	vld [tilespmem:$0x1F8F0]  }
0x4ab: {  	v16 =	vld [tilespmem:s7+$0x1C400]  }
0x4ac: {  	v17 =	vld [tilespmem:s7+$0x1C440];
	v14 =	vmul.f32 v29, v14  }
0x4ad: {  	v15 =	vld [tilespmem:s7+$0x18440]  }
0x4ae: {  	v19 =	vmul.f32 v14, v28;
	v28 =	vld [tilespmem:s7+$0x1A440];
	v29 =	vmul.f32 v25, v30  }
0x4af: {  	v22 =	vadd.f32 v25, v22;
	v14 =	vadd.f32 v14, v2;
	v2 =	vld [tilespmem:$0x1F900]  }
0x4b0: {  	v26 =	vld [tilespmem:s7+$0x1A800];
	v18 =	vadd.f32 v29, v18;
	v29 =	vmul.f32 v16, v0;
	v0 =	vmul.f32 v16, v21  }
0x4b1: {  	v25 =	vld [tilespmem:s7+$0x18800];
	v16 =	vadd.f32 v16, v22;
	v14 =	vadd.f32 v20, v14  }
0x4b2: {  	v15 =	vmul.f32 v17, v15;
	v22 =	vld [tilespmem:s7+$0x1C840];
	v21 =	vmul.f32 v29, v21;
	v18 =	vadd.f32 v0, v18  }
0x4b3: {  	v41 =	vld [tilespmem:s7+$0x1A850];
	v16 =	vadd.f32 v17, v16;
	v14 =	vadd.f32 v29, v14;
	v29 =	vmul.f32 v17, v28  }
0x4b4: {  	v30 =	vmul.f32 v20, v30;
	v20 =	vld [tilespmem:s7+$0x18840];
	v19 =	vadd.f32 v19, v2  }
0x4b5: {  	v13 =	vld [tilespmem:s7+$0x1CC00];
	v16 =	vadd.f32 v45, v16;
	v28 =	vmul.f32 v15, v28;
	v17 =	vadd.f32 v29, v18  }
0x4b6: {  	v27 =	vld [tilespmem:s7+$0x18C00];
	v14 =	vadd.f32 v15, v14;
	v15 =	vmul.f32 v45, v26;
	v19 =	vadd.f32 v30, v19  }
0x4b7: {  	v23 =	vld [tilespmem:s7+$0x1A860];
	v25 =	vmul.f32 v45, v25;
	v16 =	vadd.f32 v22, v16  }
0x4b8: {  	v59 =	vld [tilespmem:s7+$0x1A870];
	v15 =	vadd.f32 v15, v17;
	v17 =	vmul.f32 v22, v12;
	v19 =	vadd.f32 v21, v19  }
0x4b9: {  	v44 =	vld [tilespmem:s7+$0x1CC10];
	v26 =	vmul.f32 v25, v26;
	v20 =	vmul.f32 v22, v20;
	v14 =	vadd.f32 v25, v14  }
0x4ba: {  	v47 =	vld [tilespmem:s7+$0x18C20];
	v22 =	vmul.f32 v13, v1;
	v15 =	vadd.f32 v17, v15;
	v19 =	vadd.f32 v28, v19  }
0x4bb: {  	v62 =	vld [tilespmem:s7+$0x1CC30];
	v27 =	vmul.f32 v13, v27;
	v18 =	vmul.f32 v35, v51;
	v14 =	vadd.f32 v20, v14  }
0x4bc: {  	v48 =	vld [tilespmem:s7+$0x18C10];
	v12 =	vmul.f32 v20, v12;
	v15 =	vadd.f32 v22, v15;
	v19 =	vadd.f32 v26, v19  }
0x4bd: {  	v50 =	vld [tilespmem:s7+$0x1A410];
	v1 =	vmul.f32 v27, v1;
	v14 =	vadd.f32 v27, v14  }
0x4be: {  	v49 =	vld [tilespmem:s7+$0x1A050];
	v0 =	vadd.f32 v18, v15;
	v12 =	vadd.f32 v12, v19;
	v19 =	vmul.f32 v35, v40  }
0x4bf: {  	v55 =	vld [tilespmem:s7+$0x1A830]  }
0x4c0: {  	v34 =	vld [tilespmem:s7+$0x18860];
	[tilespmem:$0x1F700] =	vst v0;
	v1 =	vadd.f32 v1, v12;
	v22 =	vmul.f32 v19, v51;
	v0 =	vadd.f32 v19, v14  }
0x4c1: {  	v17 =	vld [tilespmem:s7+$0x18010]  }
0x4c2: {  	v26 =	vld [tilespmem:s7+$0x1C010];
	[tilespmem:$0x1F710] =	vst v0;
	v0 =	vadd.f32 v22, v1  }
0x4c3: {  	v25 =	vld [tilespmem:s7+$0x1A010]  }
0x4c4: {  	[tilespmem:$0x1F720] =	vst v0;
	v0 =	vld [tilespmem:$0x1F940]  }
0x4c5: {  	v6 =	vld [tilespmem:s7+$0x1CC20]  }
0x4c6: {  	v11 =	vld [tilespmem:s7+$0x1A820]  }
0x4c7: {  	v53 =	vld [tilespmem:s7+$0x18810];
	v17 =	vmul.f32 v26, v17  }
0x4c8: {  	v9 =	vld [tilespmem:s7+$0x1C850]  }
0x4c9: {  	v18 =	vmul.f32 v26, v25;
	v22 =	vmul.f32 v17, v25;
	v25 =	vadd.f32 v26, v0;
	v0 =	vld [tilespmem:$0x1F950]  }
0x4ca: {  	v29 =	vld [tilespmem:s7+$0x1C050]  }
0x4cb: {  	v13 =	vadd.f32 v13, v16;
	v16 =	vld [tilespmem:s7+$0x18410]  }
0x4cc: {  	v21 =	vld [tilespmem:s7+$0x18850]  }
0x4cd: {  	v28 =	vld [tilespmem:s7+$0x1C410]  }
0x4ce: {  	v18 =	vadd.f32 v18, v0;
	v0 =	vld [tilespmem:$0x1F960]  }
0x4cf: {  	v20 =	vld [tilespmem:s7+$0x18050]  }
0x4d0: {  	v19 =	vld [tilespmem:s7+$0x1C450]  }
0x4d1: {  	v1 =	vld [tilespmem:s7+$0x18450]  }
0x4d2: {  	v57 =	vmul.f32 v7, v58;
	v4 =	vmul.f32 v5, v4;
	v26 =	vld [tilespmem:s7+$0x1A450]  }
0x4d3: {  	v36 =	vmul.f32 v44, v54;
	v60 =	vmul.f32 v28, v16;
	v16 =	vadd.f32 v17, v0;
	v0 =	vld [tilespmem:$0x1F970]  }
0x4d4: {  	v33 =	vmul.f32 v5, v3;
	v3 =	vmul.f32 v4, v3;
	v31 =	vld [tilespmem:s7+$0x1A810];
	v25 =	vadd.f32 v29, v25  }
0x4d5: {  	v56 =	vmul.f32 v29, v49;
	v27 =	vadd.f32 v35, v13;
	v13 =	vld [tilespmem:s7+$0x1C860];
	v21 =	vmul.f32 v9, v21  }
0x4d6: {  	v20 =	vmul.f32 v29, v20;
	v40 =	vld [tilespmem:s7+$0x1C810];
	v51 =	vmul.f32 v28, v50;
	v28 =	vadd.f32 v28, v25  }
0x4d7: {  	v2 =	vld [tilespmem:s7+$0x1A470];
	v1 =	vmul.f32 v19, v1;
	v18 =	vadd.f32 v56, v18;
	v56 =	vmul.f32 v19, v26  }
0x4d8: {  	v30 =	vld [tilespmem:s7+$0x1C870];
	v19 =	vadd.f32 v19, v28;
	v17 =	vadd.f32 v22, v0;
	v22 =	vmul.f32 v20, v49  }
0x4d9: {  	v35 =	vld [tilespmem:s7+$0x1C020];
	v38 =	vmul.f32 v21, v41;
	v18 =	vadd.f32 v51, v18;
	v20 =	vadd.f32 v20, v16  }
0x4da: {  	v51 =	vld [tilespmem:s7+$0x1C060];
	v0 =	vmul.f32 v62, v37;
	v17 =	vadd.f32 v22, v17;
	v22 =	vmul.f32 v60, v50  }
0x4db: {  	v25 =	vmul.f32 v13, v23;
	v19 =	vadd.f32 v40, v19;
	v18 =	vadd.f32 v56, v18;
	v56 =	vld [tilespmem:s7+$0x1C830]  }
0x4dc: {  	v26 =	vmul.f32 v1, v26;
	v20 =	vadd.f32 v60, v20;
	[tilespmem:$0x1F730] =	vst v0;
	v0 =	vld [tilespmem:s7+$0x18020];
	v39 =	vadd.f32 v22, v17  }
0x4dd: {  	v28 =	vmul.f32 v40, v53;
	v19 =	vadd.f32 v9, v19;
	v49 =	vld [tilespmem:s7+$0x1A460];
	v16 =	vmul.f32 v7, v46  }
0x4de: {  	v46 =	vld [tilespmem:s7+$0x1A060];
	v1 =	vadd.f32 v1, v20;
	v20 =	vadd.f32 v26, v39;
	v26 =	vmul.f32 v40, v31  }
0x4df: {  	v53 =	vmul.f32 v28, v31;
	v19 =	vadd.f32 v44, v19;
	v60 =	vld [tilespmem:s7+$0x1C820];
	v17 =	vmul.f32 v6, v63  }
0x4e0: {  	v50 =	vld [tilespmem:s7+$0x1C460];
	v1 =	vadd.f32 v28, v1;
	v18 =	vadd.f32 v26, v18;
	v26 =	vmul.f32 v9, v41  }
0x4e1: {  	v28 =	vmul.f32 v44, v48;
	v48 =	vld [tilespmem:s7+$0x1A020];
	v0 =	vmul.f32 v35, v0;
	v20 =	vadd.f32 v53, v20  }
0x4e2: {  	v31 =	vmul.f32 v30, v59;
	v1 =	vadd.f32 v21, v1;
	v41 =	vld [tilespmem:s7+$0x18060];
	v18 =	vadd.f32 v26, v18  }
0x4e3: {  	v44 =	vld [tilespmem:s7+$0x1A420];
	v21 =	vmul.f32 v28, v54;
	v45 =	vadd.f32 v0, v42;
	v20 =	vadd.f32 v38, v20  }
0x4e4: {  	v39 =	vmul.f32 v6, v47;
	v47 =	vld [tilespmem:s7+$0x1C420];
	v1 =	vadd.f32 v28, v1;
	v18 =	vadd.f32 v36, v18  }
0x4e5: {  	v10 =	vmul.f32 v60, v11;
	v42 =	vld [tilespmem:s7+$0x1A430];
	v28 =	vadd.f32 v21, v20;
	v21 =	vadd.f32 v5, v19  }
0x4e6: {  	v5 =	vmul.f32 v35, v48;
	v22 =	vadd.f32 v4, v1;
	v1 =	vmul.f32 v0, v48;
	v0 =	vld [tilespmem:$0x1F740]  }
0x4e7: {  	v36 =	vmul.f32 v51, v41;
	v20 =	vadd.f32 v33, v18;
	v33 =	vld [tilespmem:s7+$0x18420];
	v19 =	vadd.f32 v3, v28  }
0x4e8: {  	v4 =	vmul.f32 v51, v46;
	v3 =	vadd.f32 v35, v43;
	v5 =	vadd.f32 v5, v8;
	v35 =	vld [tilespmem:s7+$0x18460]  }
0x4e9: {  	v54 =	vmul.f32 v56, v55;
	v28 =	vld [tilespmem:s7+$0x1C470];
	v38 =	vmul.f32 v36, v46  }
0x4ea: {  	v26 =	vmovc v2;
	v2 =	vld [tilespmem:s7+$0x18820];
	v43 =	vadd.f32 v36, v45;
	v4 =	vadd.f32 v4, v5;
	v5 =	vmul.f32 v47, v44  }
0x4eb: {  	v46 =	vmul.f32 v13, v34;
	v3 =	vadd.f32 v51, v3;
	v0 =	vadd.f32 v1, v0;
	v1 =	vld [tilespmem:s7+$0x1C430]  }
0x4ec: {  	v51 =	vmul.f32 v50, v49;
	v5 =	vadd.f32 v5, v4;
	v33 =	vmul.f32 v47, v33  }
0x4ed: {  	v34 =	vld [tilespmem:s7+$0x1C030];
	v40 =	vadd.f32 v38, v0;
	v47 =	vadd.f32 v47, v3;
	v36 =	vmul.f32 v50, v35  }
0x4ee: {  	v4 =	vld [tilespmem:s7+$0x1C070];
	v53 =	vmul.f32 v28, v26;
	v41 =	vmul.f32 v33, v44;
	v44 =	vadd.f32 v33, v43  }
0x4ef: {  	v15 =	vmovc v7;
	v3 =	vld [tilespmem:s7+$0x1A070];
	v33 =	vmul.f32 v60, v2;
	v43 =	vadd.f32 v50, v47;
	v49 =	vmul.f32 v36, v49  }
0x4f0: {  	s9 =	simm.s32 $0x200;
	v14 =	vmovc v6;
	v35 =	vld [tilespmem:s7+$0x1A030];
	v47 =	vadd.f32 v51, v5;
	v5 =	vmul.f32 v1, v42;
	v48 =	vadd.f32 v41, v40  }
.LBB2_10:
0x4f1: {  	_ = 	snop  }
0x4f2: {  	v38 =	vadd.f32 v60, v43  }
0x4f3: {  	v36 =	vadd.f32 v36, v44  }
0x4f4: {  	v29 =	vadd.f32 v13, v38;
	v45 =	vadd.f32 v10, v47  }
0x4f5: {  	v41 =	vadd.f32 v49, v48;
	v24 =	vmul.f32 v33, v11;
	v33 =	vadd.f32 v33, v36  }
0x4f6: {  	v11 =	vadd.f32 v14, v29;
	v32 =	vadd.f32 v25, v45  }
0x4f7: {  	v23 =	vmul.f32 v46, v23;
	v24 =	vadd.f32 v24, v41;
	v40 =	vadd.f32 v46, v33  }
0x4f8: {  	v0 =	vadd.f32 v15, v11;
	v29 =	vadd.f32 v17, v32  }
0x4f9: {  	v23 =	vadd.f32 v23, v24  }
0x4fa: {  	v7 =	vmul.f32 v39, v63;
	v46 =	vadd.f32 v39, v40;
	[tilespmem:$0x1F650] =	vst v0;
	v0 =	vadd.f32 v57, v29  }
0x4fb: {  	s8 =	sadd.s32 $0x80, s8  }
0x4fc: {  	v50 =	vld [tilespmem:s7+$0x18030];
	s10 =	sand.u32 $0x1000, s9;
	s11 =	sand.u32 $0x380, s8;
	v7 =	vadd.f32 v7, v23;
	v23 =	vmul.f32 v16, v58;
	[tilespmem:$0x1F660] =	vst v0;
	v0 =	vadd.f32 v16, v46  }
0x4fd: {  	v6 =	vld [tilespmem:$0x1F730];
	s10 =	sor.u32 s11, s10  }
0x4fe: {  	v48 =	vld [tilespmem:s10+$0x1AC40];
	[tilespmem:$0x1F670] =	vst v0;
	v0 =	vadd.f32 v23, v7  }
0x4ff: {  	v12 =	vld [tilespmem:s10+$0x1AC50]  }
0x500: {  	[tilespmem:$0x1F680] =	vst v0;
	v0 =	vld [tilespmem:$0x1F6E0]  }
0x501: {  	v51 =	vld [tilespmem:s10+$0x1AC60]  }
0x502: {  	v47 =	vld [tilespmem:s7+$0x18070]  }
0x503: {  	v60 =	vmul.f32 v34, v35;
	v10 =	vld [tilespmem:s7+$0x18870]  }
0x504: {  	v41 =	vld [tilespmem:s7+$0x18430]  }
0x505: {  	v9 =	vadd.f32 v60, v0;
	v0 =	vld [tilespmem:$0x1F6F0]  }
0x506: {  	v11 =	vld [tilespmem:s7+$0x18830];
	v24 =	vmul.f32 v34, v50  }
0x507: {  	v49 =	vmul.f32 v4, v3;
	v25 =	vmovc v27;
	v27 =	vld [tilespmem:s7+$0x1AC70];
	v40 =	vmul.f32 v4, v47;
	v7 =	vadd.f32 v34, v52  }
0x508: {  	v33 =	vld [tilespmem:s10+$0x1AC00];
	v8 =	vmul.f32 v24, v35;
	v24 =	vadd.f32 v24, v61  }
0x509: {  	v32 =	vld [tilespmem:s7+$0x18470];
	v3 =	vmul.f32 v40, v3;
	v4 =	vadd.f32 v4, v7;
	v7 =	vadd.f32 v49, v9  }
0x50a: {  	v29 =	vld [tilespmem:s7+$0x18C30];
	v24 =	vadd.f32 v40, v24;
	v23 =	vmul.f32 v1, v41;
	v8 =	vadd.f32 v8, v0  }
0x50b: {  	v1 =	vadd.f32 v1, v4;
	v4 =	vadd.f32 v5, v7;
	v5 =	vmul.f32 v56, v11;
	v11 =	vld [tilespmem:s7+$0x18C70]  }
0x50c: {  	v3 =	vadd.f32 v3, v8;
	v8 =	vmul.f32 v23, v42;
	v23 =	vadd.f32 v23, v24;
	v24 =	vld [tilespmem:s7+$0x1CC70];
	s7 =	smov.u32 s10  }
0x50d: {  	v14 =	vld [tilespmem:s7+$0x1AC10]  }
0x50e: {  	v1 =	vadd.f32 v28, v1;
	v7 =	vld [tilespmem:s7+$0x1AC20]  }
0x50f: {  	v9 =	vmul.f32 v28, v32;
	v28 =	vld [tilespmem:s7+$0x18C40]  }
0x510: {  	v1 =	vadd.f32 v56, v1;
	v52 =	vld [tilespmem:s7+$0x1CC40]  }
0x511: {  	v16 =	vld [tilespmem:s7+$0x1CC50]  }
0x512: {  	v10 =	vmul.f32 v30, v10;
	v1 =	vadd.f32 v30, v1;
	v30 =	vld [tilespmem:s7+$0x18C60]  }
0x513: {  	v49 =	vld [tilespmem:s7+$0x1CC60];
	v3 =	vadd.f32 v8, v3;
	v8 =	vmul.f32 v9, v26  }
0x514: {  	v4 =	vadd.f32 v53, v4;
	v61 =	vld [tilespmem:s7+$0x1A840]  }
0x515: {  	v0 =	vmul.f32 v5, v55;
	v43 =	vld [tilespmem:s7+$0x1A860];
	v3 =	vadd.f32 v8, v3  }
0x516: {  	[tilespmem:$0x1F560] =	vst v22;
	v22 =	vmul.f32 v62, v29;
	v1 =	vadd.f32 v62, v1;
	v4 =	vadd.f32 v54, v4;
	v62 =	vld [tilespmem:s7+$0x1CC00]  }
0x517: {  	v2 =	vmul.f32 v10, v59;
	v50 =	vld [tilespmem:s7+$0x1CC10];
	v0 =	vadd.f32 v0, v3  }
0x518: {  	v47 =	vld [tilespmem:s7+$0x1CC20];
	v3 =	vadd.f32 v31, v4  }
0x519: {  	v41 =	vld [tilespmem:s7+$0x1CC30];
	v4 =	vmul.f32 v24, v11;
	v0 =	vadd.f32 v2, v0;
	v2 =	vmul.f32 v22, v37  }
0x51a: {  	v35 =	vld [tilespmem:s7+$0x1A800];
	v9 =	vadd.f32 v9, v23  }
0x51b: {  	v45 =	vld [tilespmem:s7+$0x1A830];
	v0 =	vadd.f32 v2, v0;
	v2 =	vmul.f32 v4, v27  }
0x51c: {  	v46 =	vld [tilespmem:s7+$0x18840];
	v5 =	vadd.f32 v5, v9  }
0x51d: {  	v34 =	vld [tilespmem:s7+$0x1C840];
	v1 =	vadd.f32 v24, v1;
	v0 =	vadd.f32 v2, v0  }
0x51e: {  	v54 =	vld [tilespmem:s7+$0x1C850];
	v5 =	vadd.f32 v10, v5;
	v3 =	vadd.f32 v6, v3;
	v6 =	vmul.f32 v24, v27  }
0x51f: {  	v55 =	vld [tilespmem:s7+$0x18860];
	[tilespmem:$0x1F6F0] =	vst v0;
	v0 =	vmul.f32 v52, v48  }
0x520: {  	v40 =	vld [tilespmem:s7+$0x1C860];
	[tilespmem:$0x1F580] =	vst v1;
	v5 =	vadd.f32 v22, v5;
	v1 =	vadd.f32 v6, v3  }
0x521: {  	v42 =	vld [tilespmem:s7+$0x1C870];
	[tilespmem:$0x1F540] =	vst v0;
	v0 =	vmul.f32 v16, v12  }
0x522: {  	v59 =	vld [tilespmem:s7+$0x1C810];
	[tilespmem:$0x1F6E0] =	vst v1;
	v1 =	vadd.f32 v4, v5  }
0x523: {  	v8 =	vld [tilespmem:s7+$0x1AC30];
	[tilespmem:$0x1F640] =	vst v0;
	v0 =	vmul.f32 v49, v51  }
0x524: {  	v60 =	vld [tilespmem:s7+$0x1C820];
	[tilespmem:$0x1F530] =	vst v1  }
0x525: {  	v1 =	vld [tilespmem:s7+$0x1A850];
	[tilespmem:$0x1F550] =	vst v0;
	v0 =	vmul.f32 v50, v14  }
0x526: {  	v15 =	vld [tilespmem:s7+$0x1A040]  }
0x527: {  	v17 =	vld [tilespmem:s7+$0x1C400];
	[tilespmem:$0x1F600] =	vst v0;
	v0 =	vmul.f32 v47, v7  }
0x528: {  	v18 =	vld [tilespmem:s7+$0x1A000];
	v13 =	vmov v8  }
0x529: {  	v26 =	vld [tilespmem:s7+$0x18C50];
	[tilespmem:$0x1F6A0] =	vst v0;
	v0 =	vmul.f32 v41, v13  }
0x52a: {  	v23 =	vld [tilespmem:s7+$0x1C000];
	[tilespmem:$0x1F5C0] =	vst v1  }
0x52b: {  	[tilespmem:$0x1F730] =	vst v0;
	v0 =	vmul.f32 v54, v1;
	v1 =	vmov v20;
	v20 =	vld [tilespmem:s7+$0x18000]  }
0x52c: {  	v9 =	vld [tilespmem:s7+$0x1A440]  }
0x52d: {  	v22 =	vld [tilespmem:s7+$0x1A870]  }
0x52e: {  	v11 =	vld [tilespmem:s7+$0x1A460];
	v44 =	vmul.f32 v16, v26  }
0x52f: {  	[tilespmem:$0x1F630] =	vst v16;
	v24 =	vld [tilespmem:s7+$0x1A810];
	v16 =	vmul.f32 v49, v30;
	v30 =	vmul.f32 v23, v18  }
0x530: {  	[tilespmem:$0x1F5E0] =	vst v0;
	v0 =	vmul.f32 v40, v43;
	v20 =	vmul.f32 v23, v20;
	v23 =	vadd.f32 v23, v25;
	v25 =	vld [tilespmem:$0x1F700]  }
0x531: {  	v6 =	vld [tilespmem:s7+$0x1A820]  }
0x532: {  	v10 =	vld [tilespmem:s7+$0x1C800];
	[tilespmem:$0x1F570] =	vst v0;
	v0 =	vmul.f32 v42, v22  }
0x533: {  	v26 =	vld [tilespmem:s7+$0x18040]  }
0x534: {  	v37 =	vld [tilespmem:s7+$0x18400];
	[tilespmem:$0x1F590] =	vst v0;
	v0 =	vmul.f32 v59, v24  }
0x535: {  	v30 =	vadd.f32 v30, v25;
	v25 =	vld [tilespmem:$0x1F710]  }
0x536: {  	v4 =	vld [tilespmem:s7+$0x18C10];
	[tilespmem:$0x1F5B0] =	vst v0;
	v0 =	vmul.f32 v60, v6  }
0x537: {  	v38 =	vmov v51;
	v51 =	vld [tilespmem:s7+$0x1C460]  }
0x538: {  	[tilespmem:$0x1F690] =	vst v0;
	v0 =	vld [tilespmem:s7+$0x1C040]  }
0x539: {  	[tilespmem:$0x1F620] =	vst v12;
	v36 =	vmul.f32 v62, v33;
	v12 =	vld [tilespmem:s7+$0x1C440]  }
0x53a: {  	v29 =	vmovc v21;
	v21 =	vmul.f32 v10, v35;
	v18 =	vmul.f32 v20, v18;
	v20 =	vadd.f32 v20, v25;
	v25 =	vld [tilespmem:$0x1F720]  }
0x53b: {  	v2 =	vld [tilespmem:s7+$0x1A400];
	v37 =	vmul.f32 v17, v37;
	v63 =	vmul.f32 v50, v4  }
0x53c: {  	[tilespmem:$0x1F6B0] =	vst v6;
	v6 =	vmul.f32 v34, v46;
	v46 =	vmul.f32 v40, v55;
	v55 =	vld [tilespmem:s7+$0x18440]  }
0x53d: {  	[tilespmem:$0x1F6C0] =	vst v11;
	v4 =	vmov v24;
	v24 =	vmul.f32 v51, v11;
	v11 =	vld [tilespmem:s7+$0x18800];
	v26 =	vmul.f32 v0, v26  }
0x53e: {  	v56 =	vld [tilespmem:s7+$0x18850];
	v27 =	vmul.f32 v12, v9;
	v58 =	vmul.f32 v0, v15;
	v0 =	vadd.f32 v0, v23  }
0x53f: {  	v32 =	vld [tilespmem:s7+$0x1A410];
	v15 =	vmul.f32 v26, v15;
	v20 =	vadd.f32 v26, v20;
	v18 =	vadd.f32 v18, v25  }
0x540: {  	v31 =	vld [tilespmem:s7+$0x1C830];
	[tilespmem:$0x1F6D0] =	vst v24;
	v24 =	vmul.f32 v17, v2;
	v2 =	vmul.f32 v37, v2;
	v0 =	vadd.f32 v17, v0  }
0x541: {  	v3 =	vld [tilespmem:s7+$0x18C00];
	v55 =	vmul.f32 v12, v55;
	v20 =	vadd.f32 v37, v20;
	v15 =	vadd.f32 v15, v18  }
0x542: {  	v8 =	vld [tilespmem:s7+$0x1A450];
	v11 =	vmul.f32 v10, v11;
	v23 =	vadd.f32 v58, v30;
	v0 =	vadd.f32 v12, v0  }
0x543: {  	v5 =	vld [tilespmem:s7+$0x1C450];
	v9 =	vmul.f32 v55, v9;
	v20 =	vadd.f32 v55, v20;
	v2 =	vadd.f32 v2, v15  }
0x544: {  	[tilespmem:$0x1F5F0] =	vst v14;
	v14 =	vmul.f32 v52, v28;
	v26 =	vld [tilespmem:s7+$0x1A010];
	v17 =	vadd.f32 v24, v23;
	v0 =	vadd.f32 v10, v0  }
0x545: {  	[tilespmem:$0x1F5A0] =	vst v22;
	v23 =	vld [tilespmem:s7+$0x1C010];
	v2 =	vadd.f32 v9, v2;
	v9 =	vmul.f32 v11, v35;
	v11 =	vadd.f32 v11, v20  }
0x546: {  	v22 =	vmovc v19;
	v19 =	vmul.f32 v62, v3;
	v30 =	vld [tilespmem:s7+$0x1A050];
	v12 =	vadd.f32 v27, v17;
	v0 =	vadd.f32 v34, v0  }
0x547: {  	v37 =	vmovc v13;
	v13 =	vld [tilespmem:s7+$0x18450];
	v2 =	vadd.f32 v9, v2;
	v9 =	vmul.f32 v6, v61;
	v6 =	vadd.f32 v6, v11  }
0x548: {  	[tilespmem:$0x1F610] =	vst v7;
	v7 =	vmul.f32 v34, v61;
	v25 =	vld [tilespmem:s7+$0x1C410];
	v10 =	vadd.f32 v21, v12;
	v0 =	vadd.f32 v62, v0  }
0x549: {  	v17 =	vld [tilespmem:s7+$0x18010];
	v2 =	vadd.f32 v9, v2;
	v9 =	vmul.f32 v19, v33;
	v6 =	vadd.f32 v19, v6  }
0x54a: {  	v7 =	vadd.f32 v7, v10;
	v20 =	vmul.f32 v23, v26;
	v27 =	vadd.f32 v52, v0;
	v0 =	vld [tilespmem:$0x1F540]  }
0x54b: {  	v18 =	vld [tilespmem:s7+$0x1C050];
	v2 =	vadd.f32 v9, v2;
	v9 =	vmul.f32 v14, v48;
	v6 =	vadd.f32 v14, v6  }
0x54c: {  	v3 =	vmul.f32 v31, v45;
	v12 =	vld [tilespmem:s7+$0x18050];
	v7 =	vadd.f32 v36, v7  }
0x54d: {  	[tilespmem:$0x1F710] =	vst v6;
	v2 =	vadd.f32 v9, v2;
	v6 =	vadd.f32 v20, v1;
	v1 =	vld [tilespmem:$0x1F560]  }
0x54e: {  	v39 =	vld [tilespmem:s7+$0x18C20];
	[tilespmem:$0x1F5D0] =	vst v3;
	v3 =	vmul.f32 v54, v56;
	v56 =	vmul.f32 v5, v8  }
0x54f: {  	v10 =	vld [tilespmem:s7+$0x18410];
	v11 =	vmul.f32 v23, v17;
	v0 =	vadd.f32 v0, v7;
	[tilespmem:$0x1F720] =	vst v2;
	v2 =	vadd.f32 v23, v29  }
0x550: {  	v13 =	vmul.f32 v5, v13;
	v24 =	vmul.f32 v18, v30;
	v7 =	vld [tilespmem:s7+$0x18810]  }
0x551: {  	v57 =	vld [tilespmem:s7+$0x1A470];
	v12 =	vmul.f32 v18, v12;
	[tilespmem:$0x1F700] =	vst v0;
	v0 =	vmul.f32 v11, v26;
	v2 =	vadd.f32 v18, v2  }
0x552: {  	v28 =	vld [tilespmem:s7+$0x1C470];
	v15 =	vmul.f32 v25, v32;
	v6 =	vadd.f32 v24, v6;
	v11 =	vadd.f32 v11, v1  }
0x553: {  	v14 =	vmul.f32 v12, v30;
	v0 =	vadd.f32 v0, v22;
	v1 =	vld [tilespmem:$0x1F5B0];
	v2 =	vadd.f32 v25, v2  }
0x554: {  	v34 =	vld [tilespmem:s7+$0x1C030];
	v9 =	vmul.f32 v25, v10;
	v6 =	vadd.f32 v15, v6;
	v11 =	vadd.f32 v12, v11  }
0x555: {  	v35 =	vld [tilespmem:s7+$0x1A030];
	v7 =	vmul.f32 v59, v7;
	v0 =	vadd.f32 v14, v0;
	v2 =	vadd.f32 v5, v2  }
0x556: {  	v52 =	vld [tilespmem:$0x1F580];
	v14 =	vmul.f32 v9, v32;
	v5 =	vadd.f32 v56, v6;
	v9 =	vadd.f32 v9, v11  }
0x557: {  	v61 =	vld [tilespmem:$0x1F530];
	v11 =	vmul.f32 v13, v8  }
0x558: {  	v8 =	vadd.f32 v13, v9;
	v9 =	vmul.f32 v7, v4;
	v4 =	vadd.f32 v1, v5;
	v1 =	vld [tilespmem:$0x1F5C0]  }
0x559: {  	v17 =	vld [tilespmem:s7+$0x1C420]  }
0x55a: {  	v19 =	vld [tilespmem:s7+$0x1A020]  }
0x55b: {  	v30 =	vmov v42;
	v42 =	vld [tilespmem:s7+$0x1A430];
	v7 =	vadd.f32 v7, v8  }
0x55c: {  	v53 =	vmul.f32 v28, v57;
	v26 =	vmov v57;
	v57 =	vld [tilespmem:$0x1F550];
	v0 =	vadd.f32 v14, v0  }
0x55d: {  	v8 =	vmul.f32 v3, v1;
	v3 =	vadd.f32 v3, v7;
	v7 =	vld [tilespmem:$0x1F5F0]  }
0x55e: {  	v10 =	vld [tilespmem:s7+$0x1A420];
	v0 =	vadd.f32 v11, v0  }
0x55f: {  	v20 =	vld [tilespmem:$0x1F630]  }
0x560: {  	v15 =	vld [tilespmem:s7+$0x1C020];
	v2 =	vadd.f32 v59, v2;
	v0 =	vadd.f32 v9, v0  }
0x561: {  	v6 =	vld [tilespmem:s7+$0x18020]  }
0x562: {  	v2 =	vadd.f32 v54, v2;
	v1 =	vld [tilespmem:$0x1F5E0];
	v0 =	vadd.f32 v8, v0;
	v7 =	vmul.f32 v63, v7  }
0x563: {  	v8 =	vld [tilespmem:$0x1F600]  }
0x564: {  	v2 =	vadd.f32 v50, v2;
	v0 =	vadd.f32 v7, v0;
	v7 =	vld [tilespmem:$0x1F620]  }
0x565: {  	v18 =	vld [tilespmem:s7+$0x1A060]  }
0x566: {  	v21 =	vadd.f32 v20, v2;
	v2 =	vld [tilespmem:$0x1F640]  }
0x567: {  	v1 =	vadd.f32 v1, v4;
	v4 =	vld [tilespmem:s7+$0x18420]  }
0x568: {  	v25 =	vld [tilespmem:$0x1F570]  }
0x569: {  	v12 =	vld [tilespmem:s7+$0x1C060];
	v6 =	vmul.f32 v15, v6;
	v1 =	vadd.f32 v8, v1;
	v7 =	vmul.f32 v44, v7  }
0x56a: {  	v56 =	vmov v31;
	v31 =	vld [tilespmem:$0x1F590];
	v9 =	vmul.f32 v15, v19  }
0x56b: {  	v20 =	vadd.f32 v2, v1;
	v1 =	vmul.f32 v6, v19;
	v19 =	vadd.f32 v7, v0;
	v0 =	vld [tilespmem:$0x1F650]  }
0x56c: {  	v7 =	vmul.f32 v17, v4;
	v4 =	vld [tilespmem:$0x1F670]  }
0x56d: {  	v59 =	vld [tilespmem:$0x1F5A0];
	v3 =	vadd.f32 v63, v3  }
0x56e: {  	v5 =	vld [tilespmem:s7+$0x18060]  }
0x56f: {  	v22 =	vadd.f32 v44, v3;
	v3 =	vld [tilespmem:$0x1F660]  }
0x570: {  	v2 =	vld [tilespmem:s7+$0x18820]  }
0x571: {  	v0 =	vadd.f32 v15, v0;
	v4 =	vadd.f32 v6, v4;
	v6 =	vld [tilespmem:$0x1F680]  }
0x572: {  	v54 =	vld [tilespmem:$0x1F5D0]  }
0x573: {  	v63 =	vld [tilespmem:$0x1F610];
	v0 =	vadd.f32 v12, v0  }
0x574: {  	v8 =	vld [tilespmem:s7+$0x18460]  }
0x575: {  	v11 =	vmul.f32 v12, v18;
	v33 =	vmul.f32 v60, v2;
	v2 =	vld [tilespmem:$0x1F6C0];
	v0 =	vadd.f32 v17, v0  }
0x576: {  	v5 =	vmul.f32 v12, v5;
	v3 =	vadd.f32 v9, v3;
	v6 =	vadd.f32 v1, v6;
	v1 =	vld [tilespmem:s7+$0x1C430]  }
0x577: {  	p0 =	sne.s32 s9, $0x1E00;
	v39 =	vmul.f32 v47, v39;
	v23 =	vmov v43;
	v43 =	vadd.f32 v51, v0;
	v0 =	vld [tilespmem:$0x1F6D0]  }
.Ltmp4:
0x578: {  	v14 =	vmul.f32 v17, v10;
	v9 =	vmul.f32 v5, v18;
	v11 =	vadd.f32 v11, v3;
	v3 =	vld [tilespmem:s7+$0x1A070];
	(pc) =	sbr.rel @p0 .LBB2_10-.Ltmp4, $4  }
0x579: {  	v36 =	vmul.f32 v51, v8;
	v8 =	vmul.f32 v7, v10;
	v10 =	vld [tilespmem:$0x1F690];
	v5 =	vadd.f32 v5, v4  }
0x57a: {  	v58 =	vmovc v38;
	v55 =	vmov v45;
	v4 =	vld [tilespmem:s7+$0x1C070];
	v6 =	vadd.f32 v9, v6;
	v9 =	vadd.f32 v14, v11  }
0x57b: {  	v62 =	vmovc v41;
	v13 =	vmovc v40;
	v15 =	vmov v49;
	v49 =	vmul.f32 v36, v2;
	v17 =	vld [tilespmem:$0x1F6A0];
	v44 =	vadd.f32 v7, v5  }
0x57c: {  	s9 =	sadd.s32 $0x200, s9;
	v11 =	vld [tilespmem:$0x1F6B0];
	v14 =	vmovc v47;
	v48 =	vadd.f32 v8, v6;
	v5 =	vmul.f32 v1, v42;
	v47 =	vadd.f32 v0, v9  }
0x57d: {  	v2 =	vadd.f32 v36, v44;
	v9 =	vadd.f32 v60, v43  }
0x57e: {  	v0 =	vld [tilespmem:s7+$0x18030];
	v6 =	vadd.f32 v49, v48;
	v10 =	vadd.f32 v10, v47  }
0x57f: {  	v50 =	vld [tilespmem:s7+$0x18070];
	v51 =	vmul.f32 v46, v23;
	v2 =	vadd.f32 v33, v2;
	v9 =	vadd.f32 v13, v9  }
0x580: {  	v10 =	vadd.f32 v25, v10;
	v25 =	vmul.f32 v16, v58;
	v58 =	vadd.f32 v21, v27  }
0x581: {  	v7 =	vmul.f32 v33, v11;
	v2 =	vadd.f32 v46, v2;
	v9 =	vadd.f32 v14, v9  }
0x582: {  	v12 =	vmul.f32 v34, v35;
	v60 =	vld [tilespmem:s7+$0x18430];
	v33 =	vadd.f32 v34, v52;
	v10 =	vadd.f32 v17, v10  }
0x583: {  	v0 =	vmul.f32 v34, v0;
	v34 =	vld [tilespmem:$0x1F6E0];
	v6 =	vadd.f32 v7, v6;
	v2 =	vadd.f32 v39, v2  }
0x584: {  	v24 =	vld [tilespmem:s7+$0x18470];
	v11 =	vmul.f32 v4, v50;
	v9 =	vadd.f32 v15, v9;
	v38 =	vadd.f32 v4, v33  }
0x585: {  	v10 =	vadd.f32 v57, v10;
	v29 =	vmul.f32 v0, v35;
	v0 =	vadd.f32 v0, v61;
	v35 =	vld [tilespmem:$0x1F6F0]  }
0x586: {  	v23 =	vmul.f32 v39, v63;
	v32 =	vld [tilespmem:s7+$0x18830];
	v6 =	vadd.f32 v51, v6;
	v2 =	vadd.f32 v16, v2  }
0x587: {  	v13 =	vmul.f32 v1, v60;
	v60 =	vld [tilespmem:$0x1F710];
	v43 =	vadd.f32 v1, v38;
	v0 =	vadd.f32 v11, v0  }
0x588: {  	v18 =	vld [tilespmem:s7+$0x18870];
	v8 =	vmul.f32 v4, v3;
	v6 =	vadd.f32 v23, v6;
	v12 =	vadd.f32 v12, v34  }
0x589: {  	v40 =	vmul.f32 v28, v24;
	v1 =	vadd.f32 v28, v43;
	v0 =	vadd.f32 v13, v0  }
0x58a: {  	v41 =	vmul.f32 v13, v42;
	v42 =	vld [tilespmem:s7+$0x18C30];
	v6 =	vadd.f32 v25, v6;
	v15 =	vadd.f32 v29, v35  }
0x58b: {  	v36 =	vmul.f32 v11, v3;
	v39 =	vadd.f32 v8, v12;
	v1 =	vadd.f32 v56, v1  }
0x58c: {  	v48 =	vld [tilespmem:s7+$0x1CC70];
	v45 =	vmul.f32 v56, v32;
	v8 =	vadd.f32 v22, v60;
	v0 =	vadd.f32 v40, v0  }
0x58d: {  	v46 =	vld [tilespmem:s7+$0x18C70];
	v49 =	vmul.f32 v30, v18;
	v3 =	vadd.f32 v36, v15;
	v44 =	vadd.f32 v5, v39  }
0x58e: {  	v47 =	vmul.f32 v40, v26;
	v1 =	vadd.f32 v30, v1;
	v0 =	vadd.f32 v45, v0  }
0x58f: {  	v50 =	vld [tilespmem:s7+$0x1AC70];
	v52 =	vmul.f32 v62, v42;
	v2 =	vadd.f32 v2, v8;
	v3 =	vadd.f32 v41, v3  }
0x590: {  	v4 =	vadd.f32 v53, v44;
	v53 =	vmul.f32 v49, v59;
	v59 =	vld [tilespmem:$0x1F700];
	v0 =	vadd.f32 v49, v0  }
0x591: {  	v61 =	vld [tilespmem:$0x1F720];
	v51 =	vmul.f32 v45, v55;
	v1 =	vadd.f32 v62, v1;
	v3 =	vadd.f32 v47, v3  }
0x592: {  	v55 =	vld [tilespmem:$0x1F730];
	v7 =	vmul.f32 v48, v46;
	v4 =	vadd.f32 v54, v4;
	v0 =	vadd.f32 v52, v0  }
0x593: {  	v1 =	vadd.f32 v48, v1;
	v3 =	vadd.f32 v51, v3  }
0x594: {  	v4 =	vadd.f32 v31, v4;
	v0 =	vadd.f32 v7, v0  }
0x595: {  	v57 =	vmul.f32 v7, v50;
	v5 =	vadd.f32 v20, v59;
	v7 =	vadd.f32 v9, v58  }
0x596: {  	v54 =	vmul.f32 v52, v37;
	v9 =	vadd.f32 v19, v61;
	v3 =	vadd.f32 v53, v3  }
0x597: {  	v56 =	vmul.f32 v48, v50;
	v4 =	vadd.f32 v55, v4;
	v5 =	vadd.f32 v10, v5  }
0x598: {  	v1 =	vadd.f32 v1, v7;
	v3 =	vadd.f32 v54, v3  }
0x599: {  	v62 =	vadd.f32 v6, v9;
	v4 =	vadd.f32 v56, v4  }
0x59a: {  	v0 =	vadd.f32 v0, v2;
	v3 =	vadd.f32 v57, v3  }
0x59b: {  	[tilespmem:$0x1E000] =	vst v1;
	v4 =	vadd.f32 v4, v5  }
0x59c: {  	s6 =	sadd.s32 $0x1, s6;
	[tilespmem:$0x1E020] =	vst v0;
	v63 =	vadd.f32 v3, v62  }
0x59d: {  	p0 =	sne.s32 s6, s19;
	[tilespmem:$0x1E010] =	vst v4  }
.Ltmp5:
0x59e: {  	s11 =	simm.s32 $0x1E000;
	[tilespmem:$0x1E030] =	vst v63;
	(pc) =	sbr.rel @p0 .LBB2_1-.Ltmp5, $4  }
0x59f: {  	[hbm4b:s18+s2] =	stream.linear.scatter [tilespmem:s11], [sflag:$0x10], $0x80, $0x38;
	[tilespmem:$0x1E080] =	vst v63  }
0x5a0: {  	_ =	swait.ge [sflag:s5], $0x80  }
0x5a1: {  	[sflag:s5] =	ssyncset.done $0x0  }
0x5a2: {  	[sflag:s5] =	ssyncadd.s32 $0xFFFFFF80  }
0x5a3: {  	_ =	sfence.sel $0x180000  }
0x5a4: {  	[bflag:$0x0] =	sbarrier.arrive $0xFFFF  }
0x5a5: {  	_ =	strace $0x90000047  }
0x5a6: {  	s0 =	stileid.u32;
	[bflag:$0x2] =	sbarrier.arrive $0xFFFF  }
0x5a7: {  	p0 =	sne.s32 s0, $0x0;
	s0 =	rddreg [dreg:$0x4]  }
0x5a8: {  	s0 =	sadd.s32 @!p0 $0x100000, s0  }
0x5a9: {  	[sflag:s0] =	ssyncadd.tile.s32 @!p0 $0x1;
	_ =	shalt  }
.Lfunc_end2:
_tile_overlayer_lowered:
.L_overlay_start_2:
0x5aa: {  	(tag) =	ssettag $0x2  }
0x5ab: {  	s0 =	rddreg [dreg:$0x0];
	s2 =	stileid.u32  }
0x5ac: {  	s1 =	rddreg [dreg:$0x1];
	p0 =	sne.s32 s2, $0x0  }
0x5ad: {  	s3 =	rddreg [dreg:$0x2];
	[bflag:$0x3] =	sbarrier.arrive $0xFFFF;
	s2 =	simm.s32 @!p0 $0x1C10  }
0x5ae: {  	[timem:s3], [sflag:s2] =	dma.local @!p0 [hbm:s0], s1  }
0x5af: {  	s0 =	simm.s32 @!p0 $0x10  }
0x5b0: {  	_ =	swait.ge @!p0 [sflag:s0], s1  }
0x5b1: {  	s1 =	ssub.s32 @!p0 $0x0, s1;
	[sflag:s0] =	ssyncset.done @!p0 $0x0  }
0x5b2: {  	[sflag:s0] =	ssyncadd.s32 @!p0 s1  }
0x5b3: {  	[bflag:$0x3] =	sbarrier.arrive $0xFFFF  }
0x5b4: {  	_ =	shalt  }

</sc_bundles>
